<compile_context>
chip_gen: v7x
topology: tpu7x:2x2x1
jax: 0.10.2.dev20260603
libtpu: 0.0.44.dev20260713+nightly
codegen_flags: <defaults>
</compile_context>

<pallas_src>
import jax
import jax.numpy as jnp
from jax import lax
from jax.experimental import pallas as pl
from jax.experimental.pallas import tpu as pltpu
from jax.experimental.pallas import tpu_sc as plsc

N = 6_400_000
R = 100_000
LANES = 16
ROW = 128
BLK = 2048
VECS = BLK // LANES
NBLK = N // BLK
NC, NS = 2, 16
NW = NC * NS
ACC = 100_352
SLICE = ACC // NS
FIN_ROWS = ACC // 128
NBUF = 3
LOOP_ITERS = 99
CAP = 4224


def _sc_body(w_hbm, z_hbm, idx_hbm, out_num, out_den, out_min, out_max,
             acc_num, acc_den,
             idx_b0, idx_b1, idx_b2, w_b0, w_b1, w_b2, z_b0, z_b1, z_b2,
             si_b0, si_b1, si_b2, s1_b0, s1_b1, s1_b2, s2_b0, s2_b1, s2_b2,
             zero_buf, vmin_ref, vmax_ref, drain_buf, rows_ref, in_sems,
             scat_sems):
  idx_bufs = (idx_b0, idx_b1, idx_b2)
  w_bufs = (w_b0, w_b1, w_b2)
  z_bufs = (z_b0, z_b1, z_b2)
  sidxs = (si_b0, si_b1, si_b2)
  sv1s = (s1_b0, s1_b1, s1_b2)
  sv2s = (s2_b0, s2_b1, s2_b2)
  c = lax.axis_index("c")
  s = lax.axis_index("s")
  wid = s * NC + c
  iota = lax.iota(jnp.int32, LANES)
  is15 = iota == (LANES - 1)
  not15 = jnp.logical_not(is15)

  @pl.loop(0, SLICE // LANES, unroll=8)
  def _zero(i):
    zero_buf[pl.ds(i * LANES, LANES)] = jnp.zeros((LANES,), jnp.float32)

  pltpu.sync_copy(zero_buf, acc_num.at[pl.ds(s * SLICE, SLICE)])
  pltpu.sync_copy(zero_buf, acc_den.at[pl.ds(s * SLICE, SLICE)])
  vmin_ref[...] = jnp.full((LANES,), jnp.inf, jnp.float32)
  vmax_ref[...] = jnp.full((LANES,), -jnp.inf, jnp.float32)
  plsc.subcore_barrier()

  nblk_w = jnp.where(wid < NBLK % NW, NBLK // NW + 1, NBLK // NW)

  def fire_in(k, slot):
    b = (k * NW + wid) * BLK
    pltpu.async_copy(idx_hbm.at[pl.ds(b, BLK)],
                     idx_bufs[slot].at[pl.ds(0, BLK)], in_sems.at[slot])
    pltpu.async_copy(w_hbm.at[pl.ds(b, BLK)], w_bufs[slot],
                     in_sems.at[slot])
    pltpu.async_copy(z_hbm.at[pl.ds(b, BLK)], z_bufs[slot],
                     in_sems.at[slot])

  def wait_in(k, slot):
    b = (k * NW + wid) * BLK
    pltpu.make_async_copy(idx_hbm.at[pl.ds(b, BLK)],
                          idx_bufs[slot].at[pl.ds(0, BLK)],
                          in_sems.at[slot]).wait()
    pltpu.make_async_copy(w_hbm.at[pl.ds(b, BLK)], w_bufs[slot],
                          in_sems.at[slot]).wait()
    pltpu.make_async_copy(z_hbm.at[pl.ds(b, BLK)], z_bufs[slot],
                          in_sems.at[slot]).wait()

  def drain_scatters(slot):
    nr = rows_ref[slot]

    @pl.loop(0, nr)
    def _(r):
      pltpu.make_async_copy(w_hbm.at[pl.ds(0, 2 * ROW)], drain_buf,
                            scat_sems.at[slot]).wait()

  def process(k, slot):
    wait_in(k, slot)
    zeros = jnp.zeros((LANES,), jnp.float32)

    @pl.loop(0, VECS, init_carry=(jnp.int32(0), vmin_ref[...], vmax_ref[...]),
             unroll=8)
    def _vec(v, carry):
      p, vmin, vmax = carry
      base = v * LANES
      idx = idx_bufs[slot][pl.ds(base, LANES)]
      idxn = idx_bufs[slot][pl.ds(base + 1, LANES)]
      wv = w_bufs[slot][pl.ds(base, LANES)]
      zv = z_bufs[slot][pl.ds(base, LANES)]
      wz = wv * zv
      vmin = jnp.minimum(vmin, zv)
      vmax = jnp.maximum(vmax, zv)
      c1 = plsc.cumsum(wv)
      c2 = plsc.cumsum(wz)
      mneq = idx != idxn
      m = jnp.logical_or(mneq, is15)
      m2 = jnp.logical_and(mneq, not15)
      plsc.store_compressed(sidxs[slot].at[pl.ds(p, LANES)], idx, mask=m)
      plsc.store_compressed(sv1s[slot].at[pl.ds(p, LANES)], c1, mask=m)
      plsc.store_compressed(sv2s[slot].at[pl.ds(p, LANES)], c2, mask=m)
      q = p + plsc.all_reduce_population_count(m)[0]
      plsc.store_compressed(sidxs[slot].at[pl.ds(q, LANES)], idxn, mask=m2)
      plsc.store_compressed(sv1s[slot].at[pl.ds(q, LANES)], -c1, mask=m2)
      plsc.store_compressed(sv2s[slot].at[pl.ds(q, LANES)], -c2, mask=m2)
      q = q + plsc.all_reduce_population_count(m2)[0]
      return q, vmin, vmax

    p, vmin, vmax = _vec
    vmin_ref[...] = vmin
    vmax_ref[...] = vmax

    rows = lax.shift_right_logical(p + (ROW - 1), 7)
    end = lax.shift_left(rows, 7)
    for t in range(ROW // LANES):
      st = p + t * LANES

      @pl.when(st < end)
      def _():
        sidxs[slot][pl.ds(st, LANES)] = iota + (R + t * LANES)
        sv1s[slot][pl.ds(st, LANES)] = zeros
        sv2s[slot][pl.ds(st, LANES)] = zeros

    @pl.loop(0, rows)
    def _flush(r):
      isl = sidxs[slot].at[pl.ds(r * ROW, ROW)]
      pltpu.async_copy(sv2s[slot].at[pl.ds(r * ROW, ROW)], acc_num.at[isl],
                       scat_sems.at[slot], add=True)
      pltpu.async_copy(sv1s[slot].at[pl.ds(r * ROW, ROW)], acc_den.at[isl],
                       scat_sems.at[slot], add=True)

    rows_ref[slot] = rows

  @pl.when(0 < nblk_w)
  def _prime():
    fire_in(0, 0)

  @pl.loop(0, LOOP_ITERS, step=NBUF)
  def _blk(t):
    for b in range(NBUF):
      k = t + b
      slot = b
      nxt = (b + 1) % NBUF

      @pl.when((k >= 2) & (k - 2 < nblk_w - 2))
      def _():
        drain_scatters(nxt)

      @pl.when(k + 1 < nblk_w)
      def _():
        fire_in(k + 1, nxt)

      @pl.when(k < nblk_w)
      def _():
        process(k, slot)

  @pl.loop(0, 2)
  def _tail(i):
    j = nblk_w - 2 + i
    for slot in range(NBUF):
      @pl.when(j % NBUF == slot)
      def _():
        drain_scatters(slot)

  plsc.subcore_barrier()

  sl = pl.ds(s * SLICE, SLICE)
  pltpu.sync_copy(acc_num.at[sl], out_num.at[c, sl])
  pltpu.sync_copy(acc_den.at[sl], out_den.at[c, sl])
  pltpu.sync_copy(vmin_ref, out_min.at[wid])
  pltpu.sync_copy(vmax_ref, out_max.at[wid])


@jax.jit
def _sc_segment_sums(w1, z1, idx1):
  mesh = plsc.VectorSubcoreMesh(core_axis_name="c", subcore_axis_name="s")
  f = pl.kernel(
      _sc_body,
      out_type=(
          jax.ShapeDtypeStruct((NC, ACC), jnp.float32),
          jax.ShapeDtypeStruct((NC, ACC), jnp.float32),
          jax.ShapeDtypeStruct((NW, LANES), jnp.float32),
          jax.ShapeDtypeStruct((NW, LANES), jnp.float32),
      ),
      mesh=mesh,
      compiler_params=pltpu.CompilerParams(needs_layout_passes=False),
      scratch_types=(
          pltpu.VMEM_SHARED((ACC,), jnp.float32),
          pltpu.VMEM_SHARED((ACC,), jnp.float32),
          pltpu.VMEM((BLK + LANES,), jnp.int32),
          pltpu.VMEM((BLK + LANES,), jnp.int32),
          pltpu.VMEM((BLK + LANES,), jnp.int32),
          pltpu.VMEM((BLK,), jnp.float32),
          pltpu.VMEM((BLK,), jnp.float32),
          pltpu.VMEM((BLK,), jnp.float32),
          pltpu.VMEM((BLK,), jnp.float32),
          pltpu.VMEM((BLK,), jnp.float32),
          pltpu.VMEM((BLK,), jnp.float32),
          pltpu.VMEM((CAP,), jnp.int32),
          pltpu.VMEM((CAP,), jnp.int32),
          pltpu.VMEM((CAP,), jnp.int32),
          pltpu.VMEM((CAP,), jnp.float32),
          pltpu.VMEM((CAP,), jnp.float32),
          pltpu.VMEM((CAP,), jnp.float32),
          pltpu.VMEM((CAP,), jnp.float32),
          pltpu.VMEM((CAP,), jnp.float32),
          pltpu.VMEM((CAP,), jnp.float32),
          pltpu.VMEM((SLICE,), jnp.float32),
          pltpu.VMEM((LANES,), jnp.float32),
          pltpu.VMEM((LANES,), jnp.float32),
          pltpu.VMEM((2 * ROW,), jnp.float32),
          pltpu.SMEM((NBUF,), jnp.int32),
          pltpu.SemaphoreType.DMA((NBUF,)),
          pltpu.SemaphoreType.DMA((NBUF,)),
      ),
  )
  return f(w1, z1, idx1)


def _fin_body(num_ref, den_ref, mn_ref, mx_ref, out_ref):
  zmin = jnp.min(mn_ref[...])
  zmax = jnp.max(mx_ref[...])
  num = num_ref[0] + num_ref[1]
  den = den_ref[0] + den_ref[1]
  out_ref[...] = jnp.clip(num / (den + 1e-10), zmin, zmax)


@jax.jit
def _finalize(num_p, den_p, mn, mx):
  return pl.pallas_call(
      _fin_body,
      out_shape=jax.ShapeDtypeStruct((FIN_ROWS, 128), jnp.float32),
  )(num_p, den_p, mn, mx)


def kernel(weights, z_vals, ray_indices, num_rays):
  del num_rays
  w1 = weights.reshape(N)
  z1 = z_vals.reshape(N)
  idx1 = ray_indices.astype(jnp.int32).reshape(N)
  out_num, out_den, out_min, out_max = _sc_segment_sums(w1, z1, idx1)
  depth = _finalize(
      out_num.reshape(NC, FIN_ROWS, 128),
      out_den.reshape(NC, FIN_ROWS, 128),
      out_min, out_max)
  return depth.reshape(ACC)[:R].reshape(R, 1)

# --- scband reference (transcript-rebuilt; emitter-appended) ---
"""Pipeline reference for scband-sudsdepth-renderer-81363860455850 (READ-ONLY COPY).

The authoritative reference and input builder live on the scoring server;
editing this copy changes nothing except your own understanding.
"""

import jax, jax.numpy as jnp
import numpy as np

NUM_SAMPLES = 6400000
NUM_RAYS = 100000


def setup_inputs(seed: int = 0) -> dict:
    key = jax.random.key(seed)
    k1, k2, k3 = jax.random.split(key, 3)
    weights = jax.random.uniform(k1, (NUM_SAMPLES, 1), dtype=jnp.float32)
    z_vals = jax.random.uniform(k2, (NUM_SAMPLES, 1), dtype=jnp.float32)
    ray_indices = jnp.sort(jax.random.randint(k3, (NUM_SAMPLES,), 0, NUM_RAYS, dtype=jnp.int64))
    return {"weights": weights, "z_vals": z_vals, "ray_indices": ray_indices, "num_rays": NUM_RAYS}


def reference(weights, z_vals, ray_indices, num_rays):
    # method == 'expected', packed-samples path:
    # depth = accumulate_along_rays(weights, ray_indices, z_vals, num_rays)
    # accumulation = accumulate_along_rays(weights, ray_indices, None, num_rays)
    eps = 1e-10
    ray_indices = jnp.minimum(ray_indices, num_rays - 1)
    depth = jax.ops.segment_sum(weights * z_vals, ray_indices, num_segments=NUM_RAYS)
    accumulation = jax.ops.segment_sum(weights, ray_indices, num_segments=NUM_RAYS)
    depth = depth / (accumulation + eps)
    depth = jnp.clip(depth, z_vals.min(), z_vals.max())
    return depth

if __name__ == "__main__":
    import jax
    _d = setup_inputs()
    print(jax.jit(kernel)(*tuple(_d.values())))

</pallas_src>

<mosaic_0001>
#map = affine_map<(d0, d1) -> (0)>
#map1 = affine_map<(d0, d1) -> (0, 0)>
module attributes {stable_mosaic.version = 14 : i64} {
  func.func @_sc_body(%arg0: i32, %arg1: i32, %arg2: memref<6400000xf32, #tpu.memory_space<hbm>>, %arg3: memref<6400000xf32, #tpu.memory_space<hbm>>, %arg4: memref<6400000xi32, #tpu.memory_space<hbm>>, %arg5: memref<2x100352xf32, #tpu.memory_space<hbm>>, %arg6: memref<2x100352xf32, #tpu.memory_space<hbm>>, %arg7: memref<32x16xf32, #tpu.memory_space<hbm>>, %arg8: memref<32x16xf32, #tpu.memory_space<hbm>>, %arg9: memref<100352xf32, #tpu.memory_space<vmem_shared>>, %arg10: memref<100352xf32, #tpu.memory_space<vmem_shared>>, %arg11: memref<2064xi32, #tpu.memory_space<vmem>>, %arg12: memref<2064xi32, #tpu.memory_space<vmem>>, %arg13: memref<2064xi32, #tpu.memory_space<vmem>>, %arg14: memref<2048xf32, #tpu.memory_space<vmem>>, %arg15: memref<2048xf32, #tpu.memory_space<vmem>>, %arg16: memref<2048xf32, #tpu.memory_space<vmem>>, %arg17: memref<2048xf32, #tpu.memory_space<vmem>>, %arg18: memref<2048xf32, #tpu.memory_space<vmem>>, %arg19: memref<2048xf32, #tpu.memory_space<vmem>>, %arg20: memref<4224xi32, #tpu.memory_space<vmem>>, %arg21: memref<4224xi32, #tpu.memory_space<vmem>>, %arg22: memref<4224xi32, #tpu.memory_space<vmem>>, %arg23: memref<4224xf32, #tpu.memory_space<vmem>>, %arg24: memref<4224xf32, #tpu.memory_space<vmem>>, %arg25: memref<4224xf32, #tpu.memory_space<vmem>>, %arg26: memref<4224xf32, #tpu.memory_space<vmem>>, %arg27: memref<4224xf32, #tpu.memory_space<vmem>>, %arg28: memref<4224xf32, #tpu.memory_space<vmem>>, %arg29: memref<6272xf32, #tpu.memory_space<vmem>>, %arg30: memref<16xf32, #tpu.memory_space<vmem>>, %arg31: memref<16xf32, #tpu.memory_space<vmem>>, %arg32: memref<256xf32, #tpu.memory_space<vmem>>, %arg33: memref<3xi32, #tpu.memory_space<smem>>, %arg34: memref<3x!tpu.dma_semaphore, #tpu.memory_space<semaphore_mem>>, %arg35: memref<3x!tpu.dma_semaphore, #tpu.memory_space<semaphore_mem>>) attributes {dimension_semantics = [#tpu.dimension_semantics<core_parallel>, #tpu.dimension_semantics<subcore_parallel>], iteration_bounds = array<i64: 2, 16>, scalar_prefetch = 0 : i64, scratch_operands = 27 : i64, tpu.core_type = #tpu.core_type<sc_vector_subcore>, window_params = [{transform_indices = #map}, {transform_indices = #map}, {transform_indices = #map}, {transform_indices = #map1}, {transform_indices = #map1}, {transform_indices = #map1}, {transform_indices = #map1}]} {
    %mul3A = arith.constant 2 : i32
    %mul3A_0 = arith.muli %arg1, %mul3A : i32
    %add3A = arith.addi %mul3A_0, %arg0 : i32
    %iota3A = tpu.iota {dimensions = array<i32: 0>} : vector<16xi32>
    %eq3A = arith.constant 15 : i32
    %eq3A_1 = vector.broadcast %eq3A : i32 to vector<16xi32>
    %eq3A_2 = arith.cmpi eq, %iota3A, %eq3A_1 : vector<16xi32>
    %not3A = arith.constant dense<true> : vector<16xi1>
    %not3A_3 = arith.xori %eq3A_2, %not3A : vector<16xi1>
    %scan3A = arith.constant 0 : i32
    %scan3A_4 = arith.constant 392 : i32
    %scan3A_5 = arith.addi %scan3A, %scan3A_4 : i32
    %scan3A_6 = arith.constant 8 : i32
    scf.for %scan3A_35 = %scan3A to %scan3A_5 step %scan3A_6  : i32 {
      %mul3A_36 = arith.constant 1 : i32
      %mul3A_37 = arith.muli %scan3A_35, %mul3A_36 : i32
      %add3A_38 = arith.constant 0 : i32
      %add3A_39 = arith.addi %add3A_38, %mul3A_37 : i32
      %broadcast_in_dim3A_40 = arith.constant 0.000000e+00 : f32
      %broadcast_in_dim3A_41 = vector.broadcast %broadcast_in_dim3A_40 : f32 to vector<16xf32>
      %mul3A_42 = arith.constant 16 : i32
      %mul3A_43 = arith.muli %add3A_39, %mul3A_42 : i32
      %swap3A_44 = arith.index_cast %mul3A_43 : i32 to index
      %swap3A_45 = tpu.vector_load %arg29[%swap3A_44] {strides = array<i32>} : memref<6272xf32, #tpu.memory_space<vmem>>, vector<16xf32>,
      tpu.vector_store %arg29[%swap3A_44], %broadcast_in_dim3A_41 {strides = array<i32>} : memref<6272xf32, #tpu.memory_space<vmem>>, vector<16xf32>,
      %scan3A_46 = arith.constant 1 : i32
      %scan3A_47 = arith.addi %scan3A_35, %scan3A_46 : i32
      %mul3A_48 = arith.constant 1 : i32
      %mul3A_49 = arith.muli %scan3A_47, %mul3A_48 : i32
      %add3A_50 = arith.constant 0 : i32
      %add3A_51 = arith.addi %add3A_50, %mul3A_49 : i32
      %broadcast_in_dim3A_52 = arith.constant 0.000000e+00 : f32
      %broadcast_in_dim3A_53 = vector.broadcast %broadcast_in_dim3A_52 : f32 to vector<16xf32>
      %mul3A_54 = arith.constant 16 : i32
      %mul3A_55 = arith.muli %add3A_51, %mul3A_54 : i32
      %swap3A_56 = arith.index_cast %mul3A_55 : i32 to index
      %swap3A_57 = tpu.vector_load %arg29[%swap3A_56] {strides = array<i32>} : memref<6272xf32, #tpu.memory_space<vmem>>, vector<16xf32>,
      tpu.vector_store %arg29[%swap3A_56], %broadcast_in_dim3A_53 {strides = array<i32>} : memref<6272xf32, #tpu.memory_space<vmem>>, vector<16xf32>,
      %scan3A_58 = arith.constant 2 : i32
      %scan3A_59 = arith.addi %scan3A_35, %scan3A_58 : i32
      %mul3A_60 = arith.constant 1 : i32
      %mul3A_61 = arith.muli %scan3A_59, %mul3A_60 : i32
      %add3A_62 = arith.constant 0 : i32
      %add3A_63 = arith.addi %add3A_62, %mul3A_61 : i32
      %broadcast_in_dim3A_64 = arith.constant 0.000000e+00 : f32
      %broadcast_in_dim3A_65 = vector.broadcast %broadcast_in_dim3A_64 : f32 to vector<16xf32>
      %mul3A_66 = arith.constant 16 : i32
      %mul3A_67 = arith.muli %add3A_63, %mul3A_66 : i32
      %swap3A_68 = arith.index_cast %mul3A_67 : i32 to index
      %swap3A_69 = tpu.vector_load %arg29[%swap3A_68] {strides = array<i32>} : memref<6272xf32, #tpu.memory_space<vmem>>, vector<16xf32>,
      tpu.vector_store %arg29[%swap3A_68], %broadcast_in_dim3A_65 {strides = array<i32>} : memref<6272xf32, #tpu.memory_space<vmem>>, vector<16xf32>,
      %scan3A_70 = arith.constant 3 : i32
      %scan3A_71 = arith.addi %scan3A_35, %scan3A_70 : i32
      %mul3A_72 = arith.constant 1 : i32
      %mul3A_73 = arith.muli %scan3A_71, %mul3A_72 : i32
      %add3A_74 = arith.constant 0 : i32
      %add3A_75 = arith.addi %add3A_74, %mul3A_73 : i32
      %broadcast_in_dim3A_76 = arith.constant 0.000000e+00 : f32
      %broadcast_in_dim3A_77 = vector.broadcast %broadcast_in_dim3A_76 : f32 to vector<16xf32>
      %mul3A_78 = arith.constant 16 : i32
      %mul3A_79 = arith.muli %add3A_75, %mul3A_78 : i32
      %swap3A_80 = arith.index_cast %mul3A_79 : i32 to index
      %swap3A_81 = tpu.vector_load %arg29[%swap3A_80] {strides = array<i32>} : memref<6272xf32, #tpu.memory_space<vmem>>, vector<16xf32>,
      tpu.vector_store %arg29[%swap3A_80], %broadcast_in_dim3A_77 {strides = array<i32>} : memref<6272xf32, #tpu.memory_space<vmem>>, vector<16xf32>,
      %scan3A_82 = arith.constant 4 : i32
      %scan3A_83 = arith.addi %scan3A_35, %scan3A_82 : i32
      %mul3A_84 = arith.constant 1 : i32
      %mul3A_85 = arith.muli %scan3A_83, %mul3A_84 : i32
      %add3A_86 = arith.constant 0 : i32
      %add3A_87 = arith.addi %add3A_86, %mul3A_85 : i32
      %broadcast_in_dim3A_88 = arith.constant 0.000000e+00 : f32
      %broadcast_in_dim3A_89 = vector.broadcast %broadcast_in_dim3A_88 : f32 to vector<16xf32>
      %mul3A_90 = arith.constant 16 : i32
      %mul3A_91 = arith.muli %add3A_87, %mul3A_90 : i32
      %swap3A_92 = arith.index_cast %mul3A_91 : i32 to index
      %swap3A_93 = tpu.vector_load %arg29[%swap3A_92] {strides = array<i32>} : memref<6272xf32, #tpu.memory_space<vmem>>, vector<16xf32>,
      tpu.vector_store %arg29[%swap3A_92], %broadcast_in_dim3A_89 {strides = array<i32>} : memref<6272xf32, #tpu.memory_space<vmem>>, vector<16xf32>,
      %scan3A_94 = arith.constant 5 : i32
      %scan3A_95 = arith.addi %scan3A_35, %scan3A_94 : i32
      %mul3A_96 = arith.constant 1 : i32
      %mul3A_97 = arith.muli %scan3A_95, %mul3A_96 : i32
      %add3A_98 = arith.constant 0 : i32
      %add3A_99 = arith.addi %add3A_98, %mul3A_97 : i32
      %broadcast_in_dim3A_100 = arith.constant 0.000000e+00 : f32
      %broadcast_in_dim3A_101 = vector.broadcast %broadcast_in_dim3A_100 : f32 to vector<16xf32>
      %mul3A_102 = arith.constant 16 : i32
      %mul3A_103 = arith.muli %add3A_99, %mul3A_102 : i32
      %swap3A_104 = arith.index_cast %mul3A_103 : i32 to index
      %swap3A_105 = tpu.vector_load %arg29[%swap3A_104] {strides = array<i32>} : memref<6272xf32, #tpu.memory_space<vmem>>, vector<16xf32>,
      tpu.vector_store %arg29[%swap3A_104], %broadcast_in_dim3A_101 {strides = array<i32>} : memref<6272xf32, #tpu.memory_space<vmem>>, vector<16xf32>,
      %scan3A_106 = arith.constant 6 : i32
      %scan3A_107 = arith.addi %scan3A_35, %scan3A_106 : i32
      %mul3A_108 = arith.constant 1 : i32
      %mul3A_109 = arith.muli %scan3A_107, %mul3A_108 : i32
      %add3A_110 = arith.constant 0 : i32
      %add3A_111 = arith.addi %add3A_110, %mul3A_109 : i32
      %broadcast_in_dim3A_112 = arith.constant 0.000000e+00 : f32
      %broadcast_in_dim3A_113 = vector.broadcast %broadcast_in_dim3A_112 : f32 to vector<16xf32>
      %mul3A_114 = arith.constant 16 : i32
      %mul3A_115 = arith.muli %add3A_111, %mul3A_114 : i32
      %swap3A_116 = arith.index_cast %mul3A_115 : i32 to index
      %swap3A_117 = tpu.vector_load %arg29[%swap3A_116] {strides = array<i32>} : memref<6272xf32, #tpu.memory_space<vmem>>, vector<16xf32>,
      tpu.vector_store %arg29[%swap3A_116], %broadcast_in_dim3A_113 {strides = array<i32>} : memref<6272xf32, #tpu.memory_space<vmem>>, vector<16xf32>,
      %scan3A_118 = arith.constant 7 : i32
      %scan3A_119 = arith.addi %scan3A_35, %scan3A_118 : i32
      %mul3A_120 = arith.constant 1 : i32
      %mul3A_121 = arith.muli %scan3A_119, %mul3A_120 : i32
      %add3A_122 = arith.constant 0 : i32
      %add3A_123 = arith.addi %add3A_122, %mul3A_121 : i32
      %broadcast_in_dim3A_124 = arith.constant 0.000000e+00 : f32
      %broadcast_in_dim3A_125 = vector.broadcast %broadcast_in_dim3A_124 : f32 to vector<16xf32>
      %mul3A_126 = arith.constant 16 : i32
      %mul3A_127 = arith.muli %add3A_123, %mul3A_126 : i32
      %swap3A_128 = arith.index_cast %mul3A_127 : i32 to index
      %swap3A_129 = tpu.vector_load %arg29[%swap3A_128] {strides = array<i32>} : memref<6272xf32, #tpu.memory_space<vmem>>, vector<16xf32>,
      tpu.vector_store %arg29[%swap3A_128], %broadcast_in_dim3A_125 {strides = array<i32>} : memref<6272xf32, #tpu.memory_space<vmem>>, vector<16xf32>,
    }
    %scan3A_7 = arith.constant 392 : i32
    %mul3A_8 = arith.constant 6272 : i32
    %mul3A_9 = arith.muli %arg1, %mul3A_8 : i32
    "tpu.region"() ({
      %run_scoped3A = tpu.sem_alloc : memref<!tpu.dma_semaphore, #tpu.memory_space<semaphore_mem>>
      %dma_start3A = tpu.memref_slice %arg9[%mul3A_9] : memref<100352xf32, #tpu.memory_space<vmem_shared>> -> memref<6272xf32, #tpu.memory_space<vmem_shared>>
      %dma_start3A_35 = tpu.memref_slice %arg9[%mul3A_9] : memref<100352xf32, #tpu.memory_space<vmem_shared>> -> memref<6272xf32, #tpu.memory_space<vmem_shared>>
      tpu.enqueue_dma source(%arg29 : memref<6272xf32, #tpu.memory_space<vmem>>) target(%dma_start3A_35 : memref<6272xf32, #tpu.memory_space<vmem_shared>>) target_semaphore(%run_scoped3A : memref<!tpu.dma_semaphore, #tpu.memory_space<semaphore_mem>>)
      %dma_wait3A = tpu.memref_slice %arg9[%mul3A_9] : memref<100352xf32, #tpu.memory_space<vmem_shared>> -> memref<6272xf32, #tpu.memory_space<vmem_shared>>
      %dma_wait3A_36 = tpu.memref_slice %arg9[%mul3A_9] : memref<100352xf32, #tpu.memory_space<vmem_shared>> -> memref<6272xf32, #tpu.memory_space<vmem_shared>>
      tpu.wait_dma2 semaphore(%run_scoped3A : memref<!tpu.dma_semaphore, #tpu.memory_space<semaphore_mem>>) src(%arg29 : memref<6272xf32, #tpu.memory_space<vmem>>) dst(%dma_wait3A_36 : memref<6272xf32, #tpu.memory_space<vmem_shared>>)
      tpu.yield
    }) : () -> ()
    %mul3A_10 = arith.constant 6272 : i32
    %mul3A_11 = arith.muli %arg1, %mul3A_10 : i32
    "tpu.region"() ({
      %run_scoped3A = tpu.sem_alloc : memref<!tpu.dma_semaphore, #tpu.memory_space<semaphore_mem>>
      %dma_start3A = tpu.memref_slice %arg10[%mul3A_11] : memref<100352xf32, #tpu.memory_space<vmem_shared>> -> memref<6272xf32, #tpu.memory_space<vmem_shared>>
      %dma_start3A_35 = tpu.memref_slice %arg10[%mul3A_11] : memref<100352xf32, #tpu.memory_space<vmem_shared>> -> memref<6272xf32, #tpu.memory_space<vmem_shared>>
      tpu.enqueue_dma source(%arg29 : memref<6272xf32, #tpu.memory_space<vmem>>) target(%dma_start3A_35 : memref<6272xf32, #tpu.memory_space<vmem_shared>>) target_semaphore(%run_scoped3A : memref<!tpu.dma_semaphore, #tpu.memory_space<semaphore_mem>>)
      %dma_wait3A = tpu.memref_slice %arg10[%mul3A_11] : memref<100352xf32, #tpu.memory_space<vmem_shared>> -> memref<6272xf32, #tpu.memory_space<vmem_shared>>
      %dma_wait3A_36 = tpu.memref_slice %arg10[%mul3A_11] : memref<100352xf32, #tpu.memory_space<vmem_shared>> -> memref<6272xf32, #tpu.memory_space<vmem_shared>>
      tpu.wait_dma2 semaphore(%run_scoped3A : memref<!tpu.dma_semaphore, #tpu.memory_space<semaphore_mem>>) src(%arg29 : memref<6272xf32, #tpu.memory_space<vmem>>) dst(%dma_wait3A_36 : memref<6272xf32, #tpu.memory_space<vmem_shared>>)
      tpu.yield
    }) : () -> ()
    %broadcast_in_dim3A = arith.constant 0x7F800000 : f32
    %broadcast_in_dim3A_12 = vector.broadcast %broadcast_in_dim3A : f32 to vector<16xf32>
    %swap3A = arith.constant 0 : index
    %swap3A_13 = tpu.vector_load %arg30[%swap3A] {strides = array<i32>} : memref<16xf32, #tpu.memory_space<vmem>>, vector<16xf32>,
    tpu.vector_store %arg30[%swap3A], %broadcast_in_dim3A_12 {strides = array<i32>} : memref<16xf32, #tpu.memory_space<vmem>>, vector<16xf32>,
    %broadcast_in_dim3A_14 = arith.constant 0xFF800000 : f32
    %broadcast_in_dim3A_15 = vector.broadcast %broadcast_in_dim3A_14 : f32 to vector<16xf32>
    %swap3A_16 = arith.constant 0 : index
    %swap3A_17 = tpu.vector_load %arg31[%swap3A_16] {strides = array<i32>} : memref<16xf32, #tpu.memory_space<vmem>>, vector<16xf32>,
    tpu.vector_store %arg31[%swap3A_16], %broadcast_in_dim3A_15 {strides = array<i32>} : memref<16xf32, #tpu.memory_space<vmem>>, vector<16xf32>,
    %barrier3A = arith.constant 0 : index
    tpu.barrier barrier_id(%barrier3A)
    %lt3A = arith.constant 21 : i32
    %lt3A_18 = arith.cmpi slt, %add3A, %lt3A : i32
    %jit3A = arith.constant 98 : i32
    %jit3A_19 = arith.constant 97 : i32
    %select_n3A = arith.select %lt3A_18, %jit3A, %jit3A_19 : i32
    %gt3A = arith.constant 0 : i32
    %gt3A_20 = arith.cmpi sgt, %select_n3A, %gt3A : i32
    %convert_element_type3A = arith.extui %gt3A_20 : i1 to i32
    %cond3A = arith.constant 0 : i32
    %cond3A_21 = arith.cmpi ne, %convert_element_type3A, %cond3A : i32
    scf.if %cond3A_21 {
      %add3A_35 = arith.constant 0 : i32
      %add3A_36 = arith.addi %add3A_35, %add3A : i32
      %mul3A_37 = arith.constant 2048 : i32
      %mul3A_38 = arith.muli %add3A_36, %mul3A_37 : i32
      %dma_start3A = arith.constant 0 : i32
      %dma_start3A_39 = arith.constant 0 : i32
      %dma_start3A_40 = tpu.memref_slice %arg11[%dma_start3A_39] : memref<2064xi32, #tpu.memory_space<vmem>> -> memref<2048xi32, #tpu.memory_space<vmem>>
      %dma_start3A_41 = tpu.memref_slice %arg4[%mul3A_38] : memref<6400000xi32, #tpu.memory_space<hbm>> -> memref<2048xi32, #tpu.memory_space<hbm>>
      %dma_start3A_42 = tpu.memref_slice %arg34[%dma_start3A] : memref<3x!tpu.dma_semaphore, #tpu.memory_space<semaphore_mem>> -> memref<1x!tpu.dma_semaphore, #tpu.memory_space<semaphore_mem>>
      %dma_start3A_43 = tpu.memref_squeeze %dma_start3A_42 : memref<1x!tpu.dma_semaphore, #tpu.memory_space<semaphore_mem>> -> memref<!tpu.dma_semaphore, #tpu.memory_space<semaphore_mem>>
      %dma_start3A_44 = arith.constant 0 : i32
      %dma_start3A_45 = tpu.memref_slice %arg11[%dma_start3A_44] : memref<2064xi32, #tpu.memory_space<vmem>> -> memref<2048xi32, #tpu.memory_space<vmem>>
      %dma_start3A_46 = tpu.memref_slice %arg4[%mul3A_38] : memref<6400000xi32, #tpu.memory_space<hbm>> -> memref<2048xi32, #tpu.memory_space<hbm>>
      tpu.enqueue_dma source(%dma_start3A_46 : memref<2048xi32, #tpu.memory_space<hbm>>) target(%dma_start3A_45 : memref<2048xi32, #tpu.memory_space<vmem>>) target_semaphore(%dma_start3A_43 : memref<!tpu.dma_semaphore, #tpu.memory_space<semaphore_mem>>)
      %dma_start3A_47 = arith.constant 0 : i32
      %dma_start3A_48 = tpu.memref_slice %arg2[%mul3A_38] : memref<6400000xf32, #tpu.memory_space<hbm>> -> memref<2048xf32, #tpu.memory_space<hbm>>
      %dma_start3A_49 = tpu.memref_slice %arg34[%dma_start3A_47] : memref<3x!tpu.dma_semaphore, #tpu.memory_space<semaphore_mem>> -> memref<1x!tpu.dma_semaphore, #tpu.memory_space<semaphore_mem>>
      %dma_start3A_50 = tpu.memref_squeeze %dma_start3A_49 : memref<1x!tpu.dma_semaphore, #tpu.memory_space<semaphore_mem>> -> memref<!tpu.dma_semaphore, #tpu.memory_space<semaphore_mem>>
      %dma_start3A_51 = tpu.memref_slice %arg2[%mul3A_38] : memref<6400000xf32, #tpu.memory_space<hbm>> -> memref<2048xf32, #tpu.memory_space<hbm>>
      tpu.enqueue_dma source(%dma_start3A_51 : memref<2048xf32, #tpu.memory_space<hbm>>) target(%arg14 : memref<2048xf32, #tpu.memory_space<vmem>>) target_semaphore(%dma_start3A_50 : memref<!tpu.dma_semaphore, #tpu.memory_space<semaphore_mem>>)
      %dma_start3A_52 = arith.constant 0 : i32
      %dma_start3A_53 = tpu.memref_slice %arg3[%mul3A_38] : memref<6400000xf32, #tpu.memory_space<hbm>> -> memref<2048xf32, #tpu.memory_space<hbm>>
      %dma_start3A_54 = tpu.memref_slice %arg34[%dma_start3A_52] : memref<3x!tpu.dma_semaphore, #tpu.memory_space<semaphore_mem>> -> memref<1x!tpu.dma_semaphore, #tpu.memory_space<semaphore_mem>>
      %dma_start3A_55 = tpu.memref_squeeze %dma_start3A_54 : memref<1x!tpu.dma_semaphore, #tpu.memory_space<semaphore_mem>> -> memref<!tpu.dma_semaphore, #tpu.memory_space<semaphore_mem>>
      %dma_start3A_56 = tpu.memref_slice %arg3[%mul3A_38] : memref<6400000xf32, #tpu.memory_space<hbm>> -> memref<2048xf32, #tpu.memory_space<hbm>>
      tpu.enqueue_dma source(%dma_start3A_56 : memref<2048xf32, #tpu.memory_space<hbm>>) target(%arg17 : memref<2048xf32, #tpu.memory_space<vmem>>) target_semaphore(%dma_start3A_55 : memref<!tpu.dma_semaphore, #tpu.memory_space<semaphore_mem>>)
    } else {
    }
    %scan3A_22 = arith.constant 0 : i32
    %scan3A_23 = arith.constant 33 : i32
    %scan3A_24 = arith.addi %scan3A_22, %scan3A_23 : i32
    %scan3A_25 = arith.constant 1 : i32
    scf.for %scan3A_35 = %scan3A_22 to %scan3A_24 step %scan3A_25  : i32 {
      %mul3A_36 = arith.constant 3 : i32
      %mul3A_37 = arith.muli %scan3A_35, %mul3A_36 : i32
      %add3A_38 = arith.constant 0 : i32
      %add3A_39 = arith.addi %add3A_38, %mul3A_37 : i32
      %add3A_40 = arith.constant 0 : i32
      %add3A_41 = arith.addi %add3A_39, %add3A_40 : i32
      %ge3A = arith.constant 2 : i32
      %ge3A_42 = arith.cmpi sge, %add3A_41, %ge3A : i32
      %sub3A = arith.constant 2 : i32
      %sub3A_43 = arith.subi %add3A_41, %sub3A : i32
      %sub3A_44 = arith.constant 2 : i32
      %sub3A_45 = arith.subi %select_n3A, %sub3A_44 : i32
      %lt3A_46 = arith.cmpi slt, %sub3A_43, %sub3A_45 : i32
      %and3A = arith.andi %ge3A_42, %lt3A_46 : i1
      %convert_element_type3A_47 = arith.extui %and3A : i1 to i32
      %cond3A_48 = arith.constant 0 : i32
      %cond3A_49 = arith.cmpi ne, %convert_element_type3A_47, %cond3A_48 : i32
      scf.if %cond3A_49 {
        %get3A = arith.constant 1 : i32
        %get3A_106 = arith.index_cast %get3A : i32 to index
        %get3A_107 = memref.load %arg33[%get3A_106] : memref<3xi32, #tpu.memory_space<smem>>
        %sub3A_108 = arith.constant 0 : i32
        %sub3A_109 = arith.subi %get3A_107, %sub3A_108 : i32
        %sub3A_110 = arith.constant 1 : i32
        %sub3A_111 = arith.constant 1 : i32
        %sub3A_112 = arith.subi %sub3A_110, %sub3A_111 : i32
        %add3A_113 = arith.addi %sub3A_109, %sub3A_112 : i32
        %div3A = arith.constant 1 : i32
        %div3A_114 = arith.divsi %add3A_113, %div3A : i32
        %while3A = arith.constant 1 : i32
        %while3A_115 = arith.constant 0 : i32
        %while3A_116 = arith.constant 0 : i32
        %while3A_117 = arith.subi %div3A_114, %while3A_116 : i32
        %while3A_118 = arith.addi %while3A_116, %while3A_117 : i32
        %while3A_119 = arith.constant 1 : i32
        %while3A_120 = arith.divsi %while3A_117, %while3A_119 : i32
        %while3A_121 = arith.muli %while3A_120, %while3A_119 : i32
        %while3A_122 = arith.addi %while3A_116, %while3A_121 : i32
        %while3A_123 = arith.constant 1 : i32
        scf.for %while3A_125 = %while3A_116 to %while3A_122 step %while3A_123  : i32 {
          %mul3A_126 = arith.muli %while3A_125, %while3A : i32
          %add3A_127 = arith.addi %while3A_115, %mul3A_126 : i32
          %dma_wait3A = arith.constant 1 : i32
          %dma_wait3A_128 = arith.constant 0 : i32
          %dma_wait3A_129 = tpu.memref_slice %arg2[%dma_wait3A_128] : memref<6400000xf32, #tpu.memory_space<hbm>> -> memref<256xf32, #tpu.memory_space<hbm>>
          %dma_wait3A_130 = tpu.memref_slice %arg35[%dma_wait3A] : memref<3x!tpu.dma_semaphore, #tpu.memory_space<semaphore_mem>> -> memref<1x!tpu.dma_semaphore, #tpu.memory_space<semaphore_mem>>
          %dma_wait3A_131 = tpu.memref_squeeze %dma_wait3A_130 : memref<1x!tpu.dma_semaphore, #tpu.memory_space<semaphore_mem>> -> memref<!tpu.dma_semaphore, #tpu.memory_space<semaphore_mem>>
          %dma_wait3A_132 = arith.constant 0 : i32
          %dma_wait3A_133 = tpu.memref_slice %arg2[%dma_wait3A_132] : memref<6400000xf32, #tpu.memory_space<hbm>> -> memref<256xf32, #tpu.memory_space<hbm>>
          tpu.wait_dma2 semaphore(%dma_wait3A_131 : memref<!tpu.dma_semaphore, #tpu.memory_space<semaphore_mem>>) src(%dma_wait3A_133 : memref<256xf32, #tpu.memory_space<hbm>>) dst(%arg32 : memref<256xf32, #tpu.memory_space<vmem>>)
        }
        %while3A_124 = arith.constant 1 : i32
        scf.for %while3A_125 = %while3A_122 to %while3A_118 step %while3A_124  : i32 {
          %mul3A_126 = arith.muli %while3A_125, %while3A : i32
          %add3A_127 = arith.addi %while3A_115, %mul3A_126 : i32
          %dma_wait3A = arith.constant 1 : i32
          %dma_wait3A_128 = arith.constant 0 : i32
          %dma_wait3A_129 = tpu.memref_slice %arg2[%dma_wait3A_128] : memref<6400000xf32, #tpu.memory_space<hbm>> -> memref<256xf32, #tpu.memory_space<hbm>>
          %dma_wait3A_130 = tpu.memref_slice %arg35[%dma_wait3A] : memref<3x!tpu.dma_semaphore, #tpu.memory_space<semaphore_mem>> -> memref<1x!tpu.dma_semaphore, #tpu.memory_space<semaphore_mem>>
          %dma_wait3A_131 = tpu.memref_squeeze %dma_wait3A_130 : memref<1x!tpu.dma_semaphore, #tpu.memory_space<semaphore_mem>> -> memref<!tpu.dma_semaphore, #tpu.memory_space<semaphore_mem>>
          %dma_wait3A_132 = arith.constant 0 : i32
          %dma_wait3A_133 = tpu.memref_slice %arg2[%dma_wait3A_132] : memref<6400000xf32, #tpu.memory_space<hbm>> -> memref<256xf32, #tpu.memory_space<hbm>>
          tpu.wait_dma2 semaphore(%dma_wait3A_131 : memref<!tpu.dma_semaphore, #tpu.memory_space<semaphore_mem>>) src(%dma_wait3A_133 : memref<256xf32, #tpu.memory_space<hbm>>) dst(%arg32 : memref<256xf32, #tpu.memory_space<vmem>>)
        }
      } else {
      }
      %add3A_50 = arith.constant 1 : i32
      %add3A_51 = arith.addi %add3A_41, %add3A_50 : i32
      %lt3A_52 = arith.cmpi slt, %add3A_51, %select_n3A : i32
      %convert_element_type3A_53 = arith.extui %lt3A_52 : i1 to i32
      %cond3A_54 = arith.constant 0 : i32
      %cond3A_55 = arith.cmpi ne, %convert_element_type3A_53, %cond3A_54 : i32
      scf.if %cond3A_55 {
        %add3A_106 = arith.constant 1 : i32
        %add3A_107 = arith.addi %add3A_41, %add3A_106 : i32
        %mul3A_108 = arith.constant 32 : i32
        %mul3A_109 = arith.muli %add3A_107, %mul3A_108 : i32
        %add3A_110 = arith.addi %mul3A_109, %add3A : i32
        %mul3A_111 = arith.constant 2048 : i32
        %mul3A_112 = arith.muli %add3A_110, %mul3A_111 : i32
        %dma_start3A = arith.constant 1 : i32
        %dma_start3A_113 = arith.constant 0 : i32
        %dma_start3A_114 = tpu.memref_slice %arg12[%dma_start3A_113] : memref<2064xi32, #tpu.memory_space<vmem>> -> memref<2048xi32, #tpu.memory_space<vmem>>
        %dma_start3A_115 = tpu.memref_slice %arg4[%mul3A_112] : memref<6400000xi32, #tpu.memory_space<hbm>> -> memref<2048xi32, #tpu.memory_space<hbm>>
        %dma_start3A_116 = tpu.memref_slice %arg34[%dma_start3A] : memref<3x!tpu.dma_semaphore, #tpu.memory_space<semaphore_mem>> -> memref<1x!tpu.dma_semaphore, #tpu.memory_space<semaphore_mem>>
        %dma_start3A_117 = tpu.memref_squeeze %dma_start3A_116 : memref<1x!tpu.dma_semaphore, #tpu.memory_space<semaphore_mem>> -> memref<!tpu.dma_semaphore, #tpu.memory_space<semaphore_mem>>
        %dma_start3A_118 = arith.constant 0 : i32
        %dma_start3A_119 = tpu.memref_slice %arg12[%dma_start3A_118] : memref<2064xi32, #tpu.memory_space<vmem>> -> memref<2048xi32, #tpu.memory_space<vmem>>
        %dma_start3A_120 = tpu.memref_slice %arg4[%mul3A_112] : memref<6400000xi32, #tpu.memory_space<hbm>> -> memref<2048xi32, #tpu.memory_space<hbm>>
        tpu.enqueue_dma source(%dma_start3A_120 : memref<2048xi32, #tpu.memory_space<hbm>>) target(%dma_start3A_119 : memref<2048xi32, #tpu.memory_space<vmem>>) target_semaphore(%dma_start3A_117 : memref<!tpu.dma_semaphore, #tpu.memory_space<semaphore_mem>>)
        %dma_start3A_121 = arith.constant 1 : i32
        %dma_start3A_122 = tpu.memref_slice %arg2[%mul3A_112] : memref<6400000xf32, #tpu.memory_space<hbm>> -> memref<2048xf32, #tpu.memory_space<hbm>>
        %dma_start3A_123 = tpu.memref_slice %arg34[%dma_start3A_121] : memref<3x!tpu.dma_semaphore, #tpu.memory_space<semaphore_mem>> -> memref<1x!tpu.dma_semaphore, #tpu.memory_space<semaphore_mem>>
        %dma_start3A_124 = tpu.memref_squeeze %dma_start3A_123 : memref<1x!tpu.dma_semaphore, #tpu.memory_space<semaphore_mem>> -> memref<!tpu.dma_semaphore, #tpu.memory_space<semaphore_mem>>
        %dma_start3A_125 = tpu.memref_slice %arg2[%mul3A_112] : memref<6400000xf32, #tpu.memory_space<hbm>> -> memref<2048xf32, #tpu.memory_space<hbm>>
        tpu.enqueue_dma source(%dma_start3A_125 : memref<2048xf32, #tpu.memory_space<hbm>>) target(%arg15 : memref<2048xf32, #tpu.memory_space<vmem>>) target_semaphore(%dma_start3A_124 : memref<!tpu.dma_semaphore, #tpu.memory_space<semaphore_mem>>)
        %dma_start3A_126 = arith.constant 1 : i32
        %dma_start3A_127 = tpu.memref_slice %arg3[%mul3A_112] : memref<6400000xf32, #tpu.memory_space<hbm>> -> memref<2048xf32, #tpu.memory_space<hbm>>
        %dma_start3A_128 = tpu.memref_slice %arg34[%dma_start3A_126] : memref<3x!tpu.dma_semaphore, #tpu.memory_space<semaphore_mem>> -> memref<1x!tpu.dma_semaphore, #tpu.memory_space<semaphore_mem>>
        %dma_start3A_129 = tpu.memref_squeeze %dma_start3A_128 : memref<1x!tpu.dma_semaphore, #tpu.memory_space<semaphore_mem>> -> memref<!tpu.dma_semaphore, #tpu.memory_space<semaphore_mem>>
        %dma_start3A_130 = tpu.memref_slice %arg3[%mul3A_112] : memref<6400000xf32, #tpu.memory_space<hbm>> -> memref<2048xf32, #tpu.memory_space<hbm>>
        tpu.enqueue_dma source(%dma_start3A_130 : memref<2048xf32, #tpu.memory_space<hbm>>) target(%arg18 : memref<2048xf32, #tpu.memory_space<vmem>>) target_semaphore(%dma_start3A_129 : memref<!tpu.dma_semaphore, #tpu.memory_space<semaphore_mem>>)
      } else {
      }
      %lt3A_56 = arith.cmpi slt, %add3A_41, %select_n3A : i32
      %convert_element_type3A_57 = arith.extui %lt3A_56 : i1 to i32
      %cond3A_58 = arith.constant 0 : i32
      %cond3A_59 = arith.cmpi ne, %convert_element_type3A_57, %cond3A_58 : i32
      scf.if %cond3A_59 {
        %mul3A_106 = arith.constant 32 : i32
        %mul3A_107 = arith.muli %add3A_41, %mul3A_106 : i32
        %add3A_108 = arith.addi %mul3A_107, %add3A : i32
        %mul3A_109 = arith.constant 2048 : i32
        %mul3A_110 = arith.muli %add3A_108, %mul3A_109 : i32
        %dma_wait3A = arith.constant 0 : i32
        %dma_wait3A_111 = arith.constant 0 : i32
        %dma_wait3A_112 = tpu.memref_slice %arg11[%dma_wait3A_111] : memref<2064xi32, #tpu.memory_space<vmem>> -> memref<2048xi32, #tpu.memory_space<vmem>>
        %dma_wait3A_113 = tpu.memref_slice %arg4[%mul3A_110] : memref<6400000xi32, #tpu.memory_space<hbm>> -> memref<2048xi32, #tpu.memory_space<hbm>>
        %dma_wait3A_114 = tpu.memref_slice %arg34[%dma_wait3A] : memref<3x!tpu.dma_semaphore, #tpu.memory_space<semaphore_mem>> -> memref<1x!tpu.dma_semaphore, #tpu.memory_space<semaphore_mem>>
        %dma_wait3A_115 = tpu.memref_squeeze %dma_wait3A_114 : memref<1x!tpu.dma_semaphore, #tpu.memory_space<semaphore_mem>> -> memref<!tpu.dma_semaphore, #tpu.memory_space<semaphore_mem>>
        %dma_wait3A_116 = arith.constant 0 : i32
        %dma_wait3A_117 = tpu.memref_slice %arg11[%dma_wait3A_116] : memref<2064xi32, #tpu.memory_space<vmem>> -> memref<2048xi32, #tpu.memory_space<vmem>>
        %dma_wait3A_118 = tpu.memref_slice %arg4[%mul3A_110] : memref<6400000xi32, #tpu.memory_space<hbm>> -> memref<2048xi32, #tpu.memory_space<hbm>>
        tpu.wait_dma2 semaphore(%dma_wait3A_115 : memref<!tpu.dma_semaphore, #tpu.memory_space<semaphore_mem>>) src(%dma_wait3A_118 : memref<2048xi32, #tpu.memory_space<hbm>>) dst(%dma_wait3A_117 : memref<2048xi32, #tpu.memory_space<vmem>>)
        %dma_wait3A_119 = arith.constant 0 : i32
        %dma_wait3A_120 = tpu.memref_slice %arg2[%mul3A_110] : memref<6400000xf32, #tpu.memory_space<hbm>> -> memref<2048xf32, #tpu.memory_space<hbm>>
        %dma_wait3A_121 = tpu.memref_slice %arg34[%dma_wait3A_119] : memref<3x!tpu.dma_semaphore, #tpu.memory_space<semaphore_mem>> -> memref<1x!tpu.dma_semaphore, #tpu.memory_space<semaphore_mem>>
        %dma_wait3A_122 = tpu.memref_squeeze %dma_wait3A_121 : memref<1x!tpu.dma_semaphore, #tpu.memory_space<semaphore_mem>> -> memref<!tpu.dma_semaphore, #tpu.memory_space<semaphore_mem>>
        %dma_wait3A_123 = tpu.memref_slice %arg2[%mul3A_110] : memref<6400000xf32, #tpu.memory_space<hbm>> -> memref<2048xf32, #tpu.memory_space<hbm>>
        tpu.wait_dma2 semaphore(%dma_wait3A_122 : memref<!tpu.dma_semaphore, #tpu.memory_space<semaphore_mem>>) src(%dma_wait3A_123 : memref<2048xf32, #tpu.memory_space<hbm>>) dst(%arg14 : memref<2048xf32, #tpu.memory_space<vmem>>)
        %dma_wait3A_124 = arith.constant 0 : i32
        %dma_wait3A_125 = tpu.memref_slice %arg3[%mul3A_110] : memref<6400000xf32, #tpu.memory_space<hbm>> -> memref<2048xf32, #tpu.memory_space<hbm>>
        %dma_wait3A_126 = tpu.memref_slice %arg34[%dma_wait3A_124] : memref<3x!tpu.dma_semaphore, #tpu.memory_space<semaphore_mem>> -> memref<1x!tpu.dma_semaphore, #tpu.memory_space<semaphore_mem>>
        %dma_wait3A_127 = tpu.memref_squeeze %dma_wait3A_126 : memref<1x!tpu.dma_semaphore, #tpu.memory_space<semaphore_mem>> -> memref<!tpu.dma_semaphore, #tpu.memory_space<semaphore_mem>>
        %dma_wait3A_128 = tpu.memref_slice %arg3[%mul3A_110] : memref<6400000xf32, #tpu.memory_space<hbm>> -> memref<2048xf32, #tpu.memory_space<hbm>>
        tpu.wait_dma2 semaphore(%dma_wait3A_127 : memref<!tpu.dma_semaphore, #tpu.memory_space<semaphore_mem>>) src(%dma_wait3A_128 : memref<2048xf32, #tpu.memory_space<hbm>>) dst(%arg17 : memref<2048xf32, #tpu.memory_space<vmem>>)
        %broadcast_in_dim3A_129 = arith.constant 0.000000e+00 : f32
        %broadcast_in_dim3A_130 = vector.broadcast %broadcast_in_dim3A_129 : f32 to vector<16xf32>
        %get3A = arith.constant 0 : index
        %get3A_131 = tpu.vector_load %arg30[%get3A] {strides = array<i32>} : memref<16xf32, #tpu.memory_space<vmem>>, vector<16xf32>,
        %get3A_132 = arith.constant 0 : index
        %get3A_133 = tpu.vector_load %arg31[%get3A_132] {strides = array<i32>} : memref<16xf32, #tpu.memory_space<vmem>>, vector<16xf32>,
        %scan3A_134 = arith.constant 0 : i32
        %scan3A_135 = arith.constant 0 : i32
        %scan3A_136 = arith.constant 128 : i32
        %scan3A_137 = arith.addi %scan3A_135, %scan3A_136 : i32
        %scan3A_138 = arith.constant 8 : i32
        %scan3A_139:3 = scf.for %scan3A_217 = %scan3A_135 to %scan3A_137 step %scan3A_138 iter_args(%scan3A_218 = %scan3A_134, %scan3A_219 = %get3A_131, %scan3A_220 = %get3A_133) -> (i32, vector<16xf32>, vector<16xf32>)  : i32 {
          %mul3A_221 = arith.constant 1 : i32
          %mul3A_222 = arith.muli %scan3A_217, %mul3A_221 : i32
          %add3A_223 = arith.constant 0 : i32
          %add3A_224 = arith.addi %add3A_223, %mul3A_222 : i32
          %mul3A_225 = arith.constant 16 : i32
          %mul3A_226 = arith.muli %add3A_224, %mul3A_225 : i32
          %get3A_227 = arith.index_cast %mul3A_226 : i32 to index
          %get3A_228 = tpu.vector_load %arg11[%get3A_227] {strides = array<i32>} : memref<2064xi32, #tpu.memory_space<vmem>>, vector<16xi32>,
          %add3A_229 = arith.constant 1 : i32
          %add3A_230 = arith.addi %mul3A_226, %add3A_229 : i32
          %get3A_231 = arith.index_cast %add3A_230 : i32 to index
          %get3A_232 = tpu.vector_load %arg11[%get3A_231] {strides = array<i32>} : memref<2064xi32, #tpu.memory_space<vmem>>, vector<16xi32>,
          %get3A_233 = arith.index_cast %mul3A_226 : i32 to index
          %get3A_234 = tpu.vector_load %arg14[%get3A_233] {strides = array<i32>} : memref<2048xf32, #tpu.memory_space<vmem>>, vector<16xf32>,
          %get3A_235 = arith.index_cast %mul3A_226 : i32 to index
          %get3A_236 = tpu.vector_load %arg17[%get3A_235] {strides = array<i32>} : memref<2048xf32, #tpu.memory_space<vmem>>, vector<16xf32>,
          %mul3A_237 = arith.mulf %get3A_234, %get3A_236 : vector<16xf32>
          %min3A = arith.minimumf %scan3A_219, %get3A_236 : vector<16xf32>
          %max3A = arith.maximumf %scan3A_220, %get3A_236 : vector<16xf32>
          %broadcast_in_dim3A_238 = arith.constant true
          %broadcast_in_dim3A_239 = vector.broadcast %broadcast_in_dim3A_238 : i1 to vector<16xi1>
          %masked_cumsum3A = tpu.scan <sum>, %get3A_234 masked %broadcast_in_dim3A_239 : vector<16xf32>, vector<16xi1> -> vector<16xf32>
          %broadcast_in_dim3A_240 = arith.constant true
          %broadcast_in_dim3A_241 = vector.broadcast %broadcast_in_dim3A_240 : i1 to vector<16xi1>
          %masked_cumsum3A_242 = tpu.scan <sum>, %mul3A_237 masked %broadcast_in_dim3A_241 : vector<16xf32>, vector<16xi1> -> vector<16xf32>
          %ne3A = arith.cmpi ne, %get3A_228, %get3A_232 : vector<16xi32>
          %or3A = arith.ori %ne3A, %eq3A_2 : vector<16xi1>
          %and3A_243 = arith.andi %ne3A, %not3A_3 : vector<16xi1>
          %swap3A_244 = arith.index_cast %scan3A_218 : i32 to index
          %swap3A_245 = tpu.vector_load %arg20[%swap3A_244] masked %or3A {strides = array<i32>} : memref<4224xi32, #tpu.memory_space<vmem>>, vector<16xi32>, vector<16xi1>
          tpu.vector_store %arg20[%swap3A_244], %get3A_228 masked %or3A {strides = array<i32>} : memref<4224xi32, #tpu.memory_space<vmem>>, vector<16xi32>, vector<16xi1>
          %swap3A_246 = arith.index_cast %scan3A_218 : i32 to index
          %swap3A_247 = tpu.vector_load %arg23[%swap3A_246] masked %or3A {strides = array<i32>} : memref<4224xf32, #tpu.memory_space<vmem>>, vector<16xf32>, vector<16xi1>
          tpu.vector_store %arg23[%swap3A_246], %masked_cumsum3A masked %or3A {strides = array<i32>} : memref<4224xf32, #tpu.memory_space<vmem>>, vector<16xf32>, vector<16xi1>
          %swap3A_248 = arith.index_cast %scan3A_218 : i32 to index
          %swap3A_249 = tpu.vector_load %arg26[%swap3A_248] masked %or3A {strides = array<i32>} : memref<4224xf32, #tpu.memory_space<vmem>>, vector<16xf32>, vector<16xi1>
          tpu.vector_store %arg26[%swap3A_248], %masked_cumsum3A_242 masked %or3A {strides = array<i32>} : memref<4224xf32, #tpu.memory_space<vmem>>, vector<16xf32>, vector<16xi1>
          %all_reduce_population_count3A = tpu.all_reduce %or3A {dim = 0 : i64, kind = #tpu.reduction_kind<sum>} : vector<16xi1> -> vector<16xi32>
          %slice3A = vector.extract_strided_slice %all_reduce_population_count3A {offsets = [0], sizes = [1], strides = [1]} : vector<16xi32> to vector<1xi32>
          %squeeze3A = vector.extract %slice3A[0] : i32 from vector<1xi32>
          %add3A_250 = arith.addi %scan3A_218, %squeeze3A : i32
          %swap3A_251 = arith.index_cast %add3A_250 : i32 to index
          %swap3A_252 = tpu.vector_load %arg20[%swap3A_251] masked %and3A_243 {strides = array<i32>} : memref<4224xi32, #tpu.memory_space<vmem>>, vector<16xi32>, vector<16xi1>
          tpu.vector_store %arg20[%swap3A_251], %get3A_232 masked %and3A_243 {strides = array<i32>} : memref<4224xi32, #tpu.memory_space<vmem>>, vector<16xi32>, vector<16xi1>
          %neg3A = arith.constant 0.000000e+00 : f32
          %neg3A_253 = vector.broadcast %neg3A : f32 to vector<16xf32>
          %neg3A_254 = arith.subf %neg3A_253, %masked_cumsum3A : vector<16xf32>
          %swap3A_255 = arith.index_cast %add3A_250 : i32 to index
          %swap3A_256 = tpu.vector_load %arg23[%swap3A_255] masked %and3A_243 {strides = array<i32>} : memref<4224xf32, #tpu.memory_space<vmem>>, vector<16xf32>, vector<16xi1>
          tpu.vector_store %arg23[%swap3A_255], %neg3A_254 masked %and3A_243 {strides = array<i32>} : memref<4224xf32, #tpu.memory_space<vmem>>, vector<16xf32>, vector<16xi1>
          %neg3A_257 = arith.constant 0.000000e+00 : f32
          %neg3A_258 = vector.broadcast %neg3A_257 : f32 to vector<16xf32>
          %neg3A_259 = arith.subf %neg3A_258, %masked_cumsum3A_242 : vector<16xf32>
          %swap3A_260 = arith.index_cast %add3A_250 : i32 to index
          %swap3A_261 = tpu.vector_load %arg26[%swap3A_260] masked %and3A_243 {strides = array<i32>} : memref<4224xf32, #tpu.memory_space<vmem>>, vector<16xf32>, vector<16xi1>
          tpu.vector_store %arg26[%swap3A_260], %neg3A_259 masked %and3A_243 {strides = array<i32>} : memref<4224xf32, #tpu.memory_space<vmem>>, vector<16xf32>, vector<16xi1>
          %all_reduce_population_count3A_262 = tpu.all_reduce %and3A_243 {dim = 0 : i64, kind = #tpu.reduction_kind<sum>} : vector<16xi1> -> vector<16xi32>
          %slice3A_263 = vector.extract_strided_slice %all_reduce_population_count3A_262 {offsets = [0], sizes = [1], strides = [1]} : vector<16xi32> to vector<1xi32>
          %squeeze3A_264 = vector.extract %slice3A_263[0] : i32 from vector<1xi32>
          %add3A_265 = arith.addi %add3A_250, %squeeze3A_264 : i32
          %scan3A_266 = arith.constant 1 : i32
          %scan3A_267 = arith.addi %scan3A_217, %scan3A_266 : i32
          %mul3A_268 = arith.constant 1 : i32
          %mul3A_269 = arith.muli %scan3A_267, %mul3A_268 : i32
          %add3A_270 = arith.constant 0 : i32
          %add3A_271 = arith.addi %add3A_270, %mul3A_269 : i32
          %mul3A_272 = arith.constant 16 : i32
          %mul3A_273 = arith.muli %add3A_271, %mul3A_272 : i32
          %get3A_274 = arith.index_cast %mul3A_273 : i32 to index
          %get3A_275 = tpu.vector_load %arg11[%get3A_274] {strides = array<i32>} : memref<2064xi32, #tpu.memory_space<vmem>>, vector<16xi32>,
          %add3A_276 = arith.constant 1 : i32
          %add3A_277 = arith.addi %mul3A_273, %add3A_276 : i32
          %get3A_278 = arith.index_cast %add3A_277 : i32 to index
          %get3A_279 = tpu.vector_load %arg11[%get3A_278] {strides = array<i32>} : memref<2064xi32, #tpu.memory_space<vmem>>, vector<16xi32>,
          %get3A_280 = arith.index_cast %mul3A_273 : i32 to index
          %get3A_281 = tpu.vector_load %arg14[%get3A_280] {strides = array<i32>} : memref<2048xf32, #tpu.memory_space<vmem>>, vector<16xf32>,
          %get3A_282 = arith.index_cast %mul3A_273 : i32 to index
          %get3A_283 = tpu.vector_load %arg17[%get3A_282] {strides = array<i32>} : memref<2048xf32, #tpu.memory_space<vmem>>, vector<16xf32>,
          %mul3A_284 = arith.mulf %get3A_281, %get3A_283 : vector<16xf32>
          %min3A_285 = arith.minimumf %min3A, %get3A_283 : vector<16xf32>
          %max3A_286 = arith.maximumf %max3A, %get3A_283 : vector<16xf32>
          %broadcast_in_dim3A_287 = arith.constant true
          %broadcast_in_dim3A_288 = vector.broadcast %broadcast_in_dim3A_287 : i1 to vector<16xi1>
          %masked_cumsum3A_289 = tpu.scan <sum>, %get3A_281 masked %broadcast_in_dim3A_288 : vector<16xf32>, vector<16xi1> -> vector<16xf32>
          %broadcast_in_dim3A_290 = arith.constant true
          %broadcast_in_dim3A_291 = vector.broadcast %broadcast_in_dim3A_290 : i1 to vector<16xi1>
          %masked_cumsum3A_292 = tpu.scan <sum>, %mul3A_284 masked %broadcast_in_dim3A_291 : vector<16xf32>, vector<16xi1> -> vector<16xf32>
          %ne3A_293 = arith.cmpi ne, %get3A_275, %get3A_279 : vector<16xi32>
          %or3A_294 = arith.ori %ne3A_293, %eq3A_2 : vector<16xi1>
          %and3A_295 = arith.andi %ne3A_293, %not3A_3 : vector<16xi1>
          %swap3A_296 = arith.index_cast %add3A_265 : i32 to index
          %swap3A_297 = tpu.vector_load %arg20[%swap3A_296] masked %or3A_294 {strides = array<i32>} : memref<4224xi32, #tpu.memory_space<vmem>>, vector<16xi32>, vector<16xi1>
          tpu.vector_store %arg20[%swap3A_296], %get3A_275 masked %or3A_294 {strides = array<i32>} : memref<4224xi32, #tpu.memory_space<vmem>>, vector<16xi32>, vector<16xi1>
          %swap3A_298 = arith.index_cast %add3A_265 : i32 to index
          %swap3A_299 = tpu.vector_load %arg23[%swap3A_298] masked %or3A_294 {strides = array<i32>} : memref<4224xf32, #tpu.memory_space<vmem>>, vector<16xf32>, vector<16xi1>
          tpu.vector_store %arg23[%swap3A_298], %masked_cumsum3A_289 masked %or3A_294 {strides = array<i32>} : memref<4224xf32, #tpu.memory_space<vmem>>, vector<16xf32>, vector<16xi1>
          %swap3A_300 = arith.index_cast %add3A_265 : i32 to index
          %swap3A_301 = tpu.vector_load %arg26[%swap3A_300] masked %or3A_294 {strides = array<i32>} : memref<4224xf32, #tpu.memory_space<vmem>>, vector<16xf32>, vector<16xi1>
          tpu.vector_store %arg26[%swap3A_300], %masked_cumsum3A_292 masked %or3A_294 {strides = array<i32>} : memref<4224xf32, #tpu.memory_space<vmem>>, vector<16xf32>, vector<16xi1>
          %all_reduce_population_count3A_302 = tpu.all_reduce %or3A_294 {dim = 0 : i64, kind = #tpu.reduction_kind<sum>} : vector<16xi1> -> vector<16xi32>
          %slice3A_303 = vector.extract_strided_slice %all_reduce_population_count3A_302 {offsets = [0], sizes = [1], strides = [1]} : vector<16xi32> to vector<1xi32>
          %squeeze3A_304 = vector.extract %slice3A_303[0] : i32 from vector<1xi32>
          %add3A_305 = arith.addi %add3A_265, %squeeze3A_304 : i32
          %swap3A_306 = arith.index_cast %add3A_305 : i32 to index
          %swap3A_307 = tpu.vector_load %arg20[%swap3A_306] masked %and3A_295 {strides = array<i32>} : memref<4224xi32, #tpu.memory_space<vmem>>, vector<16xi32>, vector<16xi1>
          tpu.vector_store %arg20[%swap3A_306], %get3A_279 masked %and3A_295 {strides = array<i32>} : memref<4224xi32, #tpu.memory_space<vmem>>, vector<16xi32>, vector<16xi1>
          %neg3A_308 = arith.constant 0.000000e+00 : f32
          %neg3A_309 = vector.broadcast %neg3A_308 : f32 to vector<16xf32>
          %neg3A_310 = arith.subf %neg3A_309, %masked_cumsum3A_289 : vector<16xf32>
          %swap3A_311 = arith.index_cast %add3A_305 : i32 to index
          %swap3A_312 = tpu.vector_load %arg23[%swap3A_311] masked %and3A_295 {strides = array<i32>} : memref<4224xf32, #tpu.memory_space<vmem>>, vector<16xf32>, vector<16xi1>
          tpu.vector_store %arg23[%swap3A_311], %neg3A_310 masked %and3A_295 {strides = array<i32>} : memref<4224xf32, #tpu.memory_space<vmem>>, vector<16xf32>, vector<16xi1>
          %neg3A_313 = arith.constant 0.000000e+00 : f32
          %neg3A_314 = vector.broadcast %neg3A_313 : f32 to vector<16xf32>
          %neg3A_315 = arith.subf %neg3A_314, %masked_cumsum3A_292 : vector<16xf32>
          %swap3A_316 = arith.index_cast %add3A_305 : i32 to index
          %swap3A_317 = tpu.vector_load %arg26[%swap3A_316] masked %and3A_295 {strides = array<i32>} : memref<4224xf32, #tpu.memory_space<vmem>>, vector<16xf32>, vector<16xi1>
          tpu.vector_store %arg26[%swap3A_316], %neg3A_315 masked %and3A_295 {strides = array<i32>} : memref<4224xf32, #tpu.memory_space<vmem>>, vector<16xf32>, vector<16xi1>
          %all_reduce_population_count3A_318 = tpu.all_reduce %and3A_295 {dim = 0 : i64, kind = #tpu.reduction_kind<sum>} : vector<16xi1> -> vector<16xi32>
          %slice3A_319 = vector.extract_strided_slice %all_reduce_population_count3A_318 {offsets = [0], sizes = [1], strides = [1]} : vector<16xi32> to vector<1xi32>
          %squeeze3A_320 = vector.extract %slice3A_319[0] : i32 from vector<1xi32>
          %add3A_321 = arith.addi %add3A_305, %squeeze3A_320 : i32
          %scan3A_322 = arith.constant 2 : i32
          %scan3A_323 = arith.addi %scan3A_217, %scan3A_322 : i32
          %mul3A_324 = arith.constant 1 : i32
          %mul3A_325 = arith.muli %scan3A_323, %mul3A_324 : i32
          %add3A_326 = arith.constant 0 : i32
          %add3A_327 = arith.addi %add3A_326, %mul3A_325 : i32
          %mul3A_328 = arith.constant 16 : i32
          %mul3A_329 = arith.muli %add3A_327, %mul3A_328 : i32
          %get3A_330 = arith.index_cast %mul3A_329 : i32 to index
          %get3A_331 = tpu.vector_load %arg11[%get3A_330] {strides = array<i32>} : memref<2064xi32, #tpu.memory_space<vmem>>, vector<16xi32>,
          %add3A_332 = arith.constant 1 : i32
          %add3A_333 = arith.addi %mul3A_329, %add3A_332 : i32
          %get3A_334 = arith.index_cast %add3A_333 : i32 to index
          %get3A_335 = tpu.vector_load %arg11[%get3A_334] {strides = array<i32>} : memref<2064xi32, #tpu.memory_space<vmem>>, vector<16xi32>,
          %get3A_336 = arith.index_cast %mul3A_329 : i32 to index
          %get3A_337 = tpu.vector_load %arg14[%get3A_336] {strides = array<i32>} : memref<2048xf32, #tpu.memory_space<vmem>>, vector<16xf32>,
          %get3A_338 = arith.index_cast %mul3A_329 : i32 to index
          %get3A_339 = tpu.vector_load %arg17[%get3A_338] {strides = array<i32>} : memref<2048xf32, #tpu.memory_space<vmem>>, vector<16xf32>,
          %mul3A_340 = arith.mulf %get3A_337, %get3A_339 : vector<16xf32>
          %min3A_341 = arith.minimumf %min3A_285, %get3A_339 : vector<16xf32>
          %max3A_342 = arith.maximumf %max3A_286, %get3A_339 : vector<16xf32>
          %broadcast_in_dim3A_343 = arith.constant true
          %broadcast_in_dim3A_344 = vector.broadcast %broadcast_in_dim3A_343 : i1 to vector<16xi1>
          %masked_cumsum3A_345 = tpu.scan <sum>, %get3A_337 masked %broadcast_in_dim3A_344 : vector<16xf32>, vector<16xi1> -> vector<16xf32>
          %broadcast_in_dim3A_346 = arith.constant true
          %broadcast_in_dim3A_347 = vector.broadcast %broadcast_in_dim3A_346 : i1 to vector<16xi1>
          %masked_cumsum3A_348 = tpu.scan <sum>, %mul3A_340 masked %broadcast_in_dim3A_347 : vector<16xf32>, vector<16xi1> -> vector<16xf32>
          %ne3A_349 = arith.cmpi ne, %get3A_331, %get3A_335 : vector<16xi32>
          %or3A_350 = arith.ori %ne3A_349, %eq3A_2 : vector<16xi1>
          %and3A_351 = arith.andi %ne3A_349, %not3A_3 : vector<16xi1>
          %swap3A_352 = arith.index_cast %add3A_321 : i32 to index
          %swap3A_353 = tpu.vector_load %arg20[%swap3A_352] masked %or3A_350 {strides = array<i32>} : memref<4224xi32, #tpu.memory_space<vmem>>, vector<16xi32>, vector<16xi1>
          tpu.vector_store %arg20[%swap3A_352], %get3A_331 masked %or3A_350 {strides = array<i32>} : memref<4224xi32, #tpu.memory_space<vmem>>, vector<16xi32>, vector<16xi1>
          %swap3A_354 = arith.index_cast %add3A_321 : i32 to index
          %swap3A_355 = tpu.vector_load %arg23[%swap3A_354] masked %or3A_350 {strides = array<i32>} : memref<4224xf32, #tpu.memory_space<vmem>>, vector<16xf32>, vector<16xi1>
          tpu.vector_store %arg23[%swap3A_354], %masked_cumsum3A_345 masked %or3A_350 {strides = array<i32>} : memref<4224xf32, #tpu.memory_space<vmem>>, vector<16xf32>, vector<16xi1>
          %swap3A_356 = arith.index_cast %add3A_321 : i32 to index
          %swap3A_357 = tpu.vector_load %arg26[%swap3A_356] masked %or3A_350 {strides = array<i32>} : memref<4224xf32, #tpu.memory_space<vmem>>, vector<16xf32>, vector<16xi1>
          tpu.vector_store %arg26[%swap3A_356], %masked_cumsum3A_348 masked %or3A_350 {strides = array<i32>} : memref<4224xf32, #tpu.memory_space<vmem>>, vector<16xf32>, vector<16xi1>
          %all_reduce_population_count3A_358 = tpu.all_reduce %or3A_350 {dim = 0 : i64, kind = #tpu.reduction_kind<sum>} : vector<16xi1> -> vector<16xi32>
          %slice3A_359 = vector.extract_strided_slice %all_reduce_population_count3A_358 {offsets = [0], sizes = [1], strides = [1]} : vector<16xi32> to vector<1xi32>
          %squeeze3A_360 = vector.extract %slice3A_359[0] : i32 from vector<1xi32>
          %add3A_361 = arith.addi %add3A_321, %squeeze3A_360 : i32
          %swap3A_362 = arith.index_cast %add3A_361 : i32 to index
          %swap3A_363 = tpu.vector_load %arg20[%swap3A_362] masked %and3A_351 {strides = array<i32>} : memref<4224xi32, #tpu.memory_space<vmem>>, vector<16xi32>, vector<16xi1>
          tpu.vector_store %arg20[%swap3A_362], %get3A_335 masked %and3A_351 {strides = array<i32>} : memref<4224xi32, #tpu.memory_space<vmem>>, vector<16xi32>, vector<16xi1>
          %neg3A_364 = arith.constant 0.000000e+00 : f32
          %neg3A_365 = vector.broadcast %neg3A_364 : f32 to vector<16xf32>
          %neg3A_366 = arith.subf %neg3A_365, %masked_cumsum3A_345 : vector<16xf32>
          %swap3A_367 = arith.index_cast %add3A_361 : i32 to index
          %swap3A_368 = tpu.vector_load %arg23[%swap3A_367] masked %and3A_351 {strides = array<i32>} : memref<4224xf32, #tpu.memory_space<vmem>>, vector<16xf32>, vector<16xi1>
          tpu.vector_store %arg23[%swap3A_367], %neg3A_366 masked %and3A_351 {strides = array<i32>} : memref<4224xf32, #tpu.memory_space<vmem>>, vector<16xf32>, vector<16xi1>
          %neg3A_369 = arith.constant 0.000000e+00 : f32
          %neg3A_370 = vector.broadcast %neg3A_369 : f32 to vector<16xf32>
          %neg3A_371 = arith.subf %neg3A_370, %masked_cumsum3A_348 : vector<16xf32>
          %swap3A_372 = arith.index_cast %add3A_361 : i32 to index
          %swap3A_373 = tpu.vector_load %arg26[%swap3A_372] masked %and3A_351 {strides = array<i32>} : memref<4224xf32, #tpu.memory_space<vmem>>, vector<16xf32>, vector<16xi1>
          tpu.vector_store %arg26[%swap3A_372], %neg3A_371 masked %and3A_351 {strides = array<i32>} : memref<4224xf32, #tpu.memory_space<vmem>>, vector<16xf32>, vector<16xi1>
          %all_reduce_population_count3A_374 = tpu.all_reduce %and3A_351 {dim = 0 : i64, kind = #tpu.reduction_kind<sum>} : vector<16xi1> -> vector<16xi32>
          %slice3A_375 = vector.extract_strided_slice %all_reduce_population_count3A_374 {offsets = [0], sizes = [1], strides = [1]} : vector<16xi32> to vector<1xi32>
          %squeeze3A_376 = vector.extract %slice3A_375[0] : i32 from vector<1xi32>
          %add3A_377 = arith.addi %add3A_361, %squeeze3A_376 : i32
          %scan3A_378 = arith.constant 3 : i32
          %scan3A_379 = arith.addi %scan3A_217, %scan3A_378 : i32
          %mul3A_380 = arith.constant 1 : i32
          %mul3A_381 = arith.muli %scan3A_379, %mul3A_380 : i32
          %add3A_382 = arith.constant 0 : i32
          %add3A_383 = arith.addi %add3A_382, %mul3A_381 : i32
          %mul3A_384 = arith.constant 16 : i32
          %mul3A_385 = arith.muli %add3A_383, %mul3A_384 : i32
          %get3A_386 = arith.index_cast %mul3A_385 : i32 to index
          %get3A_387 = tpu.vector_load %arg11[%get3A_386] {strides = array<i32>} : memref<2064xi32, #tpu.memory_space<vmem>>, vector<16xi32>,
          %add3A_388 = arith.constant 1 : i32
          %add3A_389 = arith.addi %mul3A_385, %add3A_388 : i32
          %get3A_390 = arith.index_cast %add3A_389 : i32 to index
          %get3A_391 = tpu.vector_load %arg11[%get3A_390] {strides = array<i32>} : memref<2064xi32, #tpu.memory_space<vmem>>, vector<16xi32>,
          %get3A_392 = arith.index_cast %mul3A_385 : i32 to index
          %get3A_393 = tpu.vector_load %arg14[%get3A_392] {strides = array<i32>} : memref<2048xf32, #tpu.memory_space<vmem>>, vector<16xf32>,
          %get3A_394 = arith.index_cast %mul3A_385 : i32 to index
          %get3A_395 = tpu.vector_load %arg17[%get3A_394] {strides = array<i32>} : memref<2048xf32, #tpu.memory_space<vmem>>, vector<16xf32>,
          %mul3A_396 = arith.mulf %get3A_393, %get3A_395 : vector<16xf32>
          %min3A_397 = arith.minimumf %min3A_341, %get3A_395 : vector<16xf32>
          %max3A_398 = arith.maximumf %max3A_342, %get3A_395 : vector<16xf32>
          %broadcast_in_dim3A_399 = arith.constant true
          %broadcast_in_dim3A_400 = vector.broadcast %broadcast_in_dim3A_399 : i1 to vector<16xi1>
          %masked_cumsum3A_401 = tpu.scan <sum>, %get3A_393 masked %broadcast_in_dim3A_400 : vector<16xf32>, vector<16xi1> -> vector<16xf32>
          %broadcast_in_dim3A_402 = arith.constant true
          %broadcast_in_dim3A_403 = vector.broadcast %broadcast_in_dim3A_402 : i1 to vector<16xi1>
          %masked_cumsum3A_404 = tpu.scan <sum>, %mul3A_396 masked %broadcast_in_dim3A_403 : vector<16xf32>, vector<16xi1> -> vector<16xf32>
          %ne3A_405 = arith.cmpi ne, %get3A_387, %get3A_391 : vector<16xi32>
          %or3A_406 = arith.ori %ne3A_405, %eq3A_2 : vector<16xi1>
          %and3A_407 = arith.andi %ne3A_405, %not3A_3 : vector<16xi1>
          %swap3A_408 = arith.index_cast %add3A_377 : i32 to index
          %swap3A_409 = tpu.vector_load %arg20[%swap3A_408] masked %or3A_406 {strides = array<i32>} : memref<4224xi32, #tpu.memory_space<vmem>>, vector<16xi32>, vector<16xi1>
          tpu.vector_store %arg20[%swap3A_408], %get3A_387 masked %or3A_406 {strides = array<i32>} : memref<4224xi32, #tpu.memory_space<vmem>>, vector<16xi32>, vector<16xi1>
          %swap3A_410 = arith.index_cast %add3A_377 : i32 to index
          %swap3A_411 = tpu.vector_load %arg23[%swap3A_410] masked %or3A_406 {strides = array<i32>} : memref<4224xf32, #tpu.memory_space<vmem>>, vector<16xf32>, vector<16xi1>
          tpu.vector_store %arg23[%swap3A_410], %masked_cumsum3A_401 masked %or3A_406 {strides = array<i32>} : memref<4224xf32, #tpu.memory_space<vmem>>, vector<16xf32>, vector<16xi1>
          %swap3A_412 = arith.index_cast %add3A_377 : i32 to index
          %swap3A_413 = tpu.vector_load %arg26[%swap3A_412] masked %or3A_406 {strides = array<i32>} : memref<4224xf32, #tpu.memory_space<vmem>>, vector<16xf32>, vector<16xi1>
          tpu.vector_store %arg26[%swap3A_412], %masked_cumsum3A_404 masked %or3A_406 {strides = array<i32>} : memref<4224xf32, #tpu.memory_space<vmem>>, vector<16xf32>, vector<16xi1>
          %all_reduce_population_count3A_414 = tpu.all_reduce %or3A_406 {dim = 0 : i64, kind = #tpu.reduction_kind<sum>} : vector<16xi1> -> vector<16xi32>
          %slice3A_415 = vector.extract_strided_slice %all_reduce_population_count3A_414 {offsets = [0], sizes = [1], strides = [1]} : vector<16xi32> to vector<1xi32>
          %squeeze3A_416 = vector.extract %slice3A_415[0] : i32 from vector<1xi32>
          %add3A_417 = arith.addi %add3A_377, %squeeze3A_416 : i32
          %swap3A_418 = arith.index_cast %add3A_417 : i32 to index
          %swap3A_419 = tpu.vector_load %arg20[%swap3A_418] masked %and3A_407 {strides = array<i32>} : memref<4224xi32, #tpu.memory_space<vmem>>, vector<16xi32>, vector<16xi1>
          tpu.vector_store %arg20[%swap3A_418], %get3A_391 masked %and3A_407 {strides = array<i32>} : memref<4224xi32, #tpu.memory_space<vmem>>, vector<16xi32>, vector<16xi1>
          %neg3A_420 = arith.constant 0.000000e+00 : f32
          %neg3A_421 = vector.broadcast %neg3A_420 : f32 to vector<16xf32>
          %neg3A_422 = arith.subf %neg3A_421, %masked_cumsum3A_401 : vector<16xf32>
          %swap3A_423 = arith.index_cast %add3A_417 : i32 to index
          %swap3A_424 = tpu.vector_load %arg23[%swap3A_423] masked %and3A_407 {strides = array<i32>} : memref<4224xf32, #tpu.memory_space<vmem>>, vector<16xf32>, vector<16xi1>
          tpu.vector_store %arg23[%swap3A_423], %neg3A_422 masked %and3A_407 {strides = array<i32>} : memref<4224xf32, #tpu.memory_space<vmem>>, vector<16xf32>, vector<16xi1>
          %neg3A_425 = arith.constant 0.000000e+00 : f32
          %neg3A_426 = vector.broadcast %neg3A_425 : f32 to vector<16xf32>
          %neg3A_427 = arith.subf %neg3A_426, %masked_cumsum3A_404 : vector<16xf32>
          %swap3A_428 = arith.index_cast %add3A_417 : i32 to index
          %swap3A_429 = tpu.vector_load %arg26[%swap3A_428] masked %and3A_407 {strides = array<i32>} : memref<4224xf32, #tpu.memory_space<vmem>>, vector<16xf32>, vector<16xi1>
          tpu.vector_store %arg26[%swap3A_428], %neg3A_427 masked %and3A_407 {strides = array<i32>} : memref<4224xf32, #tpu.memory_space<vmem>>, vector<16xf32>, vector<16xi1>
          %all_reduce_population_count3A_430 = tpu.all_reduce %and3A_407 {dim = 0 : i64, kind = #tpu.reduction_kind<sum>} : vector<16xi1> -> vector<16xi32>
          %slice3A_431 = vector.extract_strided_slice %all_reduce_population_count3A_430 {offsets = [0], sizes = [1], strides = [1]} : vector<16xi32> to vector<1xi32>
          %squeeze3A_432 = vector.extract %slice3A_431[0] : i32 from vector<1xi32>
          %add3A_433 = arith.addi %add3A_417, %squeeze3A_432 : i32
          %scan3A_434 = arith.constant 4 : i32
          %scan3A_435 = arith.addi %scan3A_217, %scan3A_434 : i32
          %mul3A_436 = arith.constant 1 : i32
          %mul3A_437 = arith.muli %scan3A_435, %mul3A_436 : i32
          %add3A_438 = arith.constant 0 : i32
          %add3A_439 = arith.addi %add3A_438, %mul3A_437 : i32
          %mul3A_440 = arith.constant 16 : i32
          %mul3A_441 = arith.muli %add3A_439, %mul3A_440 : i32
          %get3A_442 = arith.index_cast %mul3A_441 : i32 to index
          %get3A_443 = tpu.vector_load %arg11[%get3A_442] {strides = array<i32>} : memref<2064xi32, #tpu.memory_space<vmem>>, vector<16xi32>,
          %add3A_444 = arith.constant 1 : i32
          %add3A_445 = arith.addi %mul3A_441, %add3A_444 : i32
          %get3A_446 = arith.index_cast %add3A_445 : i32 to index
          %get3A_447 = tpu.vector_load %arg11[%get3A_446] {strides = array<i32>} : memref<2064xi32, #tpu.memory_space<vmem>>, vector<16xi32>,
          %get3A_448 = arith.index_cast %mul3A_441 : i32 to index
          %get3A_449 = tpu.vector_load %arg14[%get3A_448] {strides = array<i32>} : memref<2048xf32, #tpu.memory_space<vmem>>, vector<16xf32>,
          %get3A_450 = arith.index_cast %mul3A_441 : i32 to index
          %get3A_451 = tpu.vector_load %arg17[%get3A_450] {strides = array<i32>} : memref<2048xf32, #tpu.memory_space<vmem>>, vector<16xf32>,
          %mul3A_452 = arith.mulf %get3A_449, %get3A_451 : vector<16xf32>
          %min3A_453 = arith.minimumf %min3A_397, %get3A_451 : vector<16xf32>
          %max3A_454 = arith.maximumf %max3A_398, %get3A_451 : vector<16xf32>
          %broadcast_in_dim3A_455 = arith.constant true
          %broadcast_in_dim3A_456 = vector.broadcast %broadcast_in_dim3A_455 : i1 to vector<16xi1>
          %masked_cumsum3A_457 = tpu.scan <sum>, %get3A_449 masked %broadcast_in_dim3A_456 : vector<16xf32>, vector<16xi1> -> vector<16xf32>
          %broadcast_in_dim3A_458 = arith.constant true
          %broadcast_in_dim3A_459 = vector.broadcast %broadcast_in_dim3A_458 : i1 to vector<16xi1>
          %masked_cumsum3A_460 = tpu.scan <sum>, %mul3A_452 masked %broadcast_in_dim3A_459 : vector<16xf32>, vector<16xi1> -> vector<16xf32>
          %ne3A_461 = arith.cmpi ne, %get3A_443, %get3A_447 : vector<16xi32>
          %or3A_462 = arith.ori %ne3A_461, %eq3A_2 : vector<16xi1>
          %and3A_463 = arith.andi %ne3A_461, %not3A_3 : vector<16xi1>
          %swap3A_464 = arith.index_cast %add3A_433 : i32 to index
          %swap3A_465 = tpu.vector_load %arg20[%swap3A_464] masked %or3A_462 {strides = array<i32>} : memref<4224xi32, #tpu.memory_space<vmem>>, vector<16xi32>, vector<16xi1>
          tpu.vector_store %arg20[%swap3A_464], %get3A_443 masked %or3A_462 {strides = array<i32>} : memref<4224xi32, #tpu.memory_space<vmem>>, vector<16xi32>, vector<16xi1>
          %swap3A_466 = arith.index_cast %add3A_433 : i32 to index
          %swap3A_467 = tpu.vector_load %arg23[%swap3A_466] masked %or3A_462 {strides = array<i32>} : memref<4224xf32, #tpu.memory_space<vmem>>, vector<16xf32>, vector<16xi1>
          tpu.vector_store %arg23[%swap3A_466], %masked_cumsum3A_457 masked %or3A_462 {strides = array<i32>} : memref<4224xf32, #tpu.memory_space<vmem>>, vector<16xf32>, vector<16xi1>
          %swap3A_468 = arith.index_cast %add3A_433 : i32 to index
          %swap3A_469 = tpu.vector_load %arg26[%swap3A_468] masked %or3A_462 {strides = array<i32>} : memref<4224xf32, #tpu.memory_space<vmem>>, vector<16xf32>, vector<16xi1>
          tpu.vector_store %arg26[%swap3A_468], %masked_cumsum3A_460 masked %or3A_462 {strides = array<i32>} : memref<4224xf32, #tpu.memory_space<vmem>>, vector<16xf32>, vector<16xi1>
          %all_reduce_population_count3A_470 = tpu.all_reduce %or3A_462 {dim = 0 : i64, kind = #tpu.reduction_kind<sum>} : vector<16xi1> -> vector<16xi32>
          %slice3A_471 = vector.extract_strided_slice %all_reduce_population_count3A_470 {offsets = [0], sizes = [1], strides = [1]} : vector<16xi32> to vector<1xi32>
          %squeeze3A_472 = vector.extract %slice3A_471[0] : i32 from vector<1xi32>
          %add3A_473 = arith.addi %add3A_433, %squeeze3A_472 : i32
          %swap3A_474 = arith.index_cast %add3A_473 : i32 to index
          %swap3A_475 = tpu.vector_load %arg20[%swap3A_474] masked %and3A_463 {strides = array<i32>} : memref<4224xi32, #tpu.memory_space<vmem>>, vector<16xi32>, vector<16xi1>
          tpu.vector_store %arg20[%swap3A_474], %get3A_447 masked %and3A_463 {strides = array<i32>} : memref<4224xi32, #tpu.memory_space<vmem>>, vector<16xi32>, vector<16xi1>
          %neg3A_476 = arith.constant 0.000000e+00 : f32
          %neg3A_477 = vector.broadcast %neg3A_476 : f32 to vector<16xf32>
          %neg3A_478 = arith.subf %neg3A_477, %masked_cumsum3A_457 : vector<16xf32>
          %swap3A_479 = arith.index_cast %add3A_473 : i32 to index
          %swap3A_480 = tpu.vector_load %arg23[%swap3A_479] masked %and3A_463 {strides = array<i32>} : memref<4224xf32, #tpu.memory_space<vmem>>, vector<16xf32>, vector<16xi1>
          tpu.vector_store %arg23[%swap3A_479], %neg3A_478 masked %and3A_463 {strides = array<i32>} : memref<4224xf32, #tpu.memory_space<vmem>>, vector<16xf32>, vector<16xi1>
          %neg3A_481 = arith.constant 0.000000e+00 : f32
          %neg3A_482 = vector.broadcast %neg3A_481 : f32 to vector<16xf32>
          %neg3A_483 = arith.subf %neg3A_482, %masked_cumsum3A_460 : vector<16xf32>
          %swap3A_484 = arith.index_cast %add3A_473 : i32 to index
          %swap3A_485 = tpu.vector_load %arg26[%swap3A_484] masked %and3A_463 {strides = array<i32>} : memref<4224xf32, #tpu.memory_space<vmem>>, vector<16xf32>, vector<16xi1>
          tpu.vector_store %arg26[%swap3A_484], %neg3A_483 masked %and3A_463 {strides = array<i32>} : memref<4224xf32, #tpu.memory_space<vmem>>, vector<16xf32>, vector<16xi1>
          %all_reduce_population_count3A_486 = tpu.all_reduce %and3A_463 {dim = 0 : i64, kind = #tpu.reduction_kind<sum>} : vector<16xi1> -> vector<16xi32>
          %slice3A_487 = vector.extract_strided_slice %all_reduce_population_count3A_486 {offsets = [0], sizes = [1], strides = [1]} : vector<16xi32> to vector<1xi32>
          %squeeze3A_488 = vector.extract %slice3A_487[0] : i32 from vector<1xi32>
          %add3A_489 = arith.addi %add3A_473, %squeeze3A_488 : i32
          %scan3A_490 = arith.constant 5 : i32
          %scan3A_491 = arith.addi %scan3A_217, %scan3A_490 : i32
          %mul3A_492 = arith.constant 1 : i32
          %mul3A_493 = arith.muli %scan3A_491, %mul3A_492 : i32
          %add3A_494 = arith.constant 0 : i32
          %add3A_495 = arith.addi %add3A_494, %mul3A_493 : i32
          %mul3A_496 = arith.constant 16 : i32
          %mul3A_497 = arith.muli %add3A_495, %mul3A_496 : i32
          %get3A_498 = arith.index_cast %mul3A_497 : i32 to index
          %get3A_499 = tpu.vector_load %arg11[%get3A_498] {strides = array<i32>} : memref<2064xi32, #tpu.memory_space<vmem>>, vector<16xi32>,
          %add3A_500 = arith.constant 1 : i32
          %add3A_501 = arith.addi %mul3A_497, %add3A_500 : i32
          %get3A_502 = arith.index_cast %add3A_501 : i32 to index
          %get3A_503 = tpu.vector_load %arg11[%get3A_502] {strides = array<i32>} : memref<2064xi32, #tpu.memory_space<vmem>>, vector<16xi32>,
          %get3A_504 = arith.index_cast %mul3A_497 : i32 to index
          %get3A_505 = tpu.vector_load %arg14[%get3A_504] {strides = array<i32>} : memref<2048xf32, #tpu.memory_space<vmem>>, vector<16xf32>,
          %get3A_506 = arith.index_cast %mul3A_497 : i32 to index
          %get3A_507 = tpu.vector_load %arg17[%get3A_506] {strides = array<i32>} : memref<2048xf32, #tpu.memory_space<vmem>>, vector<16xf32>,
          %mul3A_508 = arith.mulf %get3A_505, %get3A_507 : vector<16xf32>
          %min3A_509 = arith.minimumf %min3A_453, %get3A_507 : vector<16xf32>
          %max3A_510 = arith.maximumf %max3A_454, %get3A_507 : vector<16xf32>
          %broadcast_in_dim3A_511 = arith.constant true
          %broadcast_in_dim3A_512 = vector.broadcast %broadcast_in_dim3A_511 : i1 to vector<16xi1>
          %masked_cumsum3A_513 = tpu.scan <sum>, %get3A_505 masked %broadcast_in_dim3A_512 : vector<16xf32>, vector<16xi1> -> vector<16xf32>
          %broadcast_in_dim3A_514 = arith.constant true
          %broadcast_in_dim3A_515 = vector.broadcast %broadcast_in_dim3A_514 : i1 to vector<16xi1>
          %masked_cumsum3A_516 = tpu.scan <sum>, %mul3A_508 masked %broadcast_in_dim3A_515 : vector<16xf32>, vector<16xi1> -> vector<16xf32>
          %ne3A_517 = arith.cmpi ne, %get3A_499, %get3A_503 : vector<16xi32>
          %or3A_518 = arith.ori %ne3A_517, %eq3A_2 : vector<16xi1>
          %and3A_519 = arith.andi %ne3A_517, %not3A_3 : vector<16xi1>
          %swap3A_520 = arith.index_cast %add3A_489 : i32 to index
          %swap3A_521 = tpu.vector_load %arg20[%swap3A_520] masked %or3A_518 {strides = array<i32>} : memref<4224xi32, #tpu.memory_space<vmem>>, vector<16xi32>, vector<16xi1>
          tpu.vector_store %arg20[%swap3A_520], %get3A_499 masked %or3A_518 {strides = array<i32>} : memref<4224xi32, #tpu.memory_space<vmem>>, vector<16xi32>, vector<16xi1>
          %swap3A_522 = arith.index_cast %add3A_489 : i32 to index
          %swap3A_523 = tpu.vector_load %arg23[%swap3A_522] masked %or3A_518 {strides = array<i32>} : memref<4224xf32, #tpu.memory_space<vmem>>, vector<16xf32>, vector<16xi1>
          tpu.vector_store %arg23[%swap3A_522], %masked_cumsum3A_513 masked %or3A_518 {strides = array<i32>} : memref<4224xf32, #tpu.memory_space<vmem>>, vector<16xf32>, vector<16xi1>
          %swap3A_524 = arith.index_cast %add3A_489 : i32 to index
          %swap3A_525 = tpu.vector_load %arg26[%swap3A_524] masked %or3A_518 {strides = array<i32>} : memref<4224xf32, #tpu.memory_space<vmem>>, vector<16xf32>, vector<16xi1>
          tpu.vector_store %arg26[%swap3A_524], %masked_cumsum3A_516 masked %or3A_518 {strides = array<i32>} : memref<4224xf32, #tpu.memory_space<vmem>>, vector<16xf32>, vector<16xi1>
          %all_reduce_population_count3A_526 = tpu.all_reduce %or3A_518 {dim = 0 : i64, kind = #tpu.reduction_kind<sum>} : vector<16xi1> -> vector<16xi32>
          %slice3A_527 = vector.extract_strided_slice %all_reduce_population_count3A_526 {offsets = [0], sizes = [1], strides = [1]} : vector<16xi32> to vector<1xi32>
          %squeeze3A_528 = vector.extract %slice3A_527[0] : i32 from vector<1xi32>
          %add3A_529 = arith.addi %add3A_489, %squeeze3A_528 : i32
          %swap3A_530 = arith.index_cast %add3A_529 : i32 to index
          %swap3A_531 = tpu.vector_load %arg20[%swap3A_530] masked %and3A_519 {strides = array<i32>} : memref<4224xi32, #tpu.memory_space<vmem>>, vector<16xi32>, vector<16xi1>
          tpu.vector_store %arg20[%swap3A_530], %get3A_503 masked %and3A_519 {strides = array<i32>} : memref<4224xi32, #tpu.memory_space<vmem>>, vector<16xi32>, vector<16xi1>
          %neg3A_532 = arith.constant 0.000000e+00 : f32
          %neg3A_533 = vector.broadcast %neg3A_532 : f32 to vector<16xf32>
          %neg3A_534 = arith.subf %neg3A_533, %masked_cumsum3A_513 : vector<16xf32>
          %swap3A_535 = arith.index_cast %add3A_529 : i32 to index
          %swap3A_536 = tpu.vector_load %arg23[%swap3A_535] masked %and3A_519 {strides = array<i32>} : memref<4224xf32, #tpu.memory_space<vmem>>, vector<16xf32>, vector<16xi1>
          tpu.vector_store %arg23[%swap3A_535], %neg3A_534 masked %and3A_519 {strides = array<i32>} : memref<4224xf32, #tpu.memory_space<vmem>>, vector<16xf32>, vector<16xi1>
          %neg3A_537 = arith.constant 0.000000e+00 : f32
          %neg3A_538 = vector.broadcast %neg3A_537 : f32 to vector<16xf32>
          %neg3A_539 = arith.subf %neg3A_538, %masked_cumsum3A_516 : vector<16xf32>
          %swap3A_540 = arith.index_cast %add3A_529 : i32 to index
          %swap3A_541 = tpu.vector_load %arg26[%swap3A_540] masked %and3A_519 {strides = array<i32>} : memref<4224xf32, #tpu.memory_space<vmem>>, vector<16xf32>, vector<16xi1>
          tpu.vector_store %arg26[%swap3A_540], %neg3A_539 masked %and3A_519 {strides = array<i32>} : memref<4224xf32, #tpu.memory_space<vmem>>, vector<16xf32>, vector<16xi1>
          %all_reduce_population_count3A_542 = tpu.all_reduce %and3A_519 {dim = 0 : i64, kind = #tpu.reduction_kind<sum>} : vector<16xi1> -> vector<16xi32>
          %slice3A_543 = vector.extract_strided_slice %all_reduce_population_count3A_542 {offsets = [0], sizes = [1], strides = [1]} : vector<16xi32> to vector<1xi32>
          %squeeze3A_544 = vector.extract %slice3A_543[0] : i32 from vector<1xi32>
          %add3A_545 = arith.addi %add3A_529, %squeeze3A_544 : i32
          %scan3A_546 = arith.constant 6 : i32
          %scan3A_547 = arith.addi %scan3A_217, %scan3A_546 : i32
          %mul3A_548 = arith.constant 1 : i32
          %mul3A_549 = arith.muli %scan3A_547, %mul3A_548 : i32
          %add3A_550 = arith.constant 0 : i32
          %add3A_551 = arith.addi %add3A_550, %mul3A_549 : i32
          %mul3A_552 = arith.constant 16 : i32
          %mul3A_553 = arith.muli %add3A_551, %mul3A_552 : i32
          %get3A_554 = arith.index_cast %mul3A_553 : i32 to index
          %get3A_555 = tpu.vector_load %arg11[%get3A_554] {strides = array<i32>} : memref<2064xi32, #tpu.memory_space<vmem>>, vector<16xi32>,
          %add3A_556 = arith.constant 1 : i32
          %add3A_557 = arith.addi %mul3A_553, %add3A_556 : i32
          %get3A_558 = arith.index_cast %add3A_557 : i32 to index
          %get3A_559 = tpu.vector_load %arg11[%get3A_558] {strides = array<i32>} : memref<2064xi32, #tpu.memory_space<vmem>>, vector<16xi32>,
          %get3A_560 = arith.index_cast %mul3A_553 : i32 to index
          %get3A_561 = tpu.vector_load %arg14[%get3A_560] {strides = array<i32>} : memref<2048xf32, #tpu.memory_space<vmem>>, vector<16xf32>,
          %get3A_562 = arith.index_cast %mul3A_553 : i32 to index
          %get3A_563 = tpu.vector_load %arg17[%get3A_562] {strides = array<i32>} : memref<2048xf32, #tpu.memory_space<vmem>>, vector<16xf32>,
          %mul3A_564 = arith.mulf %get3A_561, %get3A_563 : vector<16xf32>
          %min3A_565 = arith.minimumf %min3A_509, %get3A_563 : vector<16xf32>
          %max3A_566 = arith.maximumf %max3A_510, %get3A_563 : vector<16xf32>
          %broadcast_in_dim3A_567 = arith.constant true
          %broadcast_in_dim3A_568 = vector.broadcast %broadcast_in_dim3A_567 : i1 to vector<16xi1>
          %masked_cumsum3A_569 = tpu.scan <sum>, %get3A_561 masked %broadcast_in_dim3A_568 : vector<16xf32>, vector<16xi1> -> vector<16xf32>
          %broadcast_in_dim3A_570 = arith.constant true
          %broadcast_in_dim3A_571 = vector.broadcast %broadcast_in_dim3A_570 : i1 to vector<16xi1>
          %masked_cumsum3A_572 = tpu.scan <sum>, %mul3A_564 masked %broadcast_in_dim3A_571 : vector<16xf32>, vector<16xi1> -> vector<16xf32>
          %ne3A_573 = arith.cmpi ne, %get3A_555, %get3A_559 : vector<16xi32>
          %or3A_574 = arith.ori %ne3A_573, %eq3A_2 : vector<16xi1>
          %and3A_575 = arith.andi %ne3A_573, %not3A_3 : vector<16xi1>
          %swap3A_576 = arith.index_cast %add3A_545 : i32 to index
          %swap3A_577 = tpu.vector_load %arg20[%swap3A_576] masked %or3A_574 {strides = array<i32>} : memref<4224xi32, #tpu.memory_space<vmem>>, vector<16xi32>, vector<16xi1>
          tpu.vector_store %arg20[%swap3A_576], %get3A_555 masked %or3A_574 {strides = array<i32>} : memref<4224xi32, #tpu.memory_space<vmem>>, vector<16xi32>, vector<16xi1>
          %swap3A_578 = arith.index_cast %add3A_545 : i32 to index
          %swap3A_579 = tpu.vector_load %arg23[%swap3A_578] masked %or3A_574 {strides = array<i32>} : memref<4224xf32, #tpu.memory_space<vmem>>, vector<16xf32>, vector<16xi1>
          tpu.vector_store %arg23[%swap3A_578], %masked_cumsum3A_569 masked %or3A_574 {strides = array<i32>} : memref<4224xf32, #tpu.memory_space<vmem>>, vector<16xf32>, vector<16xi1>
          %swap3A_580 = arith.index_cast %add3A_545 : i32 to index
          %swap3A_581 = tpu.vector_load %arg26[%swap3A_580] masked %or3A_574 {strides = array<i32>} : memref<4224xf32, #tpu.memory_space<vmem>>, vector<16xf32>, vector<16xi1>
          tpu.vector_store %arg26[%swap3A_580], %masked_cumsum3A_572 masked %or3A_574 {strides = array<i32>} : memref<4224xf32, #tpu.memory_space<vmem>>, vector<16xf32>, vector<16xi1>
          %all_reduce_population_count3A_582 = tpu.all_reduce %or3A_574 {dim = 0 : i64, kind = #tpu.reduction_kind<sum>} : vector<16xi1> -> vector<16xi32>
          %slice3A_583 = vector.extract_strided_slice %all_reduce_population_count3A_582 {offsets = [0], sizes = [1], strides = [1]} : vector<16xi32> to vector<1xi32>
          %squeeze3A_584 = vector.extract %slice3A_583[0] : i32 from vector<1xi32>
          %add3A_585 = arith.addi %add3A_545, %squeeze3A_584 : i32
          %swap3A_586 = arith.index_cast %add3A_585 : i32 to index
          %swap3A_587 = tpu.vector_load %arg20[%swap3A_586] masked %and3A_575 {strides = array<i32>} : memref<4224xi32, #tpu.memory_space<vmem>>, vector<16xi32>, vector<16xi1>
          tpu.vector_store %arg20[%swap3A_586], %get3A_559 masked %and3A_575 {strides = array<i32>} : memref<4224xi32, #tpu.memory_space<vmem>>, vector<16xi32>, vector<16xi1>
          %neg3A_588 = arith.constant 0.000000e+00 : f32
          %neg3A_589 = vector.broadcast %neg3A_588 : f32 to vector<16xf32>
          %neg3A_590 = arith.subf %neg3A_589, %masked_cumsum3A_569 : vector<16xf32>
          %swap3A_591 = arith.index_cast %add3A_585 : i32 to index
          %swap3A_592 = tpu.vector_load %arg23[%swap3A_591] masked %and3A_575 {strides = array<i32>} : memref<4224xf32, #tpu.memory_space<vmem>>, vector<16xf32>, vector<16xi1>
          tpu.vector_store %arg23[%swap3A_591], %neg3A_590 masked %and3A_575 {strides = array<i32>} : memref<4224xf32, #tpu.memory_space<vmem>>, vector<16xf32>, vector<16xi1>
          %neg3A_593 = arith.constant 0.000000e+00 : f32
          %neg3A_594 = vector.broadcast %neg3A_593 : f32 to vector<16xf32>
          %neg3A_595 = arith.subf %neg3A_594, %masked_cumsum3A_572 : vector<16xf32>
          %swap3A_596 = arith.index_cast %add3A_585 : i32 to index
          %swap3A_597 = tpu.vector_load %arg26[%swap3A_596] masked %and3A_575 {strides = array<i32>} : memref<4224xf32, #tpu.memory_space<vmem>>, vector<16xf32>, vector<16xi1>
          tpu.vector_store %arg26[%swap3A_596], %neg3A_595 masked %and3A_575 {strides = array<i32>} : memref<4224xf32, #tpu.memory_space<vmem>>, vector<16xf32>, vector<16xi1>
          %all_reduce_population_count3A_598 = tpu.all_reduce %and3A_575 {dim = 0 : i64, kind = #tpu.reduction_kind<sum>} : vector<16xi1> -> vector<16xi32>
          %slice3A_599 = vector.extract_strided_slice %all_reduce_population_count3A_598 {offsets = [0], sizes = [1], strides = [1]} : vector<16xi32> to vector<1xi32>
          %squeeze3A_600 = vector.extract %slice3A_599[0] : i32 from vector<1xi32>
          %add3A_601 = arith.addi %add3A_585, %squeeze3A_600 : i32
          %scan3A_602 = arith.constant 7 : i32
          %scan3A_603 = arith.addi %scan3A_217, %scan3A_602 : i32
          %mul3A_604 = arith.constant 1 : i32
          %mul3A_605 = arith.muli %scan3A_603, %mul3A_604 : i32
          %add3A_606 = arith.constant 0 : i32
          %add3A_607 = arith.addi %add3A_606, %mul3A_605 : i32
          %mul3A_608 = arith.constant 16 : i32
          %mul3A_609 = arith.muli %add3A_607, %mul3A_608 : i32
          %get3A_610 = arith.index_cast %mul3A_609 : i32 to index
          %get3A_611 = tpu.vector_load %arg11[%get3A_610] {strides = array<i32>} : memref<2064xi32, #tpu.memory_space<vmem>>, vector<16xi32>,
          %add3A_612 = arith.constant 1 : i32
          %add3A_613 = arith.addi %mul3A_609, %add3A_612 : i32
          %get3A_614 = arith.index_cast %add3A_613 : i32 to index
          %get3A_615 = tpu.vector_load %arg11[%get3A_614] {strides = array<i32>} : memref<2064xi32, #tpu.memory_space<vmem>>, vector<16xi32>,
          %get3A_616 = arith.index_cast %mul3A_609 : i32 to index
          %get3A_617 = tpu.vector_load %arg14[%get3A_616] {strides = array<i32>} : memref<2048xf32, #tpu.memory_space<vmem>>, vector<16xf32>,
          %get3A_618 = arith.index_cast %mul3A_609 : i32 to index
          %get3A_619 = tpu.vector_load %arg17[%get3A_618] {strides = array<i32>} : memref<2048xf32, #tpu.memory_space<vmem>>, vector<16xf32>,
          %mul3A_620 = arith.mulf %get3A_617, %get3A_619 : vector<16xf32>
          %min3A_621 = arith.minimumf %min3A_565, %get3A_619 : vector<16xf32>
          %max3A_622 = arith.maximumf %max3A_566, %get3A_619 : vector<16xf32>
          %broadcast_in_dim3A_623 = arith.constant true
          %broadcast_in_dim3A_624 = vector.broadcast %broadcast_in_dim3A_623 : i1 to vector<16xi1>
          %masked_cumsum3A_625 = tpu.scan <sum>, %get3A_617 masked %broadcast_in_dim3A_624 : vector<16xf32>, vector<16xi1> -> vector<16xf32>
          %broadcast_in_dim3A_626 = arith.constant true
          %broadcast_in_dim3A_627 = vector.broadcast %broadcast_in_dim3A_626 : i1 to vector<16xi1>
          %masked_cumsum3A_628 = tpu.scan <sum>, %mul3A_620 masked %broadcast_in_dim3A_627 : vector<16xf32>, vector<16xi1> -> vector<16xf32>
          %ne3A_629 = arith.cmpi ne, %get3A_611, %get3A_615 : vector<16xi32>
          %or3A_630 = arith.ori %ne3A_629, %eq3A_2 : vector<16xi1>
          %and3A_631 = arith.andi %ne3A_629, %not3A_3 : vector<16xi1>
          %swap3A_632 = arith.index_cast %add3A_601 : i32 to index
          %swap3A_633 = tpu.vector_load %arg20[%swap3A_632] masked %or3A_630 {strides = array<i32>} : memref<4224xi32, #tpu.memory_space<vmem>>, vector<16xi32>, vector<16xi1>
          tpu.vector_store %arg20[%swap3A_632], %get3A_611 masked %or3A_630 {strides = array<i32>} : memref<4224xi32, #tpu.memory_space<vmem>>, vector<16xi32>, vector<16xi1>
          %swap3A_634 = arith.index_cast %add3A_601 : i32 to index
          %swap3A_635 = tpu.vector_load %arg23[%swap3A_634] masked %or3A_630 {strides = array<i32>} : memref<4224xf32, #tpu.memory_space<vmem>>, vector<16xf32>, vector<16xi1>
          tpu.vector_store %arg23[%swap3A_634], %masked_cumsum3A_625 masked %or3A_630 {strides = array<i32>} : memref<4224xf32, #tpu.memory_space<vmem>>, vector<16xf32>, vector<16xi1>
          %swap3A_636 = arith.index_cast %add3A_601 : i32 to index
          %swap3A_637 = tpu.vector_load %arg26[%swap3A_636] masked %or3A_630 {strides = array<i32>} : memref<4224xf32, #tpu.memory_space<vmem>>, vector<16xf32>, vector<16xi1>
          tpu.vector_store %arg26[%swap3A_636], %masked_cumsum3A_628 masked %or3A_630 {strides = array<i32>} : memref<4224xf32, #tpu.memory_space<vmem>>, vector<16xf32>, vector<16xi1>
          %all_reduce_population_count3A_638 = tpu.all_reduce %or3A_630 {dim = 0 : i64, kind = #tpu.reduction_kind<sum>} : vector<16xi1> -> vector<16xi32>
          %slice3A_639 = vector.extract_strided_slice %all_reduce_population_count3A_638 {offsets = [0], sizes = [1], strides = [1]} : vector<16xi32> to vector<1xi32>
          %squeeze3A_640 = vector.extract %slice3A_639[0] : i32 from vector<1xi32>
          %add3A_641 = arith.addi %add3A_601, %squeeze3A_640 : i32
          %swap3A_642 = arith.index_cast %add3A_641 : i32 to index
          %swap3A_643 = tpu.vector_load %arg20[%swap3A_642] masked %and3A_631 {strides = array<i32>} : memref<4224xi32, #tpu.memory_space<vmem>>, vector<16xi32>, vector<16xi1>
          tpu.vector_store %arg20[%swap3A_642], %get3A_615 masked %and3A_631 {strides = array<i32>} : memref<4224xi32, #tpu.memory_space<vmem>>, vector<16xi32>, vector<16xi1>
          %neg3A_644 = arith.constant 0.000000e+00 : f32
          %neg3A_645 = vector.broadcast %neg3A_644 : f32 to vector<16xf32>
          %neg3A_646 = arith.subf %neg3A_645, %masked_cumsum3A_625 : vector<16xf32>
          %swap3A_647 = arith.index_cast %add3A_641 : i32 to index
          %swap3A_648 = tpu.vector_load %arg23[%swap3A_647] masked %and3A_631 {strides = array<i32>} : memref<4224xf32, #tpu.memory_space<vmem>>, vector<16xf32>, vector<16xi1>
          tpu.vector_store %arg23[%swap3A_647], %neg3A_646 masked %and3A_631 {strides = array<i32>} : memref<4224xf32, #tpu.memory_space<vmem>>, vector<16xf32>, vector<16xi1>
          %neg3A_649 = arith.constant 0.000000e+00 : f32
          %neg3A_650 = vector.broadcast %neg3A_649 : f32 to vector<16xf32>
          %neg3A_651 = arith.subf %neg3A_650, %masked_cumsum3A_628 : vector<16xf32>
          %swap3A_652 = arith.index_cast %add3A_641 : i32 to index
          %swap3A_653 = tpu.vector_load %arg26[%swap3A_652] masked %and3A_631 {strides = array<i32>} : memref<4224xf32, #tpu.memory_space<vmem>>, vector<16xf32>, vector<16xi1>
          tpu.vector_store %arg26[%swap3A_652], %neg3A_651 masked %and3A_631 {strides = array<i32>} : memref<4224xf32, #tpu.memory_space<vmem>>, vector<16xf32>, vector<16xi1>
          %all_reduce_population_count3A_654 = tpu.all_reduce %and3A_631 {dim = 0 : i64, kind = #tpu.reduction_kind<sum>} : vector<16xi1> -> vector<16xi32>
          %slice3A_655 = vector.extract_strided_slice %all_reduce_population_count3A_654 {offsets = [0], sizes = [1], strides = [1]} : vector<16xi32> to vector<1xi32>
          %squeeze3A_656 = vector.extract %slice3A_655[0] : i32 from vector<1xi32>
          %add3A_657 = arith.addi %add3A_641, %squeeze3A_656 : i32
          scf.yield %add3A_657, %min3A_621, %max3A_622 : i32, vector<16xf32>, vector<16xf32>
        }
        %scan3A_140 = arith.constant 128 : i32
        %swap3A_141 = arith.constant 0 : index
        %swap3A_142 = tpu.vector_load %arg30[%swap3A_141] {strides = array<i32>} : memref<16xf32, #tpu.memory_space<vmem>>, vector<16xf32>,
        tpu.vector_store %arg30[%swap3A_141], %scan3A_139#1 {strides = array<i32>} : memref<16xf32, #tpu.memory_space<vmem>>, vector<16xf32>,
        %swap3A_143 = arith.constant 0 : index
        %swap3A_144 = tpu.vector_load %arg31[%swap3A_143] {strides = array<i32>} : memref<16xf32, #tpu.memory_space<vmem>>, vector<16xf32>,
        tpu.vector_store %arg31[%swap3A_143], %scan3A_139#2 {strides = array<i32>} : memref<16xf32, #tpu.memory_space<vmem>>, vector<16xf32>,
        %add3A_145 = arith.constant 127 : i32
        %add3A_146 = arith.addi %scan3A_139#0, %add3A_145 : i32
        %shift_right_logical3A = arith.constant 7 : i32
        %shift_right_logical3A_147 = arith.shrui %add3A_146, %shift_right_logical3A : i32
        %shift_left3A = arith.constant 7 : i32
        %shift_left3A_148 = arith.shli %shift_right_logical3A_147, %shift_left3A : i32
        %add3A_149 = arith.constant 0 : i32
        %add3A_150 = arith.addi %scan3A_139#0, %add3A_149 : i32
        %lt3A_151 = arith.cmpi slt, %add3A_150, %shift_left3A_148 : i32
        %convert_element_type3A_152 = arith.extui %lt3A_151 : i1 to i32
        %cond3A_153 = arith.constant 0 : i32
        %cond3A_154 = arith.cmpi ne, %convert_element_type3A_152, %cond3A_153 : i32
        scf.if %cond3A_154 {
          %add3A_217 = arith.constant 100000 : i32
          %add3A_218 = vector.broadcast %add3A_217 : i32 to vector<16xi32>
          %add3A_219 = arith.addi %iota3A, %add3A_218 : vector<16xi32>
          %swap3A_220 = arith.index_cast %add3A_150 : i32 to index
          %swap3A_221 = tpu.vector_load %arg20[%swap3A_220] {strides = array<i32>} : memref<4224xi32, #tpu.memory_space<vmem>>, vector<16xi32>,
          tpu.vector_store %arg20[%swap3A_220], %add3A_219 {strides = array<i32>} : memref<4224xi32, #tpu.memory_space<vmem>>, vector<16xi32>,
          %swap3A_222 = arith.index_cast %add3A_150 : i32 to index
          %swap3A_223 = tpu.vector_load %arg23[%swap3A_222] {strides = array<i32>} : memref<4224xf32, #tpu.memory_space<vmem>>, vector<16xf32>,
          tpu.vector_store %arg23[%swap3A_222], %broadcast_in_dim3A_130 {strides = array<i32>} : memref<4224xf32, #tpu.memory_space<vmem>>, vector<16xf32>,
          %swap3A_224 = arith.index_cast %add3A_150 : i32 to index
          %swap3A_225 = tpu.vector_load %arg26[%swap3A_224] {strides = array<i32>} : memref<4224xf32, #tpu.memory_space<vmem>>, vector<16xf32>,
          tpu.vector_store %arg26[%swap3A_224], %broadcast_in_dim3A_130 {strides = array<i32>} : memref<4224xf32, #tpu.memory_space<vmem>>, vector<16xf32>,
        } else {
        }
        %add3A_155 = arith.constant 16 : i32
        %add3A_156 = arith.addi %scan3A_139#0, %add3A_155 : i32
        %lt3A_157 = arith.cmpi slt, %add3A_156, %shift_left3A_148 : i32
        %convert_element_type3A_158 = arith.extui %lt3A_157 : i1 to i32
        %cond3A_159 = arith.constant 0 : i32
        %cond3A_160 = arith.cmpi ne, %convert_element_type3A_158, %cond3A_159 : i32
        scf.if %cond3A_160 {
          %add3A_217 = arith.constant 100016 : i32
          %add3A_218 = vector.broadcast %add3A_217 : i32 to vector<16xi32>
          %add3A_219 = arith.addi %iota3A, %add3A_218 : vector<16xi32>
          %swap3A_220 = arith.index_cast %add3A_156 : i32 to index
          %swap3A_221 = tpu.vector_load %arg20[%swap3A_220] {strides = array<i32>} : memref<4224xi32, #tpu.memory_space<vmem>>, vector<16xi32>,
          tpu.vector_store %arg20[%swap3A_220], %add3A_219 {strides = array<i32>} : memref<4224xi32, #tpu.memory_space<vmem>>, vector<16xi32>,
          %swap3A_222 = arith.index_cast %add3A_156 : i32 to index
          %swap3A_223 = tpu.vector_load %arg23[%swap3A_222] {strides = array<i32>} : memref<4224xf32, #tpu.memory_space<vmem>>, vector<16xf32>,
          tpu.vector_store %arg23[%swap3A_222], %broadcast_in_dim3A_130 {strides = array<i32>} : memref<4224xf32, #tpu.memory_space<vmem>>, vector<16xf32>,
          %swap3A_224 = arith.index_cast %add3A_156 : i32 to index
          %swap3A_225 = tpu.vector_load %arg26[%swap3A_224] {strides = array<i32>} : memref<4224xf32, #tpu.memory_space<vmem>>, vector<16xf32>,
          tpu.vector_store %arg26[%swap3A_224], %broadcast_in_dim3A_130 {strides = array<i32>} : memref<4224xf32, #tpu.memory_space<vmem>>, vector<16xf32>,
        } else {
        }
        %add3A_161 = arith.constant 32 : i32
        %add3A_162 = arith.addi %scan3A_139#0, %add3A_161 : i32
        %lt3A_163 = arith.cmpi slt, %add3A_162, %shift_left3A_148 : i32
        %convert_element_type3A_164 = arith.extui %lt3A_163 : i1 to i32
        %cond3A_165 = arith.constant 0 : i32
        %cond3A_166 = arith.cmpi ne, %convert_element_type3A_164, %cond3A_165 : i32
        scf.if %cond3A_166 {
          %add3A_217 = arith.constant 100032 : i32
          %add3A_218 = vector.broadcast %add3A_217 : i32 to vector<16xi32>
          %add3A_219 = arith.addi %iota3A, %add3A_218 : vector<16xi32>
          %swap3A_220 = arith.index_cast %add3A_162 : i32 to index
          %swap3A_221 = tpu.vector_load %arg20[%swap3A_220] {strides = array<i32>} : memref<4224xi32, #tpu.memory_space<vmem>>, vector<16xi32>,
          tpu.vector_store %arg20[%swap3A_220], %add3A_219 {strides = array<i32>} : memref<4224xi32, #tpu.memory_space<vmem>>, vector<16xi32>,
          %swap3A_222 = arith.index_cast %add3A_162 : i32 to index
          %swap3A_223 = tpu.vector_load %arg23[%swap3A_222] {strides = array<i32>} : memref<4224xf32, #tpu.memory_space<vmem>>, vector<16xf32>,
          tpu.vector_store %arg23[%swap3A_222], %broadcast_in_dim3A_130 {strides = array<i32>} : memref<4224xf32, #tpu.memory_space<vmem>>, vector<16xf32>,
          %swap3A_224 = arith.index_cast %add3A_162 : i32 to index
          %swap3A_225 = tpu.vector_load %arg26[%swap3A_224] {strides = array<i32>} : memref<4224xf32, #tpu.memory_space<vmem>>, vector<16xf32>,
          tpu.vector_store %arg26[%swap3A_224], %broadcast_in_dim3A_130 {strides = array<i32>} : memref<4224xf32, #tpu.memory_space<vmem>>, vector<16xf32>,
        } else {
        }
        %add3A_167 = arith.constant 48 : i32
        %add3A_168 = arith.addi %scan3A_139#0, %add3A_167 : i32
        %lt3A_169 = arith.cmpi slt, %add3A_168, %shift_left3A_148 : i32
        %convert_element_type3A_170 = arith.extui %lt3A_169 : i1 to i32
        %cond3A_171 = arith.constant 0 : i32
        %cond3A_172 = arith.cmpi ne, %convert_element_type3A_170, %cond3A_171 : i32
        scf.if %cond3A_172 {
          %add3A_217 = arith.constant 100048 : i32
          %add3A_218 = vector.broadcast %add3A_217 : i32 to vector<16xi32>
          %add3A_219 = arith.addi %iota3A, %add3A_218 : vector<16xi32>
          %swap3A_220 = arith.index_cast %add3A_168 : i32 to index
          %swap3A_221 = tpu.vector_load %arg20[%swap3A_220] {strides = array<i32>} : memref<4224xi32, #tpu.memory_space<vmem>>, vector<16xi32>,
          tpu.vector_store %arg20[%swap3A_220], %add3A_219 {strides = array<i32>} : memref<4224xi32, #tpu.memory_space<vmem>>, vector<16xi32>,
          %swap3A_222 = arith.index_cast %add3A_168 : i32 to index
          %swap3A_223 = tpu.vector_load %arg23[%swap3A_222] {strides = array<i32>} : memref<4224xf32, #tpu.memory_space<vmem>>, vector<16xf32>,
          tpu.vector_store %arg23[%swap3A_222], %broadcast_in_dim3A_130 {strides = array<i32>} : memref<4224xf32, #tpu.memory_space<vmem>>, vector<16xf32>,
          %swap3A_224 = arith.index_cast %add3A_168 : i32 to index
          %swap3A_225 = tpu.vector_load %arg26[%swap3A_224] {strides = array<i32>} : memref<4224xf32, #tpu.memory_space<vmem>>, vector<16xf32>,
          tpu.vector_store %arg26[%swap3A_224], %broadcast_in_dim3A_130 {strides = array<i32>} : memref<4224xf32, #tpu.memory_space<vmem>>, vector<16xf32>,
        } else {
        }
        %add3A_173 = arith.constant 64 : i32
        %add3A_174 = arith.addi %scan3A_139#0, %add3A_173 : i32
        %lt3A_175 = arith.cmpi slt, %add3A_174, %shift_left3A_148 : i32
        %convert_element_type3A_176 = arith.extui %lt3A_175 : i1 to i32
        %cond3A_177 = arith.constant 0 : i32
        %cond3A_178 = arith.cmpi ne, %convert_element_type3A_176, %cond3A_177 : i32
        scf.if %cond3A_178 {
          %add3A_217 = arith.constant 100064 : i32
          %add3A_218 = vector.broadcast %add3A_217 : i32 to vector<16xi32>
          %add3A_219 = arith.addi %iota3A, %add3A_218 : vector<16xi32>
          %swap3A_220 = arith.index_cast %add3A_174 : i32 to index
          %swap3A_221 = tpu.vector_load %arg20[%swap3A_220] {strides = array<i32>} : memref<4224xi32, #tpu.memory_space<vmem>>, vector<16xi32>,
          tpu.vector_store %arg20[%swap3A_220], %add3A_219 {strides = array<i32>} : memref<4224xi32, #tpu.memory_space<vmem>>, vector<16xi32>,
          %swap3A_222 = arith.index_cast %add3A_174 : i32 to index
          %swap3A_223 = tpu.vector_load %arg23[%swap3A_222] {strides = array<i32>} : memref<4224xf32, #tpu.memory_space<vmem>>, vector<16xf32>,
          tpu.vector_store %arg23[%swap3A_222], %broadcast_in_dim3A_130 {strides = array<i32>} : memref<4224xf32, #tpu.memory_space<vmem>>, vector<16xf32>,
          %swap3A_224 = arith.index_cast %add3A_174 : i32 to index
          %swap3A_225 = tpu.vector_load %arg26[%swap3A_224] {strides = array<i32>} : memref<4224xf32, #tpu.memory_space<vmem>>, vector<16xf32>,
          tpu.vector_store %arg26[%swap3A_224], %broadcast_in_dim3A_130 {strides = array<i32>} : memref<4224xf32, #tpu.memory_space<vmem>>, vector<16xf32>,
        } else {
        }
        %add3A_179 = arith.constant 80 : i32
        %add3A_180 = arith.addi %scan3A_139#0, %add3A_179 : i32
        %lt3A_181 = arith.cmpi slt, %add3A_180, %shift_left3A_148 : i32
        %convert_element_type3A_182 = arith.extui %lt3A_181 : i1 to i32
        %cond3A_183 = arith.constant 0 : i32
        %cond3A_184 = arith.cmpi ne, %convert_element_type3A_182, %cond3A_183 : i32
        scf.if %cond3A_184 {
          %add3A_217 = arith.constant 100080 : i32
          %add3A_218 = vector.broadcast %add3A_217 : i32 to vector<16xi32>
          %add3A_219 = arith.addi %iota3A, %add3A_218 : vector<16xi32>
          %swap3A_220 = arith.index_cast %add3A_180 : i32 to index
          %swap3A_221 = tpu.vector_load %arg20[%swap3A_220] {strides = array<i32>} : memref<4224xi32, #tpu.memory_space<vmem>>, vector<16xi32>,
          tpu.vector_store %arg20[%swap3A_220], %add3A_219 {strides = array<i32>} : memref<4224xi32, #tpu.memory_space<vmem>>, vector<16xi32>,
          %swap3A_222 = arith.index_cast %add3A_180 : i32 to index
          %swap3A_223 = tpu.vector_load %arg23[%swap3A_222] {strides = array<i32>} : memref<4224xf32, #tpu.memory_space<vmem>>, vector<16xf32>,
          tpu.vector_store %arg23[%swap3A_222], %broadcast_in_dim3A_130 {strides = array<i32>} : memref<4224xf32, #tpu.memory_space<vmem>>, vector<16xf32>,
          %swap3A_224 = arith.index_cast %add3A_180 : i32 to index
          %swap3A_225 = tpu.vector_load %arg26[%swap3A_224] {strides = array<i32>} : memref<4224xf32, #tpu.memory_space<vmem>>, vector<16xf32>,
          tpu.vector_store %arg26[%swap3A_224], %broadcast_in_dim3A_130 {strides = array<i32>} : memref<4224xf32, #tpu.memory_space<vmem>>, vector<16xf32>,
        } else {
        }
        %add3A_185 = arith.constant 96 : i32
        %add3A_186 = arith.addi %scan3A_139#0, %add3A_185 : i32
        %lt3A_187 = arith.cmpi slt, %add3A_186, %shift_left3A_148 : i32
        %convert_element_type3A_188 = arith.extui %lt3A_187 : i1 to i32
        %cond3A_189 = arith.constant 0 : i32
        %cond3A_190 = arith.cmpi ne, %convert_element_type3A_188, %cond3A_189 : i32
        scf.if %cond3A_190 {
          %add3A_217 = arith.constant 100096 : i32
          %add3A_218 = vector.broadcast %add3A_217 : i32 to vector<16xi32>
          %add3A_219 = arith.addi %iota3A, %add3A_218 : vector<16xi32>
          %swap3A_220 = arith.index_cast %add3A_186 : i32 to index
          %swap3A_221 = tpu.vector_load %arg20[%swap3A_220] {strides = array<i32>} : memref<4224xi32, #tpu.memory_space<vmem>>, vector<16xi32>,
          tpu.vector_store %arg20[%swap3A_220], %add3A_219 {strides = array<i32>} : memref<4224xi32, #tpu.memory_space<vmem>>, vector<16xi32>,
          %swap3A_222 = arith.index_cast %add3A_186 : i32 to index
          %swap3A_223 = tpu.vector_load %arg23[%swap3A_222] {strides = array<i32>} : memref<4224xf32, #tpu.memory_space<vmem>>, vector<16xf32>,
          tpu.vector_store %arg23[%swap3A_222], %broadcast_in_dim3A_130 {strides = array<i32>} : memref<4224xf32, #tpu.memory_space<vmem>>, vector<16xf32>,
          %swap3A_224 = arith.index_cast %add3A_186 : i32 to index
          %swap3A_225 = tpu.vector_load %arg26[%swap3A_224] {strides = array<i32>} : memref<4224xf32, #tpu.memory_space<vmem>>, vector<16xf32>,
          tpu.vector_store %arg26[%swap3A_224], %broadcast_in_dim3A_130 {strides = array<i32>} : memref<4224xf32, #tpu.memory_space<vmem>>, vector<16xf32>,
        } else {
        }
        %add3A_191 = arith.constant 112 : i32
        %add3A_192 = arith.addi %scan3A_139#0, %add3A_191 : i32
        %lt3A_193 = arith.cmpi slt, %add3A_192, %shift_left3A_148 : i32
        %convert_element_type3A_194 = arith.extui %lt3A_193 : i1 to i32
        %cond3A_195 = arith.constant 0 : i32
        %cond3A_196 = arith.cmpi ne, %convert_element_type3A_194, %cond3A_195 : i32
        scf.if %cond3A_196 {
          %add3A_217 = arith.constant 100112 : i32
          %add3A_218 = vector.broadcast %add3A_217 : i32 to vector<16xi32>
          %add3A_219 = arith.addi %iota3A, %add3A_218 : vector<16xi32>
          %swap3A_220 = arith.index_cast %add3A_192 : i32 to index
          %swap3A_221 = tpu.vector_load %arg20[%swap3A_220] {strides = array<i32>} : memref<4224xi32, #tpu.memory_space<vmem>>, vector<16xi32>,
          tpu.vector_store %arg20[%swap3A_220], %add3A_219 {strides = array<i32>} : memref<4224xi32, #tpu.memory_space<vmem>>, vector<16xi32>,
          %swap3A_222 = arith.index_cast %add3A_192 : i32 to index
          %swap3A_223 = tpu.vector_load %arg23[%swap3A_222] {strides = array<i32>} : memref<4224xf32, #tpu.memory_space<vmem>>, vector<16xf32>,
          tpu.vector_store %arg23[%swap3A_222], %broadcast_in_dim3A_130 {strides = array<i32>} : memref<4224xf32, #tpu.memory_space<vmem>>, vector<16xf32>,
          %swap3A_224 = arith.index_cast %add3A_192 : i32 to index
          %swap3A_225 = tpu.vector_load %arg26[%swap3A_224] {strides = array<i32>} : memref<4224xf32, #tpu.memory_space<vmem>>, vector<16xf32>,
          tpu.vector_store %arg26[%swap3A_224], %broadcast_in_dim3A_130 {strides = array<i32>} : memref<4224xf32, #tpu.memory_space<vmem>>, vector<16xf32>,
        } else {
        }
        %sub3A_197 = arith.constant 0 : i32
        %sub3A_198 = arith.subi %shift_right_logical3A_147, %sub3A_197 : i32
        %sub3A_199 = arith.constant 1 : i32
        %sub3A_200 = arith.constant 1 : i32
        %sub3A_201 = arith.subi %sub3A_199, %sub3A_200 : i32
        %add3A_202 = arith.addi %sub3A_198, %sub3A_201 : i32
        %div3A = arith.constant 1 : i32
        %div3A_203 = arith.divsi %add3A_202, %div3A : i32
        %while3A = arith.constant 1 : i32
        %while3A_204 = arith.constant 0 : i32
        %while3A_205 = arith.constant 0 : i32
        %while3A_206 = arith.subi %div3A_203, %while3A_205 : i32
        %while3A_207 = arith.addi %while3A_205, %while3A_206 : i32
        %while3A_208 = arith.constant 1 : i32
        %while3A_209 = arith.divsi %while3A_206, %while3A_208 : i32
        %while3A_210 = arith.muli %while3A_209, %while3A_208 : i32
        %while3A_211 = arith.addi %while3A_205, %while3A_210 : i32
        %while3A_212 = arith.constant 1 : i32
        scf.for %while3A_217 = %while3A_205 to %while3A_211 step %while3A_212  : i32 {
          %mul3A_218 = arith.muli %while3A_217, %while3A : i32
          %add3A_219 = arith.addi %while3A_204, %mul3A_218 : i32
          %mul3A_220 = arith.constant 128 : i32
          %mul3A_221 = arith.muli %add3A_219, %mul3A_220 : i32
          %mul3A_222 = arith.constant 128 : i32
          %mul3A_223 = arith.muli %add3A_219, %mul3A_222 : i32
          %dma_start3A = arith.constant 0 : i32
          %dma_start3A_224 = tpu.memref_slice %arg26[%mul3A_223] : memref<4224xf32, #tpu.memory_space<vmem>> -> memref<128xf32, #tpu.memory_space<vmem>>
          %dma_start3A_225 = tpu.memref_slice %arg20[%mul3A_221] : memref<4224xi32, #tpu.memory_space<vmem>> -> memref<128xi32, #tpu.memory_space<vmem>>
          %dma_start3A_226 = arith.constant 0 : i32
          %dma_start3A_227 = tpu.memref_slice %arg9[%dma_start3A_226] : memref<100352xf32, #tpu.memory_space<vmem_shared>> -> memref<100352xf32, #tpu.memory_space<vmem_shared>>
          %dma_start3A_228 = tpu.memref_slice %arg35[%dma_start3A] : memref<3x!tpu.dma_semaphore, #tpu.memory_space<semaphore_mem>> -> memref<1x!tpu.dma_semaphore, #tpu.memory_space<semaphore_mem>>
          %dma_start3A_229 = tpu.memref_squeeze %dma_start3A_228 : memref<1x!tpu.dma_semaphore, #tpu.memory_space<semaphore_mem>> -> memref<!tpu.dma_semaphore, #tpu.memory_space<semaphore_mem>>
          tpu.enqueue_indirect_dma source(%dma_start3A_224 : memref<128xf32, #tpu.memory_space<vmem>>) target(%dma_start3A_227 : memref<100352xf32, #tpu.memory_space<vmem_shared>>) offsets(%dma_start3A_225 : memref<128xi32, #tpu.memory_space<vmem>>) semaphore(%dma_start3A_229 : memref<!tpu.dma_semaphore, #tpu.memory_space<semaphore_mem>>) {add = true}
          %mul3A_230 = arith.constant 128 : i32
          %mul3A_231 = arith.muli %add3A_219, %mul3A_230 : i32
          %dma_start3A_232 = arith.constant 0 : i32
          %dma_start3A_233 = tpu.memref_slice %arg23[%mul3A_231] : memref<4224xf32, #tpu.memory_space<vmem>> -> memref<128xf32, #tpu.memory_space<vmem>>
          %dma_start3A_234 = tpu.memref_slice %arg20[%mul3A_221] : memref<4224xi32, #tpu.memory_space<vmem>> -> memref<128xi32, #tpu.memory_space<vmem>>
          %dma_start3A_235 = arith.constant 0 : i32
          %dma_start3A_236 = tpu.memref_slice %arg10[%dma_start3A_235] : memref<100352xf32, #tpu.memory_space<vmem_shared>> -> memref<100352xf32, #tpu.memory_space<vmem_shared>>
          %dma_start3A_237 = tpu.memref_slice %arg35[%dma_start3A_232] : memref<3x!tpu.dma_semaphore, #tpu.memory_space<semaphore_mem>> -> memref<1x!tpu.dma_semaphore, #tpu.memory_space<semaphore_mem>>
          %dma_start3A_238 = tpu.memref_squeeze %dma_start3A_237 : memref<1x!tpu.dma_semaphore, #tpu.memory_space<semaphore_mem>> -> memref<!tpu.dma_semaphore, #tpu.memory_space<semaphore_mem>>
          tpu.enqueue_indirect_dma source(%dma_start3A_233 : memref<128xf32, #tpu.memory_space<vmem>>) target(%dma_start3A_236 : memref<100352xf32, #tpu.memory_space<vmem_shared>>) offsets(%dma_start3A_234 : memref<128xi32, #tpu.memory_space<vmem>>) semaphore(%dma_start3A_238 : memref<!tpu.dma_semaphore, #tpu.memory_space<semaphore_mem>>) {add = true}
        }
        %while3A_213 = arith.constant 1 : i32
        scf.for %while3A_217 = %while3A_211 to %while3A_207 step %while3A_213  : i32 {
          %mul3A_218 = arith.muli %while3A_217, %while3A : i32
          %add3A_219 = arith.addi %while3A_204, %mul3A_218 : i32
          %mul3A_220 = arith.constant 128 : i32
          %mul3A_221 = arith.muli %add3A_219, %mul3A_220 : i32
          %mul3A_222 = arith.constant 128 : i32
          %mul3A_223 = arith.muli %add3A_219, %mul3A_222 : i32
          %dma_start3A = arith.constant 0 : i32
          %dma_start3A_224 = tpu.memref_slice %arg26[%mul3A_223] : memref<4224xf32, #tpu.memory_space<vmem>> -> memref<128xf32, #tpu.memory_space<vmem>>
          %dma_start3A_225 = tpu.memref_slice %arg20[%mul3A_221] : memref<4224xi32, #tpu.memory_space<vmem>> -> memref<128xi32, #tpu.memory_space<vmem>>
          %dma_start3A_226 = arith.constant 0 : i32
          %dma_start3A_227 = tpu.memref_slice %arg9[%dma_start3A_226] : memref<100352xf32, #tpu.memory_space<vmem_shared>> -> memref<100352xf32, #tpu.memory_space<vmem_shared>>
          %dma_start3A_228 = tpu.memref_slice %arg35[%dma_start3A] : memref<3x!tpu.dma_semaphore, #tpu.memory_space<semaphore_mem>> -> memref<1x!tpu.dma_semaphore, #tpu.memory_space<semaphore_mem>>
          %dma_start3A_229 = tpu.memref_squeeze %dma_start3A_228 : memref<1x!tpu.dma_semaphore, #tpu.memory_space<semaphore_mem>> -> memref<!tpu.dma_semaphore, #tpu.memory_space<semaphore_mem>>
          tpu.enqueue_indirect_dma source(%dma_start3A_224 : memref<128xf32, #tpu.memory_space<vmem>>) target(%dma_start3A_227 : memref<100352xf32, #tpu.memory_space<vmem_shared>>) offsets(%dma_start3A_225 : memref<128xi32, #tpu.memory_space<vmem>>) semaphore(%dma_start3A_229 : memref<!tpu.dma_semaphore, #tpu.memory_space<semaphore_mem>>) {add = true}
          %mul3A_230 = arith.constant 128 : i32
          %mul3A_231 = arith.muli %add3A_219, %mul3A_230 : i32
          %dma_start3A_232 = arith.constant 0 : i32
          %dma_start3A_233 = tpu.memref_slice %arg23[%mul3A_231] : memref<4224xf32, #tpu.memory_space<vmem>> -> memref<128xf32, #tpu.memory_space<vmem>>
          %dma_start3A_234 = tpu.memref_slice %arg20[%mul3A_221] : memref<4224xi32, #tpu.memory_space<vmem>> -> memref<128xi32, #tpu.memory_space<vmem>>
          %dma_start3A_235 = arith.constant 0 : i32
          %dma_start3A_236 = tpu.memref_slice %arg10[%dma_start3A_235] : memref<100352xf32, #tpu.memory_space<vmem_shared>> -> memref<100352xf32, #tpu.memory_space<vmem_shared>>
          %dma_start3A_237 = tpu.memref_slice %arg35[%dma_start3A_232] : memref<3x!tpu.dma_semaphore, #tpu.memory_space<semaphore_mem>> -> memref<1x!tpu.dma_semaphore, #tpu.memory_space<semaphore_mem>>
          %dma_start3A_238 = tpu.memref_squeeze %dma_start3A_237 : memref<1x!tpu.dma_semaphore, #tpu.memory_space<semaphore_mem>> -> memref<!tpu.dma_semaphore, #tpu.memory_space<semaphore_mem>>
          tpu.enqueue_indirect_dma source(%dma_start3A_233 : memref<128xf32, #tpu.memory_space<vmem>>) target(%dma_start3A_236 : memref<100352xf32, #tpu.memory_space<vmem_shared>>) offsets(%dma_start3A_234 : memref<128xi32, #tpu.memory_space<vmem>>) semaphore(%dma_start3A_238 : memref<!tpu.dma_semaphore, #tpu.memory_space<semaphore_mem>>) {add = true}
        }
        %swap3A_214 = arith.constant 0 : i32
        %swap3A_215 = arith.index_cast %swap3A_214 : i32 to index
        %swap3A_216 = memref.load %arg33[%swap3A_215] : memref<3xi32, #tpu.memory_space<smem>>
        memref.store %shift_right_logical3A_147, %arg33[%swap3A_215] : memref<3xi32, #tpu.memory_space<smem>>
      } else {
      }
      %add3A_60 = arith.constant 1 : i32
      %add3A_61 = arith.addi %add3A_39, %add3A_60 : i32
      %ge3A_62 = arith.constant 2 : i32
      %ge3A_63 = arith.cmpi sge, %add3A_61, %ge3A_62 : i32
      %sub3A_64 = arith.constant 2 : i32
      %sub3A_65 = arith.subi %add3A_61, %sub3A_64 : i32
      %sub3A_66 = arith.constant 2 : i32
      %sub3A_67 = arith.subi %select_n3A, %sub3A_66 : i32
      %lt3A_68 = arith.cmpi slt, %sub3A_65, %sub3A_67 : i32
      %and3A_69 = arith.andi %ge3A_63, %lt3A_68 : i1
      %convert_element_type3A_70 = arith.extui %and3A_69 : i1 to i32
      %cond3A_71 = arith.constant 0 : i32
      %cond3A_72 = arith.cmpi ne, %convert_element_type3A_70, %cond3A_71 : i32
      scf.if %cond3A_72 {
        %get3A = arith.constant 2 : i32
        %get3A_106 = arith.index_cast %get3A : i32 to index
        %get3A_107 = memref.load %arg33[%get3A_106] : memref<3xi32, #tpu.memory_space<smem>>
        %sub3A_108 = arith.constant 0 : i32
        %sub3A_109 = arith.subi %get3A_107, %sub3A_108 : i32
        %sub3A_110 = arith.constant 1 : i32
        %sub3A_111 = arith.constant 1 : i32
        %sub3A_112 = arith.subi %sub3A_110, %sub3A_111 : i32
        %add3A_113 = arith.addi %sub3A_109, %sub3A_112 : i32
        %div3A = arith.constant 1 : i32
        %div3A_114 = arith.divsi %add3A_113, %div3A : i32
        %while3A = arith.constant 1 : i32
        %while3A_115 = arith.constant 0 : i32
        %while3A_116 = arith.constant 0 : i32
        %while3A_117 = arith.subi %div3A_114, %while3A_116 : i32
        %while3A_118 = arith.addi %while3A_116, %while3A_117 : i32
        %while3A_119 = arith.constant 1 : i32
        %while3A_120 = arith.divsi %while3A_117, %while3A_119 : i32
        %while3A_121 = arith.muli %while3A_120, %while3A_119 : i32
        %while3A_122 = arith.addi %while3A_116, %while3A_121 : i32
        %while3A_123 = arith.constant 1 : i32
        scf.for %while3A_125 = %while3A_116 to %while3A_122 step %while3A_123  : i32 {
          %mul3A_126 = arith.muli %while3A_125, %while3A : i32
          %add3A_127 = arith.addi %while3A_115, %mul3A_126 : i32
          %dma_wait3A = arith.constant 2 : i32
          %dma_wait3A_128 = arith.constant 0 : i32
          %dma_wait3A_129 = tpu.memref_slice %arg2[%dma_wait3A_128] : memref<6400000xf32, #tpu.memory_space<hbm>> -> memref<256xf32, #tpu.memory_space<hbm>>
          %dma_wait3A_130 = tpu.memref_slice %arg35[%dma_wait3A] : memref<3x!tpu.dma_semaphore, #tpu.memory_space<semaphore_mem>> -> memref<1x!tpu.dma_semaphore, #tpu.memory_space<semaphore_mem>>
          %dma_wait3A_131 = tpu.memref_squeeze %dma_wait3A_130 : memref<1x!tpu.dma_semaphore, #tpu.memory_space<semaphore_mem>> -> memref<!tpu.dma_semaphore, #tpu.memory_space<semaphore_mem>>
          %dma_wait3A_132 = arith.constant 0 : i32
          %dma_wait3A_133 = tpu.memref_slice %arg2[%dma_wait3A_132] : memref<6400000xf32, #tpu.memory_space<hbm>> -> memref<256xf32, #tpu.memory_space<hbm>>
          tpu.wait_dma2 semaphore(%dma_wait3A_131 : memref<!tpu.dma_semaphore, #tpu.memory_space<semaphore_mem>>) src(%dma_wait3A_133 : memref<256xf32, #tpu.memory_space<hbm>>) dst(%arg32 : memref<256xf32, #tpu.memory_space<vmem>>)
        }
        %while3A_124 = arith.constant 1 : i32
        scf.for %while3A_125 = %while3A_122 to %while3A_118 step %while3A_124  : i32 {
          %mul3A_126 = arith.muli %while3A_125, %while3A : i32
          %add3A_127 = arith.addi %while3A_115, %mul3A_126 : i32
          %dma_wait3A = arith.constant 2 : i32
          %dma_wait3A_128 = arith.constant 0 : i32
          %dma_wait3A_129 = tpu.memref_slice %arg2[%dma_wait3A_128] : memref<6400000xf32, #tpu.memory_space<hbm>> -> memref<256xf32, #tpu.memory_space<hbm>>
          %dma_wait3A_130 = tpu.memref_slice %arg35[%dma_wait3A] : memref<3x!tpu.dma_semaphore, #tpu.memory_space<semaphore_mem>> -> memref<1x!tpu.dma_semaphore, #tpu.memory_space<semaphore_mem>>
          %dma_wait3A_131 = tpu.memref_squeeze %dma_wait3A_130 : memref<1x!tpu.dma_semaphore, #tpu.memory_space<semaphore_mem>> -> memref<!tpu.dma_semaphore, #tpu.memory_space<semaphore_mem>>
          %dma_wait3A_132 = arith.constant 0 : i32
          %dma_wait3A_133 = tpu.memref_slice %arg2[%dma_wait3A_132] : memref<6400000xf32, #tpu.memory_space<hbm>> -> memref<256xf32, #tpu.memory_space<hbm>>
          tpu.wait_dma2 semaphore(%dma_wait3A_131 : memref<!tpu.dma_semaphore, #tpu.memory_space<semaphore_mem>>) src(%dma_wait3A_133 : memref<256xf32, #tpu.memory_space<hbm>>) dst(%arg32 : memref<256xf32, #tpu.memory_space<vmem>>)
        }
      } else {
      }
      %add3A_73 = arith.constant 1 : i32
      %add3A_74 = arith.addi %add3A_61, %add3A_73 : i32
      %lt3A_75 = arith.cmpi slt, %add3A_74, %select_n3A : i32
      %convert_element_type3A_76 = arith.extui %lt3A_75 : i1 to i32
      %cond3A_77 = arith.constant 0 : i32
      %cond3A_78 = arith.cmpi ne, %convert_element_type3A_76, %cond3A_77 : i32
      scf.if %cond3A_78 {
        %add3A_106 = arith.constant 1 : i32
        %add3A_107 = arith.addi %add3A_61, %add3A_106 : i32
        %mul3A_108 = arith.constant 32 : i32
        %mul3A_109 = arith.muli %add3A_107, %mul3A_108 : i32
        %add3A_110 = arith.addi %mul3A_109, %add3A : i32
        %mul3A_111 = arith.constant 2048 : i32
        %mul3A_112 = arith.muli %add3A_110, %mul3A_111 : i32
        %dma_start3A = arith.constant 2 : i32
        %dma_start3A_113 = arith.constant 0 : i32
        %dma_start3A_114 = tpu.memref_slice %arg13[%dma_start3A_113] : memref<2064xi32, #tpu.memory_space<vmem>> -> memref<2048xi32, #tpu.memory_space<vmem>>
        %dma_start3A_115 = tpu.memref_slice %arg4[%mul3A_112] : memref<6400000xi32, #tpu.memory_space<hbm>> -> memref<2048xi32, #tpu.memory_space<hbm>>
        %dma_start3A_116 = tpu.memref_slice %arg34[%dma_start3A] : memref<3x!tpu.dma_semaphore, #tpu.memory_space<semaphore_mem>> -> memref<1x!tpu.dma_semaphore, #tpu.memory_space<semaphore_mem>>
        %dma_start3A_117 = tpu.memref_squeeze %dma_start3A_116 : memref<1x!tpu.dma_semaphore, #tpu.memory_space<semaphore_mem>> -> memref<!tpu.dma_semaphore, #tpu.memory_space<semaphore_mem>>
        %dma_start3A_118 = arith.constant 0 : i32
        %dma_start3A_119 = tpu.memref_slice %arg13[%dma_start3A_118] : memref<2064xi32, #tpu.memory_space<vmem>> -> memref<2048xi32, #tpu.memory_space<vmem>>
        %dma_start3A_120 = tpu.memref_slice %arg4[%mul3A_112] : memref<6400000xi32, #tpu.memory_space<hbm>> -> memref<2048xi32, #tpu.memory_space<hbm>>
        tpu.enqueue_dma source(%dma_start3A_120 : memref<2048xi32, #tpu.memory_space<hbm>>) target(%dma_start3A_119 : memref<2048xi32, #tpu.memory_space<vmem>>) target_semaphore(%dma_start3A_117 : memref<!tpu.dma_semaphore, #tpu.memory_space<semaphore_mem>>)
        %dma_start3A_121 = arith.constant 2 : i32
        %dma_start3A_122 = tpu.memref_slice %arg2[%mul3A_112] : memref<6400000xf32, #tpu.memory_space<hbm>> -> memref<2048xf32, #tpu.memory_space<hbm>>
        %dma_start3A_123 = tpu.memref_slice %arg34[%dma_start3A_121] : memref<3x!tpu.dma_semaphore, #tpu.memory_space<semaphore_mem>> -> memref<1x!tpu.dma_semaphore, #tpu.memory_space<semaphore_mem>>
        %dma_start3A_124 = tpu.memref_squeeze %dma_start3A_123 : memref<1x!tpu.dma_semaphore, #tpu.memory_space<semaphore_mem>> -> memref<!tpu.dma_semaphore, #tpu.memory_space<semaphore_mem>>
        %dma_start3A_125 = tpu.memref_slice %arg2[%mul3A_112] : memref<6400000xf32, #tpu.memory_space<hbm>> -> memref<2048xf32, #tpu.memory_space<hbm>>
        tpu.enqueue_dma source(%dma_start3A_125 : memref<2048xf32, #tpu.memory_space<hbm>>) target(%arg16 : memref<2048xf32, #tpu.memory_space<vmem>>) target_semaphore(%dma_start3A_124 : memref<!tpu.dma_semaphore, #tpu.memory_space<semaphore_mem>>)
        %dma_start3A_126 = arith.constant 2 : i32
        %dma_start3A_127 = tpu.memref_slice %arg3[%mul3A_112] : memref<6400000xf32, #tpu.memory_space<hbm>> -> memref<2048xf32, #tpu.memory_space<hbm>>
        %dma_start3A_128 = tpu.memref_slice %arg34[%dma_start3A_126] : memref<3x!tpu.dma_semaphore, #tpu.memory_space<semaphore_mem>> -> memref<1x!tpu.dma_semaphore, #tpu.memory_space<semaphore_mem>>
        %dma_start3A_129 = tpu.memref_squeeze %dma_start3A_128 : memref<1x!tpu.dma_semaphore, #tpu.memory_space<semaphore_mem>> -> memref<!tpu.dma_semaphore, #tpu.memory_space<semaphore_mem>>
        %dma_start3A_130 = tpu.memref_slice %arg3[%mul3A_112] : memref<6400000xf32, #tpu.memory_space<hbm>> -> memref<2048xf32, #tpu.memory_space<hbm>>
        tpu.enqueue_dma source(%dma_start3A_130 : memref<2048xf32, #tpu.memory_space<hbm>>) target(%arg19 : memref<2048xf32, #tpu.memory_space<vmem>>) target_semaphore(%dma_start3A_129 : memref<!tpu.dma_semaphore, #tpu.memory_space<semaphore_mem>>)
      } else {
      }
      %lt3A_79 = arith.cmpi slt, %add3A_61, %select_n3A : i32
      %convert_element_type3A_80 = arith.extui %lt3A_79 : i1 to i32
      %cond3A_81 = arith.constant 0 : i32
      %cond3A_82 = arith.cmpi ne, %convert_element_type3A_80, %cond3A_81 : i32
      scf.if %cond3A_82 {
        %mul3A_106 = arith.constant 32 : i32
        %mul3A_107 = arith.muli %add3A_61, %mul3A_106 : i32
        %add3A_108 = arith.addi %mul3A_107, %add3A : i32
        %mul3A_109 = arith.constant 2048 : i32
        %mul3A_110 = arith.muli %add3A_108, %mul3A_109 : i32
        %dma_wait3A = arith.constant 1 : i32
        %dma_wait3A_111 = arith.constant 0 : i32
        %dma_wait3A_112 = tpu.memref_slice %arg12[%dma_wait3A_111] : memref<2064xi32, #tpu.memory_space<vmem>> -> memref<2048xi32, #tpu.memory_space<vmem>>
        %dma_wait3A_113 = tpu.memref_slice %arg4[%mul3A_110] : memref<6400000xi32, #tpu.memory_space<hbm>> -> memref<2048xi32, #tpu.memory_space<hbm>>
        %dma_wait3A_114 = tpu.memref_slice %arg34[%dma_wait3A] : memref<3x!tpu.dma_semaphore, #tpu.memory_space<semaphore_mem>> -> memref<1x!tpu.dma_semaphore, #tpu.memory_space<semaphore_mem>>
        %dma_wait3A_115 = tpu.memref_squeeze %dma_wait3A_114 : memref<1x!tpu.dma_semaphore, #tpu.memory_space<semaphore_mem>> -> memref<!tpu.dma_semaphore, #tpu.memory_space<semaphore_mem>>
        %dma_wait3A_116 = arith.constant 0 : i32
        %dma_wait3A_117 = tpu.memref_slice %arg12[%dma_wait3A_116] : memref<2064xi32, #tpu.memory_space<vmem>> -> memref<2048xi32, #tpu.memory_space<vmem>>
        %dma_wait3A_118 = tpu.memref_slice %arg4[%mul3A_110] : memref<6400000xi32, #tpu.memory_space<hbm>> -> memref<2048xi32, #tpu.memory_space<hbm>>
        tpu.wait_dma2 semaphore(%dma_wait3A_115 : memref<!tpu.dma_semaphore, #tpu.memory_space<semaphore_mem>>) src(%dma_wait3A_118 : memref<2048xi32, #tpu.memory_space<hbm>>) dst(%dma_wait3A_117 : memref<2048xi32, #tpu.memory_space<vmem>>)
        %dma_wait3A_119 = arith.constant 1 : i32
        %dma_wait3A_120 = tpu.memref_slice %arg2[%mul3A_110] : memref<6400000xf32, #tpu.memory_space<hbm>> -> memref<2048xf32, #tpu.memory_space<hbm>>
        %dma_wait3A_121 = tpu.memref_slice %arg34[%dma_wait3A_119] : memref<3x!tpu.dma_semaphore, #tpu.memory_space<semaphore_mem>> -> memref<1x!tpu.dma_semaphore, #tpu.memory_space<semaphore_mem>>
        %dma_wait3A_122 = tpu.memref_squeeze %dma_wait3A_121 : memref<1x!tpu.dma_semaphore, #tpu.memory_space<semaphore_mem>> -> memref<!tpu.dma_semaphore, #tpu.memory_space<semaphore_mem>>
        %dma_wait3A_123 = tpu.memref_slice %arg2[%mul3A_110] : memref<6400000xf32, #tpu.memory_space<hbm>> -> memref<2048xf32, #tpu.memory_space<hbm>>
        tpu.wait_dma2 semaphore(%dma_wait3A_122 : memref<!tpu.dma_semaphore, #tpu.memory_space<semaphore_mem>>) src(%dma_wait3A_123 : memref<2048xf32, #tpu.memory_space<hbm>>) dst(%arg15 : memref<2048xf32, #tpu.memory_space<vmem>>)
        %dma_wait3A_124 = arith.constant 1 : i32
        %dma_wait3A_125 = tpu.memref_slice %arg3[%mul3A_110] : memref<6400000xf32, #tpu.memory_space<hbm>> -> memref<2048xf32, #tpu.memory_space<hbm>>
        %dma_wait3A_126 = tpu.memref_slice %arg34[%dma_wait3A_124] : memref<3x!tpu.dma_semaphore, #tpu.memory_space<semaphore_mem>> -> memref<1x!tpu.dma_semaphore, #tpu.memory_space<semaphore_mem>>
        %dma_wait3A_127 = tpu.memref_squeeze %dma_wait3A_126 : memref<1x!tpu.dma_semaphore, #tpu.memory_space<semaphore_mem>> -> memref<!tpu.dma_semaphore, #tpu.memory_space<semaphore_mem>>
        %dma_wait3A_128 = tpu.memref_slice %arg3[%mul3A_110] : memref<6400000xf32, #tpu.memory_space<hbm>> -> memref<2048xf32, #tpu.memory_space<hbm>>
        tpu.wait_dma2 semaphore(%dma_wait3A_127 : memref<!tpu.dma_semaphore, #tpu.memory_space<semaphore_mem>>) src(%dma_wait3A_128 : memref<2048xf32, #tpu.memory_space<hbm>>) dst(%arg18 : memref<2048xf32, #tpu.memory_space<vmem>>)
        %broadcast_in_dim3A_129 = arith.constant 0.000000e+00 : f32
        %broadcast_in_dim3A_130 = vector.broadcast %broadcast_in_dim3A_129 : f32 to vector<16xf32>
        %get3A = arith.constant 0 : index
        %get3A_131 = tpu.vector_load %arg30[%get3A] {strides = array<i32>} : memref<16xf32, #tpu.memory_space<vmem>>, vector<16xf32>,
        %get3A_132 = arith.constant 0 : index
        %get3A_133 = tpu.vector_load %arg31[%get3A_132] {strides = array<i32>} : memref<16xf32, #tpu.memory_space<vmem>>, vector<16xf32>,
        %scan3A_134 = arith.constant 0 : i32
        %scan3A_135 = arith.constant 0 : i32
        %scan3A_136 = arith.constant 128 : i32
        %scan3A_137 = arith.addi %scan3A_135, %scan3A_136 : i32
        %scan3A_138 = arith.constant 8 : i32
        %scan3A_139:3 = scf.for %scan3A_217 = %scan3A_135 to %scan3A_137 step %scan3A_138 iter_args(%scan3A_218 = %scan3A_134, %scan3A_219 = %get3A_131, %scan3A_220 = %get3A_133) -> (i32, vector<16xf32>, vector<16xf32>)  : i32 {
          %mul3A_221 = arith.constant 1 : i32
          %mul3A_222 = arith.muli %scan3A_217, %mul3A_221 : i32
          %add3A_223 = arith.constant 0 : i32
          %add3A_224 = arith.addi %add3A_223, %mul3A_222 : i32
          %mul3A_225 = arith.constant 16 : i32
          %mul3A_226 = arith.muli %add3A_224, %mul3A_225 : i32
          %get3A_227 = arith.index_cast %mul3A_226 : i32 to index
          %get3A_228 = tpu.vector_load %arg12[%get3A_227] {strides = array<i32>} : memref<2064xi32, #tpu.memory_space<vmem>>, vector<16xi32>,
          %add3A_229 = arith.constant 1 : i32
          %add3A_230 = arith.addi %mul3A_226, %add3A_229 : i32
          %get3A_231 = arith.index_cast %add3A_230 : i32 to index
          %get3A_232 = tpu.vector_load %arg12[%get3A_231] {strides = array<i32>} : memref<2064xi32, #tpu.memory_space<vmem>>, vector<16xi32>,
          %get3A_233 = arith.index_cast %mul3A_226 : i32 to index
          %get3A_234 = tpu.vector_load %arg15[%get3A_233] {strides = array<i32>} : memref<2048xf32, #tpu.memory_space<vmem>>, vector<16xf32>,
          %get3A_235 = arith.index_cast %mul3A_226 : i32 to index
          %get3A_236 = tpu.vector_load %arg18[%get3A_235] {strides = array<i32>} : memref<2048xf32, #tpu.memory_space<vmem>>, vector<16xf32>,
          %mul3A_237 = arith.mulf %get3A_234, %get3A_236 : vector<16xf32>
          %min3A = arith.minimumf %scan3A_219, %get3A_236 : vector<16xf32>
          %max3A = arith.maximumf %scan3A_220, %get3A_236 : vector<16xf32>
          %broadcast_in_dim3A_238 = arith.constant true
          %broadcast_in_dim3A_239 = vector.broadcast %broadcast_in_dim3A_238 : i1 to vector<16xi1>
          %masked_cumsum3A = tpu.scan <sum>, %get3A_234 masked %broadcast_in_dim3A_239 : vector<16xf32>, vector<16xi1> -> vector<16xf32>
          %broadcast_in_dim3A_240 = arith.constant true
          %broadcast_in_dim3A_241 = vector.broadcast %broadcast_in_dim3A_240 : i1 to vector<16xi1>
          %masked_cumsum3A_242 = tpu.scan <sum>, %mul3A_237 masked %broadcast_in_dim3A_241 : vector<16xf32>, vector<16xi1> -> vector<16xf32>
          %ne3A = arith.cmpi ne, %get3A_228, %get3A_232 : vector<16xi32>
          %or3A = arith.ori %ne3A, %eq3A_2 : vector<16xi1>
          %and3A_243 = arith.andi %ne3A, %not3A_3 : vector<16xi1>
          %swap3A_244 = arith.index_cast %scan3A_218 : i32 to index
          %swap3A_245 = tpu.vector_load %arg21[%swap3A_244] masked %or3A {strides = array<i32>} : memref<4224xi32, #tpu.memory_space<vmem>>, vector<16xi32>, vector<16xi1>
          tpu.vector_store %arg21[%swap3A_244], %get3A_228 masked %or3A {strides = array<i32>} : memref<4224xi32, #tpu.memory_space<vmem>>, vector<16xi32>, vector<16xi1>
          %swap3A_246 = arith.index_cast %scan3A_218 : i32 to index
          %swap3A_247 = tpu.vector_load %arg24[%swap3A_246] masked %or3A {strides = array<i32>} : memref<4224xf32, #tpu.memory_space<vmem>>, vector<16xf32>, vector<16xi1>
          tpu.vector_store %arg24[%swap3A_246], %masked_cumsum3A masked %or3A {strides = array<i32>} : memref<4224xf32, #tpu.memory_space<vmem>>, vector<16xf32>, vector<16xi1>
          %swap3A_248 = arith.index_cast %scan3A_218 : i32 to index
          %swap3A_249 = tpu.vector_load %arg27[%swap3A_248] masked %or3A {strides = array<i32>} : memref<4224xf32, #tpu.memory_space<vmem>>, vector<16xf32>, vector<16xi1>
          tpu.vector_store %arg27[%swap3A_248], %masked_cumsum3A_242 masked %or3A {strides = array<i32>} : memref<4224xf32, #tpu.memory_space<vmem>>, vector<16xf32>, vector<16xi1>
          %all_reduce_population_count3A = tpu.all_reduce %or3A {dim = 0 : i64, kind = #tpu.reduction_kind<sum>} : vector<16xi1> -> vector<16xi32>
          %slice3A = vector.extract_strided_slice %all_reduce_population_count3A {offsets = [0], sizes = [1], strides = [1]} : vector<16xi32> to vector<1xi32>
          %squeeze3A = vector.extract %slice3A[0] : i32 from vector<1xi32>
          %add3A_250 = arith.addi %scan3A_218, %squeeze3A : i32
          %swap3A_251 = arith.index_cast %add3A_250 : i32 to index
          %swap3A_252 = tpu.vector_load %arg21[%swap3A_251] masked %and3A_243 {strides = array<i32>} : memref<4224xi32, #tpu.memory_space<vmem>>, vector<16xi32>, vector<16xi1>
          tpu.vector_store %arg21[%swap3A_251], %get3A_232 masked %and3A_243 {strides = array<i32>} : memref<4224xi32, #tpu.memory_space<vmem>>, vector<16xi32>, vector<16xi1>
          %neg3A = arith.constant 0.000000e+00 : f32
          %neg3A_253 = vector.broadcast %neg3A : f32 to vector<16xf32>
          %neg3A_254 = arith.subf %neg3A_253, %masked_cumsum3A : vector<16xf32>
          %swap3A_255 = arith.index_cast %add3A_250 : i32 to index
          %swap3A_256 = tpu.vector_load %arg24[%swap3A_255] masked %and3A_243 {strides = array<i32>} : memref<4224xf32, #tpu.memory_space<vmem>>, vector<16xf32>, vector<16xi1>
          tpu.vector_store %arg24[%swap3A_255], %neg3A_254 masked %and3A_243 {strides = array<i32>} : memref<4224xf32, #tpu.memory_space<vmem>>, vector<16xf32>, vector<16xi1>
          %neg3A_257 = arith.constant 0.000000e+00 : f32
          %neg3A_258 = vector.broadcast %neg3A_257 : f32 to vector<16xf32>
          %neg3A_259 = arith.subf %neg3A_258, %masked_cumsum3A_242 : vector<16xf32>
          %swap3A_260 = arith.index_cast %add3A_250 : i32 to index
          %swap3A_261 = tpu.vector_load %arg27[%swap3A_260] masked %and3A_243 {strides = array<i32>} : memref<4224xf32, #tpu.memory_space<vmem>>, vector<16xf32>, vector<16xi1>
          tpu.vector_store %arg27[%swap3A_260], %neg3A_259 masked %and3A_243 {strides = array<i32>} : memref<4224xf32, #tpu.memory_space<vmem>>, vector<16xf32>, vector<16xi1>
          %all_reduce_population_count3A_262 = tpu.all_reduce %and3A_243 {dim = 0 : i64, kind = #tpu.reduction_kind<sum>} : vector<16xi1> -> vector<16xi32>
          %slice3A_263 = vector.extract_strided_slice %all_reduce_population_count3A_262 {offsets = [0], sizes = [1], strides = [1]} : vector<16xi32> to vector<1xi32>
          %squeeze3A_264 = vector.extract %slice3A_263[0] : i32 from vector<1xi32>
          %add3A_265 = arith.addi %add3A_250, %squeeze3A_264 : i32
          %scan3A_266 = arith.constant 1 : i32
          %scan3A_267 = arith.addi %scan3A_217, %scan3A_266 : i32
          %mul3A_268 = arith.constant 1 : i32
          %mul3A_269 = arith.muli %scan3A_267, %mul3A_268 : i32
          %add3A_270 = arith.constant 0 : i32
          %add3A_271 = arith.addi %add3A_270, %mul3A_269 : i32
          %mul3A_272 = arith.constant 16 : i32
          %mul3A_273 = arith.muli %add3A_271, %mul3A_272 : i32
          %get3A_274 = arith.index_cast %mul3A_273 : i32 to index
          %get3A_275 = tpu.vector_load %arg12[%get3A_274] {strides = array<i32>} : memref<2064xi32, #tpu.memory_space<vmem>>, vector<16xi32>,
          %add3A_276 = arith.constant 1 : i32
          %add3A_277 = arith.addi %mul3A_273, %add3A_276 : i32
          %get3A_278 = arith.index_cast %add3A_277 : i32 to index
          %get3A_279 = tpu.vector_load %arg12[%get3A_278] {strides = array<i32>} : memref<2064xi32, #tpu.memory_space<vmem>>, vector<16xi32>,
          %get3A_280 = arith.index_cast %mul3A_273 : i32 to index
          %get3A_281 = tpu.vector_load %arg15[%get3A_280] {strides = array<i32>} : memref<2048xf32, #tpu.memory_space<vmem>>, vector<16xf32>,
          %get3A_282 = arith.index_cast %mul3A_273 : i32 to index
          %get3A_283 = tpu.vector_load %arg18[%get3A_282] {strides = array<i32>} : memref<2048xf32, #tpu.memory_space<vmem>>, vector<16xf32>,
          %mul3A_284 = arith.mulf %get3A_281, %get3A_283 : vector<16xf32>
          %min3A_285 = arith.minimumf %min3A, %get3A_283 : vector<16xf32>
          %max3A_286 = arith.maximumf %max3A, %get3A_283 : vector<16xf32>
          %broadcast_in_dim3A_287 = arith.constant true
          %broadcast_in_dim3A_288 = vector.broadcast %broadcast_in_dim3A_287 : i1 to vector<16xi1>
          %masked_cumsum3A_289 = tpu.scan <sum>, %get3A_281 masked %broadcast_in_dim3A_288 : vector<16xf32>, vector<16xi1> -> vector<16xf32>
          %broadcast_in_dim3A_290 = arith.constant true
          %broadcast_in_dim3A_291 = vector.broadcast %broadcast_in_dim3A_290 : i1 to vector<16xi1>
          %masked_cumsum3A_292 = tpu.scan <sum>, %mul3A_284 masked %broadcast_in_dim3A_291 : vector<16xf32>, vector<16xi1> -> vector<16xf32>
          %ne3A_293 = arith.cmpi ne, %get3A_275, %get3A_279 : vector<16xi32>
          %or3A_294 = arith.ori %ne3A_293, %eq3A_2 : vector<16xi1>
          %and3A_295 = arith.andi %ne3A_293, %not3A_3 : vector<16xi1>
          %swap3A_296 = arith.index_cast %add3A_265 : i32 to index
          %swap3A_297 = tpu.vector_load %arg21[%swap3A_296] masked %or3A_294 {strides = array<i32>} : memref<4224xi32, #tpu.memory_space<vmem>>, vector<16xi32>, vector<16xi1>
          tpu.vector_store %arg21[%swap3A_296], %get3A_275 masked %or3A_294 {strides = array<i32>} : memref<4224xi32, #tpu.memory_space<vmem>>, vector<16xi32>, vector<16xi1>
          %swap3A_298 = arith.index_cast %add3A_265 : i32 to index
          %swap3A_299 = tpu.vector_load %arg24[%swap3A_298] masked %or3A_294 {strides = array<i32>} : memref<4224xf32, #tpu.memory_space<vmem>>, vector<16xf32>, vector<16xi1>
          tpu.vector_store %arg24[%swap3A_298], %masked_cumsum3A_289 masked %or3A_294 {strides = array<i32>} : memref<4224xf32, #tpu.memory_space<vmem>>, vector<16xf32>, vector<16xi1>
          %swap3A_300 = arith.index_cast %add3A_265 : i32 to index
          %swap3A_301 = tpu.vector_load %arg27[%swap3A_300] masked %or3A_294 {strides = array<i32>} : memref<4224xf32, #tpu.memory_space<vmem>>, vector<16xf32>, vector<16xi1>
          tpu.vector_store %arg27[%swap3A_300], %masked_cumsum3A_292 masked %or3A_294 {strides = array<i32>} : memref<4224xf32, #tpu.memory_space<vmem>>, vector<16xf32>, vector<16xi1>
          %all_reduce_population_count3A_302 = tpu.all_reduce %or3A_294 {dim = 0 : i64, kind = #tpu.reduction_kind<sum>} : vector<16xi1> -> vector<16xi32>
          %slice3A_303 = vector.extract_strided_slice %all_reduce_population_count3A_302 {offsets = [0], sizes = [1], strides = [1]} : vector<16xi32> to vector<1xi32>
          %squeeze3A_304 = vector.extract %slice3A_303[0] : i32 from vector<1xi32>
          %add3A_305 = arith.addi %add3A_265, %squeeze3A_304 : i32
          %swap3A_306 = arith.index_cast %add3A_305 : i32 to index
          %swap3A_307 = tpu.vector_load %arg21[%swap3A_306] masked %and3A_295 {strides = array<i32>} : memref<4224xi32, #tpu.memory_space<vmem>>, vector<16xi32>, vector<16xi1>
          tpu.vector_store %arg21[%swap3A_306], %get3A_279 masked %and3A_295 {strides = array<i32>} : memref<4224xi32, #tpu.memory_space<vmem>>, vector<16xi32>, vector<16xi1>
          %neg3A_308 = arith.constant 0.000000e+00 : f32
          %neg3A_309 = vector.broadcast %neg3A_308 : f32 to vector<16xf32>
          %neg3A_310 = arith.subf %neg3A_309, %masked_cumsum3A_289 : vector<16xf32>
          %swap3A_311 = arith.index_cast %add3A_305 : i32 to index
          %swap3A_312 = tpu.vector_load %arg24[%swap3A_311] masked %and3A_295 {strides = array<i32>} : memref<4224xf32, #tpu.memory_space<vmem>>, vector<16xf32>, vector<16xi1>
          tpu.vector_store %arg24[%swap3A_311], %neg3A_310 masked %and3A_295 {strides = array<i32>} : memref<4224xf32, #tpu.memory_space<vmem>>, vector<16xf32>, vector<16xi1>
          %neg3A_313 = arith.constant 0.000000e+00 : f32
          %neg3A_314 = vector.broadcast %neg3A_313 : f32 to vector<16xf32>
          %neg3A_315 = arith.subf %neg3A_314, %masked_cumsum3A_292 : vector<16xf32>
          %swap3A_316 = arith.index_cast %add3A_305 : i32 to index
          %swap3A_317 = tpu.vector_load %arg27[%swap3A_316] masked %and3A_295 {strides = array<i32>} : memref<4224xf32, #tpu.memory_space<vmem>>, vector<16xf32>, vector<16xi1>
          tpu.vector_store %arg27[%swap3A_316], %neg3A_315 masked %and3A_295 {strides = array<i32>} : memref<4224xf32, #tpu.memory_space<vmem>>, vector<16xf32>, vector<16xi1>
          %all_reduce_population_count3A_318 = tpu.all_reduce %and3A_295 {dim = 0 : i64, kind = #tpu.reduction_kind<sum>} : vector<16xi1> -> vector<16xi32>
          %slice3A_319 = vector.extract_strided_slice %all_reduce_population_count3A_318 {offsets = [0], sizes = [1], strides = [1]} : vector<16xi32> to vector<1xi32>
          %squeeze3A_320 = vector.extract %slice3A_319[0] : i32 from vector<1xi32>
          %add3A_321 = arith.addi %add3A_305, %squeeze3A_320 : i32
          %scan3A_322 = arith.constant 2 : i32
          %scan3A_323 = arith.addi %scan3A_217, %scan3A_322 : i32
          %mul3A_324 = arith.constant 1 : i32
          %mul3A_325 = arith.muli %scan3A_323, %mul3A_324 : i32
          %add3A_326 = arith.constant 0 : i32
          %add3A_327 = arith.addi %add3A_326, %mul3A_325 : i32
          %mul3A_328 = arith.constant 16 : i32
          %mul3A_329 = arith.muli %add3A_327, %mul3A_328 : i32
          %get3A_330 = arith.index_cast %mul3A_329 : i32 to index
          %get3A_331 = tpu.vector_load %arg12[%get3A_330] {strides = array<i32>} : memref<2064xi32, #tpu.memory_space<vmem>>, vector<16xi32>,
          %add3A_332 = arith.constant 1 : i32
          %add3A_333 = arith.addi %mul3A_329, %add3A_332 : i32
          %get3A_334 = arith.index_cast %add3A_333 : i32 to index
          %get3A_335 = tpu.vector_load %arg12[%get3A_334] {strides = array<i32>} : memref<2064xi32, #tpu.memory_space<vmem>>, vector<16xi32>,
          %get3A_336 = arith.index_cast %mul3A_329 : i32 to index
          %get3A_337 = tpu.vector_load %arg15[%get3A_336] {strides = array<i32>} : memref<2048xf32, #tpu.memory_space<vmem>>, vector<16xf32>,
          %get3A_338 = arith.index_cast %mul3A_329 : i32 to index
          %get3A_339 = tpu.vector_load %arg18[%get3A_338] {strides = array<i32>} : memref<2048xf32, #tpu.memory_space<vmem>>, vector<16xf32>,
          %mul3A_340 = arith.mulf %get3A_337, %get3A_339 : vector<16xf32>
          %min3A_341 = arith.minimumf %min3A_285, %get3A_339 : vector<16xf32>
          %max3A_342 = arith.maximumf %max3A_286, %get3A_339 : vector<16xf32>
          %broadcast_in_dim3A_343 = arith.constant true
          %broadcast_in_dim3A_344 = vector.broadcast %broadcast_in_dim3A_343 : i1 to vector<16xi1>
          %masked_cumsum3A_345 = tpu.scan <sum>, %get3A_337 masked %broadcast_in_dim3A_344 : vector<16xf32>, vector<16xi1> -> vector<16xf32>
          %broadcast_in_dim3A_346 = arith.constant true
          %broadcast_in_dim3A_347 = vector.broadcast %broadcast_in_dim3A_346 : i1 to vector<16xi1>
          %masked_cumsum3A_348 = tpu.scan <sum>, %mul3A_340 masked %broadcast_in_dim3A_347 : vector<16xf32>, vector<16xi1> -> vector<16xf32>
          %ne3A_349 = arith.cmpi ne, %get3A_331, %get3A_335 : vector<16xi32>
          %or3A_350 = arith.ori %ne3A_349, %eq3A_2 : vector<16xi1>
          %and3A_351 = arith.andi %ne3A_349, %not3A_3 : vector<16xi1>
          %swap3A_352 = arith.index_cast %add3A_321 : i32 to index
          %swap3A_353 = tpu.vector_load %arg21[%swap3A_352] masked %or3A_350 {strides = array<i32>} : memref<4224xi32, #tpu.memory_space<vmem>>, vector<16xi32>, vector<16xi1>
          tpu.vector_store %arg21[%swap3A_352], %get3A_331 masked %or3A_350 {strides = array<i32>} : memref<4224xi32, #tpu.memory_space<vmem>>, vector<16xi32>, vector<16xi1>
          %swap3A_354 = arith.index_cast %add3A_321 : i32 to index
          %swap3A_355 = tpu.vector_load %arg24[%swap3A_354] masked %or3A_350 {strides = array<i32>} : memref<4224xf32, #tpu.memory_space<vmem>>, vector<16xf32>, vector<16xi1>
          tpu.vector_store %arg24[%swap3A_354], %masked_cumsum3A_345 masked %or3A_350 {strides = array<i32>} : memref<4224xf32, #tpu.memory_space<vmem>>, vector<16xf32>, vector<16xi1>
          %swap3A_356 = arith.index_cast %add3A_321 : i32 to index
          %swap3A_357 = tpu.vector_load %arg27[%swap3A_356] masked %or3A_350 {strides = array<i32>} : memref<4224xf32, #tpu.memory_space<vmem>>, vector<16xf32>, vector<16xi1>
          tpu.vector_store %arg27[%swap3A_356], %masked_cumsum3A_348 masked %or3A_350 {strides = array<i32>} : memref<4224xf32, #tpu.memory_space<vmem>>, vector<16xf32>, vector<16xi1>
          %all_reduce_population_count3A_358 = tpu.all_reduce %or3A_350 {dim = 0 : i64, kind = #tpu.reduction_kind<sum>} : vector<16xi1> -> vector<16xi32>
          %slice3A_359 = vector.extract_strided_slice %all_reduce_population_count3A_358 {offsets = [0], sizes = [1], strides = [1]} : vector<16xi32> to vector<1xi32>
          %squeeze3A_360 = vector.extract %slice3A_359[0] : i32 from vector<1xi32>
          %add3A_361 = arith.addi %add3A_321, %squeeze3A_360 : i32
          %swap3A_362 = arith.index_cast %add3A_361 : i32 to index
          %swap3A_363 = tpu.vector_load %arg21[%swap3A_362] masked %and3A_351 {strides = array<i32>} : memref<4224xi32, #tpu.memory_space<vmem>>, vector<16xi32>, vector<16xi1>
          tpu.vector_store %arg21[%swap3A_362], %get3A_335 masked %and3A_351 {strides = array<i32>} : memref<4224xi32, #tpu.memory_space<vmem>>, vector<16xi32>, vector<16xi1>
          %neg3A_364 = arith.constant 0.000000e+00 : f32
          %neg3A_365 = vector.broadcast %neg3A_364 : f32 to vector<16xf32>
          %neg3A_366 = arith.subf %neg3A_365, %masked_cumsum3A_345 : vector<16xf32>
          %swap3A_367 = arith.index_cast %add3A_361 : i32 to index
          %swap3A_368 = tpu.vector_load %arg24[%swap3A_367] masked %and3A_351 {strides = array<i32>} : memref<4224xf32, #tpu.memory_space<vmem>>, vector<16xf32>, vector<16xi1>
          tpu.vector_store %arg24[%swap3A_367], %neg3A_366 masked %and3A_351 {strides = array<i32>} : memref<4224xf32, #tpu.memory_space<vmem>>, vector<16xf32>, vector<16xi1>
          %neg3A_369 = arith.constant 0.000000e+00 : f32
          %neg3A_370 = vector.broadcast %neg3A_369 : f32 to vector<16xf32>
          %neg3A_371 = arith.subf %neg3A_370, %masked_cumsum3A_348 : vector<16xf32>
          %swap3A_372 = arith.index_cast %add3A_361 : i32 to index
          %swap3A_373 = tpu.vector_load %arg27[%swap3A_372] masked %and3A_351 {strides = array<i32>} : memref<4224xf32, #tpu.memory_space<vmem>>, vector<16xf32>, vector<16xi1>
          tpu.vector_store %arg27[%swap3A_372], %neg3A_371 masked %and3A_351 {strides = array<i32>} : memref<4224xf32, #tpu.memory_space<vmem>>, vector<16xf32>, vector<16xi1>
          %all_reduce_population_count3A_374 = tpu.all_reduce %and3A_351 {dim = 0 : i64, kind = #tpu.reduction_kind<sum>} : vector<16xi1> -> vector<16xi32>
          %slice3A_375 = vector.extract_strided_slice %all_reduce_population_count3A_374 {offsets = [0], sizes = [1], strides = [1]} : vector<16xi32> to vector<1xi32>
          %squeeze3A_376 = vector.extract %slice3A_375[0] : i32 from vector<1xi32>
          %add3A_377 = arith.addi %add3A_361, %squeeze3A_376 : i32
          %scan3A_378 = arith.constant 3 : i32
          %scan3A_379 = arith.addi %scan3A_217, %scan3A_378 : i32
          %mul3A_380 = arith.constant 1 : i32
          %mul3A_381 = arith.muli %scan3A_379, %mul3A_380 : i32
          %add3A_382 = arith.constant 0 : i32
          %add3A_383 = arith.addi %add3A_382, %mul3A_381 : i32
          %mul3A_384 = arith.constant 16 : i32
          %mul3A_385 = arith.muli %add3A_383, %mul3A_384 : i32
          %get3A_386 = arith.index_cast %mul3A_385 : i32 to index
          %get3A_387 = tpu.vector_load %arg12[%get3A_386] {strides = array<i32>} : memref<2064xi32, #tpu.memory_space<vmem>>, vector<16xi32>,
          %add3A_388 = arith.constant 1 : i32
          %add3A_389 = arith.addi %mul3A_385, %add3A_388 : i32
          %get3A_390 = arith.index_cast %add3A_389 : i32 to index
          %get3A_391 = tpu.vector_load %arg12[%get3A_390] {strides = array<i32>} : memref<2064xi32, #tpu.memory_space<vmem>>, vector<16xi32>,
          %get3A_392 = arith.index_cast %mul3A_385 : i32 to index
          %get3A_393 = tpu.vector_load %arg15[%get3A_392] {strides = array<i32>} : memref<2048xf32, #tpu.memory_space<vmem>>, vector<16xf32>,
          %get3A_394 = arith.index_cast %mul3A_385 : i32 to index
          %get3A_395 = tpu.vector_load %arg18[%get3A_394] {strides = array<i32>} : memref<2048xf32, #tpu.memory_space<vmem>>, vector<16xf32>,
          %mul3A_396 = arith.mulf %get3A_393, %get3A_395 : vector<16xf32>
          %min3A_397 = arith.minimumf %min3A_341, %get3A_395 : vector<16xf32>
          %max3A_398 = arith.maximumf %max3A_342, %get3A_395 : vector<16xf32>
          %broadcast_in_dim3A_399 = arith.constant true
          %broadcast_in_dim3A_400 = vector.broadcast %broadcast_in_dim3A_399 : i1 to vector<16xi1>
          %masked_cumsum3A_401 = tpu.scan <sum>, %get3A_393 masked %broadcast_in_dim3A_400 : vector<16xf32>, vector<16xi1> -> vector<16xf32>
          %broadcast_in_dim3A_402 = arith.constant true
          %broadcast_in_dim3A_403 = vector.broadcast %broadcast_in_dim3A_402 : i1 to vector<16xi1>
          %masked_cumsum3A_404 = tpu.scan <sum>, %mul3A_396 masked %broadcast_in_dim3A_403 : vector<16xf32>, vector<16xi1> -> vector<16xf32>
          %ne3A_405 = arith.cmpi ne, %get3A_387, %get3A_391 : vector<16xi32>
          %or3A_406 = arith.ori %ne3A_405, %eq3A_2 : vector<16xi1>
          %and3A_407 = arith.andi %ne3A_405, %not3A_3 : vector<16xi1>
          %swap3A_408 = arith.index_cast %add3A_377 : i32 to index
          %swap3A_409 = tpu.vector_load %arg21[%swap3A_408] masked %or3A_406 {strides = array<i32>} : memref<4224xi32, #tpu.memory_space<vmem>>, vector<16xi32>, vector<16xi1>
          tpu.vector_store %arg21[%swap3A_408], %get3A_387 masked %or3A_406 {strides = array<i32>} : memref<4224xi32, #tpu.memory_space<vmem>>, vector<16xi32>, vector<16xi1>
          %swap3A_410 = arith.index_cast %add3A_377 : i32 to index
          %swap3A_411 = tpu.vector_load %arg24[%swap3A_410] masked %or3A_406 {strides = array<i32>} : memref<4224xf32, #tpu.memory_space<vmem>>, vector<16xf32>, vector<16xi1>
          tpu.vector_store %arg24[%swap3A_410], %masked_cumsum3A_401 masked %or3A_406 {strides = array<i32>} : memref<4224xf32, #tpu.memory_space<vmem>>, vector<16xf32>, vector<16xi1>
          %swap3A_412 = arith.index_cast %add3A_377 : i32 to index
          %swap3A_413 = tpu.vector_load %arg27[%swap3A_412] masked %or3A_406 {strides = array<i32>} : memref<4224xf32, #tpu.memory_space<vmem>>, vector<16xf32>, vector<16xi1>
          tpu.vector_store %arg27[%swap3A_412], %masked_cumsum3A_404 masked %or3A_406 {strides = array<i32>} : memref<4224xf32, #tpu.memory_space<vmem>>, vector<16xf32>, vector<16xi1>
          %all_reduce_population_count3A_414 = tpu.all_reduce %or3A_406 {dim = 0 : i64, kind = #tpu.reduction_kind<sum>} : vector<16xi1> -> vector<16xi32>
          %slice3A_415 = vector.extract_strided_slice %all_reduce_population_count3A_414 {offsets = [0], sizes = [1], strides = [1]} : vector<16xi32> to vector<1xi32>
          %squeeze3A_416 = vector.extract %slice3A_415[0] : i32 from vector<1xi32>
          %add3A_417 = arith.addi %add3A_377, %squeeze3A_416 : i32
          %swap3A_418 = arith.index_cast %add3A_417 : i32 to index
          %swap3A_419 = tpu.vector_load %arg21[%swap3A_418] masked %and3A_407 {strides = array<i32>} : memref<4224xi32, #tpu.memory_space<vmem>>, vector<16xi32>, vector<16xi1>
          tpu.vector_store %arg21[%swap3A_418], %get3A_391 masked %and3A_407 {strides = array<i32>} : memref<4224xi32, #tpu.memory_space<vmem>>, vector<16xi32>, vector<16xi1>
          %neg3A_420 = arith.constant 0.000000e+00 : f32
          %neg3A_421 = vector.broadcast %neg3A_420 : f32 to vector<16xf32>
          %neg3A_422 = arith.subf %neg3A_421, %masked_cumsum3A_401 : vector<16xf32>
          %swap3A_423 = arith.index_cast %add3A_417 : i32 to index
          %swap3A_424 = tpu.vector_load %arg24[%swap3A_423] masked %and3A_407 {strides = array<i32>} : memref<4224xf32, #tpu.memory_space<vmem>>, vector<16xf32>, vector<16xi1>
          tpu.vector_store %arg24[%swap3A_423], %neg3A_422 masked %and3A_407 {strides = array<i32>} : memref<4224xf32, #tpu.memory_space<vmem>>, vector<16xf32>, vector<16xi1>
          %neg3A_425 = arith.constant 0.000000e+00 : f32
          %neg3A_426 = vector.broadcast %neg3A_425 : f32 to vector<16xf32>
          %neg3A_427 = arith.subf %neg3A_426, %masked_cumsum3A_404 : vector<16xf32>
          %swap3A_428 = arith.index_cast %add3A_417 : i32 to index
          %swap3A_429 = tpu.vector_load %arg27[%swap3A_428] masked %and3A_407 {strides = array<i32>} : memref<4224xf32, #tpu.memory_space<vmem>>, vector<16xf32>, vector<16xi1>
          tpu.vector_store %arg27[%swap3A_428], %neg3A_427 masked %and3A_407 {strides = array<i32>} : memref<4224xf32, #tpu.memory_space<vmem>>, vector<16xf32>, vector<16xi1>
          %all_reduce_population_count3A_430 = tpu.all_reduce %and3A_407 {dim = 0 : i64, kind = #tpu.reduction_kind<sum>} : vector<16xi1> -> vector<16xi32>
          %slice3A_431 = vector.extract_strided_slice %all_reduce_population_count3A_430 {offsets = [0], sizes = [1], strides = [1]} : vector<16xi32> to vector<1xi32>
          %squeeze3A_432 = vector.extract %slice3A_431[0] : i32 from vector<1xi32>
          %add3A_433 = arith.addi %add3A_417, %squeeze3A_432 : i32
          %scan3A_434 = arith.constant 4 : i32
          %scan3A_435 = arith.addi %scan3A_217, %scan3A_434 : i32
          %mul3A_436 = arith.constant 1 : i32
          %mul3A_437 = arith.muli %scan3A_435, %mul3A_436 : i32
          %add3A_438 = arith.constant 0 : i32
          %add3A_439 = arith.addi %add3A_438, %mul3A_437 : i32
          %mul3A_440 = arith.constant 16 : i32
          %mul3A_441 = arith.muli %add3A_439, %mul3A_440 : i32
          %get3A_442 = arith.index_cast %mul3A_441 : i32 to index
          %get3A_443 = tpu.vector_load %arg12[%get3A_442] {strides = array<i32>} : memref<2064xi32, #tpu.memory_space<vmem>>, vector<16xi32>,
          %add3A_444 = arith.constant 1 : i32
          %add3A_445 = arith.addi %mul3A_441, %add3A_444 : i32
          %get3A_446 = arith.index_cast %add3A_445 : i32 to index
          %get3A_447 = tpu.vector_load %arg12[%get3A_446] {strides = array<i32>} : memref<2064xi32, #tpu.memory_space<vmem>>, vector<16xi32>,
          %get3A_448 = arith.index_cast %mul3A_441 : i32 to index
          %get3A_449 = tpu.vector_load %arg15[%get3A_448] {strides = array<i32>} : memref<2048xf32, #tpu.memory_space<vmem>>, vector<16xf32>,
          %get3A_450 = arith.index_cast %mul3A_441 : i32 to index
          %get3A_451 = tpu.vector_load %arg18[%get3A_450] {strides = array<i32>} : memref<2048xf32, #tpu.memory_space<vmem>>, vector<16xf32>,
          %mul3A_452 = arith.mulf %get3A_449, %get3A_451 : vector<16xf32>
          %min3A_453 = arith.minimumf %min3A_397, %get3A_451 : vector<16xf32>
          %max3A_454 = arith.maximumf %max3A_398, %get3A_451 : vector<16xf32>
          %broadcast_in_dim3A_455 = arith.constant true
          %broadcast_in_dim3A_456 = vector.broadcast %broadcast_in_dim3A_455 : i1 to vector<16xi1>
          %masked_cumsum3A_457 = tpu.scan <sum>, %get3A_449 masked %broadcast_in_dim3A_456 : vector<16xf32>, vector<16xi1> -> vector<16xf32>
          %broadcast_in_dim3A_458 = arith.constant true
          %broadcast_in_dim3A_459 = vector.broadcast %broadcast_in_dim3A_458 : i1 to vector<16xi1>
          %masked_cumsum3A_460 = tpu.scan <sum>, %mul3A_452 masked %broadcast_in_dim3A_459 : vector<16xf32>, vector<16xi1> -> vector<16xf32>
          %ne3A_461 = arith.cmpi ne, %get3A_443, %get3A_447 : vector<16xi32>
          %or3A_462 = arith.ori %ne3A_461, %eq3A_2 : vector<16xi1>
          %and3A_463 = arith.andi %ne3A_461, %not3A_3 : vector<16xi1>
          %swap3A_464 = arith.index_cast %add3A_433 : i32 to index
          %swap3A_465 = tpu.vector_load %arg21[%swap3A_464] masked %or3A_462 {strides = array<i32>} : memref<4224xi32, #tpu.memory_space<vmem>>, vector<16xi32>, vector<16xi1>
          tpu.vector_store %arg21[%swap3A_464], %get3A_443 masked %or3A_462 {strides = array<i32>} : memref<4224xi32, #tpu.memory_space<vmem>>, vector<16xi32>, vector<16xi1>
          %swap3A_466 = arith.index_cast %add3A_433 : i32 to index
          %swap3A_467 = tpu.vector_load %arg24[%swap3A_466] masked %or3A_462 {strides = array<i32>} : memref<4224xf32, #tpu.memory_space<vmem>>, vector<16xf32>, vector<16xi1>
          tpu.vector_store %arg24[%swap3A_466], %masked_cumsum3A_457 masked %or3A_462 {strides = array<i32>} : memref<4224xf32, #tpu.memory_space<vmem>>, vector<16xf32>, vector<16xi1>
          %swap3A_468 = arith.index_cast %add3A_433 : i32 to index
          %swap3A_469 = tpu.vector_load %arg27[%swap3A_468] masked %or3A_462 {strides = array<i32>} : memref<4224xf32, #tpu.memory_space<vmem>>, vector<16xf32>, vector<16xi1>
          tpu.vector_store %arg27[%swap3A_468], %masked_cumsum3A_460 masked %or3A_462 {strides = array<i32>} : memref<4224xf32, #tpu.memory_space<vmem>>, vector<16xf32>, vector<16xi1>
          %all_reduce_population_count3A_470 = tpu.all_reduce %or3A_462 {dim = 0 : i64, kind = #tpu.reduction_kind<sum>} : vector<16xi1> -> vector<16xi32>
          %slice3A_471 = vector.extract_strided_slice %all_reduce_population_count3A_470 {offsets = [0], sizes = [1], strides = [1]} : vector<16xi32> to vector<1xi32>
          %squeeze3A_472 = vector.extract %slice3A_471[0] : i32 from vector<1xi32>
          %add3A_473 = arith.addi %add3A_433, %squeeze3A_472 : i32
          %swap3A_474 = arith.index_cast %add3A_473 : i32 to index
          %swap3A_475 = tpu.vector_load %arg21[%swap3A_474] masked %and3A_463 {strides = array<i32>} : memref<4224xi32, #tpu.memory_space<vmem>>, vector<16xi32>, vector<16xi1>
          tpu.vector_store %arg21[%swap3A_474], %get3A_447 masked %and3A_463 {strides = array<i32>} : memref<4224xi32, #tpu.memory_space<vmem>>, vector<16xi32>, vector<16xi1>
          %neg3A_476 = arith.constant 0.000000e+00 : f32
          %neg3A_477 = vector.broadcast %neg3A_476 : f32 to vector<16xf32>
          %neg3A_478 = arith.subf %neg3A_477, %masked_cumsum3A_457 : vector<16xf32>
          %swap3A_479 = arith.index_cast %add3A_473 : i32 to index
          %swap3A_480 = tpu.vector_load %arg24[%swap3A_479] masked %and3A_463 {strides = array<i32>} : memref<4224xf32, #tpu.memory_space<vmem>>, vector<16xf32>, vector<16xi1>
          tpu.vector_store %arg24[%swap3A_479], %neg3A_478 masked %and3A_463 {strides = array<i32>} : memref<4224xf32, #tpu.memory_space<vmem>>, vector<16xf32>, vector<16xi1>
          %neg3A_481 = arith.constant 0.000000e+00 : f32
          %neg3A_482 = vector.broadcast %neg3A_481 : f32 to vector<16xf32>
          %neg3A_483 = arith.subf %neg3A_482, %masked_cumsum3A_460 : vector<16xf32>
          %swap3A_484 = arith.index_cast %add3A_473 : i32 to index
          %swap3A_485 = tpu.vector_load %arg27[%swap3A_484] masked %and3A_463 {strides = array<i32>} : memref<4224xf32, #tpu.memory_space<vmem>>, vector<16xf32>, vector<16xi1>
          tpu.vector_store %arg27[%swap3A_484], %neg3A_483 masked %and3A_463 {strides = array<i32>} : memref<4224xf32, #tpu.memory_space<vmem>>, vector<16xf32>, vector<16xi1>
          %all_reduce_population_count3A_486 = tpu.all_reduce %and3A_463 {dim = 0 : i64, kind = #tpu.reduction_kind<sum>} : vector<16xi1> -> vector<16xi32>
          %slice3A_487 = vector.extract_strided_slice %all_reduce_population_count3A_486 {offsets = [0], sizes = [1], strides = [1]} : vector<16xi32> to vector<1xi32>
          %squeeze3A_488 = vector.extract %slice3A_487[0] : i32 from vector<1xi32>
          %add3A_489 = arith.addi %add3A_473, %squeeze3A_488 : i32
          %scan3A_490 = arith.constant 5 : i32
          %scan3A_491 = arith.addi %scan3A_217, %scan3A_490 : i32
          %mul3A_492 = arith.constant 1 : i32
          %mul3A_493 = arith.muli %scan3A_491, %mul3A_492 : i32
          %add3A_494 = arith.constant 0 : i32
          %add3A_495 = arith.addi %add3A_494, %mul3A_493 : i32
          %mul3A_496 = arith.constant 16 : i32
          %mul3A_497 = arith.muli %add3A_495, %mul3A_496 : i32
          %get3A_498 = arith.index_cast %mul3A_497 : i32 to index
          %get3A_499 = tpu.vector_load %arg12[%get3A_498] {strides = array<i32>} : memref<2064xi32, #tpu.memory_space<vmem>>, vector<16xi32>,
          %add3A_500 = arith.constant 1 : i32
          %add3A_501 = arith.addi %mul3A_497, %add3A_500 : i32
          %get3A_502 = arith.index_cast %add3A_501 : i32 to index
          %get3A_503 = tpu.vector_load %arg12[%get3A_502] {strides = array<i32>} : memref<2064xi32, #tpu.memory_space<vmem>>, vector<16xi32>,
          %get3A_504 = arith.index_cast %mul3A_497 : i32 to index
          %get3A_505 = tpu.vector_load %arg15[%get3A_504] {strides = array<i32>} : memref<2048xf32, #tpu.memory_space<vmem>>, vector<16xf32>,
          %get3A_506 = arith.index_cast %mul3A_497 : i32 to index
          %get3A_507 = tpu.vector_load %arg18[%get3A_506] {strides = array<i32>} : memref<2048xf32, #tpu.memory_space<vmem>>, vector<16xf32>,
          %mul3A_508 = arith.mulf %get3A_505, %get3A_507 : vector<16xf32>
          %min3A_509 = arith.minimumf %min3A_453, %get3A_507 : vector<16xf32>
          %max3A_510 = arith.maximumf %max3A_454, %get3A_507 : vector<16xf32>
          %broadcast_in_dim3A_511 = arith.constant true
          %broadcast_in_dim3A_512 = vector.broadcast %broadcast_in_dim3A_511 : i1 to vector<16xi1>
          %masked_cumsum3A_513 = tpu.scan <sum>, %get3A_505 masked %broadcast_in_dim3A_512 : vector<16xf32>, vector<16xi1> -> vector<16xf32>
          %broadcast_in_dim3A_514 = arith.constant true
          %broadcast_in_dim3A_515 = vector.broadcast %broadcast_in_dim3A_514 : i1 to vector<16xi1>
          %masked_cumsum3A_516 = tpu.scan <sum>, %mul3A_508 masked %broadcast_in_dim3A_515 : vector<16xf32>, vector<16xi1> -> vector<16xf32>
          %ne3A_517 = arith.cmpi ne, %get3A_499, %get3A_503 : vector<16xi32>
          %or3A_518 = arith.ori %ne3A_517, %eq3A_2 : vector<16xi1>
          %and3A_519 = arith.andi %ne3A_517, %not3A_3 : vector<16xi1>
          %swap3A_520 = arith.index_cast %add3A_489 : i32 to index
          %swap3A_521 = tpu.vector_load %arg21[%swap3A_520] masked %or3A_518 {strides = array<i32>} : memref<4224xi32, #tpu.memory_space<vmem>>, vector<16xi32>, vector<16xi1>
          tpu.vector_store %arg21[%swap3A_520], %get3A_499 masked %or3A_518 {strides = array<i32>} : memref<4224xi32, #tpu.memory_space<vmem>>, vector<16xi32>, vector<16xi1>
          %swap3A_522 = arith.index_cast %add3A_489 : i32 to index
          %swap3A_523 = tpu.vector_load %arg24[%swap3A_522] masked %or3A_518 {strides = array<i32>} : memref<4224xf32, #tpu.memory_space<vmem>>, vector<16xf32>, vector<16xi1>
          tpu.vector_store %arg24[%swap3A_522], %masked_cumsum3A_513 masked %or3A_518 {strides = array<i32>} : memref<4224xf32, #tpu.memory_space<vmem>>, vector<16xf32>, vector<16xi1>
          %swap3A_524 = arith.index_cast %add3A_489 : i32 to index
          %swap3A_525 = tpu.vector_load %arg27[%swap3A_524] masked %or3A_518 {strides = array<i32>} : memref<4224xf32, #tpu.memory_space<vmem>>, vector<16xf32>, vector<16xi1>
          tpu.vector_store %arg27[%swap3A_524], %masked_cumsum3A_516 masked %or3A_518 {strides = array<i32>} : memref<4224xf32, #tpu.memory_space<vmem>>, vector<16xf32>, vector<16xi1>
          %all_reduce_population_count3A_526 = tpu.all_reduce %or3A_518 {dim = 0 : i64, kind = #tpu.reduction_kind<sum>} : vector<16xi1> -> vector<16xi32>
          %slice3A_527 = vector.extract_strided_slice %all_reduce_population_count3A_526 {offsets = [0], sizes = [1], strides = [1]} : vector<16xi32> to vector<1xi32>
          %squeeze3A_528 = vector.extract %slice3A_527[0] : i32 from vector<1xi32>
          %add3A_529 = arith.addi %add3A_489, %squeeze3A_528 : i32
          %swap3A_530 = arith.index_cast %add3A_529 : i32 to index
          %swap3A_531 = tpu.vector_load %arg21[%swap3A_530] masked %and3A_519 {strides = array<i32>} : memref<4224xi32, #tpu.memory_space<vmem>>, vector<16xi32>, vector<16xi1>
          tpu.vector_store %arg21[%swap3A_530], %get3A_503 masked %and3A_519 {strides = array<i32>} : memref<4224xi32, #tpu.memory_space<vmem>>, vector<16xi32>, vector<16xi1>
          %neg3A_532 = arith.constant 0.000000e+00 : f32
          %neg3A_533 = vector.broadcast %neg3A_532 : f32 to vector<16xf32>
          %neg3A_534 = arith.subf %neg3A_533, %masked_cumsum3A_513 : vector<16xf32>
          %swap3A_535 = arith.index_cast %add3A_529 : i32 to index
          %swap3A_536 = tpu.vector_load %arg24[%swap3A_535] masked %and3A_519 {strides = array<i32>} : memref<4224xf32, #tpu.memory_space<vmem>>, vector<16xf32>, vector<16xi1>
          tpu.vector_store %arg24[%swap3A_535], %neg3A_534 masked %and3A_519 {strides = array<i32>} : memref<4224xf32, #tpu.memory_space<vmem>>, vector<16xf32>, vector<16xi1>
          %neg3A_537 = arith.constant 0.000000e+00 : f32
          %neg3A_538 = vector.broadcast %neg3A_537 : f32 to vector<16xf32>
          %neg3A_539 = arith.subf %neg3A_538, %masked_cumsum3A_516 : vector<16xf32>
          %swap3A_540 = arith.index_cast %add3A_529 : i32 to index
          %swap3A_541 = tpu.vector_load %arg27[%swap3A_540] masked %and3A_519 {strides = array<i32>} : memref<4224xf32, #tpu.memory_space<vmem>>, vector<16xf32>, vector<16xi1>
          tpu.vector_store %arg27[%swap3A_540], %neg3A_539 masked %and3A_519 {strides = array<i32>} : memref<4224xf32, #tpu.memory_space<vmem>>, vector<16xf32>, vector<16xi1>
          %all_reduce_population_count3A_542 = tpu.all_reduce %and3A_519 {dim = 0 : i64, kind = #tpu.reduction_kind<sum>} : vector<16xi1> -> vector<16xi32>
          %slice3A_543 = vector.extract_strided_slice %all_reduce_population_count3A_542 {offsets = [0], sizes = [1], strides = [1]} : vector<16xi32> to vector<1xi32>
          %squeeze3A_544 = vector.extract %slice3A_543[0] : i32 from vector<1xi32>
          %add3A_545 = arith.addi %add3A_529, %squeeze3A_544 : i32
          %scan3A_546 = arith.constant 6 : i32
          %scan3A_547 = arith.addi %scan3A_217, %scan3A_546 : i32
          %mul3A_548 = arith.constant 1 : i32
          %mul3A_549 = arith.muli %scan3A_547, %mul3A_548 : i32
          %add3A_550 = arith.constant 0 : i32
          %add3A_551 = arith.addi %add3A_550, %mul3A_549 : i32
          %mul3A_552 = arith.constant 16 : i32
          %mul3A_553 = arith.muli %add3A_551, %mul3A_552 : i32
          %get3A_554 = arith.index_cast %mul3A_553 : i32 to index
          %get3A_555 = tpu.vector_load %arg12[%get3A_554] {strides = array<i32>} : memref<2064xi32, #tpu.memory_space<vmem>>, vector<16xi32>,
          %add3A_556 = arith.constant 1 : i32
          %add3A_557 = arith.addi %mul3A_553, %add3A_556 : i32
          %get3A_558 = arith.index_cast %add3A_557 : i32 to index
          %get3A_559 = tpu.vector_load %arg12[%get3A_558] {strides = array<i32>} : memref<2064xi32, #tpu.memory_space<vmem>>, vector<16xi32>,
          %get3A_560 = arith.index_cast %mul3A_553 : i32 to index
          %get3A_561 = tpu.vector_load %arg15[%get3A_560] {strides = array<i32>} : memref<2048xf32, #tpu.memory_space<vmem>>, vector<16xf32>,
          %get3A_562 = arith.index_cast %mul3A_553 : i32 to index
          %get3A_563 = tpu.vector_load %arg18[%get3A_562] {strides = array<i32>} : memref<2048xf32, #tpu.memory_space<vmem>>, vector<16xf32>,
          %mul3A_564 = arith.mulf %get3A_561, %get3A_563 : vector<16xf32>
          %min3A_565 = arith.minimumf %min3A_509, %get3A_563 : vector<16xf32>
          %max3A_566 = arith.maximumf %max3A_510, %get3A_563 : vector<16xf32>
          %broadcast_in_dim3A_567 = arith.constant true
          %broadcast_in_dim3A_568 = vector.broadcast %broadcast_in_dim3A_567 : i1 to vector<16xi1>
          %masked_cumsum3A_569 = tpu.scan <sum>, %get3A_561 masked %broadcast_in_dim3A_568 : vector<16xf32>, vector<16xi1> -> vector<16xf32>
          %broadcast_in_dim3A_570 = arith.constant true
          %broadcast_in_dim3A_571 = vector.broadcast %broadcast_in_dim3A_570 : i1 to vector<16xi1>
          %masked_cumsum3A_572 = tpu.scan <sum>, %mul3A_564 masked %broadcast_in_dim3A_571 : vector<16xf32>, vector<16xi1> -> vector<16xf32>
          %ne3A_573 = arith.cmpi ne, %get3A_555, %get3A_559 : vector<16xi32>
          %or3A_574 = arith.ori %ne3A_573, %eq3A_2 : vector<16xi1>
          %and3A_575 = arith.andi %ne3A_573, %not3A_3 : vector<16xi1>
          %swap3A_576 = arith.index_cast %add3A_545 : i32 to index
          %swap3A_577 = tpu.vector_load %arg21[%swap3A_576] masked %or3A_574 {strides = array<i32>} : memref<4224xi32, #tpu.memory_space<vmem>>, vector<16xi32>, vector<16xi1>
          tpu.vector_store %arg21[%swap3A_576], %get3A_555 masked %or3A_574 {strides = array<i32>} : memref<4224xi32, #tpu.memory_space<vmem>>, vector<16xi32>, vector<16xi1>
          %swap3A_578 = arith.index_cast %add3A_545 : i32 to index
          %swap3A_579 = tpu.vector_load %arg24[%swap3A_578] masked %or3A_574 {strides = array<i32>} : memref<4224xf32, #tpu.memory_space<vmem>>, vector<16xf32>, vector<16xi1>
          tpu.vector_store %arg24[%swap3A_578], %masked_cumsum3A_569 masked %or3A_574 {strides = array<i32>} : memref<4224xf32, #tpu.memory_space<vmem>>, vector<16xf32>, vector<16xi1>
          %swap3A_580 = arith.index_cast %add3A_545 : i32 to index
          %swap3A_581 = tpu.vector_load %arg27[%swap3A_580] masked %or3A_574 {strides = array<i32>} : memref<4224xf32, #tpu.memory_space<vmem>>, vector<16xf32>, vector<16xi1>
          tpu.vector_store %arg27[%swap3A_580], %masked_cumsum3A_572 masked %or3A_574 {strides = array<i32>} : memref<4224xf32, #tpu.memory_space<vmem>>, vector<16xf32>, vector<16xi1>
          %all_reduce_population_count3A_582 = tpu.all_reduce %or3A_574 {dim = 0 : i64, kind = #tpu.reduction_kind<sum>} : vector<16xi1> -> vector<16xi32>
          %slice3A_583 = vector.extract_strided_slice %all_reduce_population_count3A_582 {offsets = [0], sizes = [1], strides = [1]} : vector<16xi32> to vector<1xi32>
          %squeeze3A_584 = vector.extract %slice3A_583[0] : i32 from vector<1xi32>
          %add3A_585 = arith.addi %add3A_545, %squeeze3A_584 : i32
          %swap3A_586 = arith.index_cast %add3A_585 : i32 to index
          %swap3A_587 = tpu.vector_load %arg21[%swap3A_586] masked %and3A_575 {strides = array<i32>} : memref<4224xi32, #tpu.memory_space<vmem>>, vector<16xi32>, vector<16xi1>
          tpu.vector_store %arg21[%swap3A_586], %get3A_559 masked %and3A_575 {strides = array<i32>} : memref<4224xi32, #tpu.memory_space<vmem>>, vector<16xi32>, vector<16xi1>
          %neg3A_588 = arith.constant 0.000000e+00 : f32
          %neg3A_589 = vector.broadcast %neg3A_588 : f32 to vector<16xf32>
          %neg3A_590 = arith.subf %neg3A_589, %masked_cumsum3A_569 : vector<16xf32>
          %swap3A_591 = arith.index_cast %add3A_585 : i32 to index
          %swap3A_592 = tpu.vector_load %arg24[%swap3A_591] masked %and3A_575 {strides = array<i32>} : memref<4224xf32, #tpu.memory_space<vmem>>, vector<16xf32>, vector<16xi1>
          tpu.vector_store %arg24[%swap3A_591], %neg3A_590 masked %and3A_575 {strides = array<i32>} : memref<4224xf32, #tpu.memory_space<vmem>>, vector<16xf32>, vector<16xi1>
          %neg3A_593 = arith.constant 0.000000e+00 : f32
          %neg3A_594 = vector.broadcast %neg3A_593 : f32 to vector<16xf32>
          %neg3A_595 = arith.subf %neg3A_594, %masked_cumsum3A_572 : vector<16xf32>
          %swap3A_596 = arith.index_cast %add3A_585 : i32 to index
          %swap3A_597 = tpu.vector_load %arg27[%swap3A_596] masked %and3A_575 {strides = array<i32>} : memref<4224xf32, #tpu.memory_space<vmem>>, vector<16xf32>, vector<16xi1>
          tpu.vector_store %arg27[%swap3A_596], %neg3A_595 masked %and3A_575 {strides = array<i32>} : memref<4224xf32, #tpu.memory_space<vmem>>, vector<16xf32>, vector<16xi1>
          %all_reduce_population_count3A_598 = tpu.all_reduce %and3A_575 {dim = 0 : i64, kind = #tpu.reduction_kind<sum>} : vector<16xi1> -> vector<16xi32>
          %slice3A_599 = vector.extract_strided_slice %all_reduce_population_count3A_598 {offsets = [0], sizes = [1], strides = [1]} : vector<16xi32> to vector<1xi32>
          %squeeze3A_600 = vector.extract %slice3A_599[0] : i32 from vector<1xi32>
          %add3A_601 = arith.addi %add3A_585, %squeeze3A_600 : i32
          %scan3A_602 = arith.constant 7 : i32
          %scan3A_603 = arith.addi %scan3A_217, %scan3A_602 : i32
          %mul3A_604 = arith.constant 1 : i32
          %mul3A_605 = arith.muli %scan3A_603, %mul3A_604 : i32
          %add3A_606 = arith.constant 0 : i32
          %add3A_607 = arith.addi %add3A_606, %mul3A_605 : i32
          %mul3A_608 = arith.constant 16 : i32
          %mul3A_609 = arith.muli %add3A_607, %mul3A_608 : i32
          %get3A_610 = arith.index_cast %mul3A_609 : i32 to index
          %get3A_611 = tpu.vector_load %arg12[%get3A_610] {strides = array<i32>} : memref<2064xi32, #tpu.memory_space<vmem>>, vector<16xi32>,
          %add3A_612 = arith.constant 1 : i32
          %add3A_613 = arith.addi %mul3A_609, %add3A_612 : i32
          %get3A_614 = arith.index_cast %add3A_613 : i32 to index
          %get3A_615 = tpu.vector_load %arg12[%get3A_614] {strides = array<i32>} : memref<2064xi32, #tpu.memory_space<vmem>>, vector<16xi32>,
          %get3A_616 = arith.index_cast %mul3A_609 : i32 to index
          %get3A_617 = tpu.vector_load %arg15[%get3A_616] {strides = array<i32>} : memref<2048xf32, #tpu.memory_space<vmem>>, vector<16xf32>,
          %get3A_618 = arith.index_cast %mul3A_609 : i32 to index
          %get3A_619 = tpu.vector_load %arg18[%get3A_618] {strides = array<i32>} : memref<2048xf32, #tpu.memory_space<vmem>>, vector<16xf32>,
          %mul3A_620 = arith.mulf %get3A_617, %get3A_619 : vector<16xf32>
          %min3A_621 = arith.minimumf %min3A_565, %get3A_619 : vector<16xf32>
          %max3A_622 = arith.maximumf %max3A_566, %get3A_619 : vector<16xf32>
          %broadcast_in_dim3A_623 = arith.constant true
          %broadcast_in_dim3A_624 = vector.broadcast %broadcast_in_dim3A_623 : i1 to vector<16xi1>
          %masked_cumsum3A_625 = tpu.scan <sum>, %get3A_617 masked %broadcast_in_dim3A_624 : vector<16xf32>, vector<16xi1> -> vector<16xf32>
          %broadcast_in_dim3A_626 = arith.constant true
          %broadcast_in_dim3A_627 = vector.broadcast %broadcast_in_dim3A_626 : i1 to vector<16xi1>
          %masked_cumsum3A_628 = tpu.scan <sum>, %mul3A_620 masked %broadcast_in_dim3A_627 : vector<16xf32>, vector<16xi1> -> vector<16xf32>
          %ne3A_629 = arith.cmpi ne, %get3A_611, %get3A_615 : vector<16xi32>
          %or3A_630 = arith.ori %ne3A_629, %eq3A_2 : vector<16xi1>
          %and3A_631 = arith.andi %ne3A_629, %not3A_3 : vector<16xi1>
          %swap3A_632 = arith.index_cast %add3A_601 : i32 to index
          %swap3A_633 = tpu.vector_load %arg21[%swap3A_632] masked %or3A_630 {strides = array<i32>} : memref<4224xi32, #tpu.memory_space<vmem>>, vector<16xi32>, vector<16xi1>
          tpu.vector_store %arg21[%swap3A_632], %get3A_611 masked %or3A_630 {strides = array<i32>} : memref<4224xi32, #tpu.memory_space<vmem>>, vector<16xi32>, vector<16xi1>
          %swap3A_634 = arith.index_cast %add3A_601 : i32 to index
          %swap3A_635 = tpu.vector_load %arg24[%swap3A_634] masked %or3A_630 {strides = array<i32>} : memref<4224xf32, #tpu.memory_space<vmem>>, vector<16xf32>, vector<16xi1>
          tpu.vector_store %arg24[%swap3A_634], %masked_cumsum3A_625 masked %or3A_630 {strides = array<i32>} : memref<4224xf32, #tpu.memory_space<vmem>>, vector<16xf32>, vector<16xi1>
          %swap3A_636 = arith.index_cast %add3A_601 : i32 to index
          %swap3A_637 = tpu.vector_load %arg27[%swap3A_636] masked %or3A_630 {strides = array<i32>} : memref<4224xf32, #tpu.memory_space<vmem>>, vector<16xf32>, vector<16xi1>
          tpu.vector_store %arg27[%swap3A_636], %masked_cumsum3A_628 masked %or3A_630 {strides = array<i32>} : memref<4224xf32, #tpu.memory_space<vmem>>, vector<16xf32>, vector<16xi1>
          %all_reduce_population_count3A_638 = tpu.all_reduce %or3A_630 {dim = 0 : i64, kind = #tpu.reduction_kind<sum>} : vector<16xi1> -> vector<16xi32>
          %slice3A_639 = vector.extract_strided_slice %all_reduce_population_count3A_638 {offsets = [0], sizes = [1], strides = [1]} : vector<16xi32> to vector<1xi32>
          %squeeze3A_640 = vector.extract %slice3A_639[0] : i32 from vector<1xi32>
          %add3A_641 = arith.addi %add3A_601, %squeeze3A_640 : i32
          %swap3A_642 = arith.index_cast %add3A_641 : i32 to index
          %swap3A_643 = tpu.vector_load %arg21[%swap3A_642] masked %and3A_631 {strides = array<i32>} : memref<4224xi32, #tpu.memory_space<vmem>>, vector<16xi32>, vector<16xi1>
          tpu.vector_store %arg21[%swap3A_642], %get3A_615 masked %and3A_631 {strides = array<i32>} : memref<4224xi32, #tpu.memory_space<vmem>>, vector<16xi32>, vector<16xi1>
          %neg3A_644 = arith.constant 0.000000e+00 : f32
          %neg3A_645 = vector.broadcast %neg3A_644 : f32 to vector<16xf32>
          %neg3A_646 = arith.subf %neg3A_645, %masked_cumsum3A_625 : vector<16xf32>
          %swap3A_647 = arith.index_cast %add3A_641 : i32 to index
          %swap3A_648 = tpu.vector_load %arg24[%swap3A_647] masked %and3A_631 {strides = array<i32>} : memref<4224xf32, #tpu.memory_space<vmem>>, vector<16xf32>, vector<16xi1>
          tpu.vector_store %arg24[%swap3A_647], %neg3A_646 masked %and3A_631 {strides = array<i32>} : memref<4224xf32, #tpu.memory_space<vmem>>, vector<16xf32>, vector<16xi1>
          %neg3A_649 = arith.constant 0.000000e+00 : f32
          %neg3A_650 = vector.broadcast %neg3A_649 : f32 to vector<16xf32>
          %neg3A_651 = arith.subf %neg3A_650, %masked_cumsum3A_628 : vector<16xf32>
          %swap3A_652 = arith.index_cast %add3A_641 : i32 to index
          %swap3A_653 = tpu.vector_load %arg27[%swap3A_652] masked %and3A_631 {strides = array<i32>} : memref<4224xf32, #tpu.memory_space<vmem>>, vector<16xf32>, vector<16xi1>
          tpu.vector_store %arg27[%swap3A_652], %neg3A_651 masked %and3A_631 {strides = array<i32>} : memref<4224xf32, #tpu.memory_space<vmem>>, vector<16xf32>, vector<16xi1>
          %all_reduce_population_count3A_654 = tpu.all_reduce %and3A_631 {dim = 0 : i64, kind = #tpu.reduction_kind<sum>} : vector<16xi1> -> vector<16xi32>
          %slice3A_655 = vector.extract_strided_slice %all_reduce_population_count3A_654 {offsets = [0], sizes = [1], strides = [1]} : vector<16xi32> to vector<1xi32>
          %squeeze3A_656 = vector.extract %slice3A_655[0] : i32 from vector<1xi32>
          %add3A_657 = arith.addi %add3A_641, %squeeze3A_656 : i32
          scf.yield %add3A_657, %min3A_621, %max3A_622 : i32, vector<16xf32>, vector<16xf32>
        }
        %scan3A_140 = arith.constant 128 : i32
        %swap3A_141 = arith.constant 0 : index
        %swap3A_142 = tpu.vector_load %arg30[%swap3A_141] {strides = array<i32>} : memref<16xf32, #tpu.memory_space<vmem>>, vector<16xf32>,
        tpu.vector_store %arg30[%swap3A_141], %scan3A_139#1 {strides = array<i32>} : memref<16xf32, #tpu.memory_space<vmem>>, vector<16xf32>,
        %swap3A_143 = arith.constant 0 : index
        %swap3A_144 = tpu.vector_load %arg31[%swap3A_143] {strides = array<i32>} : memref<16xf32, #tpu.memory_space<vmem>>, vector<16xf32>,
        tpu.vector_store %arg31[%swap3A_143], %scan3A_139#2 {strides = array<i32>} : memref<16xf32, #tpu.memory_space<vmem>>, vector<16xf32>,
        %add3A_145 = arith.constant 127 : i32
        %add3A_146 = arith.addi %scan3A_139#0, %add3A_145 : i32
        %shift_right_logical3A = arith.constant 7 : i32
        %shift_right_logical3A_147 = arith.shrui %add3A_146, %shift_right_logical3A : i32
        %shift_left3A = arith.constant 7 : i32
        %shift_left3A_148 = arith.shli %shift_right_logical3A_147, %shift_left3A : i32
        %add3A_149 = arith.constant 0 : i32
        %add3A_150 = arith.addi %scan3A_139#0, %add3A_149 : i32
        %lt3A_151 = arith.cmpi slt, %add3A_150, %shift_left3A_148 : i32
        %convert_element_type3A_152 = arith.extui %lt3A_151 : i1 to i32
        %cond3A_153 = arith.constant 0 : i32
        %cond3A_154 = arith.cmpi ne, %convert_element_type3A_152, %cond3A_153 : i32
        scf.if %cond3A_154 {
          %add3A_217 = arith.constant 100000 : i32
          %add3A_218 = vector.broadcast %add3A_217 : i32 to vector<16xi32>
          %add3A_219 = arith.addi %iota3A, %add3A_218 : vector<16xi32>
          %swap3A_220 = arith.index_cast %add3A_150 : i32 to index
          %swap3A_221 = tpu.vector_load %arg21[%swap3A_220] {strides = array<i32>} : memref<4224xi32, #tpu.memory_space<vmem>>, vector<16xi32>,
          tpu.vector_store %arg21[%swap3A_220], %add3A_219 {strides = array<i32>} : memref<4224xi32, #tpu.memory_space<vmem>>, vector<16xi32>,
          %swap3A_222 = arith.index_cast %add3A_150 : i32 to index
          %swap3A_223 = tpu.vector_load %arg24[%swap3A_222] {strides = array<i32>} : memref<4224xf32, #tpu.memory_space<vmem>>, vector<16xf32>,
          tpu.vector_store %arg24[%swap3A_222], %broadcast_in_dim3A_130 {strides = array<i32>} : memref<4224xf32, #tpu.memory_space<vmem>>, vector<16xf32>,
          %swap3A_224 = arith.index_cast %add3A_150 : i32 to index
          %swap3A_225 = tpu.vector_load %arg27[%swap3A_224] {strides = array<i32>} : memref<4224xf32, #tpu.memory_space<vmem>>, vector<16xf32>,
          tpu.vector_store %arg27[%swap3A_224], %broadcast_in_dim3A_130 {strides = array<i32>} : memref<4224xf32, #tpu.memory_space<vmem>>, vector<16xf32>,
        } else {
        }
        %add3A_155 = arith.constant 16 : i32
        %add3A_156 = arith.addi %scan3A_139#0, %add3A_155 : i32
        %lt3A_157 = arith.cmpi slt, %add3A_156, %shift_left3A_148 : i32
        %convert_element_type3A_158 = arith.extui %lt3A_157 : i1 to i32
        %cond3A_159 = arith.constant 0 : i32
        %cond3A_160 = arith.cmpi ne, %convert_element_type3A_158, %cond3A_159 : i32
        scf.if %cond3A_160 {
          %add3A_217 = arith.constant 100016 : i32
          %add3A_218 = vector.broadcast %add3A_217 : i32 to vector<16xi32>
          %add3A_219 = arith.addi %iota3A, %add3A_218 : vector<16xi32>
          %swap3A_220 = arith.index_cast %add3A_156 : i32 to index
          %swap3A_221 = tpu.vector_load %arg21[%swap3A_220] {strides = array<i32>} : memref<4224xi32, #tpu.memory_space<vmem>>, vector<16xi32>,
          tpu.vector_store %arg21[%swap3A_220], %add3A_219 {strides = array<i32>} : memref<4224xi32, #tpu.memory_space<vmem>>, vector<16xi32>,
          %swap3A_222 = arith.index_cast %add3A_156 : i32 to index
          %swap3A_223 = tpu.vector_load %arg24[%swap3A_222] {strides = array<i32>} : memref<4224xf32, #tpu.memory_space<vmem>>, vector<16xf32>,
          tpu.vector_store %arg24[%swap3A_222], %broadcast_in_dim3A_130 {strides = array<i32>} : memref<4224xf32, #tpu.memory_space<vmem>>, vector<16xf32>,
          %swap3A_224 = arith.index_cast %add3A_156 : i32 to index
          %swap3A_225 = tpu.vector_load %arg27[%swap3A_224] {strides = array<i32>} : memref<4224xf32, #tpu.memory_space<vmem>>, vector<16xf32>,
          tpu.vector_store %arg27[%swap3A_224], %broadcast_in_dim3A_130 {strides = array<i32>} : memref<4224xf32, #tpu.memory_space<vmem>>, vector<16xf32>,
        } else {
        }
        %add3A_161 = arith.constant 32 : i32
        %add3A_162 = arith.addi %scan3A_139#0, %add3A_161 : i32
        %lt3A_163 = arith.cmpi slt, %add3A_162, %shift_left3A_148 : i32
        %convert_element_type3A_164 = arith.extui %lt3A_163 : i1 to i32
        %cond3A_165 = arith.constant 0 : i32
        %cond3A_166 = arith.cmpi ne, %convert_element_type3A_164, %cond3A_165 : i32
        scf.if %cond3A_166 {
          %add3A_217 = arith.constant 100032 : i32
          %add3A_218 = vector.broadcast %add3A_217 : i32 to vector<16xi32>
          %add3A_219 = arith.addi %iota3A, %add3A_218 : vector<16xi32>
          %swap3A_220 = arith.index_cast %add3A_162 : i32 to index
          %swap3A_221 = tpu.vector_load %arg21[%swap3A_220] {strides = array<i32>} : memref<4224xi32, #tpu.memory_space<vmem>>, vector<16xi32>,
          tpu.vector_store %arg21[%swap3A_220], %add3A_219 {strides = array<i32>} : memref<4224xi32, #tpu.memory_space<vmem>>, vector<16xi32>,
          %swap3A_222 = arith.index_cast %add3A_162 : i32 to index
          %swap3A_223 = tpu.vector_load %arg24[%swap3A_222] {strides = array<i32>} : memref<4224xf32, #tpu.memory_space<vmem>>, vector<16xf32>,
          tpu.vector_store %arg24[%swap3A_222], %broadcast_in_dim3A_130 {strides = array<i32>} : memref<4224xf32, #tpu.memory_space<vmem>>, vector<16xf32>,
          %swap3A_224 = arith.index_cast %add3A_162 : i32 to index
          %swap3A_225 = tpu.vector_load %arg27[%swap3A_224] {strides = array<i32>} : memref<4224xf32, #tpu.memory_space<vmem>>, vector<16xf32>,
          tpu.vector_store %arg27[%swap3A_224], %broadcast_in_dim3A_130 {strides = array<i32>} : memref<4224xf32, #tpu.memory_space<vmem>>, vector<16xf32>,
        } else {
        }
        %add3A_167 = arith.constant 48 : i32
        %add3A_168 = arith.addi %scan3A_139#0, %add3A_167 : i32
        %lt3A_169 = arith.cmpi slt, %add3A_168, %shift_left3A_148 : i32
        %convert_element_type3A_170 = arith.extui %lt3A_169 : i1 to i32
        %cond3A_171 = arith.constant 0 : i32
        %cond3A_172 = arith.cmpi ne, %convert_element_type3A_170, %cond3A_171 : i32
        scf.if %cond3A_172 {
          %add3A_217 = arith.constant 100048 : i32
          %add3A_218 = vector.broadcast %add3A_217 : i32 to vector<16xi32>
          %add3A_219 = arith.addi %iota3A, %add3A_218 : vector<16xi32>
          %swap3A_220 = arith.index_cast %add3A_168 : i32 to index
          %swap3A_221 = tpu.vector_load %arg21[%swap3A_220] {strides = array<i32>} : memref<4224xi32, #tpu.memory_space<vmem>>, vector<16xi32>,
          tpu.vector_store %arg21[%swap3A_220], %add3A_219 {strides = array<i32>} : memref<4224xi32, #tpu.memory_space<vmem>>, vector<16xi32>,
          %swap3A_222 = arith.index_cast %add3A_168 : i32 to index
          %swap3A_223 = tpu.vector_load %arg24[%swap3A_222] {strides = array<i32>} : memref<4224xf32, #tpu.memory_space<vmem>>, vector<16xf32>,
          tpu.vector_store %arg24[%swap3A_222], %broadcast_in_dim3A_130 {strides = array<i32>} : memref<4224xf32, #tpu.memory_space<vmem>>, vector<16xf32>,
          %swap3A_224 = arith.index_cast %add3A_168 : i32 to index
          %swap3A_225 = tpu.vector_load %arg27[%swap3A_224] {strides = array<i32>} : memref<4224xf32, #tpu.memory_space<vmem>>, vector<16xf32>,
          tpu.vector_store %arg27[%swap3A_224], %broadcast_in_dim3A_130 {strides = array<i32>} : memref<4224xf32, #tpu.memory_space<vmem>>, vector<16xf32>,
        } else {
        }
        %add3A_173 = arith.constant 64 : i32
        %add3A_174 = arith.addi %scan3A_139#0, %add3A_173 : i32
        %lt3A_175 = arith.cmpi slt, %add3A_174, %shift_left3A_148 : i32
        %convert_element_type3A_176 = arith.extui %lt3A_175 : i1 to i32
        %cond3A_177 = arith.constant 0 : i32
        %cond3A_178 = arith.cmpi ne, %convert_element_type3A_176, %cond3A_177 : i32
        scf.if %cond3A_178 {
          %add3A_217 = arith.constant 100064 : i32
          %add3A_218 = vector.broadcast %add3A_217 : i32 to vector<16xi32>
          %add3A_219 = arith.addi %iota3A, %add3A_218 : vector<16xi32>
          %swap3A_220 = arith.index_cast %add3A_174 : i32 to index
          %swap3A_221 = tpu.vector_load %arg21[%swap3A_220] {strides = array<i32>} : memref<4224xi32, #tpu.memory_space<vmem>>, vector<16xi32>,
          tpu.vector_store %arg21[%swap3A_220], %add3A_219 {strides = array<i32>} : memref<4224xi32, #tpu.memory_space<vmem>>, vector<16xi32>,
          %swap3A_222 = arith.index_cast %add3A_174 : i32 to index
          %swap3A_223 = tpu.vector_load %arg24[%swap3A_222] {strides = array<i32>} : memref<4224xf32, #tpu.memory_space<vmem>>, vector<16xf32>,
          tpu.vector_store %arg24[%swap3A_222], %broadcast_in_dim3A_130 {strides = array<i32>} : memref<4224xf32, #tpu.memory_space<vmem>>, vector<16xf32>,
          %swap3A_224 = arith.index_cast %add3A_174 : i32 to index
          %swap3A_225 = tpu.vector_load %arg27[%swap3A_224] {strides = array<i32>} : memref<4224xf32, #tpu.memory_space<vmem>>, vector<16xf32>,
          tpu.vector_store %arg27[%swap3A_224], %broadcast_in_dim3A_130 {strides = array<i32>} : memref<4224xf32, #tpu.memory_space<vmem>>, vector<16xf32>,
        } else {
        }
        %add3A_179 = arith.constant 80 : i32
        %add3A_180 = arith.addi %scan3A_139#0, %add3A_179 : i32
        %lt3A_181 = arith.cmpi slt, %add3A_180, %shift_left3A_148 : i32
        %convert_element_type3A_182 = arith.extui %lt3A_181 : i1 to i32
        %cond3A_183 = arith.constant 0 : i32
        %cond3A_184 = arith.cmpi ne, %convert_element_type3A_182, %cond3A_183 : i32
        scf.if %cond3A_184 {
          %add3A_217 = arith.constant 100080 : i32
          %add3A_218 = vector.broadcast %add3A_217 : i32 to vector<16xi32>
          %add3A_219 = arith.addi %iota3A, %add3A_218 : vector<16xi32>
          %swap3A_220 = arith.index_cast %add3A_180 : i32 to index
          %swap3A_221 = tpu.vector_load %arg21[%swap3A_220] {strides = array<i32>} : memref<4224xi32, #tpu.memory_space<vmem>>, vector<16xi32>,
          tpu.vector_store %arg21[%swap3A_220], %add3A_219 {strides = array<i32>} : memref<4224xi32, #tpu.memory_space<vmem>>, vector<16xi32>,
          %swap3A_222 = arith.index_cast %add3A_180 : i32 to index
          %swap3A_223 = tpu.vector_load %arg24[%swap3A_222] {strides = array<i32>} : memref<4224xf32, #tpu.memory_space<vmem>>, vector<16xf32>,
          tpu.vector_store %arg24[%swap3A_222], %broadcast_in_dim3A_130 {strides = array<i32>} : memref<4224xf32, #tpu.memory_space<vmem>>, vector<16xf32>,
          %swap3A_224 = arith.index_cast %add3A_180 : i32 to index
          %swap3A_225 = tpu.vector_load %arg27[%swap3A_224] {strides = array<i32>} : memref<4224xf32, #tpu.memory_space<vmem>>, vector<16xf32>,
          tpu.vector_store %arg27[%swap3A_224], %broadcast_in_dim3A_130 {strides = array<i32>} : memref<4224xf32, #tpu.memory_space<vmem>>, vector<16xf32>,
        } else {
        }
        %add3A_185 = arith.constant 96 : i32
        %add3A_186 = arith.addi %scan3A_139#0, %add3A_185 : i32
        %lt3A_187 = arith.cmpi slt, %add3A_186, %shift_left3A_148 : i32
        %convert_element_type3A_188 = arith.extui %lt3A_187 : i1 to i32
        %cond3A_189 = arith.constant 0 : i32
        %cond3A_190 = arith.cmpi ne, %convert_element_type3A_188, %cond3A_189 : i32
        scf.if %cond3A_190 {
          %add3A_217 = arith.constant 100096 : i32
          %add3A_218 = vector.broadcast %add3A_217 : i32 to vector<16xi32>
          %add3A_219 = arith.addi %iota3A, %add3A_218 : vector<16xi32>
          %swap3A_220 = arith.index_cast %add3A_186 : i32 to index
          %swap3A_221 = tpu.vector_load %arg21[%swap3A_220] {strides = array<i32>} : memref<4224xi32, #tpu.memory_space<vmem>>, vector<16xi32>,
          tpu.vector_store %arg21[%swap3A_220], %add3A_219 {strides = array<i32>} : memref<4224xi32, #tpu.memory_space<vmem>>, vector<16xi32>,
          %swap3A_222 = arith.index_cast %add3A_186 : i32 to index
          %swap3A_223 = tpu.vector_load %arg24[%swap3A_222] {strides = array<i32>} : memref<4224xf32, #tpu.memory_space<vmem>>, vector<16xf32>,
          tpu.vector_store %arg24[%swap3A_222], %broadcast_in_dim3A_130 {strides = array<i32>} : memref<4224xf32, #tpu.memory_space<vmem>>, vector<16xf32>,
          %swap3A_224 = arith.index_cast %add3A_186 : i32 to index
          %swap3A_225 = tpu.vector_load %arg27[%swap3A_224] {strides = array<i32>} : memref<4224xf32, #tpu.memory_space<vmem>>, vector<16xf32>,
          tpu.vector_store %arg27[%swap3A_224], %broadcast_in_dim3A_130 {strides = array<i32>} : memref<4224xf32, #tpu.memory_space<vmem>>, vector<16xf32>,
        } else {
        }
        %add3A_191 = arith.constant 112 : i32
        %add3A_192 = arith.addi %scan3A_139#0, %add3A_191 : i32
        %lt3A_193 = arith.cmpi slt, %add3A_192, %shift_left3A_148 : i32
        %convert_element_type3A_194 = arith.extui %lt3A_193 : i1 to i32
        %cond3A_195 = arith.constant 0 : i32
        %cond3A_196 = arith.cmpi ne, %convert_element_type3A_194, %cond3A_195 : i32
        scf.if %cond3A_196 {
          %add3A_217 = arith.constant 100112 : i32
          %add3A_218 = vector.broadcast %add3A_217 : i32 to vector<16xi32>
          %add3A_219 = arith.addi %iota3A, %add3A_218 : vector<16xi32>
          %swap3A_220 = arith.index_cast %add3A_192 : i32 to index
          %swap3A_221 = tpu.vector_load %arg21[%swap3A_220] {strides = array<i32>} : memref<4224xi32, #tpu.memory_space<vmem>>, vector<16xi32>,
          tpu.vector_store %arg21[%swap3A_220], %add3A_219 {strides = array<i32>} : memref<4224xi32, #tpu.memory_space<vmem>>, vector<16xi32>,
          %swap3A_222 = arith.index_cast %add3A_192 : i32 to index
          %swap3A_223 = tpu.vector_load %arg24[%swap3A_222] {strides = array<i32>} : memref<4224xf32, #tpu.memory_space<vmem>>, vector<16xf32>,
          tpu.vector_store %arg24[%swap3A_222], %broadcast_in_dim3A_130 {strides = array<i32>} : memref<4224xf32, #tpu.memory_space<vmem>>, vector<16xf32>,
          %swap3A_224 = arith.index_cast %add3A_192 : i32 to index
          %swap3A_225 = tpu.vector_load %arg27[%swap3A_224] {strides = array<i32>} : memref<4224xf32, #tpu.memory_space<vmem>>, vector<16xf32>,
          tpu.vector_store %arg27[%swap3A_224], %broadcast_in_dim3A_130 {strides = array<i32>} : memref<4224xf32, #tpu.memory_space<vmem>>, vector<16xf32>,
        } else {
        }
        %sub3A_197 = arith.constant 0 : i32
        %sub3A_198 = arith.subi %shift_right_logical3A_147, %sub3A_197 : i32
        %sub3A_199 = arith.constant 1 : i32
        %sub3A_200 = arith.constant 1 : i32
        %sub3A_201 = arith.subi %sub3A_199, %sub3A_200 : i32
        %add3A_202 = arith.addi %sub3A_198, %sub3A_201 : i32
        %div3A = arith.constant 1 : i32
        %div3A_203 = arith.divsi %add3A_202, %div3A : i32
        %while3A = arith.constant 1 : i32
        %while3A_204 = arith.constant 0 : i32
        %while3A_205 = arith.constant 0 : i32
        %while3A_206 = arith.subi %div3A_203, %while3A_205 : i32
        %while3A_207 = arith.addi %while3A_205, %while3A_206 : i32
        %while3A_208 = arith.constant 1 : i32
        %while3A_209 = arith.divsi %while3A_206, %while3A_208 : i32
        %while3A_210 = arith.muli %while3A_209, %while3A_208 : i32
        %while3A_211 = arith.addi %while3A_205, %while3A_210 : i32
        %while3A_212 = arith.constant 1 : i32
        scf.for %while3A_217 = %while3A_205 to %while3A_211 step %while3A_212  : i32 {
          %mul3A_218 = arith.muli %while3A_217, %while3A : i32
          %add3A_219 = arith.addi %while3A_204, %mul3A_218 : i32
          %mul3A_220 = arith.constant 128 : i32
          %mul3A_221 = arith.muli %add3A_219, %mul3A_220 : i32
          %mul3A_222 = arith.constant 128 : i32
          %mul3A_223 = arith.muli %add3A_219, %mul3A_222 : i32
          %dma_start3A = arith.constant 1 : i32
          %dma_start3A_224 = tpu.memref_slice %arg27[%mul3A_223] : memref<4224xf32, #tpu.memory_space<vmem>> -> memref<128xf32, #tpu.memory_space<vmem>>
          %dma_start3A_225 = tpu.memref_slice %arg21[%mul3A_221] : memref<4224xi32, #tpu.memory_space<vmem>> -> memref<128xi32, #tpu.memory_space<vmem>>
          %dma_start3A_226 = arith.constant 0 : i32
          %dma_start3A_227 = tpu.memref_slice %arg9[%dma_start3A_226] : memref<100352xf32, #tpu.memory_space<vmem_shared>> -> memref<100352xf32, #tpu.memory_space<vmem_shared>>
          %dma_start3A_228 = tpu.memref_slice %arg35[%dma_start3A] : memref<3x!tpu.dma_semaphore, #tpu.memory_space<semaphore_mem>> -> memref<1x!tpu.dma_semaphore, #tpu.memory_space<semaphore_mem>>
          %dma_start3A_229 = tpu.memref_squeeze %dma_start3A_228 : memref<1x!tpu.dma_semaphore, #tpu.memory_space<semaphore_mem>> -> memref<!tpu.dma_semaphore, #tpu.memory_space<semaphore_mem>>
          tpu.enqueue_indirect_dma source(%dma_start3A_224 : memref<128xf32, #tpu.memory_space<vmem>>) target(%dma_start3A_227 : memref<100352xf32, #tpu.memory_space<vmem_shared>>) offsets(%dma_start3A_225 : memref<128xi32, #tpu.memory_space<vmem>>) semaphore(%dma_start3A_229 : memref<!tpu.dma_semaphore, #tpu.memory_space<semaphore_mem>>) {add = true}
          %mul3A_230 = arith.constant 128 : i32
          %mul3A_231 = arith.muli %add3A_219, %mul3A_230 : i32
          %dma_start3A_232 = arith.constant 1 : i32
          %dma_start3A_233 = tpu.memref_slice %arg24[%mul3A_231] : memref<4224xf32, #tpu.memory_space<vmem>> -> memref<128xf32, #tpu.memory_space<vmem>>
          %dma_start3A_234 = tpu.memref_slice %arg21[%mul3A_221] : memref<4224xi32, #tpu.memory_space<vmem>> -> memref<128xi32, #tpu.memory_space<vmem>>
          %dma_start3A_235 = arith.constant 0 : i32
          %dma_start3A_236 = tpu.memref_slice %arg10[%dma_start3A_235] : memref<100352xf32, #tpu.memory_space<vmem_shared>> -> memref<100352xf32, #tpu.memory_space<vmem_shared>>
          %dma_start3A_237 = tpu.memref_slice %arg35[%dma_start3A_232] : memref<3x!tpu.dma_semaphore, #tpu.memory_space<semaphore_mem>> -> memref<1x!tpu.dma_semaphore, #tpu.memory_space<semaphore_mem>>
          %dma_start3A_238 = tpu.memref_squeeze %dma_start3A_237 : memref<1x!tpu.dma_semaphore, #tpu.memory_space<semaphore_mem>> -> memref<!tpu.dma_semaphore, #tpu.memory_space<semaphore_mem>>
          tpu.enqueue_indirect_dma source(%dma_start3A_233 : memref<128xf32, #tpu.memory_space<vmem>>) target(%dma_start3A_236 : memref<100352xf32, #tpu.memory_space<vmem_shared>>) offsets(%dma_start3A_234 : memref<128xi32, #tpu.memory_space<vmem>>) semaphore(%dma_start3A_238 : memref<!tpu.dma_semaphore, #tpu.memory_space<semaphore_mem>>) {add = true}
        }
        %while3A_213 = arith.constant 1 : i32
        scf.for %while3A_217 = %while3A_211 to %while3A_207 step %while3A_213  : i32 {
          %mul3A_218 = arith.muli %while3A_217, %while3A : i32
          %add3A_219 = arith.addi %while3A_204, %mul3A_218 : i32
          %mul3A_220 = arith.constant 128 : i32
          %mul3A_221 = arith.muli %add3A_219, %mul3A_220 : i32
          %mul3A_222 = arith.constant 128 : i32
          %mul3A_223 = arith.muli %add3A_219, %mul3A_222 : i32
          %dma_start3A = arith.constant 1 : i32
          %dma_start3A_224 = tpu.memref_slice %arg27[%mul3A_223] : memref<4224xf32, #tpu.memory_space<vmem>> -> memref<128xf32, #tpu.memory_space<vmem>>
          %dma_start3A_225 = tpu.memref_slice %arg21[%mul3A_221] : memref<4224xi32, #tpu.memory_space<vmem>> -> memref<128xi32, #tpu.memory_space<vmem>>
          %dma_start3A_226 = arith.constant 0 : i32
          %dma_start3A_227 = tpu.memref_slice %arg9[%dma_start3A_226] : memref<100352xf32, #tpu.memory_space<vmem_shared>> -> memref<100352xf32, #tpu.memory_space<vmem_shared>>
          %dma_start3A_228 = tpu.memref_slice %arg35[%dma_start3A] : memref<3x!tpu.dma_semaphore, #tpu.memory_space<semaphore_mem>> -> memref<1x!tpu.dma_semaphore, #tpu.memory_space<semaphore_mem>>
          %dma_start3A_229 = tpu.memref_squeeze %dma_start3A_228 : memref<1x!tpu.dma_semaphore, #tpu.memory_space<semaphore_mem>> -> memref<!tpu.dma_semaphore, #tpu.memory_space<semaphore_mem>>
          tpu.enqueue_indirect_dma source(%dma_start3A_224 : memref<128xf32, #tpu.memory_space<vmem>>) target(%dma_start3A_227 : memref<100352xf32, #tpu.memory_space<vmem_shared>>) offsets(%dma_start3A_225 : memref<128xi32, #tpu.memory_space<vmem>>) semaphore(%dma_start3A_229 : memref<!tpu.dma_semaphore, #tpu.memory_space<semaphore_mem>>) {add = true}
          %mul3A_230 = arith.constant 128 : i32
          %mul3A_231 = arith.muli %add3A_219, %mul3A_230 : i32
          %dma_start3A_232 = arith.constant 1 : i32
          %dma_start3A_233 = tpu.memref_slice %arg24[%mul3A_231] : memref<4224xf32, #tpu.memory_space<vmem>> -> memref<128xf32, #tpu.memory_space<vmem>>
          %dma_start3A_234 = tpu.memref_slice %arg21[%mul3A_221] : memref<4224xi32, #tpu.memory_space<vmem>> -> memref<128xi32, #tpu.memory_space<vmem>>
          %dma_start3A_235 = arith.constant 0 : i32
          %dma_start3A_236 = tpu.memref_slice %arg10[%dma_start3A_235] : memref<100352xf32, #tpu.memory_space<vmem_shared>> -> memref<100352xf32, #tpu.memory_space<vmem_shared>>
          %dma_start3A_237 = tpu.memref_slice %arg35[%dma_start3A_232] : memref<3x!tpu.dma_semaphore, #tpu.memory_space<semaphore_mem>> -> memref<1x!tpu.dma_semaphore, #tpu.memory_space<semaphore_mem>>
          %dma_start3A_238 = tpu.memref_squeeze %dma_start3A_237 : memref<1x!tpu.dma_semaphore, #tpu.memory_space<semaphore_mem>> -> memref<!tpu.dma_semaphore, #tpu.memory_space<semaphore_mem>>
          tpu.enqueue_indirect_dma source(%dma_start3A_233 : memref<128xf32, #tpu.memory_space<vmem>>) target(%dma_start3A_236 : memref<100352xf32, #tpu.memory_space<vmem_shared>>) offsets(%dma_start3A_234 : memref<128xi32, #tpu.memory_space<vmem>>) semaphore(%dma_start3A_238 : memref<!tpu.dma_semaphore, #tpu.memory_space<semaphore_mem>>) {add = true}
        }
        %swap3A_214 = arith.constant 1 : i32
        %swap3A_215 = arith.index_cast %swap3A_214 : i32 to index
        %swap3A_216 = memref.load %arg33[%swap3A_215] : memref<3xi32, #tpu.memory_space<smem>>
        memref.store %shift_right_logical3A_147, %arg33[%swap3A_215] : memref<3xi32, #tpu.memory_space<smem>>
      } else {
      }
      %add3A_83 = arith.constant 2 : i32
      %add3A_84 = arith.addi %add3A_39, %add3A_83 : i32
      %ge3A_85 = arith.constant 2 : i32
      %ge3A_86 = arith.cmpi sge, %add3A_84, %ge3A_85 : i32
      %sub3A_87 = arith.constant 2 : i32
      %sub3A_88 = arith.subi %add3A_84, %sub3A_87 : i32
      %sub3A_89 = arith.constant 2 : i32
      %sub3A_90 = arith.subi %select_n3A, %sub3A_89 : i32
      %lt3A_91 = arith.cmpi slt, %sub3A_88, %sub3A_90 : i32
      %and3A_92 = arith.andi %ge3A_86, %lt3A_91 : i1
      %convert_element_type3A_93 = arith.extui %and3A_92 : i1 to i32
      %cond3A_94 = arith.constant 0 : i32
      %cond3A_95 = arith.cmpi ne, %convert_element_type3A_93, %cond3A_94 : i32
      scf.if %cond3A_95 {
        %get3A = arith.constant 0 : i32
        %get3A_106 = arith.index_cast %get3A : i32 to index
        %get3A_107 = memref.load %arg33[%get3A_106] : memref<3xi32, #tpu.memory_space<smem>>
        %sub3A_108 = arith.constant 0 : i32
        %sub3A_109 = arith.subi %get3A_107, %sub3A_108 : i32
        %sub3A_110 = arith.constant 1 : i32
        %sub3A_111 = arith.constant 1 : i32
        %sub3A_112 = arith.subi %sub3A_110, %sub3A_111 : i32
        %add3A_113 = arith.addi %sub3A_109, %sub3A_112 : i32
        %div3A = arith.constant 1 : i32
        %div3A_114 = arith.divsi %add3A_113, %div3A : i32
        %while3A = arith.constant 1 : i32
        %while3A_115 = arith.constant 0 : i32
        %while3A_116 = arith.constant 0 : i32
        %while3A_117 = arith.subi %div3A_114, %while3A_116 : i32
        %while3A_118 = arith.addi %while3A_116, %while3A_117 : i32
        %while3A_119 = arith.constant 1 : i32
        %while3A_120 = arith.divsi %while3A_117, %while3A_119 : i32
        %while3A_121 = arith.muli %while3A_120, %while3A_119 : i32
        %while3A_122 = arith.addi %while3A_116, %while3A_121 : i32
        %while3A_123 = arith.constant 1 : i32
        scf.for %while3A_125 = %while3A_116 to %while3A_122 step %while3A_123  : i32 {
          %mul3A_126 = arith.muli %while3A_125, %while3A : i32
          %add3A_127 = arith.addi %while3A_115, %mul3A_126 : i32
          %dma_wait3A = arith.constant 0 : i32
          %dma_wait3A_128 = arith.constant 0 : i32
          %dma_wait3A_129 = tpu.memref_slice %arg2[%dma_wait3A_128] : memref<6400000xf32, #tpu.memory_space<hbm>> -> memref<256xf32, #tpu.memory_space<hbm>>
          %dma_wait3A_130 = tpu.memref_slice %arg35[%dma_wait3A] : memref<3x!tpu.dma_semaphore, #tpu.memory_space<semaphore_mem>> -> memref<1x!tpu.dma_semaphore, #tpu.memory_space<semaphore_mem>>
          %dma_wait3A_131 = tpu.memref_squeeze %dma_wait3A_130 : memref<1x!tpu.dma_semaphore, #tpu.memory_space<semaphore_mem>> -> memref<!tpu.dma_semaphore, #tpu.memory_space<semaphore_mem>>
          %dma_wait3A_132 = arith.constant 0 : i32
          %dma_wait3A_133 = tpu.memref_slice %arg2[%dma_wait3A_132] : memref<6400000xf32, #tpu.memory_space<hbm>> -> memref<256xf32, #tpu.memory_space<hbm>>
          tpu.wait_dma2 semaphore(%dma_wait3A_131 : memref<!tpu.dma_semaphore, #tpu.memory_space<semaphore_mem>>) src(%dma_wait3A_133 : memref<256xf32, #tpu.memory_space<hbm>>) dst(%arg32 : memref<256xf32, #tpu.memory_space<vmem>>)
        }
        %while3A_124 = arith.constant 1 : i32
        scf.for %while3A_125 = %while3A_122 to %while3A_118 step %while3A_124  : i32 {
          %mul3A_126 = arith.muli %while3A_125, %while3A : i32
          %add3A_127 = arith.addi %while3A_115, %mul3A_126 : i32
          %dma_wait3A = arith.constant 0 : i32
          %dma_wait3A_128 = arith.constant 0 : i32
          %dma_wait3A_129 = tpu.memref_slice %arg2[%dma_wait3A_128] : memref<6400000xf32, #tpu.memory_space<hbm>> -> memref<256xf32, #tpu.memory_space<hbm>>
          %dma_wait3A_130 = tpu.memref_slice %arg35[%dma_wait3A] : memref<3x!tpu.dma_semaphore, #tpu.memory_space<semaphore_mem>> -> memref<1x!tpu.dma_semaphore, #tpu.memory_space<semaphore_mem>>
          %dma_wait3A_131 = tpu.memref_squeeze %dma_wait3A_130 : memref<1x!tpu.dma_semaphore, #tpu.memory_space<semaphore_mem>> -> memref<!tpu.dma_semaphore, #tpu.memory_space<semaphore_mem>>
          %dma_wait3A_132 = arith.constant 0 : i32
          %dma_wait3A_133 = tpu.memref_slice %arg2[%dma_wait3A_132] : memref<6400000xf32, #tpu.memory_space<hbm>> -> memref<256xf32, #tpu.memory_space<hbm>>
          tpu.wait_dma2 semaphore(%dma_wait3A_131 : memref<!tpu.dma_semaphore, #tpu.memory_space<semaphore_mem>>) src(%dma_wait3A_133 : memref<256xf32, #tpu.memory_space<hbm>>) dst(%arg32 : memref<256xf32, #tpu.memory_space<vmem>>)
        }
      } else {
      }
      %add3A_96 = arith.constant 1 : i32
      %add3A_97 = arith.addi %add3A_84, %add3A_96 : i32
      %lt3A_98 = arith.cmpi slt, %add3A_97, %select_n3A : i32
      %convert_element_type3A_99 = arith.extui %lt3A_98 : i1 to i32
      %cond3A_100 = arith.constant 0 : i32
      %cond3A_101 = arith.cmpi ne, %convert_element_type3A_99, %cond3A_100 : i32
      scf.if %cond3A_101 {
        %add3A_106 = arith.constant 1 : i32
        %add3A_107 = arith.addi %add3A_84, %add3A_106 : i32
        %mul3A_108 = arith.constant 32 : i32
        %mul3A_109 = arith.muli %add3A_107, %mul3A_108 : i32
        %add3A_110 = arith.addi %mul3A_109, %add3A : i32
        %mul3A_111 = arith.constant 2048 : i32
        %mul3A_112 = arith.muli %add3A_110, %mul3A_111 : i32
        %dma_start3A = arith.constant 0 : i32
        %dma_start3A_113 = arith.constant 0 : i32
        %dma_start3A_114 = tpu.memref_slice %arg11[%dma_start3A_113] : memref<2064xi32, #tpu.memory_space<vmem>> -> memref<2048xi32, #tpu.memory_space<vmem>>
        %dma_start3A_115 = tpu.memref_slice %arg4[%mul3A_112] : memref<6400000xi32, #tpu.memory_space<hbm>> -> memref<2048xi32, #tpu.memory_space<hbm>>
        %dma_start3A_116 = tpu.memref_slice %arg34[%dma_start3A] : memref<3x!tpu.dma_semaphore, #tpu.memory_space<semaphore_mem>> -> memref<1x!tpu.dma_semaphore, #tpu.memory_space<semaphore_mem>>
        %dma_start3A_117 = tpu.memref_squeeze %dma_start3A_116 : memref<1x!tpu.dma_semaphore, #tpu.memory_space<semaphore_mem>> -> memref<!tpu.dma_semaphore, #tpu.memory_space<semaphore_mem>>
        %dma_start3A_118 = arith.constant 0 : i32
        %dma_start3A_119 = tpu.memref_slice %arg11[%dma_start3A_118] : memref<2064xi32, #tpu.memory_space<vmem>> -> memref<2048xi32, #tpu.memory_space<vmem>>
        %dma_start3A_120 = tpu.memref_slice %arg4[%mul3A_112] : memref<6400000xi32, #tpu.memory_space<hbm>> -> memref<2048xi32, #tpu.memory_space<hbm>>
        tpu.enqueue_dma source(%dma_start3A_120 : memref<2048xi32, #tpu.memory_space<hbm>>) target(%dma_start3A_119 : memref<2048xi32, #tpu.memory_space<vmem>>) target_semaphore(%dma_start3A_117 : memref<!tpu.dma_semaphore, #tpu.memory_space<semaphore_mem>>)
        %dma_start3A_121 = arith.constant 0 : i32
        %dma_start3A_122 = tpu.memref_slice %arg2[%mul3A_112] : memref<6400000xf32, #tpu.memory_space<hbm>> -> memref<2048xf32, #tpu.memory_space<hbm>>
        %dma_start3A_123 = tpu.memref_slice %arg34[%dma_start3A_121] : memref<3x!tpu.dma_semaphore, #tpu.memory_space<semaphore_mem>> -> memref<1x!tpu.dma_semaphore, #tpu.memory_space<semaphore_mem>>
        %dma_start3A_124 = tpu.memref_squeeze %dma_start3A_123 : memref<1x!tpu.dma_semaphore, #tpu.memory_space<semaphore_mem>> -> memref<!tpu.dma_semaphore, #tpu.memory_space<semaphore_mem>>
        %dma_start3A_125 = tpu.memref_slice %arg2[%mul3A_112] : memref<6400000xf32, #tpu.memory_space<hbm>> -> memref<2048xf32, #tpu.memory_space<hbm>>
        tpu.enqueue_dma source(%dma_start3A_125 : memref<2048xf32, #tpu.memory_space<hbm>>) target(%arg14 : memref<2048xf32, #tpu.memory_space<vmem>>) target_semaphore(%dma_start3A_124 : memref<!tpu.dma_semaphore, #tpu.memory_space<semaphore_mem>>)
        %dma_start3A_126 = arith.constant 0 : i32
        %dma_start3A_127 = tpu.memref_slice %arg3[%mul3A_112] : memref<6400000xf32, #tpu.memory_space<hbm>> -> memref<2048xf32, #tpu.memory_space<hbm>>
        %dma_start3A_128 = tpu.memref_slice %arg34[%dma_start3A_126] : memref<3x!tpu.dma_semaphore, #tpu.memory_space<semaphore_mem>> -> memref<1x!tpu.dma_semaphore, #tpu.memory_space<semaphore_mem>>
        %dma_start3A_129 = tpu.memref_squeeze %dma_start3A_128 : memref<1x!tpu.dma_semaphore, #tpu.memory_space<semaphore_mem>> -> memref<!tpu.dma_semaphore, #tpu.memory_space<semaphore_mem>>
        %dma_start3A_130 = tpu.memref_slice %arg3[%mul3A_112] : memref<6400000xf32, #tpu.memory_space<hbm>> -> memref<2048xf32, #tpu.memory_space<hbm>>
        tpu.enqueue_dma source(%dma_start3A_130 : memref<2048xf32, #tpu.memory_space<hbm>>) target(%arg17 : memref<2048xf32, #tpu.memory_space<vmem>>) target_semaphore(%dma_start3A_129 : memref<!tpu.dma_semaphore, #tpu.memory_space<semaphore_mem>>)
      } else {
      }
      %lt3A_102 = arith.cmpi slt, %add3A_84, %select_n3A : i32
      %convert_element_type3A_103 = arith.extui %lt3A_102 : i1 to i32
      %cond3A_104 = arith.constant 0 : i32
      %cond3A_105 = arith.cmpi ne, %convert_element_type3A_103, %cond3A_104 : i32
      scf.if %cond3A_105 {
        %mul3A_106 = arith.constant 32 : i32
        %mul3A_107 = arith.muli %add3A_84, %mul3A_106 : i32
        %add3A_108 = arith.addi %mul3A_107, %add3A : i32
        %mul3A_109 = arith.constant 2048 : i32
        %mul3A_110 = arith.muli %add3A_108, %mul3A_109 : i32
        %dma_wait3A = arith.constant 2 : i32
        %dma_wait3A_111 = arith.constant 0 : i32
        %dma_wait3A_112 = tpu.memref_slice %arg13[%dma_wait3A_111] : memref<2064xi32, #tpu.memory_space<vmem>> -> memref<2048xi32, #tpu.memory_space<vmem>>
        %dma_wait3A_113 = tpu.memref_slice %arg4[%mul3A_110] : memref<6400000xi32, #tpu.memory_space<hbm>> -> memref<2048xi32, #tpu.memory_space<hbm>>
        %dma_wait3A_114 = tpu.memref_slice %arg34[%dma_wait3A] : memref<3x!tpu.dma_semaphore, #tpu.memory_space<semaphore_mem>> -> memref<1x!tpu.dma_semaphore, #tpu.memory_space<semaphore_mem>>
        %dma_wait3A_115 = tpu.memref_squeeze %dma_wait3A_114 : memref<1x!tpu.dma_semaphore, #tpu.memory_space<semaphore_mem>> -> memref<!tpu.dma_semaphore, #tpu.memory_space<semaphore_mem>>
        %dma_wait3A_116 = arith.constant 0 : i32
        %dma_wait3A_117 = tpu.memref_slice %arg13[%dma_wait3A_116] : memref<2064xi32, #tpu.memory_space<vmem>> -> memref<2048xi32, #tpu.memory_space<vmem>>
        %dma_wait3A_118 = tpu.memref_slice %arg4[%mul3A_110] : memref<6400000xi32, #tpu.memory_space<hbm>> -> memref<2048xi32, #tpu.memory_space<hbm>>
        tpu.wait_dma2 semaphore(%dma_wait3A_115 : memref<!tpu.dma_semaphore, #tpu.memory_space<semaphore_mem>>) src(%dma_wait3A_118 : memref<2048xi32, #tpu.memory_space<hbm>>) dst(%dma_wait3A_117 : memref<2048xi32, #tpu.memory_space<vmem>>)
        %dma_wait3A_119 = arith.constant 2 : i32
        %dma_wait3A_120 = tpu.memref_slice %arg2[%mul3A_110] : memref<6400000xf32, #tpu.memory_space<hbm>> -> memref<2048xf32, #tpu.memory_space<hbm>>
        %dma_wait3A_121 = tpu.memref_slice %arg34[%dma_wait3A_119] : memref<3x!tpu.dma_semaphore, #tpu.memory_space<semaphore_mem>> -> memref<1x!tpu.dma_semaphore, #tpu.memory_space<semaphore_mem>>
        %dma_wait3A_122 = tpu.memref_squeeze %dma_wait3A_121 : memref<1x!tpu.dma_semaphore, #tpu.memory_space<semaphore_mem>> -> memref<!tpu.dma_semaphore, #tpu.memory_space<semaphore_mem>>
        %dma_wait3A_123 = tpu.memref_slice %arg2[%mul3A_110] : memref<6400000xf32, #tpu.memory_space<hbm>> -> memref<2048xf32, #tpu.memory_space<hbm>>
        tpu.wait_dma2 semaphore(%dma_wait3A_122 : memref<!tpu.dma_semaphore, #tpu.memory_space<semaphore_mem>>) src(%dma_wait3A_123 : memref<2048xf32, #tpu.memory_space<hbm>>) dst(%arg16 : memref<2048xf32, #tpu.memory_space<vmem>>)
        %dma_wait3A_124 = arith.constant 2 : i32
        %dma_wait3A_125 = tpu.memref_slice %arg3[%mul3A_110] : memref<6400000xf32, #tpu.memory_space<hbm>> -> memref<2048xf32, #tpu.memory_space<hbm>>
        %dma_wait3A_126 = tpu.memref_slice %arg34[%dma_wait3A_124] : memref<3x!tpu.dma_semaphore, #tpu.memory_space<semaphore_mem>> -> memref<1x!tpu.dma_semaphore, #tpu.memory_space<semaphore_mem>>
        %dma_wait3A_127 = tpu.memref_squeeze %dma_wait3A_126 : memref<1x!tpu.dma_semaphore, #tpu.memory_space<semaphore_mem>> -> memref<!tpu.dma_semaphore, #tpu.memory_space<semaphore_mem>>
        %dma_wait3A_128 = tpu.memref_slice %arg3[%mul3A_110] : memref<6400000xf32, #tpu.memory_space<hbm>> -> memref<2048xf32, #tpu.memory_space<hbm>>
        tpu.wait_dma2 semaphore(%dma_wait3A_127 : memref<!tpu.dma_semaphore, #tpu.memory_space<semaphore_mem>>) src(%dma_wait3A_128 : memref<2048xf32, #tpu.memory_space<hbm>>) dst(%arg19 : memref<2048xf32, #tpu.memory_space<vmem>>)
        %broadcast_in_dim3A_129 = arith.constant 0.000000e+00 : f32
        %broadcast_in_dim3A_130 = vector.broadcast %broadcast_in_dim3A_129 : f32 to vector<16xf32>
        %get3A = arith.constant 0 : index
        %get3A_131 = tpu.vector_load %arg30[%get3A] {strides = array<i32>} : memref<16xf32, #tpu.memory_space<vmem>>, vector<16xf32>,
        %get3A_132 = arith.constant 0 : index
        %get3A_133 = tpu.vector_load %arg31[%get3A_132] {strides = array<i32>} : memref<16xf32, #tpu.memory_space<vmem>>, vector<16xf32>,
        %scan3A_134 = arith.constant 0 : i32
        %scan3A_135 = arith.constant 0 : i32
        %scan3A_136 = arith.constant 128 : i32
        %scan3A_137 = arith.addi %scan3A_135, %scan3A_136 : i32
        %scan3A_138 = arith.constant 8 : i32
        %scan3A_139:3 = scf.for %scan3A_217 = %scan3A_135 to %scan3A_137 step %scan3A_138 iter_args(%scan3A_218 = %scan3A_134, %scan3A_219 = %get3A_131, %scan3A_220 = %get3A_133) -> (i32, vector<16xf32>, vector<16xf32>)  : i32 {
          %mul3A_221 = arith.constant 1 : i32
          %mul3A_222 = arith.muli %scan3A_217, %mul3A_221 : i32
          %add3A_223 = arith.constant 0 : i32
          %add3A_224 = arith.addi %add3A_223, %mul3A_222 : i32
          %mul3A_225 = arith.constant 16 : i32
          %mul3A_226 = arith.muli %add3A_224, %mul3A_225 : i32
          %get3A_227 = arith.index_cast %mul3A_226 : i32 to index
          %get3A_228 = tpu.vector_load %arg13[%get3A_227] {strides = array<i32>} : memref<2064xi32, #tpu.memory_space<vmem>>, vector<16xi32>,
          %add3A_229 = arith.constant 1 : i32
          %add3A_230 = arith.addi %mul3A_226, %add3A_229 : i32
          %get3A_231 = arith.index_cast %add3A_230 : i32 to index
          %get3A_232 = tpu.vector_load %arg13[%get3A_231] {strides = array<i32>} : memref<2064xi32, #tpu.memory_space<vmem>>, vector<16xi32>,
          %get3A_233 = arith.index_cast %mul3A_226 : i32 to index
          %get3A_234 = tpu.vector_load %arg16[%get3A_233] {strides = array<i32>} : memref<2048xf32, #tpu.memory_space<vmem>>, vector<16xf32>,
          %get3A_235 = arith.index_cast %mul3A_226 : i32 to index
          %get3A_236 = tpu.vector_load %arg19[%get3A_235] {strides = array<i32>} : memref<2048xf32, #tpu.memory_space<vmem>>, vector<16xf32>,
          %mul3A_237 = arith.mulf %get3A_234, %get3A_236 : vector<16xf32>
          %min3A = arith.minimumf %scan3A_219, %get3A_236 : vector<16xf32>
          %max3A = arith.maximumf %scan3A_220, %get3A_236 : vector<16xf32>
          %broadcast_in_dim3A_238 = arith.constant true
          %broadcast_in_dim3A_239 = vector.broadcast %broadcast_in_dim3A_238 : i1 to vector<16xi1>
          %masked_cumsum3A = tpu.scan <sum>, %get3A_234 masked %broadcast_in_dim3A_239 : vector<16xf32>, vector<16xi1> -> vector<16xf32>
          %broadcast_in_dim3A_240 = arith.constant true
          %broadcast_in_dim3A_241 = vector.broadcast %broadcast_in_dim3A_240 : i1 to vector<16xi1>
          %masked_cumsum3A_242 = tpu.scan <sum>, %mul3A_237 masked %broadcast_in_dim3A_241 : vector<16xf32>, vector<16xi1> -> vector<16xf32>
          %ne3A = arith.cmpi ne, %get3A_228, %get3A_232 : vector<16xi32>
          %or3A = arith.ori %ne3A, %eq3A_2 : vector<16xi1>
          %and3A_243 = arith.andi %ne3A, %not3A_3 : vector<16xi1>
          %swap3A_244 = arith.index_cast %scan3A_218 : i32 to index
          %swap3A_245 = tpu.vector_load %arg22[%swap3A_244] masked %or3A {strides = array<i32>} : memref<4224xi32, #tpu.memory_space<vmem>>, vector<16xi32>, vector<16xi1>
          tpu.vector_store %arg22[%swap3A_244], %get3A_228 masked %or3A {strides = array<i32>} : memref<4224xi32, #tpu.memory_space<vmem>>, vector<16xi32>, vector<16xi1>
          %swap3A_246 = arith.index_cast %scan3A_218 : i32 to index
          %swap3A_247 = tpu.vector_load %arg25[%swap3A_246] masked %or3A {strides = array<i32>} : memref<4224xf32, #tpu.memory_space<vmem>>, vector<16xf32>, vector<16xi1>
          tpu.vector_store %arg25[%swap3A_246], %masked_cumsum3A masked %or3A {strides = array<i32>} : memref<4224xf32, #tpu.memory_space<vmem>>, vector<16xf32>, vector<16xi1>
          %swap3A_248 = arith.index_cast %scan3A_218 : i32 to index
          %swap3A_249 = tpu.vector_load %arg28[%swap3A_248] masked %or3A {strides = array<i32>} : memref<4224xf32, #tpu.memory_space<vmem>>, vector<16xf32>, vector<16xi1>
          tpu.vector_store %arg28[%swap3A_248], %masked_cumsum3A_242 masked %or3A {strides = array<i32>} : memref<4224xf32, #tpu.memory_space<vmem>>, vector<16xf32>, vector<16xi1>
          %all_reduce_population_count3A = tpu.all_reduce %or3A {dim = 0 : i64, kind = #tpu.reduction_kind<sum>} : vector<16xi1> -> vector<16xi32>
          %slice3A = vector.extract_strided_slice %all_reduce_population_count3A {offsets = [0], sizes = [1], strides = [1]} : vector<16xi32> to vector<1xi32>
          %squeeze3A = vector.extract %slice3A[0] : i32 from vector<1xi32>
          %add3A_250 = arith.addi %scan3A_218, %squeeze3A : i32
          %swap3A_251 = arith.index_cast %add3A_250 : i32 to index
          %swap3A_252 = tpu.vector_load %arg22[%swap3A_251] masked %and3A_243 {strides = array<i32>} : memref<4224xi32, #tpu.memory_space<vmem>>, vector<16xi32>, vector<16xi1>
          tpu.vector_store %arg22[%swap3A_251], %get3A_232 masked %and3A_243 {strides = array<i32>} : memref<4224xi32, #tpu.memory_space<vmem>>, vector<16xi32>, vector<16xi1>
          %neg3A = arith.constant 0.000000e+00 : f32
          %neg3A_253 = vector.broadcast %neg3A : f32 to vector<16xf32>
          %neg3A_254 = arith.subf %neg3A_253, %masked_cumsum3A : vector<16xf32>
          %swap3A_255 = arith.index_cast %add3A_250 : i32 to index
          %swap3A_256 = tpu.vector_load %arg25[%swap3A_255] masked %and3A_243 {strides = array<i32>} : memref<4224xf32, #tpu.memory_space<vmem>>, vector<16xf32>, vector<16xi1>
          tpu.vector_store %arg25[%swap3A_255], %neg3A_254 masked %and3A_243 {strides = array<i32>} : memref<4224xf32, #tpu.memory_space<vmem>>, vector<16xf32>, vector<16xi1>
          %neg3A_257 = arith.constant 0.000000e+00 : f32
          %neg3A_258 = vector.broadcast %neg3A_257 : f32 to vector<16xf32>
          %neg3A_259 = arith.subf %neg3A_258, %masked_cumsum3A_242 : vector<16xf32>
          %swap3A_260 = arith.index_cast %add3A_250 : i32 to index
          %swap3A_261 = tpu.vector_load %arg28[%swap3A_260] masked %and3A_243 {strides = array<i32>} : memref<4224xf32, #tpu.memory_space<vmem>>, vector<16xf32>, vector<16xi1>
          tpu.vector_store %arg28[%swap3A_260], %neg3A_259 masked %and3A_243 {strides = array<i32>} : memref<4224xf32, #tpu.memory_space<vmem>>, vector<16xf32>, vector<16xi1>
          %all_reduce_population_count3A_262 = tpu.all_reduce %and3A_243 {dim = 0 : i64, kind = #tpu.reduction_kind<sum>} : vector<16xi1> -> vector<16xi32>
          %slice3A_263 = vector.extract_strided_slice %all_reduce_population_count3A_262 {offsets = [0], sizes = [1], strides = [1]} : vector<16xi32> to vector<1xi32>
          %squeeze3A_264 = vector.extract %slice3A_263[0] : i32 from vector<1xi32>
          %add3A_265 = arith.addi %add3A_250, %squeeze3A_264 : i32
          %scan3A_266 = arith.constant 1 : i32
          %scan3A_267 = arith.addi %scan3A_217, %scan3A_266 : i32
          %mul3A_268 = arith.constant 1 : i32
          %mul3A_269 = arith.muli %scan3A_267, %mul3A_268 : i32
          %add3A_270 = arith.constant 0 : i32
          %add3A_271 = arith.addi %add3A_270, %mul3A_269 : i32
          %mul3A_272 = arith.constant 16 : i32
          %mul3A_273 = arith.muli %add3A_271, %mul3A_272 : i32
          %get3A_274 = arith.index_cast %mul3A_273 : i32 to index
          %get3A_275 = tpu.vector_load %arg13[%get3A_274] {strides = array<i32>} : memref<2064xi32, #tpu.memory_space<vmem>>, vector<16xi32>,
          %add3A_276 = arith.constant 1 : i32
          %add3A_277 = arith.addi %mul3A_273, %add3A_276 : i32
          %get3A_278 = arith.index_cast %add3A_277 : i32 to index
          %get3A_279 = tpu.vector_load %arg13[%get3A_278] {strides = array<i32>} : memref<2064xi32, #tpu.memory_space<vmem>>, vector<16xi32>,
          %get3A_280 = arith.index_cast %mul3A_273 : i32 to index
          %get3A_281 = tpu.vector_load %arg16[%get3A_280] {strides = array<i32>} : memref<2048xf32, #tpu.memory_space<vmem>>, vector<16xf32>,
          %get3A_282 = arith.index_cast %mul3A_273 : i32 to index
          %get3A_283 = tpu.vector_load %arg19[%get3A_282] {strides = array<i32>} : memref<2048xf32, #tpu.memory_space<vmem>>, vector<16xf32>,
          %mul3A_284 = arith.mulf %get3A_281, %get3A_283 : vector<16xf32>
          %min3A_285 = arith.minimumf %min3A, %get3A_283 : vector<16xf32>
          %max3A_286 = arith.maximumf %max3A, %get3A_283 : vector<16xf32>
          %broadcast_in_dim3A_287 = arith.constant true
          %broadcast_in_dim3A_288 = vector.broadcast %broadcast_in_dim3A_287 : i1 to vector<16xi1>
          %masked_cumsum3A_289 = tpu.scan <sum>, %get3A_281 masked %broadcast_in_dim3A_288 : vector<16xf32>, vector<16xi1> -> vector<16xf32>
          %broadcast_in_dim3A_290 = arith.constant true
          %broadcast_in_dim3A_291 = vector.broadcast %broadcast_in_dim3A_290 : i1 to vector<16xi1>
          %masked_cumsum3A_292 = tpu.scan <sum>, %mul3A_284 masked %broadcast_in_dim3A_291 : vector<16xf32>, vector<16xi1> -> vector<16xf32>
          %ne3A_293 = arith.cmpi ne, %get3A_275, %get3A_279 : vector<16xi32>
          %or3A_294 = arith.ori %ne3A_293, %eq3A_2 : vector<16xi1>
          %and3A_295 = arith.andi %ne3A_293, %not3A_3 : vector<16xi1>
          %swap3A_296 = arith.index_cast %add3A_265 : i32 to index
          %swap3A_297 = tpu.vector_load %arg22[%swap3A_296] masked %or3A_294 {strides = array<i32>} : memref<4224xi32, #tpu.memory_space<vmem>>, vector<16xi32>, vector<16xi1>
          tpu.vector_store %arg22[%swap3A_296], %get3A_275 masked %or3A_294 {strides = array<i32>} : memref<4224xi32, #tpu.memory_space<vmem>>, vector<16xi32>, vector<16xi1>
          %swap3A_298 = arith.index_cast %add3A_265 : i32 to index
          %swap3A_299 = tpu.vector_load %arg25[%swap3A_298] masked %or3A_294 {strides = array<i32>} : memref<4224xf32, #tpu.memory_space<vmem>>, vector<16xf32>, vector<16xi1>
          tpu.vector_store %arg25[%swap3A_298], %masked_cumsum3A_289 masked %or3A_294 {strides = array<i32>} : memref<4224xf32, #tpu.memory_space<vmem>>, vector<16xf32>, vector<16xi1>
          %swap3A_300 = arith.index_cast %add3A_265 : i32 to index
          %swap3A_301 = tpu.vector_load %arg28[%swap3A_300] masked %or3A_294 {strides = array<i32>} : memref<4224xf32, #tpu.memory_space<vmem>>, vector<16xf32>, vector<16xi1>
          tpu.vector_store %arg28[%swap3A_300], %masked_cumsum3A_292 masked %or3A_294 {strides = array<i32>} : memref<4224xf32, #tpu.memory_space<vmem>>, vector<16xf32>, vector<16xi1>
          %all_reduce_population_count3A_302 = tpu.all_reduce %or3A_294 {dim = 0 : i64, kind = #tpu.reduction_kind<sum>} : vector<16xi1> -> vector<16xi32>
          %slice3A_303 = vector.extract_strided_slice %all_reduce_population_count3A_302 {offsets = [0], sizes = [1], strides = [1]} : vector<16xi32> to vector<1xi32>
          %squeeze3A_304 = vector.extract %slice3A_303[0] : i32 from vector<1xi32>
          %add3A_305 = arith.addi %add3A_265, %squeeze3A_304 : i32
          %swap3A_306 = arith.index_cast %add3A_305 : i32 to index
          %swap3A_307 = tpu.vector_load %arg22[%swap3A_306] masked %and3A_295 {strides = array<i32>} : memref<4224xi32, #tpu.memory_space<vmem>>, vector<16xi32>, vector<16xi1>
          tpu.vector_store %arg22[%swap3A_306], %get3A_279 masked %and3A_295 {strides = array<i32>} : memref<4224xi32, #tpu.memory_space<vmem>>, vector<16xi32>, vector<16xi1>
          %neg3A_308 = arith.constant 0.000000e+00 : f32
          %neg3A_309 = vector.broadcast %neg3A_308 : f32 to vector<16xf32>
          %neg3A_310 = arith.subf %neg3A_309, %masked_cumsum3A_289 : vector<16xf32>
          %swap3A_311 = arith.index_cast %add3A_305 : i32 to index
          %swap3A_312 = tpu.vector_load %arg25[%swap3A_311] masked %and3A_295 {strides = array<i32>} : memref<4224xf32, #tpu.memory_space<vmem>>, vector<16xf32>, vector<16xi1>
          tpu.vector_store %arg25[%swap3A_311], %neg3A_310 masked %and3A_295 {strides = array<i32>} : memref<4224xf32, #tpu.memory_space<vmem>>, vector<16xf32>, vector<16xi1>
          %neg3A_313 = arith.constant 0.000000e+00 : f32
          %neg3A_314 = vector.broadcast %neg3A_313 : f32 to vector<16xf32>
          %neg3A_315 = arith.subf %neg3A_314, %masked_cumsum3A_292 : vector<16xf32>
          %swap3A_316 = arith.index_cast %add3A_305 : i32 to index
          %swap3A_317 = tpu.vector_load %arg28[%swap3A_316] masked %and3A_295 {strides = array<i32>} : memref<4224xf32, #tpu.memory_space<vmem>>, vector<16xf32>, vector<16xi1>
          tpu.vector_store %arg28[%swap3A_316], %neg3A_315 masked %and3A_295 {strides = array<i32>} : memref<4224xf32, #tpu.memory_space<vmem>>, vector<16xf32>, vector<16xi1>
          %all_reduce_population_count3A_318 = tpu.all_reduce %and3A_295 {dim = 0 : i64, kind = #tpu.reduction_kind<sum>} : vector<16xi1> -> vector<16xi32>
          %slice3A_319 = vector.extract_strided_slice %all_reduce_population_count3A_318 {offsets = [0], sizes = [1], strides = [1]} : vector<16xi32> to vector<1xi32>
          %squeeze3A_320 = vector.extract %slice3A_319[0] : i32 from vector<1xi32>
          %add3A_321 = arith.addi %add3A_305, %squeeze3A_320 : i32
          %scan3A_322 = arith.constant 2 : i32
          %scan3A_323 = arith.addi %scan3A_217, %scan3A_322 : i32
          %mul3A_324 = arith.constant 1 : i32
          %mul3A_325 = arith.muli %scan3A_323, %mul3A_324 : i32
          %add3A_326 = arith.constant 0 : i32
          %add3A_327 = arith.addi %add3A_326, %mul3A_325 : i32
          %mul3A_328 = arith.constant 16 : i32
          %mul3A_329 = arith.muli %add3A_327, %mul3A_328 : i32
          %get3A_330 = arith.index_cast %mul3A_329 : i32 to index
          %get3A_331 = tpu.vector_load %arg13[%get3A_330] {strides = array<i32>} : memref<2064xi32, #tpu.memory_space<vmem>>, vector<16xi32>,
          %add3A_332 = arith.constant 1 : i32
          %add3A_333 = arith.addi %mul3A_329, %add3A_332 : i32
          %get3A_334 = arith.index_cast %add3A_333 : i32 to index
          %get3A_335 = tpu.vector_load %arg13[%get3A_334] {strides = array<i32>} : memref<2064xi32, #tpu.memory_space<vmem>>, vector<16xi32>,
          %get3A_336 = arith.index_cast %mul3A_329 : i32 to index
          %get3A_337 = tpu.vector_load %arg16[%get3A_336] {strides = array<i32>} : memref<2048xf32, #tpu.memory_space<vmem>>, vector<16xf32>,
          %get3A_338 = arith.index_cast %mul3A_329 : i32 to index
          %get3A_339 = tpu.vector_load %arg19[%get3A_338] {strides = array<i32>} : memref<2048xf32, #tpu.memory_space<vmem>>, vector<16xf32>,
          %mul3A_340 = arith.mulf %get3A_337, %get3A_339 : vector<16xf32>
          %min3A_341 = arith.minimumf %min3A_285, %get3A_339 : vector<16xf32>
          %max3A_342 = arith.maximumf %max3A_286, %get3A_339 : vector<16xf32>
          %broadcast_in_dim3A_343 = arith.constant true
          %broadcast_in_dim3A_344 = vector.broadcast %broadcast_in_dim3A_343 : i1 to vector<16xi1>
          %masked_cumsum3A_345 = tpu.scan <sum>, %get3A_337 masked %broadcast_in_dim3A_344 : vector<16xf32>, vector<16xi1> -> vector<16xf32>
          %broadcast_in_dim3A_346 = arith.constant true
          %broadcast_in_dim3A_347 = vector.broadcast %broadcast_in_dim3A_346 : i1 to vector<16xi1>
          %masked_cumsum3A_348 = tpu.scan <sum>, %mul3A_340 masked %broadcast_in_dim3A_347 : vector<16xf32>, vector<16xi1> -> vector<16xf32>
          %ne3A_349 = arith.cmpi ne, %get3A_331, %get3A_335 : vector<16xi32>
          %or3A_350 = arith.ori %ne3A_349, %eq3A_2 : vector<16xi1>
          %and3A_351 = arith.andi %ne3A_349, %not3A_3 : vector<16xi1>
          %swap3A_352 = arith.index_cast %add3A_321 : i32 to index
          %swap3A_353 = tpu.vector_load %arg22[%swap3A_352] masked %or3A_350 {strides = array<i32>} : memref<4224xi32, #tpu.memory_space<vmem>>, vector<16xi32>, vector<16xi1>
          tpu.vector_store %arg22[%swap3A_352], %get3A_331 masked %or3A_350 {strides = array<i32>} : memref<4224xi32, #tpu.memory_space<vmem>>, vector<16xi32>, vector<16xi1>
          %swap3A_354 = arith.index_cast %add3A_321 : i32 to index
          %swap3A_355 = tpu.vector_load %arg25[%swap3A_354] masked %or3A_350 {strides = array<i32>} : memref<4224xf32, #tpu.memory_space<vmem>>, vector<16xf32>, vector<16xi1>
          tpu.vector_store %arg25[%swap3A_354], %masked_cumsum3A_345 masked %or3A_350 {strides = array<i32>} : memref<4224xf32, #tpu.memory_space<vmem>>, vector<16xf32>, vector<16xi1>
          %swap3A_356 = arith.index_cast %add3A_321 : i32 to index
          %swap3A_357 = tpu.vector_load %arg28[%swap3A_356] masked %or3A_350 {strides = array<i32>} : memref<4224xf32, #tpu.memory_space<vmem>>, vector<16xf32>, vector<16xi1>
          tpu.vector_store %arg28[%swap3A_356], %masked_cumsum3A_348 masked %or3A_350 {strides = array<i32>} : memref<4224xf32, #tpu.memory_space<vmem>>, vector<16xf32>, vector<16xi1>
          %all_reduce_population_count3A_358 = tpu.all_reduce %or3A_350 {dim = 0 : i64, kind = #tpu.reduction_kind<sum>} : vector<16xi1> -> vector<16xi32>
          %slice3A_359 = vector.extract_strided_slice %all_reduce_population_count3A_358 {offsets = [0], sizes = [1], strides = [1]} : vector<16xi32> to vector<1xi32>
          %squeeze3A_360 = vector.extract %slice3A_359[0] : i32 from vector<1xi32>
          %add3A_361 = arith.addi %add3A_321, %squeeze3A_360 : i32
          %swap3A_362 = arith.index_cast %add3A_361 : i32 to index
          %swap3A_363 = tpu.vector_load %arg22[%swap3A_362] masked %and3A_351 {strides = array<i32>} : memref<4224xi32, #tpu.memory_space<vmem>>, vector<16xi32>, vector<16xi1>
          tpu.vector_store %arg22[%swap3A_362], %get3A_335 masked %and3A_351 {strides = array<i32>} : memref<4224xi32, #tpu.memory_space<vmem>>, vector<16xi32>, vector<16xi1>
          %neg3A_364 = arith.constant 0.000000e+00 : f32
          %neg3A_365 = vector.broadcast %neg3A_364 : f32 to vector<16xf32>
          %neg3A_366 = arith.subf %neg3A_365, %masked_cumsum3A_345 : vector<16xf32>
          %swap3A_367 = arith.index_cast %add3A_361 : i32 to index
          %swap3A_368 = tpu.vector_load %arg25[%swap3A_367] masked %and3A_351 {strides = array<i32>} : memref<4224xf32, #tpu.memory_space<vmem>>, vector<16xf32>, vector<16xi1>
          tpu.vector_store %arg25[%swap3A_367], %neg3A_366 masked %and3A_351 {strides = array<i32>} : memref<4224xf32, #tpu.memory_space<vmem>>, vector<16xf32>, vector<16xi1>
          %neg3A_369 = arith.constant 0.000000e+00 : f32
          %neg3A_370 = vector.broadcast %neg3A_369 : f32 to vector<16xf32>
          %neg3A_371 = arith.subf %neg3A_370, %masked_cumsum3A_348 : vector<16xf32>
          %swap3A_372 = arith.index_cast %add3A_361 : i32 to index
          %swap3A_373 = tpu.vector_load %arg28[%swap3A_372] masked %and3A_351 {strides = array<i32>} : memref<4224xf32, #tpu.memory_space<vmem>>, vector<16xf32>, vector<16xi1>
          tpu.vector_store %arg28[%swap3A_372], %neg3A_371 masked %and3A_351 {strides = array<i32>} : memref<4224xf32, #tpu.memory_space<vmem>>, vector<16xf32>, vector<16xi1>
          %all_reduce_population_count3A_374 = tpu.all_reduce %and3A_351 {dim = 0 : i64, kind = #tpu.reduction_kind<sum>} : vector<16xi1> -> vector<16xi32>
          %slice3A_375 = vector.extract_strided_slice %all_reduce_population_count3A_374 {offsets = [0], sizes = [1], strides = [1]} : vector<16xi32> to vector<1xi32>
          %squeeze3A_376 = vector.extract %slice3A_375[0] : i32 from vector<1xi32>
          %add3A_377 = arith.addi %add3A_361, %squeeze3A_376 : i32
          %scan3A_378 = arith.constant 3 : i32
          %scan3A_379 = arith.addi %scan3A_217, %scan3A_378 : i32
          %mul3A_380 = arith.constant 1 : i32
          %mul3A_381 = arith.muli %scan3A_379, %mul3A_380 : i32
          %add3A_382 = arith.constant 0 : i32
          %add3A_383 = arith.addi %add3A_382, %mul3A_381 : i32
          %mul3A_384 = arith.constant 16 : i32
          %mul3A_385 = arith.muli %add3A_383, %mul3A_384 : i32
          %get3A_386 = arith.index_cast %mul3A_385 : i32 to index
          %get3A_387 = tpu.vector_load %arg13[%get3A_386] {strides = array<i32>} : memref<2064xi32, #tpu.memory_space<vmem>>, vector<16xi32>,
          %add3A_388 = arith.constant 1 : i32
          %add3A_389 = arith.addi %mul3A_385, %add3A_388 : i32
          %get3A_390 = arith.index_cast %add3A_389 : i32 to index
          %get3A_391 = tpu.vector_load %arg13[%get3A_390] {strides = array<i32>} : memref<2064xi32, #tpu.memory_space<vmem>>, vector<16xi32>,
          %get3A_392 = arith.index_cast %mul3A_385 : i32 to index
          %get3A_393 = tpu.vector_load %arg16[%get3A_392] {strides = array<i32>} : memref<2048xf32, #tpu.memory_space<vmem>>, vector<16xf32>,
          %get3A_394 = arith.index_cast %mul3A_385 : i32 to index
          %get3A_395 = tpu.vector_load %arg19[%get3A_394] {strides = array<i32>} : memref<2048xf32, #tpu.memory_space<vmem>>, vector<16xf32>,
          %mul3A_396 = arith.mulf %get3A_393, %get3A_395 : vector<16xf32>
          %min3A_397 = arith.minimumf %min3A_341, %get3A_395 : vector<16xf32>
          %max3A_398 = arith.maximumf %max3A_342, %get3A_395 : vector<16xf32>
          %broadcast_in_dim3A_399 = arith.constant true
          %broadcast_in_dim3A_400 = vector.broadcast %broadcast_in_dim3A_399 : i1 to vector<16xi1>
          %masked_cumsum3A_401 = tpu.scan <sum>, %get3A_393 masked %broadcast_in_dim3A_400 : vector<16xf32>, vector<16xi1> -> vector<16xf32>
          %broadcast_in_dim3A_402 = arith.constant true
          %broadcast_in_dim3A_403 = vector.broadcast %broadcast_in_dim3A_402 : i1 to vector<16xi1>
          %masked_cumsum3A_404 = tpu.scan <sum>, %mul3A_396 masked %broadcast_in_dim3A_403 : vector<16xf32>, vector<16xi1> -> vector<16xf32>
          %ne3A_405 = arith.cmpi ne, %get3A_387, %get3A_391 : vector<16xi32>
          %or3A_406 = arith.ori %ne3A_405, %eq3A_2 : vector<16xi1>
          %and3A_407 = arith.andi %ne3A_405, %not3A_3 : vector<16xi1>
          %swap3A_408 = arith.index_cast %add3A_377 : i32 to index
          %swap3A_409 = tpu.vector_load %arg22[%swap3A_408] masked %or3A_406 {strides = array<i32>} : memref<4224xi32, #tpu.memory_space<vmem>>, vector<16xi32>, vector<16xi1>
          tpu.vector_store %arg22[%swap3A_408], %get3A_387 masked %or3A_406 {strides = array<i32>} : memref<4224xi32, #tpu.memory_space<vmem>>, vector<16xi32>, vector<16xi1>
          %swap3A_410 = arith.index_cast %add3A_377 : i32 to index
          %swap3A_411 = tpu.vector_load %arg25[%swap3A_410] masked %or3A_406 {strides = array<i32>} : memref<4224xf32, #tpu.memory_space<vmem>>, vector<16xf32>, vector<16xi1>
          tpu.vector_store %arg25[%swap3A_410], %masked_cumsum3A_401 masked %or3A_406 {strides = array<i32>} : memref<4224xf32, #tpu.memory_space<vmem>>, vector<16xf32>, vector<16xi1>
          %swap3A_412 = arith.index_cast %add3A_377 : i32 to index
          %swap3A_413 = tpu.vector_load %arg28[%swap3A_412] masked %or3A_406 {strides = array<i32>} : memref<4224xf32, #tpu.memory_space<vmem>>, vector<16xf32>, vector<16xi1>
          tpu.vector_store %arg28[%swap3A_412], %masked_cumsum3A_404 masked %or3A_406 {strides = array<i32>} : memref<4224xf32, #tpu.memory_space<vmem>>, vector<16xf32>, vector<16xi1>
          %all_reduce_population_count3A_414 = tpu.all_reduce %or3A_406 {dim = 0 : i64, kind = #tpu.reduction_kind<sum>} : vector<16xi1> -> vector<16xi32>
          %slice3A_415 = vector.extract_strided_slice %all_reduce_population_count3A_414 {offsets = [0], sizes = [1], strides = [1]} : vector<16xi32> to vector<1xi32>
          %squeeze3A_416 = vector.extract %slice3A_415[0] : i32 from vector<1xi32>
          %add3A_417 = arith.addi %add3A_377, %squeeze3A_416 : i32
          %swap3A_418 = arith.index_cast %add3A_417 : i32 to index
          %swap3A_419 = tpu.vector_load %arg22[%swap3A_418] masked %and3A_407 {strides = array<i32>} : memref<4224xi32, #tpu.memory_space<vmem>>, vector<16xi32>, vector<16xi1>
          tpu.vector_store %arg22[%swap3A_418], %get3A_391 masked %and3A_407 {strides = array<i32>} : memref<4224xi32, #tpu.memory_space<vmem>>, vector<16xi32>, vector<16xi1>
          %neg3A_420 = arith.constant 0.000000e+00 : f32
          %neg3A_421 = vector.broadcast %neg3A_420 : f32 to vector<16xf32>
          %neg3A_422 = arith.subf %neg3A_421, %masked_cumsum3A_401 : vector<16xf32>
          %swap3A_423 = arith.index_cast %add3A_417 : i32 to index
          %swap3A_424 = tpu.vector_load %arg25[%swap3A_423] masked %and3A_407 {strides = array<i32>} : memref<4224xf32, #tpu.memory_space<vmem>>, vector<16xf32>, vector<16xi1>
          tpu.vector_store %arg25[%swap3A_423], %neg3A_422 masked %and3A_407 {strides = array<i32>} : memref<4224xf32, #tpu.memory_space<vmem>>, vector<16xf32>, vector<16xi1>
          %neg3A_425 = arith.constant 0.000000e+00 : f32
          %neg3A_426 = vector.broadcast %neg3A_425 : f32 to vector<16xf32>
          %neg3A_427 = arith.subf %neg3A_426, %masked_cumsum3A_404 : vector<16xf32>
          %swap3A_428 = arith.index_cast %add3A_417 : i32 to index
          %swap3A_429 = tpu.vector_load %arg28[%swap3A_428] masked %and3A_407 {strides = array<i32>} : memref<4224xf32, #tpu.memory_space<vmem>>, vector<16xf32>, vector<16xi1>
          tpu.vector_store %arg28[%swap3A_428], %neg3A_427 masked %and3A_407 {strides = array<i32>} : memref<4224xf32, #tpu.memory_space<vmem>>, vector<16xf32>, vector<16xi1>
          %all_reduce_population_count3A_430 = tpu.all_reduce %and3A_407 {dim = 0 : i64, kind = #tpu.reduction_kind<sum>} : vector<16xi1> -> vector<16xi32>
          %slice3A_431 = vector.extract_strided_slice %all_reduce_population_count3A_430 {offsets = [0], sizes = [1], strides = [1]} : vector<16xi32> to vector<1xi32>
          %squeeze3A_432 = vector.extract %slice3A_431[0] : i32 from vector<1xi32>
          %add3A_433 = arith.addi %add3A_417, %squeeze3A_432 : i32
          %scan3A_434 = arith.constant 4 : i32
          %scan3A_435 = arith.addi %scan3A_217, %scan3A_434 : i32
          %mul3A_436 = arith.constant 1 : i32
          %mul3A_437 = arith.muli %scan3A_435, %mul3A_436 : i32
          %add3A_438 = arith.constant 0 : i32
          %add3A_439 = arith.addi %add3A_438, %mul3A_437 : i32
          %mul3A_440 = arith.constant 16 : i32
          %mul3A_441 = arith.muli %add3A_439, %mul3A_440 : i32
          %get3A_442 = arith.index_cast %mul3A_441 : i32 to index
          %get3A_443 = tpu.vector_load %arg13[%get3A_442] {strides = array<i32>} : memref<2064xi32, #tpu.memory_space<vmem>>, vector<16xi32>,
          %add3A_444 = arith.constant 1 : i32
          %add3A_445 = arith.addi %mul3A_441, %add3A_444 : i32
          %get3A_446 = arith.index_cast %add3A_445 : i32 to index
          %get3A_447 = tpu.vector_load %arg13[%get3A_446] {strides = array<i32>} : memref<2064xi32, #tpu.memory_space<vmem>>, vector<16xi32>,
          %get3A_448 = arith.index_cast %mul3A_441 : i32 to index
          %get3A_449 = tpu.vector_load %arg16[%get3A_448] {strides = array<i32>} : memref<2048xf32, #tpu.memory_space<vmem>>, vector<16xf32>,
          %get3A_450 = arith.index_cast %mul3A_441 : i32 to index
          %get3A_451 = tpu.vector_load %arg19[%get3A_450] {strides = array<i32>} : memref<2048xf32, #tpu.memory_space<vmem>>, vector<16xf32>,
          %mul3A_452 = arith.mulf %get3A_449, %get3A_451 : vector<16xf32>
          %min3A_453 = arith.minimumf %min3A_397, %get3A_451 : vector<16xf32>
          %max3A_454 = arith.maximumf %max3A_398, %get3A_451 : vector<16xf32>
          %broadcast_in_dim3A_455 = arith.constant true
          %broadcast_in_dim3A_456 = vector.broadcast %broadcast_in_dim3A_455 : i1 to vector<16xi1>
          %masked_cumsum3A_457 = tpu.scan <sum>, %get3A_449 masked %broadcast_in_dim3A_456 : vector<16xf32>, vector<16xi1> -> vector<16xf32>
          %broadcast_in_dim3A_458 = arith.constant true
          %broadcast_in_dim3A_459 = vector.broadcast %broadcast_in_dim3A_458 : i1 to vector<16xi1>
          %masked_cumsum3A_460 = tpu.scan <sum>, %mul3A_452 masked %broadcast_in_dim3A_459 : vector<16xf32>, vector<16xi1> -> vector<16xf32>
          %ne3A_461 = arith.cmpi ne, %get3A_443, %get3A_447 : vector<16xi32>
          %or3A_462 = arith.ori %ne3A_461, %eq3A_2 : vector<16xi1>
          %and3A_463 = arith.andi %ne3A_461, %not3A_3 : vector<16xi1>
          %swap3A_464 = arith.index_cast %add3A_433 : i32 to index
          %swap3A_465 = tpu.vector_load %arg22[%swap3A_464] masked %or3A_462 {strides = array<i32>} : memref<4224xi32, #tpu.memory_space<vmem>>, vector<16xi32>, vector<16xi1>
          tpu.vector_store %arg22[%swap3A_464], %get3A_443 masked %or3A_462 {strides = array<i32>} : memref<4224xi32, #tpu.memory_space<vmem>>, vector<16xi32>, vector<16xi1>
          %swap3A_466 = arith.index_cast %add3A_433 : i32 to index
          %swap3A_467 = tpu.vector_load %arg25[%swap3A_466] masked %or3A_462 {strides = array<i32>} : memref<4224xf32, #tpu.memory_space<vmem>>, vector<16xf32>, vector<16xi1>
          tpu.vector_store %arg25[%swap3A_466], %masked_cumsum3A_457 masked %or3A_462 {strides = array<i32>} : memref<4224xf32, #tpu.memory_space<vmem>>, vector<16xf32>, vector<16xi1>
          %swap3A_468 = arith.index_cast %add3A_433 : i32 to index
          %swap3A_469 = tpu.vector_load %arg28[%swap3A_468] masked %or3A_462 {strides = array<i32>} : memref<4224xf32, #tpu.memory_space<vmem>>, vector<16xf32>, vector<16xi1>
          tpu.vector_store %arg28[%swap3A_468], %masked_cumsum3A_460 masked %or3A_462 {strides = array<i32>} : memref<4224xf32, #tpu.memory_space<vmem>>, vector<16xf32>, vector<16xi1>
          %all_reduce_population_count3A_470 = tpu.all_reduce %or3A_462 {dim = 0 : i64, kind = #tpu.reduction_kind<sum>} : vector<16xi1> -> vector<16xi32>
          %slice3A_471 = vector.extract_strided_slice %all_reduce_population_count3A_470 {offsets = [0], sizes = [1], strides = [1]} : vector<16xi32> to vector<1xi32>
          %squeeze3A_472 = vector.extract %slice3A_471[0] : i32 from vector<1xi32>
          %add3A_473 = arith.addi %add3A_433, %squeeze3A_472 : i32
          %swap3A_474 = arith.index_cast %add3A_473 : i32 to index
          %swap3A_475 = tpu.vector_load %arg22[%swap3A_474] masked %and3A_463 {strides = array<i32>} : memref<4224xi32, #tpu.memory_space<vmem>>, vector<16xi32>, vector<16xi1>
          tpu.vector_store %arg22[%swap3A_474], %get3A_447 masked %and3A_463 {strides = array<i32>} : memref<4224xi32, #tpu.memory_space<vmem>>, vector<16xi32>, vector<16xi1>
          %neg3A_476 = arith.constant 0.000000e+00 : f32
          %neg3A_477 = vector.broadcast %neg3A_476 : f32 to vector<16xf32>
          %neg3A_478 = arith.subf %neg3A_477, %masked_cumsum3A_457 : vector<16xf32>
          %swap3A_479 = arith.index_cast %add3A_473 : i32 to index
          %swap3A_480 = tpu.vector_load %arg25[%swap3A_479] masked %and3A_463 {strides = array<i32>} : memref<4224xf32, #tpu.memory_space<vmem>>, vector<16xf32>, vector<16xi1>
          tpu.vector_store %arg25[%swap3A_479], %neg3A_478 masked %and3A_463 {strides = array<i32>} : memref<4224xf32, #tpu.memory_space<vmem>>, vector<16xf32>, vector<16xi1>
          %neg3A_481 = arith.constant 0.000000e+00 : f32
          %neg3A_482 = vector.broadcast %neg3A_481 : f32 to vector<16xf32>
          %neg3A_483 = arith.subf %neg3A_482, %masked_cumsum3A_460 : vector<16xf32>
          %swap3A_484 = arith.index_cast %add3A_473 : i32 to index
          %swap3A_485 = tpu.vector_load %arg28[%swap3A_484] masked %and3A_463 {strides = array<i32>} : memref<4224xf32, #tpu.memory_space<vmem>>, vector<16xf32>, vector<16xi1>
          tpu.vector_store %arg28[%swap3A_484], %neg3A_483 masked %and3A_463 {strides = array<i32>} : memref<4224xf32, #tpu.memory_space<vmem>>, vector<16xf32>, vector<16xi1>
          %all_reduce_population_count3A_486 = tpu.all_reduce %and3A_463 {dim = 0 : i64, kind = #tpu.reduction_kind<sum>} : vector<16xi1> -> vector<16xi32>
          %slice3A_487 = vector.extract_strided_slice %all_reduce_population_count3A_486 {offsets = [0], sizes = [1], strides = [1]} : vector<16xi32> to vector<1xi32>
          %squeeze3A_488 = vector.extract %slice3A_487[0] : i32 from vector<1xi32>
          %add3A_489 = arith.addi %add3A_473, %squeeze3A_488 : i32
          %scan3A_490 = arith.constant 5 : i32
          %scan3A_491 = arith.addi %scan3A_217, %scan3A_490 : i32
          %mul3A_492 = arith.constant 1 : i32
          %mul3A_493 = arith.muli %scan3A_491, %mul3A_492 : i32
          %add3A_494 = arith.constant 0 : i32
          %add3A_495 = arith.addi %add3A_494, %mul3A_493 : i32
          %mul3A_496 = arith.constant 16 : i32
          %mul3A_497 = arith.muli %add3A_495, %mul3A_496 : i32
          %get3A_498 = arith.index_cast %mul3A_497 : i32 to index
          %get3A_499 = tpu.vector_load %arg13[%get3A_498] {strides = array<i32>} : memref<2064xi32, #tpu.memory_space<vmem>>, vector<16xi32>,
          %add3A_500 = arith.constant 1 : i32
          %add3A_501 = arith.addi %mul3A_497, %add3A_500 : i32
          %get3A_502 = arith.index_cast %add3A_501 : i32 to index
          %get3A_503 = tpu.vector_load %arg13[%get3A_502] {strides = array<i32>} : memref<2064xi32, #tpu.memory_space<vmem>>, vector<16xi32>,
          %get3A_504 = arith.index_cast %mul3A_497 : i32 to index
          %get3A_505 = tpu.vector_load %arg16[%get3A_504] {strides = array<i32>} : memref<2048xf32, #tpu.memory_space<vmem>>, vector<16xf32>,
          %get3A_506 = arith.index_cast %mul3A_497 : i32 to index
          %get3A_507 = tpu.vector_load %arg19[%get3A_506] {strides = array<i32>} : memref<2048xf32, #tpu.memory_space<vmem>>, vector<16xf32>,
          %mul3A_508 = arith.mulf %get3A_505, %get3A_507 : vector<16xf32>
          %min3A_509 = arith.minimumf %min3A_453, %get3A_507 : vector<16xf32>
          %max3A_510 = arith.maximumf %max3A_454, %get3A_507 : vector<16xf32>
          %broadcast_in_dim3A_511 = arith.constant true
          %broadcast_in_dim3A_512 = vector.broadcast %broadcast_in_dim3A_511 : i1 to vector<16xi1>
          %masked_cumsum3A_513 = tpu.scan <sum>, %get3A_505 masked %broadcast_in_dim3A_512 : vector<16xf32>, vector<16xi1> -> vector<16xf32>
          %broadcast_in_dim3A_514 = arith.constant true
          %broadcast_in_dim3A_515 = vector.broadcast %broadcast_in_dim3A_514 : i1 to vector<16xi1>
          %masked_cumsum3A_516 = tpu.scan <sum>, %mul3A_508 masked %broadcast_in_dim3A_515 : vector<16xf32>, vector<16xi1> -> vector<16xf32>
          %ne3A_517 = arith.cmpi ne, %get3A_499, %get3A_503 : vector<16xi32>
          %or3A_518 = arith.ori %ne3A_517, %eq3A_2 : vector<16xi1>
          %and3A_519 = arith.andi %ne3A_517, %not3A_3 : vector<16xi1>
          %swap3A_520 = arith.index_cast %add3A_489 : i32 to index
          %swap3A_521 = tpu.vector_load %arg22[%swap3A_520] masked %or3A_518 {strides = array<i32>} : memref<4224xi32, #tpu.memory_space<vmem>>, vector<16xi32>, vector<16xi1>
          tpu.vector_store %arg22[%swap3A_520], %get3A_499 masked %or3A_518 {strides = array<i32>} : memref<4224xi32, #tpu.memory_space<vmem>>, vector<16xi32>, vector<16xi1>
          %swap3A_522 = arith.index_cast %add3A_489 : i32 to index
          %swap3A_523 = tpu.vector_load %arg25[%swap3A_522] masked %or3A_518 {strides = array<i32>} : memref<4224xf32, #tpu.memory_space<vmem>>, vector<16xf32>, vector<16xi1>
          tpu.vector_store %arg25[%swap3A_522], %masked_cumsum3A_513 masked %or3A_518 {strides = array<i32>} : memref<4224xf32, #tpu.memory_space<vmem>>, vector<16xf32>, vector<16xi1>
          %swap3A_524 = arith.index_cast %add3A_489 : i32 to index
          %swap3A_525 = tpu.vector_load %arg28[%swap3A_524] masked %or3A_518 {strides = array<i32>} : memref<4224xf32, #tpu.memory_space<vmem>>, vector<16xf32>, vector<16xi1>
          tpu.vector_store %arg28[%swap3A_524], %masked_cumsum3A_516 masked %or3A_518 {strides = array<i32>} : memref<4224xf32, #tpu.memory_space<vmem>>, vector<16xf32>, vector<16xi1>
          %all_reduce_population_count3A_526 = tpu.all_reduce %or3A_518 {dim = 0 : i64, kind = #tpu.reduction_kind<sum>} : vector<16xi1> -> vector<16xi32>
          %slice3A_527 = vector.extract_strided_slice %all_reduce_population_count3A_526 {offsets = [0], sizes = [1], strides = [1]} : vector<16xi32> to vector<1xi32>
          %squeeze3A_528 = vector.extract %slice3A_527[0] : i32 from vector<1xi32>
          %add3A_529 = arith.addi %add3A_489, %squeeze3A_528 : i32
          %swap3A_530 = arith.index_cast %add3A_529 : i32 to index
          %swap3A_531 = tpu.vector_load %arg22[%swap3A_530] masked %and3A_519 {strides = array<i32>} : memref<4224xi32, #tpu.memory_space<vmem>>, vector<16xi32>, vector<16xi1>
          tpu.vector_store %arg22[%swap3A_530], %get3A_503 masked %and3A_519 {strides = array<i32>} : memref<4224xi32, #tpu.memory_space<vmem>>, vector<16xi32>, vector<16xi1>
          %neg3A_532 = arith.constant 0.000000e+00 : f32
          %neg3A_533 = vector.broadcast %neg3A_532 : f32 to vector<16xf32>
          %neg3A_534 = arith.subf %neg3A_533, %masked_cumsum3A_513 : vector<16xf32>
          %swap3A_535 = arith.index_cast %add3A_529 : i32 to index
          %swap3A_536 = tpu.vector_load %arg25[%swap3A_535] masked %and3A_519 {strides = array<i32>} : memref<4224xf32, #tpu.memory_space<vmem>>, vector<16xf32>, vector<16xi1>
          tpu.vector_store %arg25[%swap3A_535], %neg3A_534 masked %and3A_519 {strides = array<i32>} : memref<4224xf32, #tpu.memory_space<vmem>>, vector<16xf32>, vector<16xi1>
          %neg3A_537 = arith.constant 0.000000e+00 : f32
          %neg3A_538 = vector.broadcast %neg3A_537 : f32 to vector<16xf32>
          %neg3A_539 = arith.subf %neg3A_538, %masked_cumsum3A_516 : vector<16xf32>
          %swap3A_540 = arith.index_cast %add3A_529 : i32 to index
          %swap3A_541 = tpu.vector_load %arg28[%swap3A_540] masked %and3A_519 {strides = array<i32>} : memref<4224xf32, #tpu.memory_space<vmem>>, vector<16xf32>, vector<16xi1>
          tpu.vector_store %arg28[%swap3A_540], %neg3A_539 masked %and3A_519 {strides = array<i32>} : memref<4224xf32, #tpu.memory_space<vmem>>, vector<16xf32>, vector<16xi1>
          %all_reduce_population_count3A_542 = tpu.all_reduce %and3A_519 {dim = 0 : i64, kind = #tpu.reduction_kind<sum>} : vector<16xi1> -> vector<16xi32>
          %slice3A_543 = vector.extract_strided_slice %all_reduce_population_count3A_542 {offsets = [0], sizes = [1], strides = [1]} : vector<16xi32> to vector<1xi32>
          %squeeze3A_544 = vector.extract %slice3A_543[0] : i32 from vector<1xi32>
          %add3A_545 = arith.addi %add3A_529, %squeeze3A_544 : i32
          %scan3A_546 = arith.constant 6 : i32
          %scan3A_547 = arith.addi %scan3A_217, %scan3A_546 : i32
          %mul3A_548 = arith.constant 1 : i32
          %mul3A_549 = arith.muli %scan3A_547, %mul3A_548 : i32
          %add3A_550 = arith.constant 0 : i32
          %add3A_551 = arith.addi %add3A_550, %mul3A_549 : i32
          %mul3A_552 = arith.constant 16 : i32
          %mul3A_553 = arith.muli %add3A_551, %mul3A_552 : i32
          %get3A_554 = arith.index_cast %mul3A_553 : i32 to index
          %get3A_555 = tpu.vector_load %arg13[%get3A_554] {strides = array<i32>} : memref<2064xi32, #tpu.memory_space<vmem>>, vector<16xi32>,
          %add3A_556 = arith.constant 1 : i32
          %add3A_557 = arith.addi %mul3A_553, %add3A_556 : i32
          %get3A_558 = arith.index_cast %add3A_557 : i32 to index
          %get3A_559 = tpu.vector_load %arg13[%get3A_558] {strides = array<i32>} : memref<2064xi32, #tpu.memory_space<vmem>>, vector<16xi32>,
          %get3A_560 = arith.index_cast %mul3A_553 : i32 to index
          %get3A_561 = tpu.vector_load %arg16[%get3A_560] {strides = array<i32>} : memref<2048xf32, #tpu.memory_space<vmem>>, vector<16xf32>,
          %get3A_562 = arith.index_cast %mul3A_553 : i32 to index
          %get3A_563 = tpu.vector_load %arg19[%get3A_562] {strides = array<i32>} : memref<2048xf32, #tpu.memory_space<vmem>>, vector<16xf32>,
          %mul3A_564 = arith.mulf %get3A_561, %get3A_563 : vector<16xf32>
          %min3A_565 = arith.minimumf %min3A_509, %get3A_563 : vector<16xf32>
          %max3A_566 = arith.maximumf %max3A_510, %get3A_563 : vector<16xf32>
          %broadcast_in_dim3A_567 = arith.constant true
          %broadcast_in_dim3A_568 = vector.broadcast %broadcast_in_dim3A_567 : i1 to vector<16xi1>
          %masked_cumsum3A_569 = tpu.scan <sum>, %get3A_561 masked %broadcast_in_dim3A_568 : vector<16xf32>, vector<16xi1> -> vector<16xf32>
          %broadcast_in_dim3A_570 = arith.constant true
          %broadcast_in_dim3A_571 = vector.broadcast %broadcast_in_dim3A_570 : i1 to vector<16xi1>
          %masked_cumsum3A_572 = tpu.scan <sum>, %mul3A_564 masked %broadcast_in_dim3A_571 : vector<16xf32>, vector<16xi1> -> vector<16xf32>
          %ne3A_573 = arith.cmpi ne, %get3A_555, %get3A_559 : vector<16xi32>
          %or3A_574 = arith.ori %ne3A_573, %eq3A_2 : vector<16xi1>
          %and3A_575 = arith.andi %ne3A_573, %not3A_3 : vector<16xi1>
          %swap3A_576 = arith.index_cast %add3A_545 : i32 to index
          %swap3A_577 = tpu.vector_load %arg22[%swap3A_576] masked %or3A_574 {strides = array<i32>} : memref<4224xi32, #tpu.memory_space<vmem>>, vector<16xi32>, vector<16xi1>
          tpu.vector_store %arg22[%swap3A_576], %get3A_555 masked %or3A_574 {strides = array<i32>} : memref<4224xi32, #tpu.memory_space<vmem>>, vector<16xi32>, vector<16xi1>
          %swap3A_578 = arith.index_cast %add3A_545 : i32 to index
          %swap3A_579 = tpu.vector_load %arg25[%swap3A_578] masked %or3A_574 {strides = array<i32>} : memref<4224xf32, #tpu.memory_space<vmem>>, vector<16xf32>, vector<16xi1>
          tpu.vector_store %arg25[%swap3A_578], %masked_cumsum3A_569 masked %or3A_574 {strides = array<i32>} : memref<4224xf32, #tpu.memory_space<vmem>>, vector<16xf32>, vector<16xi1>
          %swap3A_580 = arith.index_cast %add3A_545 : i32 to index
          %swap3A_581 = tpu.vector_load %arg28[%swap3A_580] masked %or3A_574 {strides = array<i32>} : memref<4224xf32, #tpu.memory_space<vmem>>, vector<16xf32>, vector<16xi1>
          tpu.vector_store %arg28[%swap3A_580], %masked_cumsum3A_572 masked %or3A_574 {strides = array<i32>} : memref<4224xf32, #tpu.memory_space<vmem>>, vector<16xf32>, vector<16xi1>
          %all_reduce_population_count3A_582 = tpu.all_reduce %or3A_574 {dim = 0 : i64, kind = #tpu.reduction_kind<sum>} : vector<16xi1> -> vector<16xi32>
          %slice3A_583 = vector.extract_strided_slice %all_reduce_population_count3A_582 {offsets = [0], sizes = [1], strides = [1]} : vector<16xi32> to vector<1xi32>
          %squeeze3A_584 = vector.extract %slice3A_583[0] : i32 from vector<1xi32>
          %add3A_585 = arith.addi %add3A_545, %squeeze3A_584 : i32
          %swap3A_586 = arith.index_cast %add3A_585 : i32 to index
          %swap3A_587 = tpu.vector_load %arg22[%swap3A_586] masked %and3A_575 {strides = array<i32>} : memref<4224xi32, #tpu.memory_space<vmem>>, vector<16xi32>, vector<16xi1>
          tpu.vector_store %arg22[%swap3A_586], %get3A_559 masked %and3A_575 {strides = array<i32>} : memref<4224xi32, #tpu.memory_space<vmem>>, vector<16xi32>, vector<16xi1>
          %neg3A_588 = arith.constant 0.000000e+00 : f32
          %neg3A_589 = vector.broadcast %neg3A_588 : f32 to vector<16xf32>
          %neg3A_590 = arith.subf %neg3A_589, %masked_cumsum3A_569 : vector<16xf32>
          %swap3A_591 = arith.index_cast %add3A_585 : i32 to index
          %swap3A_592 = tpu.vector_load %arg25[%swap3A_591] masked %and3A_575 {strides = array<i32>} : memref<4224xf32, #tpu.memory_space<vmem>>, vector<16xf32>, vector<16xi1>
          tpu.vector_store %arg25[%swap3A_591], %neg3A_590 masked %and3A_575 {strides = array<i32>} : memref<4224xf32, #tpu.memory_space<vmem>>, vector<16xf32>, vector<16xi1>
          %neg3A_593 = arith.constant 0.000000e+00 : f32
          %neg3A_594 = vector.broadcast %neg3A_593 : f32 to vector<16xf32>
          %neg3A_595 = arith.subf %neg3A_594, %masked_cumsum3A_572 : vector<16xf32>
          %swap3A_596 = arith.index_cast %add3A_585 : i32 to index
          %swap3A_597 = tpu.vector_load %arg28[%swap3A_596] masked %and3A_575 {strides = array<i32>} : memref<4224xf32, #tpu.memory_space<vmem>>, vector<16xf32>, vector<16xi1>
          tpu.vector_store %arg28[%swap3A_596], %neg3A_595 masked %and3A_575 {strides = array<i32>} : memref<4224xf32, #tpu.memory_space<vmem>>, vector<16xf32>, vector<16xi1>
          %all_reduce_population_count3A_598 = tpu.all_reduce %and3A_575 {dim = 0 : i64, kind = #tpu.reduction_kind<sum>} : vector<16xi1> -> vector<16xi32>
          %slice3A_599 = vector.extract_strided_slice %all_reduce_population_count3A_598 {offsets = [0], sizes = [1], strides = [1]} : vector<16xi32> to vector<1xi32>
          %squeeze3A_600 = vector.extract %slice3A_599[0] : i32 from vector<1xi32>
          %add3A_601 = arith.addi %add3A_585, %squeeze3A_600 : i32
          %scan3A_602 = arith.constant 7 : i32
          %scan3A_603 = arith.addi %scan3A_217, %scan3A_602 : i32
          %mul3A_604 = arith.constant 1 : i32
          %mul3A_605 = arith.muli %scan3A_603, %mul3A_604 : i32
          %add3A_606 = arith.constant 0 : i32
          %add3A_607 = arith.addi %add3A_606, %mul3A_605 : i32
          %mul3A_608 = arith.constant 16 : i32
          %mul3A_609 = arith.muli %add3A_607, %mul3A_608 : i32
          %get3A_610 = arith.index_cast %mul3A_609 : i32 to index
          %get3A_611 = tpu.vector_load %arg13[%get3A_610] {strides = array<i32>} : memref<2064xi32, #tpu.memory_space<vmem>>, vector<16xi32>,
          %add3A_612 = arith.constant 1 : i32
          %add3A_613 = arith.addi %mul3A_609, %add3A_612 : i32
          %get3A_614 = arith.index_cast %add3A_613 : i32 to index
          %get3A_615 = tpu.vector_load %arg13[%get3A_614] {strides = array<i32>} : memref<2064xi32, #tpu.memory_space<vmem>>, vector<16xi32>,
          %get3A_616 = arith.index_cast %mul3A_609 : i32 to index
          %get3A_617 = tpu.vector_load %arg16[%get3A_616] {strides = array<i32>} : memref<2048xf32, #tpu.memory_space<vmem>>, vector<16xf32>,
          %get3A_618 = arith.index_cast %mul3A_609 : i32 to index
          %get3A_619 = tpu.vector_load %arg19[%get3A_618] {strides = array<i32>} : memref<2048xf32, #tpu.memory_space<vmem>>, vector<16xf32>,
          %mul3A_620 = arith.mulf %get3A_617, %get3A_619 : vector<16xf32>
          %min3A_621 = arith.minimumf %min3A_565, %get3A_619 : vector<16xf32>
          %max3A_622 = arith.maximumf %max3A_566, %get3A_619 : vector<16xf32>
          %broadcast_in_dim3A_623 = arith.constant true
          %broadcast_in_dim3A_624 = vector.broadcast %broadcast_in_dim3A_623 : i1 to vector<16xi1>
          %masked_cumsum3A_625 = tpu.scan <sum>, %get3A_617 masked %broadcast_in_dim3A_624 : vector<16xf32>, vector<16xi1> -> vector<16xf32>
          %broadcast_in_dim3A_626 = arith.constant true
          %broadcast_in_dim3A_627 = vector.broadcast %broadcast_in_dim3A_626 : i1 to vector<16xi1>
          %masked_cumsum3A_628 = tpu.scan <sum>, %mul3A_620 masked %broadcast_in_dim3A_627 : vector<16xf32>, vector<16xi1> -> vector<16xf32>
          %ne3A_629 = arith.cmpi ne, %get3A_611, %get3A_615 : vector<16xi32>
          %or3A_630 = arith.ori %ne3A_629, %eq3A_2 : vector<16xi1>
          %and3A_631 = arith.andi %ne3A_629, %not3A_3 : vector<16xi1>
          %swap3A_632 = arith.index_cast %add3A_601 : i32 to index
          %swap3A_633 = tpu.vector_load %arg22[%swap3A_632] masked %or3A_630 {strides = array<i32>} : memref<4224xi32, #tpu.memory_space<vmem>>, vector<16xi32>, vector<16xi1>
          tpu.vector_store %arg22[%swap3A_632], %get3A_611 masked %or3A_630 {strides = array<i32>} : memref<4224xi32, #tpu.memory_space<vmem>>, vector<16xi32>, vector<16xi1>
          %swap3A_634 = arith.index_cast %add3A_601 : i32 to index
          %swap3A_635 = tpu.vector_load %arg25[%swap3A_634] masked %or3A_630 {strides = array<i32>} : memref<4224xf32, #tpu.memory_space<vmem>>, vector<16xf32>, vector<16xi1>
          tpu.vector_store %arg25[%swap3A_634], %masked_cumsum3A_625 masked %or3A_630 {strides = array<i32>} : memref<4224xf32, #tpu.memory_space<vmem>>, vector<16xf32>, vector<16xi1>
          %swap3A_636 = arith.index_cast %add3A_601 : i32 to index
          %swap3A_637 = tpu.vector_load %arg28[%swap3A_636] masked %or3A_630 {strides = array<i32>} : memref<4224xf32, #tpu.memory_space<vmem>>, vector<16xf32>, vector<16xi1>
          tpu.vector_store %arg28[%swap3A_636], %masked_cumsum3A_628 masked %or3A_630 {strides = array<i32>} : memref<4224xf32, #tpu.memory_space<vmem>>, vector<16xf32>, vector<16xi1>
          %all_reduce_population_count3A_638 = tpu.all_reduce %or3A_630 {dim = 0 : i64, kind = #tpu.reduction_kind<sum>} : vector<16xi1> -> vector<16xi32>
          %slice3A_639 = vector.extract_strided_slice %all_reduce_population_count3A_638 {offsets = [0], sizes = [1], strides = [1]} : vector<16xi32> to vector<1xi32>
          %squeeze3A_640 = vector.extract %slice3A_639[0] : i32 from vector<1xi32>
          %add3A_641 = arith.addi %add3A_601, %squeeze3A_640 : i32
          %swap3A_642 = arith.index_cast %add3A_641 : i32 to index
          %swap3A_643 = tpu.vector_load %arg22[%swap3A_642] masked %and3A_631 {strides = array<i32>} : memref<4224xi32, #tpu.memory_space<vmem>>, vector<16xi32>, vector<16xi1>
          tpu.vector_store %arg22[%swap3A_642], %get3A_615 masked %and3A_631 {strides = array<i32>} : memref<4224xi32, #tpu.memory_space<vmem>>, vector<16xi32>, vector<16xi1>
          %neg3A_644 = arith.constant 0.000000e+00 : f32
          %neg3A_645 = vector.broadcast %neg3A_644 : f32 to vector<16xf32>
          %neg3A_646 = arith.subf %neg3A_645, %masked_cumsum3A_625 : vector<16xf32>
          %swap3A_647 = arith.index_cast %add3A_641 : i32 to index
          %swap3A_648 = tpu.vector_load %arg25[%swap3A_647] masked %and3A_631 {strides = array<i32>} : memref<4224xf32, #tpu.memory_space<vmem>>, vector<16xf32>, vector<16xi1>
          tpu.vector_store %arg25[%swap3A_647], %neg3A_646 masked %and3A_631 {strides = array<i32>} : memref<4224xf32, #tpu.memory_space<vmem>>, vector<16xf32>, vector<16xi1>
          %neg3A_649 = arith.constant 0.000000e+00 : f32
          %neg3A_650 = vector.broadcast %neg3A_649 : f32 to vector<16xf32>
          %neg3A_651 = arith.subf %neg3A_650, %masked_cumsum3A_628 : vector<16xf32>
          %swap3A_652 = arith.index_cast %add3A_641 : i32 to index
          %swap3A_653 = tpu.vector_load %arg28[%swap3A_652] masked %and3A_631 {strides = array<i32>} : memref<4224xf32, #tpu.memory_space<vmem>>, vector<16xf32>, vector<16xi1>
          tpu.vector_store %arg28[%swap3A_652], %neg3A_651 masked %and3A_631 {strides = array<i32>} : memref<4224xf32, #tpu.memory_space<vmem>>, vector<16xf32>, vector<16xi1>
          %all_reduce_population_count3A_654 = tpu.all_reduce %and3A_631 {dim = 0 : i64, kind = #tpu.reduction_kind<sum>} : vector<16xi1> -> vector<16xi32>
          %slice3A_655 = vector.extract_strided_slice %all_reduce_population_count3A_654 {offsets = [0], sizes = [1], strides = [1]} : vector<16xi32> to vector<1xi32>
          %squeeze3A_656 = vector.extract %slice3A_655[0] : i32 from vector<1xi32>
          %add3A_657 = arith.addi %add3A_641, %squeeze3A_656 : i32
          scf.yield %add3A_657, %min3A_621, %max3A_622 : i32, vector<16xf32>, vector<16xf32>
        }
        %scan3A_140 = arith.constant 128 : i32
        %swap3A_141 = arith.constant 0 : index
        %swap3A_142 = tpu.vector_load %arg30[%swap3A_141] {strides = array<i32>} : memref<16xf32, #tpu.memory_space<vmem>>, vector<16xf32>,
        tpu.vector_store %arg30[%swap3A_141], %scan3A_139#1 {strides = array<i32>} : memref<16xf32, #tpu.memory_space<vmem>>, vector<16xf32>,
        %swap3A_143 = arith.constant 0 : index
        %swap3A_144 = tpu.vector_load %arg31[%swap3A_143] {strides = array<i32>} : memref<16xf32, #tpu.memory_space<vmem>>, vector<16xf32>,
        tpu.vector_store %arg31[%swap3A_143], %scan3A_139#2 {strides = array<i32>} : memref<16xf32, #tpu.memory_space<vmem>>, vector<16xf32>,
        %add3A_145 = arith.constant 127 : i32
        %add3A_146 = arith.addi %scan3A_139#0, %add3A_145 : i32
        %shift_right_logical3A = arith.constant 7 : i32
        %shift_right_logical3A_147 = arith.shrui %add3A_146, %shift_right_logical3A : i32
        %shift_left3A = arith.constant 7 : i32
        %shift_left3A_148 = arith.shli %shift_right_logical3A_147, %shift_left3A : i32
        %add3A_149 = arith.constant 0 : i32
        %add3A_150 = arith.addi %scan3A_139#0, %add3A_149 : i32
        %lt3A_151 = arith.cmpi slt, %add3A_150, %shift_left3A_148 : i32
        %convert_element_type3A_152 = arith.extui %lt3A_151 : i1 to i32
        %cond3A_153 = arith.constant 0 : i32
        %cond3A_154 = arith.cmpi ne, %convert_element_type3A_152, %cond3A_153 : i32
        scf.if %cond3A_154 {
          %add3A_217 = arith.constant 100000 : i32
          %add3A_218 = vector.broadcast %add3A_217 : i32 to vector<16xi32>
          %add3A_219 = arith.addi %iota3A, %add3A_218 : vector<16xi32>
          %swap3A_220 = arith.index_cast %add3A_150 : i32 to index
          %swap3A_221 = tpu.vector_load %arg22[%swap3A_220] {strides = array<i32>} : memref<4224xi32, #tpu.memory_space<vmem>>, vector<16xi32>,
          tpu.vector_store %arg22[%swap3A_220], %add3A_219 {strides = array<i32>} : memref<4224xi32, #tpu.memory_space<vmem>>, vector<16xi32>,
          %swap3A_222 = arith.index_cast %add3A_150 : i32 to index
          %swap3A_223 = tpu.vector_load %arg25[%swap3A_222] {strides = array<i32>} : memref<4224xf32, #tpu.memory_space<vmem>>, vector<16xf32>,
          tpu.vector_store %arg25[%swap3A_222], %broadcast_in_dim3A_130 {strides = array<i32>} : memref<4224xf32, #tpu.memory_space<vmem>>, vector<16xf32>,
          %swap3A_224 = arith.index_cast %add3A_150 : i32 to index
          %swap3A_225 = tpu.vector_load %arg28[%swap3A_224] {strides = array<i32>} : memref<4224xf32, #tpu.memory_space<vmem>>, vector<16xf32>,
          tpu.vector_store %arg28[%swap3A_224], %broadcast_in_dim3A_130 {strides = array<i32>} : memref<4224xf32, #tpu.memory_space<vmem>>, vector<16xf32>,
        } else {
        }
        %add3A_155 = arith.constant 16 : i32
        %add3A_156 = arith.addi %scan3A_139#0, %add3A_155 : i32
        %lt3A_157 = arith.cmpi slt, %add3A_156, %shift_left3A_148 : i32
        %convert_element_type3A_158 = arith.extui %lt3A_157 : i1 to i32
        %cond3A_159 = arith.constant 0 : i32
        %cond3A_160 = arith.cmpi ne, %convert_element_type3A_158, %cond3A_159 : i32
        scf.if %cond3A_160 {
          %add3A_217 = arith.constant 100016 : i32
          %add3A_218 = vector.broadcast %add3A_217 : i32 to vector<16xi32>
          %add3A_219 = arith.addi %iota3A, %add3A_218 : vector<16xi32>
          %swap3A_220 = arith.index_cast %add3A_156 : i32 to index
          %swap3A_221 = tpu.vector_load %arg22[%swap3A_220] {strides = array<i32>} : memref<4224xi32, #tpu.memory_space<vmem>>, vector<16xi32>,
          tpu.vector_store %arg22[%swap3A_220], %add3A_219 {strides = array<i32>} : memref<4224xi32, #tpu.memory_space<vmem>>, vector<16xi32>,
          %swap3A_222 = arith.index_cast %add3A_156 : i32 to index
          %swap3A_223 = tpu.vector_load %arg25[%swap3A_222] {strides = array<i32>} : memref<4224xf32, #tpu.memory_space<vmem>>, vector<16xf32>,
          tpu.vector_store %arg25[%swap3A_222], %broadcast_in_dim3A_130 {strides = array<i32>} : memref<4224xf32, #tpu.memory_space<vmem>>, vector<16xf32>,
          %swap3A_224 = arith.index_cast %add3A_156 : i32 to index
          %swap3A_225 = tpu.vector_load %arg28[%swap3A_224] {strides = array<i32>} : memref<4224xf32, #tpu.memory_space<vmem>>, vector<16xf32>,
          tpu.vector_store %arg28[%swap3A_224], %broadcast_in_dim3A_130 {strides = array<i32>} : memref<4224xf32, #tpu.memory_space<vmem>>, vector<16xf32>,
        } else {
        }
        %add3A_161 = arith.constant 32 : i32
        %add3A_162 = arith.addi %scan3A_139#0, %add3A_161 : i32
        %lt3A_163 = arith.cmpi slt, %add3A_162, %shift_left3A_148 : i32
        %convert_element_type3A_164 = arith.extui %lt3A_163 : i1 to i32
        %cond3A_165 = arith.constant 0 : i32
        %cond3A_166 = arith.cmpi ne, %convert_element_type3A_164, %cond3A_165 : i32
        scf.if %cond3A_166 {
          %add3A_217 = arith.constant 100032 : i32
          %add3A_218 = vector.broadcast %add3A_217 : i32 to vector<16xi32>
          %add3A_219 = arith.addi %iota3A, %add3A_218 : vector<16xi32>
          %swap3A_220 = arith.index_cast %add3A_162 : i32 to index
          %swap3A_221 = tpu.vector_load %arg22[%swap3A_220] {strides = array<i32>} : memref<4224xi32, #tpu.memory_space<vmem>>, vector<16xi32>,
          tpu.vector_store %arg22[%swap3A_220], %add3A_219 {strides = array<i32>} : memref<4224xi32, #tpu.memory_space<vmem>>, vector<16xi32>,
          %swap3A_222 = arith.index_cast %add3A_162 : i32 to index
          %swap3A_223 = tpu.vector_load %arg25[%swap3A_222] {strides = array<i32>} : memref<4224xf32, #tpu.memory_space<vmem>>, vector<16xf32>,
          tpu.vector_store %arg25[%swap3A_222], %broadcast_in_dim3A_130 {strides = array<i32>} : memref<4224xf32, #tpu.memory_space<vmem>>, vector<16xf32>,
          %swap3A_224 = arith.index_cast %add3A_162 : i32 to index
          %swap3A_225 = tpu.vector_load %arg28[%swap3A_224] {strides = array<i32>} : memref<4224xf32, #tpu.memory_space<vmem>>, vector<16xf32>,
          tpu.vector_store %arg28[%swap3A_224], %broadcast_in_dim3A_130 {strides = array<i32>} : memref<4224xf32, #tpu.memory_space<vmem>>, vector<16xf32>,
        } else {
        }
        %add3A_167 = arith.constant 48 : i32
        %add3A_168 = arith.addi %scan3A_139#0, %add3A_167 : i32
        %lt3A_169 = arith.cmpi slt, %add3A_168, %shift_left3A_148 : i32
        %convert_element_type3A_170 = arith.extui %lt3A_169 : i1 to i32
        %cond3A_171 = arith.constant 0 : i32
        %cond3A_172 = arith.cmpi ne, %convert_element_type3A_170, %cond3A_171 : i32
        scf.if %cond3A_172 {
          %add3A_217 = arith.constant 100048 : i32
          %add3A_218 = vector.broadcast %add3A_217 : i32 to vector<16xi32>
          %add3A_219 = arith.addi %iota3A, %add3A_218 : vector<16xi32>
          %swap3A_220 = arith.index_cast %add3A_168 : i32 to index
          %swap3A_221 = tpu.vector_load %arg22[%swap3A_220] {strides = array<i32>} : memref<4224xi32, #tpu.memory_space<vmem>>, vector<16xi32>,
          tpu.vector_store %arg22[%swap3A_220], %add3A_219 {strides = array<i32>} : memref<4224xi32, #tpu.memory_space<vmem>>, vector<16xi32>,
          %swap3A_222 = arith.index_cast %add3A_168 : i32 to index
          %swap3A_223 = tpu.vector_load %arg25[%swap3A_222] {strides = array<i32>} : memref<4224xf32, #tpu.memory_space<vmem>>, vector<16xf32>,
          tpu.vector_store %arg25[%swap3A_222], %broadcast_in_dim3A_130 {strides = array<i32>} : memref<4224xf32, #tpu.memory_space<vmem>>, vector<16xf32>,
          %swap3A_224 = arith.index_cast %add3A_168 : i32 to index
          %swap3A_225 = tpu.vector_load %arg28[%swap3A_224] {strides = array<i32>} : memref<4224xf32, #tpu.memory_space<vmem>>, vector<16xf32>,
          tpu.vector_store %arg28[%swap3A_224], %broadcast_in_dim3A_130 {strides = array<i32>} : memref<4224xf32, #tpu.memory_space<vmem>>, vector<16xf32>,
        } else {
        }
        %add3A_173 = arith.constant 64 : i32
        %add3A_174 = arith.addi %scan3A_139#0, %add3A_173 : i32
        %lt3A_175 = arith.cmpi slt, %add3A_174, %shift_left3A_148 : i32
        %convert_element_type3A_176 = arith.extui %lt3A_175 : i1 to i32
        %cond3A_177 = arith.constant 0 : i32
        %cond3A_178 = arith.cmpi ne, %convert_element_type3A_176, %cond3A_177 : i32
        scf.if %cond3A_178 {
          %add3A_217 = arith.constant 100064 : i32
          %add3A_218 = vector.broadcast %add3A_217 : i32 to vector<16xi32>
          %add3A_219 = arith.addi %iota3A, %add3A_218 : vector<16xi32>
          %swap3A_220 = arith.index_cast %add3A_174 : i32 to index
          %swap3A_221 = tpu.vector_load %arg22[%swap3A_220] {strides = array<i32>} : memref<4224xi32, #tpu.memory_space<vmem>>, vector<16xi32>,
          tpu.vector_store %arg22[%swap3A_220], %add3A_219 {strides = array<i32>} : memref<4224xi32, #tpu.memory_space<vmem>>, vector<16xi32>,
          %swap3A_222 = arith.index_cast %add3A_174 : i32 to index
          %swap3A_223 = tpu.vector_load %arg25[%swap3A_222] {strides = array<i32>} : memref<4224xf32, #tpu.memory_space<vmem>>, vector<16xf32>,
          tpu.vector_store %arg25[%swap3A_222], %broadcast_in_dim3A_130 {strides = array<i32>} : memref<4224xf32, #tpu.memory_space<vmem>>, vector<16xf32>,
          %swap3A_224 = arith.index_cast %add3A_174 : i32 to index
          %swap3A_225 = tpu.vector_load %arg28[%swap3A_224] {strides = array<i32>} : memref<4224xf32, #tpu.memory_space<vmem>>, vector<16xf32>,
          tpu.vector_store %arg28[%swap3A_224], %broadcast_in_dim3A_130 {strides = array<i32>} : memref<4224xf32, #tpu.memory_space<vmem>>, vector<16xf32>,
        } else {
        }
        %add3A_179 = arith.constant 80 : i32
        %add3A_180 = arith.addi %scan3A_139#0, %add3A_179 : i32
        %lt3A_181 = arith.cmpi slt, %add3A_180, %shift_left3A_148 : i32
        %convert_element_type3A_182 = arith.extui %lt3A_181 : i1 to i32
        %cond3A_183 = arith.constant 0 : i32
        %cond3A_184 = arith.cmpi ne, %convert_element_type3A_182, %cond3A_183 : i32
        scf.if %cond3A_184 {
          %add3A_217 = arith.constant 100080 : i32
          %add3A_218 = vector.broadcast %add3A_217 : i32 to vector<16xi32>
          %add3A_219 = arith.addi %iota3A, %add3A_218 : vector<16xi32>
          %swap3A_220 = arith.index_cast %add3A_180 : i32 to index
          %swap3A_221 = tpu.vector_load %arg22[%swap3A_220] {strides = array<i32>} : memref<4224xi32, #tpu.memory_space<vmem>>, vector<16xi32>,
          tpu.vector_store %arg22[%swap3A_220], %add3A_219 {strides = array<i32>} : memref<4224xi32, #tpu.memory_space<vmem>>, vector<16xi32>,
          %swap3A_222 = arith.index_cast %add3A_180 : i32 to index
          %swap3A_223 = tpu.vector_load %arg25[%swap3A_222] {strides = array<i32>} : memref<4224xf32, #tpu.memory_space<vmem>>, vector<16xf32>,
          tpu.vector_store %arg25[%swap3A_222], %broadcast_in_dim3A_130 {strides = array<i32>} : memref<4224xf32, #tpu.memory_space<vmem>>, vector<16xf32>,
          %swap3A_224 = arith.index_cast %add3A_180 : i32 to index
          %swap3A_225 = tpu.vector_load %arg28[%swap3A_224] {strides = array<i32>} : memref<4224xf32, #tpu.memory_space<vmem>>, vector<16xf32>,
          tpu.vector_store %arg28[%swap3A_224], %broadcast_in_dim3A_130 {strides = array<i32>} : memref<4224xf32, #tpu.memory_space<vmem>>, vector<16xf32>,
        } else {
        }
        %add3A_185 = arith.constant 96 : i32
        %add3A_186 = arith.addi %scan3A_139#0, %add3A_185 : i32
        %lt3A_187 = arith.cmpi slt, %add3A_186, %shift_left3A_148 : i32
        %convert_element_type3A_188 = arith.extui %lt3A_187 : i1 to i32
        %cond3A_189 = arith.constant 0 : i32
        %cond3A_190 = arith.cmpi ne, %convert_element_type3A_188, %cond3A_189 : i32
        scf.if %cond3A_190 {
          %add3A_217 = arith.constant 100096 : i32
          %add3A_218 = vector.broadcast %add3A_217 : i32 to vector<16xi32>
          %add3A_219 = arith.addi %iota3A, %add3A_218 : vector<16xi32>
          %swap3A_220 = arith.index_cast %add3A_186 : i32 to index
          %swap3A_221 = tpu.vector_load %arg22[%swap3A_220] {strides = array<i32>} : memref<4224xi32, #tpu.memory_space<vmem>>, vector<16xi32>,
          tpu.vector_store %arg22[%swap3A_220], %add3A_219 {strides = array<i32>} : memref<4224xi32, #tpu.memory_space<vmem>>, vector<16xi32>,
          %swap3A_222 = arith.index_cast %add3A_186 : i32 to index
          %swap3A_223 = tpu.vector_load %arg25[%swap3A_222] {strides = array<i32>} : memref<4224xf32, #tpu.memory_space<vmem>>, vector<16xf32>,
          tpu.vector_store %arg25[%swap3A_222], %broadcast_in_dim3A_130 {strides = array<i32>} : memref<4224xf32, #tpu.memory_space<vmem>>, vector<16xf32>,
          %swap3A_224 = arith.index_cast %add3A_186 : i32 to index
          %swap3A_225 = tpu.vector_load %arg28[%swap3A_224] {strides = array<i32>} : memref<4224xf32, #tpu.memory_space<vmem>>, vector<16xf32>,
          tpu.vector_store %arg28[%swap3A_224], %broadcast_in_dim3A_130 {strides = array<i32>} : memref<4224xf32, #tpu.memory_space<vmem>>, vector<16xf32>,
        } else {
        }
        %add3A_191 = arith.constant 112 : i32
        %add3A_192 = arith.addi %scan3A_139#0, %add3A_191 : i32
        %lt3A_193 = arith.cmpi slt, %add3A_192, %shift_left3A_148 : i32
        %convert_element_type3A_194 = arith.extui %lt3A_193 : i1 to i32
        %cond3A_195 = arith.constant 0 : i32
        %cond3A_196 = arith.cmpi ne, %convert_element_type3A_194, %cond3A_195 : i32
        scf.if %cond3A_196 {
          %add3A_217 = arith.constant 100112 : i32
          %add3A_218 = vector.broadcast %add3A_217 : i32 to vector<16xi32>
          %add3A_219 = arith.addi %iota3A, %add3A_218 : vector<16xi32>
          %swap3A_220 = arith.index_cast %add3A_192 : i32 to index
          %swap3A_221 = tpu.vector_load %arg22[%swap3A_220] {strides = array<i32>} : memref<4224xi32, #tpu.memory_space<vmem>>, vector<16xi32>,
          tpu.vector_store %arg22[%swap3A_220], %add3A_219 {strides = array<i32>} : memref<4224xi32, #tpu.memory_space<vmem>>, vector<16xi32>,
          %swap3A_222 = arith.index_cast %add3A_192 : i32 to index
          %swap3A_223 = tpu.vector_load %arg25[%swap3A_222] {strides = array<i32>} : memref<4224xf32, #tpu.memory_space<vmem>>, vector<16xf32>,
          tpu.vector_store %arg25[%swap3A_222], %broadcast_in_dim3A_130 {strides = array<i32>} : memref<4224xf32, #tpu.memory_space<vmem>>, vector<16xf32>,
          %swap3A_224 = arith.index_cast %add3A_192 : i32 to index
          %swap3A_225 = tpu.vector_load %arg28[%swap3A_224] {strides = array<i32>} : memref<4224xf32, #tpu.memory_space<vmem>>, vector<16xf32>,
          tpu.vector_store %arg28[%swap3A_224], %broadcast_in_dim3A_130 {strides = array<i32>} : memref<4224xf32, #tpu.memory_space<vmem>>, vector<16xf32>,
        } else {
        }
        %sub3A_197 = arith.constant 0 : i32
        %sub3A_198 = arith.subi %shift_right_logical3A_147, %sub3A_197 : i32
        %sub3A_199 = arith.constant 1 : i32
        %sub3A_200 = arith.constant 1 : i32
        %sub3A_201 = arith.subi %sub3A_199, %sub3A_200 : i32
        %add3A_202 = arith.addi %sub3A_198, %sub3A_201 : i32
        %div3A = arith.constant 1 : i32
        %div3A_203 = arith.divsi %add3A_202, %div3A : i32
        %while3A = arith.constant 1 : i32
        %while3A_204 = arith.constant 0 : i32
        %while3A_205 = arith.constant 0 : i32
        %while3A_206 = arith.subi %div3A_203, %while3A_205 : i32
        %while3A_207 = arith.addi %while3A_205, %while3A_206 : i32
        %while3A_208 = arith.constant 1 : i32
        %while3A_209 = arith.divsi %while3A_206, %while3A_208 : i32
        %while3A_210 = arith.muli %while3A_209, %while3A_208 : i32
        %while3A_211 = arith.addi %while3A_205, %while3A_210 : i32
        %while3A_212 = arith.constant 1 : i32
        scf.for %while3A_217 = %while3A_205 to %while3A_211 step %while3A_212  : i32 {
          %mul3A_218 = arith.muli %while3A_217, %while3A : i32
          %add3A_219 = arith.addi %while3A_204, %mul3A_218 : i32
          %mul3A_220 = arith.constant 128 : i32
          %mul3A_221 = arith.muli %add3A_219, %mul3A_220 : i32
          %mul3A_222 = arith.constant 128 : i32
          %mul3A_223 = arith.muli %add3A_219, %mul3A_222 : i32
          %dma_start3A = arith.constant 2 : i32
          %dma_start3A_224 = tpu.memref_slice %arg28[%mul3A_223] : memref<4224xf32, #tpu.memory_space<vmem>> -> memref<128xf32, #tpu.memory_space<vmem>>
          %dma_start3A_225 = tpu.memref_slice %arg22[%mul3A_221] : memref<4224xi32, #tpu.memory_space<vmem>> -> memref<128xi32, #tpu.memory_space<vmem>>
          %dma_start3A_226 = arith.constant 0 : i32
          %dma_start3A_227 = tpu.memref_slice %arg9[%dma_start3A_226] : memref<100352xf32, #tpu.memory_space<vmem_shared>> -> memref<100352xf32, #tpu.memory_space<vmem_shared>>
          %dma_start3A_228 = tpu.memref_slice %arg35[%dma_start3A] : memref<3x!tpu.dma_semaphore, #tpu.memory_space<semaphore_mem>> -> memref<1x!tpu.dma_semaphore, #tpu.memory_space<semaphore_mem>>
          %dma_start3A_229 = tpu.memref_squeeze %dma_start3A_228 : memref<1x!tpu.dma_semaphore, #tpu.memory_space<semaphore_mem>> -> memref<!tpu.dma_semaphore, #tpu.memory_space<semaphore_mem>>
          tpu.enqueue_indirect_dma source(%dma_start3A_224 : memref<128xf32, #tpu.memory_space<vmem>>) target(%dma_start3A_227 : memref<100352xf32, #tpu.memory_space<vmem_shared>>) offsets(%dma_start3A_225 : memref<128xi32, #tpu.memory_space<vmem>>) semaphore(%dma_start3A_229 : memref<!tpu.dma_semaphore, #tpu.memory_space<semaphore_mem>>) {add = true}
          %mul3A_230 = arith.constant 128 : i32
          %mul3A_231 = arith.muli %add3A_219, %mul3A_230 : i32
          %dma_start3A_232 = arith.constant 2 : i32
          %dma_start3A_233 = tpu.memref_slice %arg25[%mul3A_231] : memref<4224xf32, #tpu.memory_space<vmem>> -> memref<128xf32, #tpu.memory_space<vmem>>
          %dma_start3A_234 = tpu.memref_slice %arg22[%mul3A_221] : memref<4224xi32, #tpu.memory_space<vmem>> -> memref<128xi32, #tpu.memory_space<vmem>>
          %dma_start3A_235 = arith.constant 0 : i32
          %dma_start3A_236 = tpu.memref_slice %arg10[%dma_start3A_235] : memref<100352xf32, #tpu.memory_space<vmem_shared>> -> memref<100352xf32, #tpu.memory_space<vmem_shared>>
          %dma_start3A_237 = tpu.memref_slice %arg35[%dma_start3A_232] : memref<3x!tpu.dma_semaphore, #tpu.memory_space<semaphore_mem>> -> memref<1x!tpu.dma_semaphore, #tpu.memory_space<semaphore_mem>>
          %dma_start3A_238 = tpu.memref_squeeze %dma_start3A_237 : memref<1x!tpu.dma_semaphore, #tpu.memory_space<semaphore_mem>> -> memref<!tpu.dma_semaphore, #tpu.memory_space<semaphore_mem>>
          tpu.enqueue_indirect_dma source(%dma_start3A_233 : memref<128xf32, #tpu.memory_space<vmem>>) target(%dma_start3A_236 : memref<100352xf32, #tpu.memory_space<vmem_shared>>) offsets(%dma_start3A_234 : memref<128xi32, #tpu.memory_space<vmem>>) semaphore(%dma_start3A_238 : memref<!tpu.dma_semaphore, #tpu.memory_space<semaphore_mem>>) {add = true}
        }
        %while3A_213 = arith.constant 1 : i32
        scf.for %while3A_217 = %while3A_211 to %while3A_207 step %while3A_213  : i32 {
          %mul3A_218 = arith.muli %while3A_217, %while3A : i32
          %add3A_219 = arith.addi %while3A_204, %mul3A_218 : i32
          %mul3A_220 = arith.constant 128 : i32
          %mul3A_221 = arith.muli %add3A_219, %mul3A_220 : i32
          %mul3A_222 = arith.constant 128 : i32
          %mul3A_223 = arith.muli %add3A_219, %mul3A_222 : i32
          %dma_start3A = arith.constant 2 : i32
          %dma_start3A_224 = tpu.memref_slice %arg28[%mul3A_223] : memref<4224xf32, #tpu.memory_space<vmem>> -> memref<128xf32, #tpu.memory_space<vmem>>
          %dma_start3A_225 = tpu.memref_slice %arg22[%mul3A_221] : memref<4224xi32, #tpu.memory_space<vmem>> -> memref<128xi32, #tpu.memory_space<vmem>>
          %dma_start3A_226 = arith.constant 0 : i32
          %dma_start3A_227 = tpu.memref_slice %arg9[%dma_start3A_226] : memref<100352xf32, #tpu.memory_space<vmem_shared>> -> memref<100352xf32, #tpu.memory_space<vmem_shared>>
          %dma_start3A_228 = tpu.memref_slice %arg35[%dma_start3A] : memref<3x!tpu.dma_semaphore, #tpu.memory_space<semaphore_mem>> -> memref<1x!tpu.dma_semaphore, #tpu.memory_space<semaphore_mem>>
          %dma_start3A_229 = tpu.memref_squeeze %dma_start3A_228 : memref<1x!tpu.dma_semaphore, #tpu.memory_space<semaphore_mem>> -> memref<!tpu.dma_semaphore, #tpu.memory_space<semaphore_mem>>
          tpu.enqueue_indirect_dma source(%dma_start3A_224 : memref<128xf32, #tpu.memory_space<vmem>>) target(%dma_start3A_227 : memref<100352xf32, #tpu.memory_space<vmem_shared>>) offsets(%dma_start3A_225 : memref<128xi32, #tpu.memory_space<vmem>>) semaphore(%dma_start3A_229 : memref<!tpu.dma_semaphore, #tpu.memory_space<semaphore_mem>>) {add = true}
          %mul3A_230 = arith.constant 128 : i32
          %mul3A_231 = arith.muli %add3A_219, %mul3A_230 : i32
          %dma_start3A_232 = arith.constant 2 : i32
          %dma_start3A_233 = tpu.memref_slice %arg25[%mul3A_231] : memref<4224xf32, #tpu.memory_space<vmem>> -> memref<128xf32, #tpu.memory_space<vmem>>
          %dma_start3A_234 = tpu.memref_slice %arg22[%mul3A_221] : memref<4224xi32, #tpu.memory_space<vmem>> -> memref<128xi32, #tpu.memory_space<vmem>>
          %dma_start3A_235 = arith.constant 0 : i32
          %dma_start3A_236 = tpu.memref_slice %arg10[%dma_start3A_235] : memref<100352xf32, #tpu.memory_space<vmem_shared>> -> memref<100352xf32, #tpu.memory_space<vmem_shared>>
          %dma_start3A_237 = tpu.memref_slice %arg35[%dma_start3A_232] : memref<3x!tpu.dma_semaphore, #tpu.memory_space<semaphore_mem>> -> memref<1x!tpu.dma_semaphore, #tpu.memory_space<semaphore_mem>>
          %dma_start3A_238 = tpu.memref_squeeze %dma_start3A_237 : memref<1x!tpu.dma_semaphore, #tpu.memory_space<semaphore_mem>> -> memref<!tpu.dma_semaphore, #tpu.memory_space<semaphore_mem>>
          tpu.enqueue_indirect_dma source(%dma_start3A_233 : memref<128xf32, #tpu.memory_space<vmem>>) target(%dma_start3A_236 : memref<100352xf32, #tpu.memory_space<vmem_shared>>) offsets(%dma_start3A_234 : memref<128xi32, #tpu.memory_space<vmem>>) semaphore(%dma_start3A_238 : memref<!tpu.dma_semaphore, #tpu.memory_space<semaphore_mem>>) {add = true}
        }
        %swap3A_214 = arith.constant 2 : i32
        %swap3A_215 = arith.index_cast %swap3A_214 : i32 to index
        %swap3A_216 = memref.load %arg33[%swap3A_215] : memref<3xi32, #tpu.memory_space<smem>>
        memref.store %shift_right_logical3A_147, %arg33[%swap3A_215] : memref<3xi32, #tpu.memory_space<smem>>
      } else {
      }
    }
    %scan3A_26 = arith.constant 33 : i32
    %scan3A_27 = arith.constant 0 : i32
    %scan3A_28 = arith.constant 2 : i32
    %scan3A_29 = arith.addi %scan3A_27, %scan3A_28 : i32
    %scan3A_30 = arith.constant 1 : i32
    scf.for %scan3A_35 = %scan3A_27 to %scan3A_29 step %scan3A_30  : i32 {
      %mul3A_36 = arith.constant 1 : i32
      %mul3A_37 = arith.muli %scan3A_35, %mul3A_36 : i32
      %add3A_38 = arith.constant 0 : i32
      %add3A_39 = arith.addi %add3A_38, %mul3A_37 : i32
      %sub3A = arith.constant 2 : i32
      %sub3A_40 = arith.subi %select_n3A, %sub3A : i32
      %add3A_41 = arith.addi %sub3A_40, %add3A_39 : i32
      %jit3A_42 = arith.constant 3 : i32
      %eq3A_43 = arith.constant 0 : i32
      %eq3A_44 = arith.cmpi eq, %jit3A_42, %eq3A_43 : i32
      %jit3A_45 = arith.constant 1 : i32
      %select_n3A_46 = arith.select %eq3A_44, %jit3A_45, %jit3A_42 : i32
      %rem3A = arith.remsi %add3A_41, %select_n3A_46 : i32
      %ne3A = arith.constant 0 : i32
      %ne3A_47 = arith.cmpi ne, %rem3A, %ne3A : i32
      %lt3A_48 = arith.constant 0 : i32
      %lt3A_49 = arith.cmpi slt, %rem3A, %lt3A_48 : i32
      %lt3A_50 = arith.constant 0 : i32
      %lt3A_51 = arith.cmpi slt, %select_n3A_46, %lt3A_50 : i32
      %ne3A_52 = arith.xori %lt3A_49, %lt3A_51 : i1
      %and3A = arith.andi %ne3A_52, %ne3A_47 : i1
      %add3A_53 = arith.addi %rem3A, %select_n3A_46 : i32
      %select_n3A_54 = arith.select %and3A, %add3A_53, %rem3A : i32
      %eq3A_55 = arith.constant 0 : i32
      %eq3A_56 = arith.cmpi eq, %select_n3A_54, %eq3A_55 : i32
      %convert_element_type3A_57 = arith.extui %eq3A_56 : i1 to i32
      %cond3A_58 = arith.constant 0 : i32
      %cond3A_59 = arith.cmpi ne, %convert_element_type3A_57, %cond3A_58 : i32
      scf.if %cond3A_59 {
        %get3A = arith.constant 0 : i32
        %get3A_102 = arith.index_cast %get3A : i32 to index
        %get3A_103 = memref.load %arg33[%get3A_102] : memref<3xi32, #tpu.memory_space<smem>>
        %sub3A_104 = arith.constant 0 : i32
        %sub3A_105 = arith.subi %get3A_103, %sub3A_104 : i32
        %sub3A_106 = arith.constant 1 : i32
        %sub3A_107 = arith.constant 1 : i32
        %sub3A_108 = arith.subi %sub3A_106, %sub3A_107 : i32
        %add3A_109 = arith.addi %sub3A_105, %sub3A_108 : i32
        %div3A = arith.constant 1 : i32
        %div3A_110 = arith.divsi %add3A_109, %div3A : i32
        %while3A = arith.constant 1 : i32
        %while3A_111 = arith.constant 0 : i32
        %while3A_112 = arith.constant 0 : i32
        %while3A_113 = arith.subi %div3A_110, %while3A_112 : i32
        %while3A_114 = arith.addi %while3A_112, %while3A_113 : i32
        %while3A_115 = arith.constant 1 : i32
        %while3A_116 = arith.divsi %while3A_113, %while3A_115 : i32
        %while3A_117 = arith.muli %while3A_116, %while3A_115 : i32
        %while3A_118 = arith.addi %while3A_112, %while3A_117 : i32
        %while3A_119 = arith.constant 1 : i32
        scf.for %while3A_121 = %while3A_112 to %while3A_118 step %while3A_119  : i32 {
          %mul3A_122 = arith.muli %while3A_121, %while3A : i32
          %add3A_123 = arith.addi %while3A_111, %mul3A_122 : i32
          %dma_wait3A = arith.constant 0 : i32
          %dma_wait3A_124 = arith.constant 0 : i32
          %dma_wait3A_125 = tpu.memref_slice %arg2[%dma_wait3A_124] : memref<6400000xf32, #tpu.memory_space<hbm>> -> memref<256xf32, #tpu.memory_space<hbm>>
          %dma_wait3A_126 = tpu.memref_slice %arg35[%dma_wait3A] : memref<3x!tpu.dma_semaphore, #tpu.memory_space<semaphore_mem>> -> memref<1x!tpu.dma_semaphore, #tpu.memory_space<semaphore_mem>>
          %dma_wait3A_127 = tpu.memref_squeeze %dma_wait3A_126 : memref<1x!tpu.dma_semaphore, #tpu.memory_space<semaphore_mem>> -> memref<!tpu.dma_semaphore, #tpu.memory_space<semaphore_mem>>
          %dma_wait3A_128 = arith.constant 0 : i32
          %dma_wait3A_129 = tpu.memref_slice %arg2[%dma_wait3A_128] : memref<6400000xf32, #tpu.memory_space<hbm>> -> memref<256xf32, #tpu.memory_space<hbm>>
          tpu.wait_dma2 semaphore(%dma_wait3A_127 : memref<!tpu.dma_semaphore, #tpu.memory_space<semaphore_mem>>) src(%dma_wait3A_129 : memref<256xf32, #tpu.memory_space<hbm>>) dst(%arg32 : memref<256xf32, #tpu.memory_space<vmem>>)
        }
        %while3A_120 = arith.constant 1 : i32
        scf.for %while3A_121 = %while3A_118 to %while3A_114 step %while3A_120  : i32 {
          %mul3A_122 = arith.muli %while3A_121, %while3A : i32
          %add3A_123 = arith.addi %while3A_111, %mul3A_122 : i32
          %dma_wait3A = arith.constant 0 : i32
          %dma_wait3A_124 = arith.constant 0 : i32
          %dma_wait3A_125 = tpu.memref_slice %arg2[%dma_wait3A_124] : memref<6400000xf32, #tpu.memory_space<hbm>> -> memref<256xf32, #tpu.memory_space<hbm>>
          %dma_wait3A_126 = tpu.memref_slice %arg35[%dma_wait3A] : memref<3x!tpu.dma_semaphore, #tpu.memory_space<semaphore_mem>> -> memref<1x!tpu.dma_semaphore, #tpu.memory_space<semaphore_mem>>
          %dma_wait3A_127 = tpu.memref_squeeze %dma_wait3A_126 : memref<1x!tpu.dma_semaphore, #tpu.memory_space<semaphore_mem>> -> memref<!tpu.dma_semaphore, #tpu.memory_space<semaphore_mem>>
          %dma_wait3A_128 = arith.constant 0 : i32
          %dma_wait3A_129 = tpu.memref_slice %arg2[%dma_wait3A_128] : memref<6400000xf32, #tpu.memory_space<hbm>> -> memref<256xf32, #tpu.memory_space<hbm>>
          tpu.wait_dma2 semaphore(%dma_wait3A_127 : memref<!tpu.dma_semaphore, #tpu.memory_space<semaphore_mem>>) src(%dma_wait3A_129 : memref<256xf32, #tpu.memory_space<hbm>>) dst(%arg32 : memref<256xf32, #tpu.memory_space<vmem>>)
        }
      } else {
      }
      %jit3A_60 = arith.constant 3 : i32
      %eq3A_61 = arith.constant 0 : i32
      %eq3A_62 = arith.cmpi eq, %jit3A_60, %eq3A_61 : i32
      %jit3A_63 = arith.constant 1 : i32
      %select_n3A_64 = arith.select %eq3A_62, %jit3A_63, %jit3A_60 : i32
      %rem3A_65 = arith.remsi %add3A_41, %select_n3A_64 : i32
      %ne3A_66 = arith.constant 0 : i32
      %ne3A_67 = arith.cmpi ne, %rem3A_65, %ne3A_66 : i32
      %lt3A_68 = arith.constant 0 : i32
      %lt3A_69 = arith.cmpi slt, %rem3A_65, %lt3A_68 : i32
      %lt3A_70 = arith.constant 0 : i32
      %lt3A_71 = arith.cmpi slt, %select_n3A_64, %lt3A_70 : i32
      %ne3A_72 = arith.xori %lt3A_69, %lt3A_71 : i1
      %and3A_73 = arith.andi %ne3A_72, %ne3A_67 : i1
      %add3A_74 = arith.addi %rem3A_65, %select_n3A_64 : i32
      %select_n3A_75 = arith.select %and3A_73, %add3A_74, %rem3A_65 : i32
      %eq3A_76 = arith.constant 1 : i32
      %eq3A_77 = arith.cmpi eq, %select_n3A_75, %eq3A_76 : i32
      %convert_element_type3A_78 = arith.extui %eq3A_77 : i1 to i32
      %cond3A_79 = arith.constant 0 : i32
      %cond3A_80 = arith.cmpi ne, %convert_element_type3A_78, %cond3A_79 : i32
      scf.if %cond3A_80 {
        %get3A = arith.constant 1 : i32
        %get3A_102 = arith.index_cast %get3A : i32 to index
        %get3A_103 = memref.load %arg33[%get3A_102] : memref<3xi32, #tpu.memory_space<smem>>
        %sub3A_104 = arith.constant 0 : i32
        %sub3A_105 = arith.subi %get3A_103, %sub3A_104 : i32
        %sub3A_106 = arith.constant 1 : i32
        %sub3A_107 = arith.constant 1 : i32
        %sub3A_108 = arith.subi %sub3A_106, %sub3A_107 : i32
        %add3A_109 = arith.addi %sub3A_105, %sub3A_108 : i32
        %div3A = arith.constant 1 : i32
        %div3A_110 = arith.divsi %add3A_109, %div3A : i32
        %while3A = arith.constant 1 : i32
        %while3A_111 = arith.constant 0 : i32
        %while3A_112 = arith.constant 0 : i32
        %while3A_113 = arith.subi %div3A_110, %while3A_112 : i32
        %while3A_114 = arith.addi %while3A_112, %while3A_113 : i32
        %while3A_115 = arith.constant 1 : i32
        %while3A_116 = arith.divsi %while3A_113, %while3A_115 : i32
        %while3A_117 = arith.muli %while3A_116, %while3A_115 : i32
        %while3A_118 = arith.addi %while3A_112, %while3A_117 : i32
        %while3A_119 = arith.constant 1 : i32
        scf.for %while3A_121 = %while3A_112 to %while3A_118 step %while3A_119  : i32 {
          %mul3A_122 = arith.muli %while3A_121, %while3A : i32
          %add3A_123 = arith.addi %while3A_111, %mul3A_122 : i32
          %dma_wait3A = arith.constant 1 : i32
          %dma_wait3A_124 = arith.constant 0 : i32
          %dma_wait3A_125 = tpu.memref_slice %arg2[%dma_wait3A_124] : memref<6400000xf32, #tpu.memory_space<hbm>> -> memref<256xf32, #tpu.memory_space<hbm>>
          %dma_wait3A_126 = tpu.memref_slice %arg35[%dma_wait3A] : memref<3x!tpu.dma_semaphore, #tpu.memory_space<semaphore_mem>> -> memref<1x!tpu.dma_semaphore, #tpu.memory_space<semaphore_mem>>
          %dma_wait3A_127 = tpu.memref_squeeze %dma_wait3A_126 : memref<1x!tpu.dma_semaphore, #tpu.memory_space<semaphore_mem>> -> memref<!tpu.dma_semaphore, #tpu.memory_space<semaphore_mem>>
          %dma_wait3A_128 = arith.constant 0 : i32
          %dma_wait3A_129 = tpu.memref_slice %arg2[%dma_wait3A_128] : memref<6400000xf32, #tpu.memory_space<hbm>> -> memref<256xf32, #tpu.memory_space<hbm>>
          tpu.wait_dma2 semaphore(%dma_wait3A_127 : memref<!tpu.dma_semaphore, #tpu.memory_space<semaphore_mem>>) src(%dma_wait3A_129 : memref<256xf32, #tpu.memory_space<hbm>>) dst(%arg32 : memref<256xf32, #tpu.memory_space<vmem>>)
        }
        %while3A_120 = arith.constant 1 : i32
        scf.for %while3A_121 = %while3A_118 to %while3A_114 step %while3A_120  : i32 {
          %mul3A_122 = arith.muli %while3A_121, %while3A : i32
          %add3A_123 = arith.addi %while3A_111, %mul3A_122 : i32
          %dma_wait3A = arith.constant 1 : i32
          %dma_wait3A_124 = arith.constant 0 : i32
          %dma_wait3A_125 = tpu.memref_slice %arg2[%dma_wait3A_124] : memref<6400000xf32, #tpu.memory_space<hbm>> -> memref<256xf32, #tpu.memory_space<hbm>>
          %dma_wait3A_126 = tpu.memref_slice %arg35[%dma_wait3A] : memref<3x!tpu.dma_semaphore, #tpu.memory_space<semaphore_mem>> -> memref<1x!tpu.dma_semaphore, #tpu.memory_space<semaphore_mem>>
          %dma_wait3A_127 = tpu.memref_squeeze %dma_wait3A_126 : memref<1x!tpu.dma_semaphore, #tpu.memory_space<semaphore_mem>> -> memref<!tpu.dma_semaphore, #tpu.memory_space<semaphore_mem>>
          %dma_wait3A_128 = arith.constant 0 : i32
          %dma_wait3A_129 = tpu.memref_slice %arg2[%dma_wait3A_128] : memref<6400000xf32, #tpu.memory_space<hbm>> -> memref<256xf32, #tpu.memory_space<hbm>>
          tpu.wait_dma2 semaphore(%dma_wait3A_127 : memref<!tpu.dma_semaphore, #tpu.memory_space<semaphore_mem>>) src(%dma_wait3A_129 : memref<256xf32, #tpu.memory_space<hbm>>) dst(%arg32 : memref<256xf32, #tpu.memory_space<vmem>>)
        }
      } else {
      }
      %jit3A_81 = arith.constant 3 : i32
      %eq3A_82 = arith.constant 0 : i32
      %eq3A_83 = arith.cmpi eq, %jit3A_81, %eq3A_82 : i32
      %jit3A_84 = arith.constant 1 : i32
      %select_n3A_85 = arith.select %eq3A_83, %jit3A_84, %jit3A_81 : i32
      %rem3A_86 = arith.remsi %add3A_41, %select_n3A_85 : i32
      %ne3A_87 = arith.constant 0 : i32
      %ne3A_88 = arith.cmpi ne, %rem3A_86, %ne3A_87 : i32
      %lt3A_89 = arith.constant 0 : i32
      %lt3A_90 = arith.cmpi slt, %rem3A_86, %lt3A_89 : i32
      %lt3A_91 = arith.constant 0 : i32
      %lt3A_92 = arith.cmpi slt, %select_n3A_85, %lt3A_91 : i32
      %ne3A_93 = arith.xori %lt3A_90, %lt3A_92 : i1
      %and3A_94 = arith.andi %ne3A_93, %ne3A_88 : i1
      %add3A_95 = arith.addi %rem3A_86, %select_n3A_85 : i32
      %select_n3A_96 = arith.select %and3A_94, %add3A_95, %rem3A_86 : i32
      %eq3A_97 = arith.constant 2 : i32
      %eq3A_98 = arith.cmpi eq, %select_n3A_96, %eq3A_97 : i32
      %convert_element_type3A_99 = arith.extui %eq3A_98 : i1 to i32
      %cond3A_100 = arith.constant 0 : i32
      %cond3A_101 = arith.cmpi ne, %convert_element_type3A_99, %cond3A_100 : i32
      scf.if %cond3A_101 {
        %get3A = arith.constant 2 : i32
        %get3A_102 = arith.index_cast %get3A : i32 to index
        %get3A_103 = memref.load %arg33[%get3A_102] : memref<3xi32, #tpu.memory_space<smem>>
        %sub3A_104 = arith.constant 0 : i32
        %sub3A_105 = arith.subi %get3A_103, %sub3A_104 : i32
        %sub3A_106 = arith.constant 1 : i32
        %sub3A_107 = arith.constant 1 : i32
        %sub3A_108 = arith.subi %sub3A_106, %sub3A_107 : i32
        %add3A_109 = arith.addi %sub3A_105, %sub3A_108 : i32
        %div3A = arith.constant 1 : i32
        %div3A_110 = arith.divsi %add3A_109, %div3A : i32
        %while3A = arith.constant 1 : i32
        %while3A_111 = arith.constant 0 : i32
        %while3A_112 = arith.constant 0 : i32
        %while3A_113 = arith.subi %div3A_110, %while3A_112 : i32
        %while3A_114 = arith.addi %while3A_112, %while3A_113 : i32
        %while3A_115 = arith.constant 1 : i32
        %while3A_116 = arith.divsi %while3A_113, %while3A_115 : i32
        %while3A_117 = arith.muli %while3A_116, %while3A_115 : i32
        %while3A_118 = arith.addi %while3A_112, %while3A_117 : i32
        %while3A_119 = arith.constant 1 : i32
        scf.for %while3A_121 = %while3A_112 to %while3A_118 step %while3A_119  : i32 {
          %mul3A_122 = arith.muli %while3A_121, %while3A : i32
          %add3A_123 = arith.addi %while3A_111, %mul3A_122 : i32
          %dma_wait3A = arith.constant 2 : i32
          %dma_wait3A_124 = arith.constant 0 : i32
          %dma_wait3A_125 = tpu.memref_slice %arg2[%dma_wait3A_124] : memref<6400000xf32, #tpu.memory_space<hbm>> -> memref<256xf32, #tpu.memory_space<hbm>>
          %dma_wait3A_126 = tpu.memref_slice %arg35[%dma_wait3A] : memref<3x!tpu.dma_semaphore, #tpu.memory_space<semaphore_mem>> -> memref<1x!tpu.dma_semaphore, #tpu.memory_space<semaphore_mem>>
          %dma_wait3A_127 = tpu.memref_squeeze %dma_wait3A_126 : memref<1x!tpu.dma_semaphore, #tpu.memory_space<semaphore_mem>> -> memref<!tpu.dma_semaphore, #tpu.memory_space<semaphore_mem>>
          %dma_wait3A_128 = arith.constant 0 : i32
          %dma_wait3A_129 = tpu.memref_slice %arg2[%dma_wait3A_128] : memref<6400000xf32, #tpu.memory_space<hbm>> -> memref<256xf32, #tpu.memory_space<hbm>>
          tpu.wait_dma2 semaphore(%dma_wait3A_127 : memref<!tpu.dma_semaphore, #tpu.memory_space<semaphore_mem>>) src(%dma_wait3A_129 : memref<256xf32, #tpu.memory_space<hbm>>) dst(%arg32 : memref<256xf32, #tpu.memory_space<vmem>>)
        }
        %while3A_120 = arith.constant 1 : i32
        scf.for %while3A_121 = %while3A_118 to %while3A_114 step %while3A_120  : i32 {
          %mul3A_122 = arith.muli %while3A_121, %while3A : i32
          %add3A_123 = arith.addi %while3A_111, %mul3A_122 : i32
          %dma_wait3A = arith.constant 2 : i32
          %dma_wait3A_124 = arith.constant 0 : i32
          %dma_wait3A_125 = tpu.memref_slice %arg2[%dma_wait3A_124] : memref<6400000xf32, #tpu.memory_space<hbm>> -> memref<256xf32, #tpu.memory_space<hbm>>
          %dma_wait3A_126 = tpu.memref_slice %arg35[%dma_wait3A] : memref<3x!tpu.dma_semaphore, #tpu.memory_space<semaphore_mem>> -> memref<1x!tpu.dma_semaphore, #tpu.memory_space<semaphore_mem>>
          %dma_wait3A_127 = tpu.memref_squeeze %dma_wait3A_126 : memref<1x!tpu.dma_semaphore, #tpu.memory_space<semaphore_mem>> -> memref<!tpu.dma_semaphore, #tpu.memory_space<semaphore_mem>>
          %dma_wait3A_128 = arith.constant 0 : i32
          %dma_wait3A_129 = tpu.memref_slice %arg2[%dma_wait3A_128] : memref<6400000xf32, #tpu.memory_space<hbm>> -> memref<256xf32, #tpu.memory_space<hbm>>
          tpu.wait_dma2 semaphore(%dma_wait3A_127 : memref<!tpu.dma_semaphore, #tpu.memory_space<semaphore_mem>>) src(%dma_wait3A_129 : memref<256xf32, #tpu.memory_space<hbm>>) dst(%arg32 : memref<256xf32, #tpu.memory_space<vmem>>)
        }
      } else {
      }
    }
    %scan3A_31 = arith.constant 2 : i32
    %barrier3A_32 = arith.constant 0 : index
    tpu.barrier barrier_id(%barrier3A_32)
    %mul3A_33 = arith.constant 6272 : i32
    %mul3A_34 = arith.muli %arg1, %mul3A_33 : i32
    "tpu.region"() ({
      %run_scoped3A = tpu.sem_alloc : memref<!tpu.dma_semaphore, #tpu.memory_space<semaphore_mem>>
      %dma_start3A = tpu.memref_slice %arg5[%arg0, %mul3A_34] : memref<2x100352xf32, #tpu.memory_space<hbm>> -> memref<1x6272xf32, #tpu.memory_space<hbm>>
      %dma_start3A_35 = tpu.memref_squeeze %dma_start3A : memref<1x6272xf32, #tpu.memory_space<hbm>> -> memref<6272xf32, #tpu.memory_space<hbm>>
      %dma_start3A_36 = tpu.memref_slice %arg9[%mul3A_34] : memref<100352xf32, #tpu.memory_space<vmem_shared>> -> memref<6272xf32, #tpu.memory_space<vmem_shared>>
      tpu.enqueue_dma source(%dma_start3A_36 : memref<6272xf32, #tpu.memory_space<vmem_shared>>) target(%dma_start3A_35 : memref<6272xf32, #tpu.memory_space<hbm>>) target_semaphore(%run_scoped3A : memref<!tpu.dma_semaphore, #tpu.memory_space<semaphore_mem>>)
      %dma_wait3A = tpu.memref_slice %arg5[%arg0, %mul3A_34] : memref<2x100352xf32, #tpu.memory_space<hbm>> -> memref<1x6272xf32, #tpu.memory_space<hbm>>
      %dma_wait3A_37 = tpu.memref_squeeze %dma_wait3A : memref<1x6272xf32, #tpu.memory_space<hbm>> -> memref<6272xf32, #tpu.memory_space<hbm>>
      %dma_wait3A_38 = tpu.memref_slice %arg9[%mul3A_34] : memref<100352xf32, #tpu.memory_space<vmem_shared>> -> memref<6272xf32, #tpu.memory_space<vmem_shared>>
      tpu.wait_dma2 semaphore(%run_scoped3A : memref<!tpu.dma_semaphore, #tpu.memory_space<semaphore_mem>>) src(%dma_wait3A_38 : memref<6272xf32, #tpu.memory_space<vmem_shared>>) dst(%dma_wait3A_37 : memref<6272xf32, #tpu.memory_space<hbm>>)
      tpu.yield
    }) : () -> ()
    "tpu.region"() ({
      %run_scoped3A = tpu.sem_alloc : memref<!tpu.dma_semaphore, #tpu.memory_space<semaphore_mem>>
      %dma_start3A = tpu.memref_slice %arg6[%arg0, %mul3A_34] : memref<2x100352xf32, #tpu.memory_space<hbm>> -> memref<1x6272xf32, #tpu.memory_space<hbm>>
      %dma_start3A_35 = tpu.memref_squeeze %dma_start3A : memref<1x6272xf32, #tpu.memory_space<hbm>> -> memref<6272xf32, #tpu.memory_space<hbm>>
      %dma_start3A_36 = tpu.memref_slice %arg10[%mul3A_34] : memref<100352xf32, #tpu.memory_space<vmem_shared>> -> memref<6272xf32, #tpu.memory_space<vmem_shared>>
      tpu.enqueue_dma source(%dma_start3A_36 : memref<6272xf32, #tpu.memory_space<vmem_shared>>) target(%dma_start3A_35 : memref<6272xf32, #tpu.memory_space<hbm>>) target_semaphore(%run_scoped3A : memref<!tpu.dma_semaphore, #tpu.memory_space<semaphore_mem>>)
      %dma_wait3A = tpu.memref_slice %arg6[%arg0, %mul3A_34] : memref<2x100352xf32, #tpu.memory_space<hbm>> -> memref<1x6272xf32, #tpu.memory_space<hbm>>
      %dma_wait3A_37 = tpu.memref_squeeze %dma_wait3A : memref<1x6272xf32, #tpu.memory_space<hbm>> -> memref<6272xf32, #tpu.memory_space<hbm>>
      %dma_wait3A_38 = tpu.memref_slice %arg10[%mul3A_34] : memref<100352xf32, #tpu.memory_space<vmem_shared>> -> memref<6272xf32, #tpu.memory_space<vmem_shared>>
      tpu.wait_dma2 semaphore(%run_scoped3A : memref<!tpu.dma_semaphore, #tpu.memory_space<semaphore_mem>>) src(%dma_wait3A_38 : memref<6272xf32, #tpu.memory_space<vmem_shared>>) dst(%dma_wait3A_37 : memref<6272xf32, #tpu.memory_space<hbm>>)
      tpu.yield
    }) : () -> ()
    "tpu.region"() ({
      %run_scoped3A = tpu.sem_alloc : memref<!tpu.dma_semaphore, #tpu.memory_space<semaphore_mem>>
      %dma_start3A = arith.constant 0 : i32
      %dma_start3A_35 = tpu.memref_slice %arg7[%add3A, %dma_start3A] : memref<32x16xf32, #tpu.memory_space<hbm>> -> memref<1x16xf32, #tpu.memory_space<hbm>>
      %dma_start3A_36 = tpu.memref_squeeze %dma_start3A_35 : memref<1x16xf32, #tpu.memory_space<hbm>> -> memref<16xf32, #tpu.memory_space<hbm>>
      %dma_start3A_37 = arith.constant 0 : i32
      %dma_start3A_38 = tpu.memref_slice %arg7[%add3A, %dma_start3A_37] : memref<32x16xf32, #tpu.memory_space<hbm>> -> memref<1x16xf32, #tpu.memory_space<hbm>>
      %dma_start3A_39 = tpu.memref_squeeze %dma_start3A_38 : memref<1x16xf32, #tpu.memory_space<hbm>> -> memref<16xf32, #tpu.memory_space<hbm>>
      tpu.enqueue_dma source(%arg30 : memref<16xf32, #tpu.memory_space<vmem>>) target(%dma_start3A_39 : memref<16xf32, #tpu.memory_space<hbm>>) target_semaphore(%run_scoped3A : memref<!tpu.dma_semaphore, #tpu.memory_space<semaphore_mem>>)
      %dma_wait3A = arith.constant 0 : i32
      %dma_wait3A_40 = tpu.memref_slice %arg7[%add3A, %dma_wait3A] : memref<32x16xf32, #tpu.memory_space<hbm>> -> memref<1x16xf32, #tpu.memory_space<hbm>>
      %dma_wait3A_41 = tpu.memref_squeeze %dma_wait3A_40 : memref<1x16xf32, #tpu.memory_space<hbm>> -> memref<16xf32, #tpu.memory_space<hbm>>
      %dma_wait3A_42 = arith.constant 0 : i32
      %dma_wait3A_43 = tpu.memref_slice %arg7[%add3A, %dma_wait3A_42] : memref<32x16xf32, #tpu.memory_space<hbm>> -> memref<1x16xf32, #tpu.memory_space<hbm>>
      %dma_wait3A_44 = tpu.memref_squeeze %dma_wait3A_43 : memref<1x16xf32, #tpu.memory_space<hbm>> -> memref<16xf32, #tpu.memory_space<hbm>>
      tpu.wait_dma2 semaphore(%run_scoped3A : memref<!tpu.dma_semaphore, #tpu.memory_space<semaphore_mem>>) src(%arg30 : memref<16xf32, #tpu.memory_space<vmem>>) dst(%dma_wait3A_44 : memref<16xf32, #tpu.memory_space<hbm>>)
      tpu.yield
    }) : () -> ()
    "tpu.region"() ({
      %run_scoped3A = tpu.sem_alloc : memref<!tpu.dma_semaphore, #tpu.memory_space<semaphore_mem>>
      %dma_start3A = arith.constant 0 : i32
      %dma_start3A_35 = tpu.memref_slice %arg8[%add3A, %dma_start3A] : memref<32x16xf32, #tpu.memory_space<hbm>> -> memref<1x16xf32, #tpu.memory_space<hbm>>
      %dma_start3A_36 = tpu.memref_squeeze %dma_start3A_35 : memref<1x16xf32, #tpu.memory_space<hbm>> -> memref<16xf32, #tpu.memory_space<hbm>>
      %dma_start3A_37 = arith.constant 0 : i32
      %dma_start3A_38 = tpu.memref_slice %arg8[%add3A, %dma_start3A_37] : memref<32x16xf32, #tpu.memory_space<hbm>> -> memref<1x16xf32, #tpu.memory_space<hbm>>
      %dma_start3A_39 = tpu.memref_squeeze %dma_start3A_38 : memref<1x16xf32, #tpu.memory_space<hbm>> -> memref<16xf32, #tpu.memory_space<hbm>>
      tpu.enqueue_dma source(%arg31 : memref<16xf32, #tpu.memory_space<vmem>>) target(%dma_start3A_39 : memref<16xf32, #tpu.memory_space<hbm>>) target_semaphore(%run_scoped3A : memref<!tpu.dma_semaphore, #tpu.memory_space<semaphore_mem>>)
      %dma_wait3A = arith.constant 0 : i32
      %dma_wait3A_40 = tpu.memref_slice %arg8[%add3A, %dma_wait3A] : memref<32x16xf32, #tpu.memory_space<hbm>> -> memref<1x16xf32, #tpu.memory_space<hbm>>
      %dma_wait3A_41 = tpu.memref_squeeze %dma_wait3A_40 : memref<1x16xf32, #tpu.memory_space<hbm>> -> memref<16xf32, #tpu.memory_space<hbm>>
      %dma_wait3A_42 = arith.constant 0 : i32
      %dma_wait3A_43 = tpu.memref_slice %arg8[%add3A, %dma_wait3A_42] : memref<32x16xf32, #tpu.memory_space<hbm>> -> memref<1x16xf32, #tpu.memory_space<hbm>>
      %dma_wait3A_44 = tpu.memref_squeeze %dma_wait3A_43 : memref<1x16xf32, #tpu.memory_space<hbm>> -> memref<16xf32, #tpu.memory_space<hbm>>
      tpu.wait_dma2 semaphore(%run_scoped3A : memref<!tpu.dma_semaphore, #tpu.memory_space<semaphore_mem>>) src(%arg31 : memref<16xf32, #tpu.memory_space<vmem>>) dst(%dma_wait3A_44 : memref<16xf32, #tpu.memory_space<hbm>>)
      tpu.yield
    }) : () -> ()
    return
  }
}

</mosaic_0001>

<sc_bundles>
// kernel: _sc_segment_sums.3.cloned.1.call-start
scs
__scs_entry_jumppad:
0x0: {  	(pc) =	sbr.rel $0x88, $3  }
0x1: {  	(tag) =	ssettag $0x0;
	lr =	simm.s32 $0x1  }
0x2: {  	[smem:$0x3F9E] =	sst lr;
	_ =	strace $0xD0000000  }
0x3: {  	_ = 	snop  }
0x4: {  	_ = 	snop  }
0x5: {  	_ = 	snop  }
0x6: {  	_ = 	snop  }
0x7: {  	_ = 	snop  }
__scs_overlays_trampoline_lowered:
0x8: {  	[smem:$0x3FAD] =	sst s0  }
0x9: {  	[smem:$0x3FAE] =	sst s1  }
0xa: {  	[smem:$0x3FAF] =	sst s2  }
0xb: {  	[smem:$0x3FB0] =	sst s3  }
0xc: {  	[smem:$0x3FB1] =	sst s4  }
0xd: {  	[smem:$0x3FB2] =	sst s5  }
0xe: {  	[smem:$0x3FB3] =	sst s6  }
0xf: {  	[smem:$0x3FB4] =	sst s7  }
0x10: {  	[smem:$0x3FB5] =	sst s8  }
0x11: {  	[smem:$0x3FB6] =	sst s9;
	s0 =	simm.s32 @!p0 $0x0  }
0x12: {  	s1 =	sld [smem:$0x3F9C];
	s0 =	simm.s32 @p0 $0x1  }
0x13: {  	[smem:$0x3FB7] =	sst s0;
	s0 =	simm.s32 @!p1 $0x0  }
0x14: {  	s2 =	sld [smem:$0x3F9B];
	s0 =	simm.s32 @p1 $0x1  }
0x15: {  	[smem:$0x3FB8] =	sst s0;
	s0 =	simm.s32 @!p2 $0x0  }
0x16: {  	s3 =	sld [smem:$0x3FDB];
	s0 =	simm.s32 @p2 $0x1  }
0x17: {  	s4 =	simm.s32 $0x1BF5;
	[smem:$0x3FBA] =	sst s0  }
0x18: {  	s0 =	sld [smem:$0x3F9D];
	_ =	swait.ge [sflag:s4], $0x0  }
0x19: {  	s7 =	sld [smem:$0x3F9E]  }
0x1a: {  	s8 =	sadd.s32 $0xFFFFE003, lr  }
0x1b: {  	s9 =	sadd.s32 $0xFFFFFEF7, lr;
	s5 =	simm.s32 $0xFFFFFFFF;
	p2 =	slt.u32 s8, $0xFFFFF086  }
0x1c: {  	p1 =	slt.u32 s9, $0xF7A;
	s5 =	simm.s32 @!p2 $0x0  }
0x1d: {  	s5 =	simm.s32 @p1 $0x1;
	p0 =	seq.s32 s7, s2  }
0x1e: {  	s7 =	smul.u32 @!p0 $0xF7A, s2;
	p2 =	seq.s32 @!p0 s5, $0x0  }
0x1f: {  	s9 =	smul.u32 $0xF7A, s1;
	s8 =	simm.s32 @!p0 $0x1BF5;
	p2 =	por !p2, p0  }
0x20: {  	[sflag:s8] =	ssyncset.s32 @!p0 $0xFFFFF086;
	s6 =	sadd.s32 @!p0 s3, s7;
	s7 =	simm.s32 @!p0 $0x108  }
0x21: {  	s3 =	sadd.s32 s3, s9;
	s6 =	sadd.s32 @!p0 $0x88, s6;
	s7 =	simm.s32 @p2 $0x1082  }
0x22: {  	[simem:s7], [sflag:s8] =	dma.local @!p0 [hbm:s6], $0xF7A  }
0x23: {  	s9 =	sor.u32 $0xD0000000, s2;
	s6 =	simm.s32 $0x108;
	_ =	swait.ge @!p0 [sflag:s8], $0x0  }
0x24: {  	s3 =	sadd.s32 $0x88, s3;
	s6 =	simm.s32 @!p1 $0x1082;
	[sflag:s4] =	ssyncset.s32 $0xFFFFF086  }
0x25: {  	[simem:s6], [sflag:s4] =	dma.local [hbm:s3], $0xF7A  }
0x26: {  	[smem:$0x3F9E] =	sst s1;
	(tag) =	ssettag s2;
	_ =	strace s9  }
0x27: {  	s1 =	sld [smem:$0x3FAE]  }
0x28: {  	s2 =	sld [smem:$0x3FAF]  }
0x29: {  	s4 =	sld [smem:$0x3FB1]  }
0x2a: {  	p0 =	seq.s32 s5, $0x0;
	s5 =	sld [smem:$0x3FB2]  }
0x2b: {  	s6 =	sld [smem:$0x3FB3]  }
0x2c: {  	s7 =	sld [smem:$0x3FB4]  }
0x2d: {  	s3 =	simm.s32 $0x108;
	s8 =	sld [smem:$0x3FB5]  }
0x2e: {  	s3 =	simm.s32 @!p0 $0x1082;
	s9 =	sld [smem:$0x3FB6]  }
0x2f: {  	lr =	sadd.s32 s0, s3;
	s0 =	sld [smem:$0x3FAD]  }
0x30: {  	s3 =	sld [smem:$0x3FB0]  }
0x31: {  	[smem:$0x3FB9] =	sst s10  }
0x32: {  	s10 =	sld [smem:$0x3FB7];
	_ =	sdelay $0x3  }
0x33: {  	p0 =	seq.s32 s10, $0x1;
	s10 =	sld [smem:$0x3FB9];
	_ =	sdelay $0x3  }
0x34: {  	[smem:$0x3FB9] =	sst s10  }
0x35: {  	s10 =	sld [smem:$0x3FB8];
	_ =	sdelay $0x3  }
0x36: {  	p1 =	seq.s32 s10, $0x1;
	s10 =	sld [smem:$0x3FB9];
	_ =	sdelay $0x3  }
0x37: {  	[smem:$0x3FB9] =	sst s10  }
0x38: {  	s10 =	sld [smem:$0x3FBA]  }
0x39: {  	_ = 	snop;
	(pc) =	sbr.ind lr, $3  }
0x3a: {  	_ = 	snop  }
0x3b: {  	_ = 	snop  }
0x3c: {  	p2 =	seq.s32 s10, $0x1;
	s10 =	sld [smem:$0x3FB9]  }
0x3d: {  	_ =	shalt  }
0x3e: {  	_ =	shalt  }
0x3f: {  	_ =	shalt  }
0x40: {  	_ =	shalt  }
0x41: {  	_ =	shalt  }
0x42: {  	_ =	shalt  }
0x43: {  	_ =	shalt  }
0x44: {  	_ =	shalt  }
0x45: {  	_ =	shalt  }
0x46: {  	_ =	shalt  }
0x47: {  	_ =	shalt  }
0x48: {  	_ =	shalt  }
0x49: {  	_ =	shalt  }
0x4a: {  	_ =	shalt  }
0x4b: {  	_ =	shalt  }
0x4c: {  	_ =	shalt  }
0x4d: {  	_ =	shalt  }
0x4e: {  	_ =	shalt  }
0x4f: {  	_ =	shalt  }
0x50: {  	_ =	shalt  }
0x51: {  	_ =	shalt  }
0x52: {  	_ =	shalt  }
0x53: {  	_ =	shalt  }
0x54: {  	_ =	shalt  }
0x55: {  	_ =	shalt  }
0x56: {  	_ =	shalt  }
0x57: {  	_ =	shalt  }
0x58: {  	_ =	shalt  }
0x59: {  	_ =	shalt  }
0x5a: {  	_ =	shalt  }
0x5b: {  	_ =	shalt  }
0x5c: {  	_ =	shalt  }
0x5d: {  	_ =	shalt  }
0x5e: {  	_ =	shalt  }
0x5f: {  	_ =	shalt  }
0x60: {  	_ =	shalt  }
0x61: {  	_ =	shalt  }
0x62: {  	_ =	shalt  }
0x63: {  	_ =	shalt  }
0x64: {  	_ =	shalt  }
0x65: {  	_ =	shalt  }
0x66: {  	_ =	shalt  }
0x67: {  	_ =	shalt  }
0x68: {  	_ =	shalt  }
0x69: {  	_ =	shalt  }
0x6a: {  	_ =	shalt  }
0x6b: {  	_ =	shalt  }
0x6c: {  	_ =	shalt  }
0x6d: {  	_ =	shalt  }
0x6e: {  	_ =	shalt  }
0x6f: {  	_ =	shalt  }
0x70: {  	_ =	shalt  }
0x71: {  	_ =	shalt  }
0x72: {  	_ =	shalt  }
0x73: {  	_ =	shalt  }
0x74: {  	_ =	shalt  }
0x75: {  	_ =	shalt  }
0x76: {  	_ =	shalt  }
0x77: {  	_ =	shalt  }
0x78: {  	_ =	shalt  }
0x79: {  	_ =	shalt  }
0x7a: {  	_ =	shalt  }
0x7b: {  	_ =	shalt  }
0x7c: {  	_ =	shalt  }
0x7d: {  	_ =	shalt  }
0x7e: {  	_ =	shalt  }
0x7f: {  	_ =	shalt  }
0x80: {  	_ =	shalt  }
0x81: {  	_ =	shalt  }
0x82: {  	_ =	shalt  }
0x83: {  	_ =	shalt  }
0x84: {  	_ =	shalt  }
0x85: {  	_ =	shalt  }
0x86: {  	_ =	shalt  }
0x87: {  	_ =	shalt  }
.Lfunc_end0:
.L_simem_size_0:
called_computation_lowered:
.L_overlay_start_0:
0x88: {  	s2 =	sld [smem:$0x3FD9]  }
0x89: {  	s3 =	sld [smem:$0x3FFE];
	_ =	sdelay $0x1  }
0x8a: {  	s1 =	srdreg.scid  }
0x8b: {  	s0 =	sand.u32 $0x1, s1  }
0x8c: {  	s14 =	sshll.u32 s0, $0xA;
	s2 =	sadd.s32 s3, s2  }
0x8d: {  	s2 =	sadd.s32 s2, s14  }
0x8e: {  	[smem:$0x3FC5] =	sst s2  }
0x8f: {  	_ = 	snop  }
0x90: {  	s2 =	sld [smem:$0x3FD0]  }
0x91: {  	s15 =	sld [smem:$0x3FC9]  }
0x92: {  	s4 =	sld [smem:$0x3FC8]  }
0x93: {  	s6 =	simm.s32 $0xA;
	s7 =	simm.s32 $0x10;
	s5 =	sld [smem:$0x3FC7]  }
0x94: {  	[smem:s7], [sflag:s6] =	dma.local [hbm:s2], $0x1  }
0x95: {  	_ =	swait.eq [sflag:s6], $0x1  }
0x96: {  	[sflag:s6] =	ssyncset.done $0x0  }
0x97: {  	s16 =	sld [smem:$0x10];
	[sflag:s6] =	ssyncadd.s32 $0xFFFFFFFF  }
0x98: {  	s17 =	sld [smem:$0x11];
	(tm) =	ssettm $0x1  }
0x99: {  	s18 =	sld [smem:$0x3FFB];
	_ =	sdelay $0x3  }
0x9a: {  	_ =	strace s18  }
0x9b: {  	s7 =	sld [smem:$0x3FFC];
	_ =	sdelay $0x3  }
0x9c: {  	_ =	strace s7  }
0x9d: {  	s7 =	sld [smem:$0x3FFD];
	_ =	sdelay $0x3  }
0x9e: {  	_ =	strace s7  }
0x9f: {  	_ =	strace $0x8FFFFFFF  }
0xa0: {  	s19 =	sld [smem:$0x3FDB];
	_ =	sdelay $0x1  }
0xa1: {  	s8 =	simm.s32 $_scs_section_size  }
0xa2: {  	s9 =	simm.s32 $_size__tile_overlayer_lowered;
	s10 =	simm.s32 $_tile_overlayer_lowered  }
0xa3: {  	s22 =	simm.s32 $0x1BFF;
	s21 =	sshll.u32 s10, $0x1;
	s7 =	sadd.s32 s8, s19  }
0xa4: {  	s11 =	simm.s32 $0x0;
	s20 =	sshll.u32 s9, $0x1;
	s9 =	sadd.s32 s21, s7  }
0xa5: {  	[timem:s11], [sflag:s22] =	dma.local [hbm:s9], s20  }
0xa6: {  	_ =	swait.ge [sflag:s22], s20  }
0xa7: {  	s8 =	ssub.s32 $0x0, s20;
	[sflag:s22] =	ssyncset.done $0x0  }
0xa8: {  	[sflag:s22] =	ssyncadd.s32 s8;
	_ =	sdelay $0x1  }
0xa9: {  	s23 =	simm.s32 $0x1B8B  }
0xaa: {  	_ =	swait.ge [sflag:s23], $0x1  }
0xab: {  	[sflag:s23] =	ssyncset.done $0x0  }
0xac: {  	s25 =	simm.s32 $0x1B8E;
	s24 =	sld [smem:$0x3FFE];
	[sflag:s23] =	ssyncadd.s32 $0xFFFFFFFF  }
0xad: {  	s26 =	simm.s32 $execute0_lowered;
	[smem:$0x3FD2] =	sst s25  }
0xae: {  	s9 =	sshll.u32 s26, $0x1;
	_ =	strace $0x80000046;
	[dreg:$0x1] =	wrdreg $0xFFFFFFFF  }
0xaf: {  	s28 =	simm.s32 $_size_execute0_lowered;
	s7 =	sadd.s32 s7, s9;
	[dreg:$0x0] =	wrdreg $0x0  }
0xb0: {  	s9 =	sshll.u32 s28, $0x1;
	[dreg:$0x2] =	wrdreg s7  }
0xb1: {  	[dreg:$0x3] =	wrdreg s9  }
0xb2: {  	[dreg:$0x4] =	wrdreg $0xC0  }
0xb3: {  	_ =	task [dreg:s11], $0x5FFFF  }
0xb4: {  	[dreg:$0x1] =	wrdreg $0xFFFFFFFF  }
0xb5: {  	[dreg:$0x0] =	wrdreg $0x60  }
0xb6: {  	[dreg:$0x2] =	wrdreg s15  }
0xb7: {  	[dreg:$0x3] =	wrdreg s4  }
0xb8: {  	[dreg:$0x4] =	wrdreg s5  }
0xb9: {  	[dreg:$0x5] =	wrdreg s16  }
0xba: {  	[dreg:$0x6] =	wrdreg s17  }
0xbb: {  	[dreg:$0x7] =	wrdreg s24  }
0xbc: {  	[dreg:$0x8] =	wrdreg $0x0  }
0xbd: {  	[dreg:$0x9] =	wrdreg $0x18800  }
0xbe: {  	[dreg:$0xa] =	wrdreg $0x9  }
0xbf: {  	_ =	task.clear_ibuf [dreg:s11], $0xBFFFF;
	_ =	strace $0x90000046  }
0xc0: {  	s29 =	simm.s32 $0x9;
	_ =	strace $0x80000048  }
0xc1: {  	_ =	swait.ge [sflag:s29], $0x1  }
0xc2: {  	[sflag:s29] =	ssyncadd.s32 $0xFFFFFFFF  }
0xc3: {  	_ =	strace $0x90000048  }
0xc4: {  	_ =	sfence  }
0xc5: {  	s30 =	sld [smem:$0x0];
	_ =	sdelay $0x2  }
0xc6: {  	s31 =	sshll.u32 s1, $0xD;
	s1 =	sshrl.u32 s1, $0x2  }
0xc7: {  	s3 =	sand.u32 $0x4000, s31;
	s1 =	sadd.s32 s1, s30  }
0xc8: {  	s0 =	sor.u32 s3, s0;
	s1 =	sshll.u32 s1, $0x11  }
0xc9: {  	s0 =	sor.u32 s1, s0  }
0xca: {  	s0 =	sadd.s32 $0x8F2B, s0  }
0xcb: {  	[sflag:s0] =	ssyncadd.remote.s32 $0x1  }
0xcc: {  	_ =	sfence.sel $0xFFFF  }
0xcd: {  	[dreg:$0x0] =	wrdreg $0xFFFFFFFF;
	(pc) =	sbr.abs _section_cstart, $3  }
0xce: {  	[dreg:$0x1] =	wrdreg $0xFFFFFFFF  }
0xcf: {  	_ =	task.clear_ibuf [dreg:s11], $0x2FFFF;
	_ =	strace $0x9FFFFFFF  }
0xd0: {  	(tm) =	ssettm $0x7FFFFFFF  }
0xd1: {  	_ =	shalt  }
tec
execute0_lowered:
.L_overlay_start_1:
0x0: {  	(tag) =	ssettag $0x1  }
0x1: {  	s0 =	rddreg [dreg:$0x0]  }
0x2: {  	s1 =	rddreg [dreg:$0x1]  }
0x3: {  	s3 =	rddreg [dreg:$0x2]  }
0x4: {  	s2 =	rddreg [dreg:$0x3]  }
0x5: {  	s4 =	rddreg [dreg:$0x4]  }
0x6: {  	s7 =	rddreg [dreg:$0x5]  }
0x7: {  	s5 =	rddreg [dreg:$0x6]  }
0x8: {  	s6 =	rddreg [dreg:$0x7]  }
0x9: {  	s8 =	srdreg.scid;
	s15 =	stileid.u32  }
0xa: {  	s9 =	simm.s32 $0x0;
	s28 =	simm.s32 $0x1;
	s29 =	simm.s32 $0x80  }
0xb: {  	s30 =	simm.s32 $0x6;
	s31 =	simm.s32 $0x2;
	s11 =	sand.u32 $0x1, s8  }
0xc: {  	s18 =	sshll.u32 s15, $0x1;
	[smem:$0x7FF] =	sst s9;
	s13 =	smul.u32 $0x1880, s15  }
0xd: {  	s21 =	smul.u32 $0x3100, s15;
	s12 =	sor.u32 s11, s18;
	s19 =	ssub.s32 $0x2, s11  }
0xe: {  	_ =	strace $0x80000047;
	s22 =	sshll.u32 s11, $0x7;
	s20 =	sshll.u32 s12, $0x4  }
0xf: {  	s10 =	sshrl.u32 s19, $0x1;
	s8 =	sadd.s32 s13, s5;
	s9 =	sadd.s32 s13, s6  }
0x10: {  	p0 =	slt.u32 s12, $0x15;
	s11 =	sshll.u32 s12, $0x8;
	s23 =	sor.u32 s22, s21  }
0x11: {  	s22 =	simm.s32 $0x7;
	s7 =	sadd.s32 s20, s7;
	s14 =	ssub.s32 s19, s10  }
0x12: {  	s10 =	simm.s32 $0x62;
	s24 =	sadd.s32 s3, s11;
	s25 =	sadd.s32 s0, s11  }
0x13: {  	s12 =	sshrl.u32 s23, $0x3;
	s26 =	sadd.s32 s1, s11;
	[dreg:$0x9] =	wrdreg s24  }
.Ltmp0:
0x14: {  	s23 =	simm.s32 $0x3;
	[dreg:$0xa] =	wrdreg s25;
	(pc) =	sbr.rel .LBB2_1-.Ltmp0, $4  }
0x15: {  	s10 =	simm.s32 @!p0 $0x61;
	[dreg:$0xb] =	wrdreg s26;
	s2 =	sadd.s32 s2, s12  }
0x16: {  	s17 =	sadd.s32 s4, s12;
	s18 =	sadd.s32 $0x800, s7;
	s19 =	sadd.s32 $0xA00, s7  }
0x17: {  	v0 =	vimm.f32 $0.0e+00;
	v1 =	vimm.f32 $+Inf;
	s20 =	smax.u32 s14, $0x1;
	s26 =	simm.s32 $0x5;
	s4 =	simm.s32 $0x0  }
0x18: {  	v2 =	vimm.f32 $-Inf;
	vm0 =	vcmask $0x3F3C;
	vm1 =	vmmov $0x7fff;
	s15 =	sadd.s32 $0xFFFFFFFE, s10;
	[dreg:$0xc] =	wrdreg s2;
	s2 =	simm.s32 $0x4  }
.LBB2_54:
0x19: {  	s7 =	stileid.u32;
	[bflag:$0x0] =	sbarrier.arrive $0xFFFF  }
0x1a: {  	s12 =	sshrl.u32 s8, $0x3;
	s14 =	simm.s32 $0x20;
	s7 =	sshll.u32 s7, $0x6  }
0x1b: {  	s16 =	simm.s32 $0x10;
	s13 =	rddreg [dreg:$0xc];
	s7 =	sor.u32 $0x1C07, s7  }
0x1c: {  	[hbm:s13@s14], [sflag:s7] =	dma.strided [spmem:s12@s16], $0x310, s28, $0x10   }
0x1d: {  	_ =	swait.ge [sflag:s22], $0x310  }
0x1e: {  	[sflag:s22] =	ssyncset.done $0x0  }
0x1f: {  	s13 =	sshrl.u32 s9, $0x3;
	[sflag:s22] =	ssyncadd.s32 $0xFFFFFCF0  }
0x20: {  	[hbm:s17@s14], [sflag:s7] =	dma.strided [spmem:s13@s16], $0x310, s28, $0x10   }
0x21: {  	_ =	swait.ge [sflag:s22], $0x310  }
0x22: {  	[sflag:s22] =	ssyncset.done $0x0  }
0x23: {  	s21 =	simm.s32 $0x0;
	s24 =	simm.s32 $0x12780;
	[sflag:s22] =	ssyncadd.s32 $0xFFFFFCF0  }
0x24: {  	[hbm4b:s18+s21] =	stream.linear.scatter [tilespmem:s24], [sflag:$0x7], $0x80, $0x38;
	[tilespmem:$0x12880] =	vst v63  }
0x25: {  	s4 =	sadd.s32 $0x1, s4;
	_ =	swait.ge [sflag:s22], $0x80  }
0x26: {  	p0 =	sne.s32 s4, s20;
	[sflag:s22] =	ssyncset.done $0x0  }
.Ltmp1:
0x27: {  	s25 =	simm.s32 $0x12800;
	[sflag:s22] =	ssyncadd.s32 $0xFFFFFF80;
	(pc) =	sbr.rel @!p0 .LBB2_55-.Ltmp1, $4  }
0x28: {  	[hbm4b:s19+s21] =	stream.linear.scatter [tilespmem:s25], [sflag:$0x7], $0x80, $0x38;
	[tilespmem:$0x12880] =	vst v63  }
0x29: {  	_ =	swait.ge [sflag:s22], $0x80  }
0x2a: {  	[sflag:s22] =	ssyncset.done $0x0  }
0x2b: {  	[sflag:s22] =	ssyncadd.s32 $0xFFFFFF80  }
.LBB2_1:
0x2c: {  	s7 =	simm.s32 $0x10F40  }
0x2d: {  	[tilespmem:s7+$0xFFFFFFC0] =	vst v0  }
0x2e: {  	[tilespmem:s7+$0x30] =	vst v0  }
0x2f: {  	[tilespmem:s7+$0x20] =	vst v0  }
0x30: {  	[tilespmem:s7+$0x10] =	vst v0  }
0x31: {  	[tilespmem:s7+$0x0] =	vst v0  }
0x32: {  	[tilespmem:s7+$0xFFFFFFF0] =	vst v0  }
0x33: {  	s12 =	simm.s32 $0x0;
	[tilespmem:s7+$0xFFFFFFE0] =	vst v0  }
.LBB2_2:
0x34: {  	s12 =	sadd.s32 $0x8, s12;
	[tilespmem:s7+$0xFFFFFFD0] =	vst v0;
	s7 =	sadd.s32 $0x80, s7  }
0x35: {  	[tilespmem:s7+$0xFFFFFFC0] =	vst v0;
	p0 =	slt.u32 s12, $0x180  }
0x36: {  	[tilespmem:s7+$0x30] =	vst v0  }
.Ltmp2:
0x37: {  	[tilespmem:s7+$0x20] =	vst v0;
	(pc) =	sbr.rel @p0 .LBB2_2-.Ltmp2, $4  }
0x38: {  	[tilespmem:s7+$0x10] =	vst v0  }
0x39: {  	[tilespmem:s7+$0x0] =	vst v0  }
0x3a: {  	[tilespmem:s7+$0xFFFFFFF0] =	vst v0  }
0x3b: {  	[tilespmem:s7+$0xFFFFFFE0] =	vst v0  }
0x3c: {  	[tilespmem:s7+$0xFFFFFFD0] =	vst v0;
	s12 =	simm.s32 $0x10F00  }
0x3d: {  	[spmem:s8] =	stream.linear.scatter [tilespmem:s12], [sflag:$0x7], $0x1880, $0x38;
	[tilespmem:$0x12880] =	vst v63  }
0x3e: {  	_ =	swait.ge [sflag:s22], $0x1880  }
0x3f: {  	[sflag:s22] =	ssyncset.done $0x0  }
0x40: {  	[sflag:s22] =	ssyncadd.s32 $0xFFFFE780  }
0x41: {  	[spmem:s9] =	stream.linear.scatter [tilespmem:s12], [sflag:$0x7], $0x1880, $0x38;
	[tilespmem:$0x12880] =	vst v63  }
0x42: {  	_ =	swait.ge [sflag:s22], $0x1880  }
0x43: {  	[sflag:s22] =	ssyncset.done $0x0  }
0x44: {  	[sflag:s22] =	ssyncadd.s32 $0xFFFFE780  }
0x45: {  	[tilespmem:$0x12780] =	vst v1  }
0x46: {  	[tilespmem:$0x12800] =	vst v2  }
0x47: {  	[bflag:$0x0] =	sbarrier.arrive $0xFFFF  }
0x48: {  	s21 =	simm.s32 $0x0;
	s12 =	simm.s32 $0x3100;
	s13 =	rddreg [dreg:$0x9]  }
0x49: {  	[tilespmem:s12], [sflag:$0x1] =	stream.linear.gather [hbm4b:s13+s21], $0x800, $0x38;
	[tilespmem:$0x12880] =	vst v63  }
.Ltmp3:
0x4a: {  	_ = 	snop;
	(pc) =	sbr.rel .LBB2_4-.Ltmp3, $4  }
0x4b: {  	s16 =	simm.s32 $0x4A80;
	s14 =	rddreg [dreg:$0xa]  }
0x4c: {  	[tilespmem:s16], [sflag:$0x1] =	stream.linear.gather [hbm4b:s14+s21], $0x800, $0x38;
	[tilespmem:$0x12880] =	vst v63  }
0x4d: {  	s25 =	simm.s32 $0x6280;
	s24 =	rddreg [dreg:$0xb]  }
0x4e: {  	[tilespmem:s25], [sflag:$0x1] =	stream.linear.gather [hbm4b:s24+s21], $0x800, $0x38;
	[tilespmem:$0x12880] =	vst v63  }
.LBB2_36:
0x4f: {  	[smem:$0x2] =	sst s7  }
.LBB2_37:
0x50: {  	s21 =	sadd.s32 $0x1, s21  }
0x51: {  	p0 =	sne.s32 s21, $0x21  }
.Ltmp4:
0x52: {  	_ = 	snop;
	(pc) =	sbr.rel @!p0 .LBB2_38-.Ltmp4, $1  }
0x53: {  	_ =	sdelay $0x3  }
.LBB2_4:
0x54: {  	s24 =	smul.u32 $0x3, s21  }
0x55: {  	p1 =	seq.s32 s21, $0x0  }
0x56: {  	p0 =	sge.u32 @!p1 s24, s10  }
0x57: {  	p0 =	por p1, p0  }
0x58: {  	s7 =	sld @!p0 [smem:$0x1];
	_ =	sdelay $0x2  }
0x59: {  	p2 =	slt.s32 @!p0 s7, $0x1  }
0x5a: {  	p0 =	por p0, p2  }
.Ltmp5:
0x5b: {  	_ = 	snop;
	(pc) =	sbr.rel @p0 .LBB2_8-.Ltmp5, $1  }
0x5c: {  	_ =	sdelay $0x3  }
0x5d: {  	p0 =	sne.s32 s7, $0x1  }
.Ltmp6:
0x5e: {  	_ = 	snop;
	(pc) =	sbr.rel @!p0 .LBB2_7-.Ltmp6, $3  }
0x5f: {  	_ =	sdelay $0x1  }
0x60: {  	_ =	swait.ge [sflag:s26], $0x100  }
0x61: {  	s7 =	sadd.s32 $0xFFFFFFFF, s7;
	[sflag:s26] =	ssyncset.done $0x0  }
.LBB2_6:
0x62: {  	p0 =	sne.s32 s7, $0x1;
	s7 =	sadd.s32 $0xFFFFFFFF, s7;
	[sflag:s26] =	ssyncadd.s32 $0xFFFFFF00  }
.Ltmp7:
0x63: {  	(pc) =	sbr.rel @p0 .LBB2_6-.Ltmp7, $3  }
0x64: {  	_ =	sdelay $0x1  }
0x65: {  	_ =	swait.ge [sflag:s26], $0x100  }
0x66: {  	[sflag:s26] =	ssyncset.done $0x0  }
.LBB2_7:
0x67: {  	[sflag:s26] =	ssyncadd.s32 $0xFFFFFF00  }
.LBB2_8:
0x68: {  	s7 =	sadd.s32 $0x1, s24  }
0x69: {  	p0 =	sge.u32 s7, s10  }
0x6a: {  	s7 =	sshll.u32 @!p0 s7, $0xD  }
0x6b: {  	p2 =	sge.u32 s24, s10;
	s7 =	sor.u32 @!p0 s11, s7  }
0x6c: {  	s13 =	simm.s32 @!p0 $0x0;
	s14 =	simm.s32 @!p0 $0x3980;
	s12 =	sadd.s32 @!p0 s3, s7  }
0x6d: {  	[tilespmem:s14], [sflag:$0x2] =	stream.linear.gather @!p0 [hbm4b:s12+s13], $0x800, $0x38;
	[tilespmem:$0x12880] =	vst v63  }
.Ltmp8:
0x6e: {  	_ = 	snop;
	(pc) =	sbr.rel @p2 .LBB2_15-.Ltmp8, $4  }
0x6f: {  	s12 =	sadd.s32 @!p0 s0, s7;
	s14 =	simm.s32 @!p0 $0x5280  }
0x70: {  	[tilespmem:s14], [sflag:$0x2] =	stream.linear.gather @!p0 [hbm4b:s12+s13], $0x800, $0x38;
	[tilespmem:$0x12880] =	vst v63  }
0x71: {  	s7 =	sadd.s32 @!p0 s1, s7;
	s12 =	simm.s32 @!p0 $0x6A80  }
0x72: {  	[tilespmem:s12], [sflag:$0x2] =	stream.linear.gather @!p0 [hbm4b:s7+s13], $0x800, $0x38;
	[tilespmem:$0x12880] =	vst v63  }
0x73: {  	_ =	swait.ge [sflag:s28], $0x800  }
0x74: {  	[sflag:s28] =	ssyncset.done $0x0  }
0x75: {  	[sflag:s28] =	ssyncadd.s32 $0xFFFFF800  }
0x76: {  	_ =	swait.ge [sflag:s28], $0x800  }
0x77: {  	[sflag:s28] =	ssyncset.done $0x0  }
0x78: {  	[sflag:s28] =	ssyncadd.s32 $0xFFFFF800  }
0x79: {  	_ =	swait.ge [sflag:s28], $0x800  }
0x7a: {  	[sflag:s28] =	ssyncset.done $0x0  }
0x7b: {  	s7 =	simm.s32 $0x3140;
	[sflag:s28] =	ssyncadd.s32 $0xFFFFF800  }
0x7c: {  	v6 =	vld [tilespmem:s7+$0xFFFFFFC0]  }
0x7d: {  	v7 =	vld [tilespmem:s7+$0xFFFFFFC1];
	_ =	sdelay $0x4  }
0x7e: {  	s13 =	simm.s32 $0x4AC0;
	vm2 =	vne.s32 v6, v7  }
0x7f: {  	s12 =	simm.s32 $0x62C0;
	v4 =	vld [tilespmem:s13+$0xFFFFFFC0];
	vm3 =	vmor vm2, vm0  }
0x80: {  	v3 =	vld [tilespmem:s12+$0xFFFFFFC0];
	v5 =	vmpcnt.ones.xlane vm3;
	_ =	sdelay $0x1  }
0x81: {  	(v2sf) =	vpush v5, $0x0;
	_ =	sdelay $0x2  }
0x82: {  	v5 =	vmul.f32 v3, v4  }
0x83: {  	(xrf2) =	vadd.scan.msk.f32 $0xffff, v4  }
0x84: {  	(xrf2) =	vadd.scan.msk.f32 $0xffff, v5;
	_ =	sdelay $0x7  }
0x85: {  	s14 =	simm.s32 $0x0;
	v4 =	vld [tilespmem:$0x12780]  }
0x86: {  	v5 =	vld [tilespmem:$0x12800];
	[tilespmem:s14+$0x7A80] =	vst.msk vm3, v6;
	v8, _, _ =	vpop (xrf2)  }
0x87: {  	[tilespmem:s14+$0xAC00] =	vst.msk vm3, v8;
	v6, _, _ =	vpop (xrf2);
	s16 =	spop (v2sf)  }
0x88: {  	vm2 =	vmand vm2, vm1;
	v8 =	vsub.f32 $0.0e+00, v8;
	[tilespmem:s14+$0xDD80] =	vst.msk vm3, v6;
	s16 =	sadd.s32 $0x0, s16  }
0x89: {  	v6 =	vsub.f32 $0.0e+00, v6;
	[tilespmem:s16+$0x7A80] =	vst.msk vm2, v7  }
0x8a: {  	[tilespmem:s16+$0xAC00] =	vst.msk vm2, v8  }
0x8b: {  	[tilespmem:s16+$0xDD80] =	vst.msk vm2, v6  }
0x8c: {  	v7 =	vld [tilespmem:s7+$0xFFFFFFD1]  }
0x8d: {  	v8 =	vld [tilespmem:s7+$0xFFFFFFD0];
	_ =	sdelay $0x3  }
0x8e: {  	v6 =	vmpcnt.ones.xlane vm2  }
0x8f: {  	vm2 =	vne.s32 v8, v7  }
0x90: {  	v9 =	vld [tilespmem:s13+$0xFFFFFFD0];
	(v2sf) =	vpush v6, $0x0;
	vm3 =	vmor vm2, vm0  }
0x91: {  	v6 =	vld [tilespmem:s12+$0xFFFFFFD0];
	v10 =	vmpcnt.ones.xlane vm3;
	_ =	sdelay $0x1  }
0x92: {  	(v2sf) =	vpush v10, $0x0;
	_ =	sdelay $0x2  }
0x93: {  	v10 =	vmul.f32 v6, v9  }
0x94: {  	(xrf2) =	vadd.scan.msk.f32 $0xffff, v9  }
0x95: {  	(xrf2) =	vadd.scan.msk.f32 $0xffff, v10;
	_ =	sdelay $0x6  }
0x96: {  	s25 =	spop (v2sf)  }
0x97: {  	s14 =	sadd.s32 s16, s25  }
0x98: {  	[tilespmem:s14+$0x7A80] =	vst.msk vm3, v8;
	v8, _, _ =	vpop (xrf2)  }
0x99: {  	[tilespmem:s14+$0xAC00] =	vst.msk vm3, v8;
	v9, _, _ =	vpop (xrf2);
	s25 =	spop (v2sf)  }
0x9a: {  	vm2 =	vmand vm2, vm1;
	v8 =	vsub.f32 $0.0e+00, v8;
	[tilespmem:s14+$0xDD80] =	vst.msk vm3, v9;
	s14 =	sadd.s32 s14, s25  }
0x9b: {  	[tilespmem:s14+$0x7A80] =	vst.msk vm2, v7;
	v7 =	vsub.f32 $0.0e+00, v9  }
0x9c: {  	[tilespmem:s14+$0xAC00] =	vst.msk vm2, v8  }
0x9d: {  	[tilespmem:s14+$0xDD80] =	vst.msk vm2, v7  }
0x9e: {  	v8 =	vld [tilespmem:s7+$0xFFFFFFE0]  }
0x9f: {  	v9 =	vld [tilespmem:s7+$0xFFFFFFE1];
	_ =	sdelay $0x3  }
0xa0: {  	v10 =	vmpcnt.ones.xlane vm2  }
0xa1: {  	vm2 =	vne.s32 v8, v9  }
0xa2: {  	(v2sf) =	vpush v10, $0x0;
	v7 =	vld [tilespmem:s12+$0xFFFFFFE0];
	vm3 =	vmor vm2, vm0  }
0xa3: {  	v10 =	vld [tilespmem:s13+$0xFFFFFFE0];
	v11 =	vmpcnt.ones.xlane vm3;
	_ =	sdelay $0x1  }
0xa4: {  	(v2sf) =	vpush v11, $0x0;
	_ =	sdelay $0x2  }
0xa5: {  	v11 =	vmul.f32 v7, v10  }
0xa6: {  	(xrf2) =	vadd.scan.msk.f32 $0xffff, v10  }
0xa7: {  	(xrf2) =	vadd.scan.msk.f32 $0xffff, v11;
	_ =	sdelay $0x6  }
0xa8: {  	s25 =	spop (v2sf)  }
0xa9: {  	s14 =	sadd.s32 s14, s25  }
0xaa: {  	[tilespmem:s14+$0x7A80] =	vst.msk vm3, v8;
	v8, _, _ =	vpop (xrf2)  }
0xab: {  	[tilespmem:s14+$0xAC00] =	vst.msk vm3, v8;
	v10, _, _ =	vpop (xrf2);
	s25 =	spop (v2sf)  }
0xac: {  	vm2 =	vmand vm2, vm1;
	v8 =	vsub.f32 $0.0e+00, v8;
	[tilespmem:s14+$0xDD80] =	vst.msk vm3, v10;
	s16 =	sadd.s32 s14, s25  }
0xad: {  	[tilespmem:s16+$0x7A80] =	vst.msk vm2, v9;
	v9 =	vsub.f32 $0.0e+00, v10  }
0xae: {  	[tilespmem:s16+$0xAC00] =	vst.msk vm2, v8  }
0xaf: {  	[tilespmem:s16+$0xDD80] =	vst.msk vm2, v9  }
0xb0: {  	v8 =	vld [tilespmem:s7+$0xFFFFFFF0]  }
0xb1: {  	v9 =	vld [tilespmem:s7+$0xFFFFFFF1];
	_ =	sdelay $0x3  }
0xb2: {  	v10 =	vmpcnt.ones.xlane vm2  }
0xb3: {  	vm2 =	vne.s32 v8, v9  }
0xb4: {  	(v2sf) =	vpush v10, $0x0;
	v10 =	vld [tilespmem:s13+$0xFFFFFFF0];
	vm3 =	vmor vm2, vm0  }
0xb5: {  	v11 =	vld [tilespmem:s12+$0xFFFFFFF0];
	v12 =	vmpcnt.ones.xlane vm3;
	_ =	sdelay $0x1  }
0xb6: {  	(v2sf) =	vpush v12, $0x0;
	_ =	sdelay $0x2  }
0xb7: {  	v12 =	vmul.f32 v11, v10  }
0xb8: {  	(xrf2) =	vadd.scan.msk.f32 $0xffff, v10  }
0xb9: {  	(xrf2) =	vadd.scan.msk.f32 $0xffff, v12;
	_ =	sdelay $0x6  }
0xba: {  	s25 =	spop (v2sf)  }
0xbb: {  	s14 =	sadd.s32 s16, s25  }
0xbc: {  	[tilespmem:s14+$0x7A80] =	vst.msk vm3, v8;
	v8, _, _ =	vpop (xrf2)  }
0xbd: {  	[tilespmem:s14+$0xAC00] =	vst.msk vm3, v8;
	v10, _, _ =	vpop (xrf2);
	s25 =	spop (v2sf)  }
0xbe: {  	vm2 =	vmand vm2, vm1;
	v8 =	vsub.f32 $0.0e+00, v8;
	[tilespmem:s14+$0xDD80] =	vst.msk vm3, v10;
	s14 =	sadd.s32 s14, s25  }
0xbf: {  	[tilespmem:s14+$0x7A80] =	vst.msk vm2, v9;
	v9 =	vsub.f32 $0.0e+00, v10  }
0xc0: {  	[tilespmem:s14+$0xAC00] =	vst.msk vm2, v8  }
0xc1: {  	[tilespmem:s14+$0xDD80] =	vst.msk vm2, v9  }
0xc2: {  	v8 =	vld [tilespmem:s7+$0x0]  }
0xc3: {  	v9 =	vld [tilespmem:s7+$0x1];
	_ =	sdelay $0x3  }
0xc4: {  	v10 =	vmpcnt.ones.xlane vm2  }
0xc5: {  	vm2 =	vne.s32 v8, v9  }
0xc6: {  	(v2sf) =	vpush v10, $0x0;
	v10 =	vld [tilespmem:s13+$0x0];
	vm3 =	vmor vm2, vm0  }
0xc7: {  	v13 =	vld [tilespmem:s12+$0x0];
	v12 =	vmpcnt.ones.xlane vm3;
	_ =	sdelay $0x1  }
0xc8: {  	(v2sf) =	vpush v12, $0x0;
	_ =	sdelay $0x2  }
0xc9: {  	v12 =	vmul.f32 v13, v10  }
0xca: {  	(xrf2) =	vadd.scan.msk.f32 $0xffff, v10  }
0xcb: {  	(xrf2) =	vadd.scan.msk.f32 $0xffff, v12;
	_ =	sdelay $0x6  }
0xcc: {  	s25 =	spop (v2sf)  }
0xcd: {  	s14 =	sadd.s32 s14, s25  }
0xce: {  	[tilespmem:s14+$0x7A80] =	vst.msk vm3, v8;
	v8, _, _ =	vpop (xrf2)  }
0xcf: {  	[tilespmem:s14+$0xAC00] =	vst.msk vm3, v8;
	v10, _, _ =	vpop (xrf2);
	s25 =	spop (v2sf)  }
0xd0: {  	vm2 =	vmand vm2, vm1;
	v8 =	vsub.f32 $0.0e+00, v8;
	[tilespmem:s14+$0xDD80] =	vst.msk vm3, v10;
	s14 =	sadd.s32 s14, s25  }
0xd1: {  	[tilespmem:s14+$0x7A80] =	vst.msk vm2, v9;
	v9 =	vsub.f32 $0.0e+00, v10  }
0xd2: {  	[tilespmem:s14+$0xAC00] =	vst.msk vm2, v8  }
0xd3: {  	[tilespmem:s14+$0xDD80] =	vst.msk vm2, v9  }
0xd4: {  	v8 =	vld [tilespmem:s7+$0x11]  }
0xd5: {  	v9 =	vld [tilespmem:s7+$0x10];
	_ =	sdelay $0x3  }
0xd6: {  	v10 =	vmpcnt.ones.xlane vm2  }
0xd7: {  	vm2 =	vne.s32 v9, v8  }
0xd8: {  	(v2sf) =	vpush v10, $0x0;
	v10 =	vld [tilespmem:s13+$0x10];
	vm3 =	vmor vm2, vm0  }
0xd9: {  	v14 =	vld [tilespmem:s12+$0x10];
	v12 =	vmpcnt.ones.xlane vm3;
	_ =	sdelay $0x1  }
0xda: {  	(v2sf) =	vpush v12, $0x0;
	_ =	sdelay $0x2  }
0xdb: {  	v12 =	vmul.f32 v14, v10  }
0xdc: {  	(xrf2) =	vadd.scan.msk.f32 $0xffff, v10  }
0xdd: {  	(xrf2) =	vadd.scan.msk.f32 $0xffff, v12;
	_ =	sdelay $0x6  }
0xde: {  	s25 =	spop (v2sf)  }
0xdf: {  	s14 =	sadd.s32 s14, s25  }
0xe0: {  	[tilespmem:s14+$0x7A80] =	vst.msk vm3, v9;
	v9, _, _ =	vpop (xrf2)  }
0xe1: {  	[tilespmem:s14+$0xAC00] =	vst.msk vm3, v9;
	v10, _, _ =	vpop (xrf2);
	s25 =	spop (v2sf)  }
0xe2: {  	vm2 =	vmand vm2, vm1;
	v9 =	vsub.f32 $0.0e+00, v9;
	[tilespmem:s14+$0xDD80] =	vst.msk vm3, v10;
	s14 =	sadd.s32 s14, s25  }
0xe3: {  	[tilespmem:s14+$0x7A80] =	vst.msk vm2, v8;
	v8 =	vsub.f32 $0.0e+00, v10  }
0xe4: {  	[tilespmem:s14+$0xAC00] =	vst.msk vm2, v9  }
0xe5: {  	[tilespmem:s14+$0xDD80] =	vst.msk vm2, v8  }
0xe6: {  	v8 =	vld [tilespmem:s7+$0x21]  }
0xe7: {  	v9 =	vld [tilespmem:s7+$0x20];
	_ =	sdelay $0x3  }
0xe8: {  	v10 =	vmpcnt.ones.xlane vm2  }
0xe9: {  	vm2 =	vne.s32 v9, v8  }
0xea: {  	(v2sf) =	vpush v10, $0x0;
	v12 =	vld [tilespmem:s13+$0x20];
	vm3 =	vmor vm2, vm0  }
0xeb: {  	v10 =	vld [tilespmem:s12+$0x20];
	v15 =	vmpcnt.ones.xlane vm3;
	_ =	sdelay $0x1  }
0xec: {  	(v2sf) =	vpush v15, $0x0;
	_ =	sdelay $0x2  }
0xed: {  	v15 =	vmul.f32 v10, v12  }
0xee: {  	(xrf2) =	vadd.scan.msk.f32 $0xffff, v12  }
0xef: {  	(xrf2) =	vadd.scan.msk.f32 $0xffff, v15;
	_ =	sdelay $0x2  }
0xf0: {  	vm2 =	vmand vm2, vm1  }
0xf1: {  	v12 =	vmpcnt.ones.xlane vm2;
	_ =	sdelay $0x1  }
0xf2: {  	(v2sf) =	vpush v12, $0x0  }
0xf3: {  	s25 =	spop (v2sf)  }
0xf4: {  	s14 =	sadd.s32 s14, s25  }
0xf5: {  	[tilespmem:s14+$0x7A80] =	vst.msk vm3, v9;
	v9, _, _ =	vpop (xrf2)  }
0xf6: {  	[tilespmem:s14+$0xAC00] =	vst.msk vm3, v9;
	v12, _, _ =	vpop (xrf2);
	s25 =	spop (v2sf)  }
0xf7: {  	v9 =	vsub.f32 $0.0e+00, v9;
	[tilespmem:s14+$0xDD80] =	vst.msk vm3, v12;
	s14 =	sadd.s32 s14, s25  }
0xf8: {  	[tilespmem:s14+$0x7A80] =	vst.msk vm2, v8;
	v8 =	vsub.f32 $0.0e+00, v12  }
0xf9: {  	[tilespmem:s14+$0xAC00] =	vst.msk vm2, v9  }
0xfa: {  	v5 =	vmax.f32 v5, v3;
	[tilespmem:s14+$0xDD80] =	vst.msk vm2, v8  }
0xfb: {  	v3 =	vmin.f32 v4, v3;
	v4 =	vmax.f32 v5, v6;
	v12 =	vld [tilespmem:s7+$0x30]  }
0xfc: {  	v3 =	vmin.f32 v3, v6;
	v4 =	vmax.f32 v4, v7;
	v5 =	vld [tilespmem:s7+$0x31]  }
0xfd: {  	v3 =	vmin.f32 v3, v7;
	v4 =	vmax.f32 v4, v11  }
0xfe: {  	v6 =	vmin.f32 v3, v11;
	v4 =	vmax.f32 v4, v13;
	v3 =	vld [tilespmem:s13+$0x30]  }
0xff: {  	v8 =	vmax.f32 v4, v14;
	v4 =	vld [tilespmem:s12+$0x30]  }
0x100: {  	v6 =	vmin.f32 v6, v13;
	s25 =	simm.s32 $0x0  }
0x101: {  	v7 =	vmin.f32 v6, v14;
	s16 =	spop (v2sf);
	v6 =	vmax.f32 v8, v10;
	s12 =	simm.s32 $0x4B40;
	s13 =	simm.s32 $0x6340;
	vm2 =	vne.s32 v12, v5  }
.LBB2_10:
0x102: {  	s25 =	sadd.s32 $0x8, s25;
	v7 =	vmin.f32 v7, v10;
	s14 =	sadd.s32 s14, s16;
	vm3 =	vmor vm2, vm0;
	vm2 =	vmand vm2, vm1;
	s7 =	sadd.s32 $0x80, s7  }
0x103: {  	p2 =	slt.u32 s25, $0x78;
	[tilespmem:s14+$0x7A80] =	vst.msk vm3, v12;
	v8 =	vmpcnt.ones.xlane vm3;
	v9 =	vmpcnt.ones.xlane vm2;
	(xrf2) =	vadd.scan.msk.f32 $0xffff, v3  }
0x104: {  	v10 =	vmul.f32 v4, v3;
	v3 =	vmin.f32 v7, v4;
	v4 =	vmax.f32 v6, v4  }
0x105: {  	(v2sf) =	vpush v8, $0x0  }
0x106: {  	(xrf2) =	vadd.scan.msk.f32 $0xffff, v10;
	(v2sf) =	vpush v9, $0x0;
	_ =	sdelay $0x6  }
0x107: {  	v6, _, _ =	vpop (xrf2)  }
0x108: {  	[tilespmem:s14+$0xAC00] =	vst.msk vm3, v6;
	_ =	sdelay $0x1  }
0x109: {  	v7, _, _ =	vpop (xrf2)  }
0x10a: {  	[tilespmem:s14+$0xDD80] =	vst.msk vm3, v7;
	_ =	sdelay $0x2  }
0x10b: {  	s16 =	spop (v2sf)  }
0x10c: {  	v6 =	vsub.f32 $0.0e+00, v6;
	s14 =	sadd.s32 s14, s16;
	s16 =	spop (v2sf)  }
0x10d: {  	[tilespmem:s14+$0x7A80] =	vst.msk vm2, v5;
	v5 =	vsub.f32 $0.0e+00, v7;
	s16 =	sadd.s32 s14, s16  }
0x10e: {  	[tilespmem:s14+$0xAC00] =	vst.msk vm2, v6  }
0x10f: {  	[tilespmem:s14+$0xDD80] =	vst.msk vm2, v5  }
0x110: {  	v6 =	vld [tilespmem:s7+$0xFFFFFFC0]  }
0x111: {  	v7 =	vld [tilespmem:s7+$0xFFFFFFC1];
	_ =	sdelay $0x4  }
0x112: {  	v8 =	vld [tilespmem:s12+$0xFFFFFFC0];
	vm2 =	vne.s32 v6, v7  }
0x113: {  	v5 =	vld [tilespmem:s13+$0xFFFFFFC0];
	vm3 =	vmor vm2, vm0  }
0x114: {  	v9 =	vmpcnt.ones.xlane vm3;
	_ =	sdelay $0x1  }
0x115: {  	(v2sf) =	vpush v9, $0x0  }
0x116: {  	(xrf2) =	vadd.scan.msk.f32 $0xffff, v8  }
0x117: {  	v8 =	vmul.f32 v5, v8;
	_ =	sdelay $0x1  }
0x118: {  	(xrf2) =	vadd.scan.msk.f32 $0xffff, v8;
	_ =	sdelay $0x6  }
0x119: {  	v8, _, _ =	vpop (xrf2);
	_ =	sdelay $0x2  }
0x11a: {  	[tilespmem:s16+$0x7A80] =	vst.msk vm3, v6;
	v6, _, _ =	vpop (xrf2)  }
0x11b: {  	[tilespmem:s16+$0xAC00] =	vst.msk vm3, v8;
	s14 =	spop (v2sf)  }
0x11c: {  	vm2 =	vmand vm2, vm1;
	v8 =	vsub.f32 $0.0e+00, v8;
	[tilespmem:s16+$0xDD80] =	vst.msk vm3, v6;
	s14 =	sadd.s32 s16, s14  }
0x11d: {  	v6 =	vsub.f32 $0.0e+00, v6;
	[tilespmem:s14+$0x7A80] =	vst.msk vm2, v7  }
0x11e: {  	v7 =	vmpcnt.ones.xlane vm2;
	[tilespmem:s14+$0xAC00] =	vst.msk vm2, v8  }
0x11f: {  	[tilespmem:s14+$0xDD80] =	vst.msk vm2, v6  }
0x120: {  	v8 =	vld [tilespmem:s7+$0xFFFFFFD1];
	(v2sf) =	vpush v7, $0x0  }
0x121: {  	v7 =	vld [tilespmem:s7+$0xFFFFFFD0]  }
0x122: {  	v9 =	vld [tilespmem:s12+$0xFFFFFFD0];
	_ =	sdelay $0x3  }
0x123: {  	vm2 =	vne.s32 v7, v8  }
0x124: {  	vm3 =	vmor vm2, vm0;
	(xrf2) =	vadd.scan.msk.f32 $0xffff, v9  }
0x125: {  	v6 =	vld [tilespmem:s13+$0xFFFFFFD0];
	v10 =	vmpcnt.ones.xlane vm3;
	_ =	sdelay $0x1  }
0x126: {  	(v2sf) =	vpush v10, $0x0;
	_ =	sdelay $0x2  }
0x127: {  	v9 =	vmul.f32 v6, v9;
	_ =	sdelay $0x1  }
0x128: {  	s16 =	spop (v2sf);
	(xrf2) =	vadd.scan.msk.f32 $0xffff, v9  }
0x129: {  	s14 =	sadd.s32 s14, s16  }
0x12a: {  	[tilespmem:s14+$0x7A80] =	vst.msk vm3, v7;
	v7, _, _ =	vpop (xrf2)  }
0x12b: {  	[tilespmem:s14+$0xAC00] =	vst.msk vm3, v7;
	_ =	sdelay $0x6  }
0x12c: {  	v9, _, _ =	vpop (xrf2);
	s16 =	spop (v2sf)  }
0x12d: {  	vm2 =	vmand vm2, vm1;
	v7 =	vsub.f32 $0.0e+00, v7;
	[tilespmem:s14+$0xDD80] =	vst.msk vm3, v9;
	s14 =	sadd.s32 s14, s16  }
0x12e: {  	[tilespmem:s14+$0x7A80] =	vst.msk vm2, v8;
	v8 =	vsub.f32 $0.0e+00, v9  }
0x12f: {  	[tilespmem:s14+$0xAC00] =	vst.msk vm2, v7  }
0x130: {  	[tilespmem:s14+$0xDD80] =	vst.msk vm2, v8  }
0x131: {  	v7 =	vld [tilespmem:s13+$0xFFFFFFE0]  }
0x132: {  	v8 =	vld [tilespmem:s7+$0xFFFFFFE0]  }
0x133: {  	v9 =	vld [tilespmem:s7+$0xFFFFFFE1];
	_ =	sdelay $0x2  }
0x134: {  	v10 =	vmpcnt.ones.xlane vm2;
	_ =	sdelay $0x1  }
0x135: {  	vm2 =	vne.s32 v8, v9;
	(v2sf) =	vpush v10, $0x0  }
0x136: {  	vm3 =	vmor vm2, vm0  }
0x137: {  	v10 =	vld [tilespmem:s12+$0xFFFFFFE0];
	v11 =	vmpcnt.ones.xlane vm3;
	_ =	sdelay $0x1  }
0x138: {  	(v2sf) =	vpush v11, $0x0;
	_ =	sdelay $0x2  }
0x139: {  	v11 =	vmul.f32 v7, v10;
	(xrf2) =	vadd.scan.msk.f32 $0xffff, v10;
	_ =	sdelay $0x2  }
0x13a: {  	(xrf2) =	vadd.scan.msk.f32 $0xffff, v11;
	_ =	sdelay $0x4  }
0x13b: {  	s16 =	spop (v2sf)  }
0x13c: {  	s14 =	sadd.s32 s14, s16  }
0x13d: {  	[tilespmem:s14+$0x7A80] =	vst.msk vm3, v8;
	v8, _, _ =	vpop (xrf2)  }
0x13e: {  	[tilespmem:s14+$0xAC00] =	vst.msk vm3, v8  }
0x13f: {  	s16 =	spop (v2sf)  }
0x140: {  	s16 =	sadd.s32 s14, s16;
	v10, _, _ =	vpop (xrf2)  }
0x141: {  	vm2 =	vmand vm2, vm1;
	v8 =	vsub.f32 $0.0e+00, v8;
	[tilespmem:s14+$0xDD80] =	vst.msk vm3, v10  }
0x142: {  	[tilespmem:s16+$0x7A80] =	vst.msk vm2, v9;
	v9 =	vsub.f32 $0.0e+00, v10;
	v10 =	vmpcnt.ones.xlane vm2  }
0x143: {  	[tilespmem:s16+$0xAC00] =	vst.msk vm2, v8  }
0x144: {  	[tilespmem:s16+$0xDD80] =	vst.msk vm2, v9;
	(v2sf) =	vpush v10, $0x0  }
0x145: {  	v9 =	vld [tilespmem:s7+$0xFFFFFFF0]  }
0x146: {  	v10 =	vld [tilespmem:s7+$0xFFFFFFF1]  }
0x147: {  	v11 =	vld [tilespmem:s12+$0xFFFFFFF0]  }
0x148: {  	v8 =	vld [tilespmem:s13+$0xFFFFFFF0];
	_ =	sdelay $0x2  }
0x149: {  	vm2 =	vne.s32 v9, v10  }
0x14a: {  	vm3 =	vmor vm2, vm0;
	(xrf2) =	vadd.scan.msk.f32 $0xffff, v11  }
0x14b: {  	v11 =	vmul.f32 v8, v11;
	v12 =	vmpcnt.ones.xlane vm3;
	_ =	sdelay $0x1  }
0x14c: {  	(xrf2) =	vadd.scan.msk.f32 $0xffff, v11;
	(v2sf) =	vpush v12, $0x0;
	_ =	sdelay $0x3  }
0x14d: {  	s14 =	spop (v2sf);
	_ =	sdelay $0x1  }
0x14e: {  	s14 =	sadd.s32 s16, s14  }
0x14f: {  	[tilespmem:s14+$0x7A80] =	vst.msk vm3, v9;
	v9, _, _ =	vpop (xrf2)  }
0x150: {  	vm2 =	vmand vm2, vm1;
	[tilespmem:s14+$0xAC00] =	vst.msk vm3, v9  }
0x151: {  	v11 =	vmpcnt.ones.xlane vm2  }
0x152: {  	v12, _, _ =	vpop (xrf2)  }
0x153: {  	[tilespmem:s14+$0xDD80] =	vst.msk vm3, v12;
	(v2sf) =	vpush v11, $0x0;
	_ =	sdelay $0x3  }
0x154: {  	s16 =	spop (v2sf)  }
0x155: {  	v9 =	vsub.f32 $0.0e+00, v9;
	s14 =	sadd.s32 s14, s16  }
0x156: {  	[tilespmem:s14+$0x7A80] =	vst.msk vm2, v10;
	v10 =	vsub.f32 $0.0e+00, v12  }
0x157: {  	[tilespmem:s14+$0xAC00] =	vst.msk vm2, v9  }
0x158: {  	[tilespmem:s14+$0xDD80] =	vst.msk vm2, v10  }
0x159: {  	v10 =	vld [tilespmem:s7+$0x0]  }
0x15a: {  	v11 =	vld [tilespmem:s7+$0x1]  }
0x15b: {  	v12 =	vld [tilespmem:s12+$0x0];
	_ =	sdelay $0x3  }
0x15c: {  	v9 =	vld [tilespmem:s13+$0x0];
	vm2 =	vne.s32 v10, v11;
	s16 =	spop (v2sf)  }
0x15d: {  	s14 =	sadd.s32 s14, s16;
	vm3 =	vmor vm2, vm0;
	(xrf2) =	vadd.scan.msk.f32 $0xffff, v12  }
0x15e: {  	[tilespmem:s14+$0x7A80] =	vst.msk vm3, v10;
	v10 =	vmpcnt.ones.xlane vm3;
	_ =	sdelay $0x1  }
0x15f: {  	(v2sf) =	vpush v10, $0x0  }
0x160: {  	v10 =	vmul.f32 v9, v12;
	_ =	sdelay $0x1  }
0x161: {  	(xrf2) =	vadd.scan.msk.f32 $0xffff, v10;
	_ =	sdelay $0x3  }
0x162: {  	v10, _, _ =	vpop (xrf2)  }
0x163: {  	[tilespmem:s14+$0xAC00] =	vst.msk vm3, v10  }
0x164: {  	vm2 =	vmand vm2, vm1  }
0x165: {  	v13 =	vmpcnt.ones.xlane vm2;
	_ =	sdelay $0x1  }
0x166: {  	(v2sf) =	vpush v13, $0x0  }
0x167: {  	v12, _, _ =	vpop (xrf2)  }
0x168: {  	[tilespmem:s14+$0xDD80] =	vst.msk vm3, v12  }
0x169: {  	s16 =	spop (v2sf)  }
0x16a: {  	v10 =	vsub.f32 $0.0e+00, v10;
	s14 =	sadd.s32 s14, s16  }
0x16b: {  	[tilespmem:s14+$0x7A80] =	vst.msk vm2, v11;
	v11 =	vsub.f32 $0.0e+00, v12  }
0x16c: {  	[tilespmem:s14+$0xAC00] =	vst.msk vm2, v10  }
0x16d: {  	[tilespmem:s14+$0xDD80] =	vst.msk vm2, v11  }
0x16e: {  	v10 =	vld [tilespmem:s12+$0x10]  }
0x16f: {  	v12 =	vld [tilespmem:s7+$0x11]  }
0x170: {  	v13 =	vld [tilespmem:s7+$0x10]  }
0x171: {  	v11 =	vld [tilespmem:s13+$0x10];
	_ =	sdelay $0x1  }
0x172: {  	(xrf2) =	vadd.scan.msk.f32 $0xffff, v10;
	_ =	sdelay $0x1  }
0x173: {  	vm2 =	vne.s32 v13, v12;
	s16 =	spop (v2sf)  }
0x174: {  	s14 =	sadd.s32 s14, s16;
	v10 =	vmul.f32 v11, v10;
	vm3 =	vmor vm2, vm0  }
0x175: {  	[tilespmem:s14+$0x7A80] =	vst.msk vm3, v13;
	v13 =	vmpcnt.ones.xlane vm3  }
0x176: {  	(xrf2) =	vadd.scan.msk.f32 $0xffff, v10  }
0x177: {  	(v2sf) =	vpush v13, $0x0;
	_ =	sdelay $0x3  }
0x178: {  	v10, _, _ =	vpop (xrf2)  }
0x179: {  	[tilespmem:s14+$0xAC00] =	vst.msk vm3, v10;
	_ =	sdelay $0x3  }
0x17a: {  	vm2 =	vmand vm2, vm1;
	v13, _, _ =	vpop (xrf2)  }
0x17b: {  	v14 =	vmpcnt.ones.xlane vm2;
	[tilespmem:s14+$0xDD80] =	vst.msk vm3, v13;
	_ =	sdelay $0x1  }
0x17c: {  	(v2sf) =	vpush v14, $0x0;
	_ =	sdelay $0x2  }
0x17d: {  	s16 =	spop (v2sf)  }
0x17e: {  	v10 =	vsub.f32 $0.0e+00, v10;
	s14 =	sadd.s32 s14, s16  }
0x17f: {  	[tilespmem:s14+$0x7A80] =	vst.msk vm2, v12;
	v12 =	vsub.f32 $0.0e+00, v13  }
0x180: {  	[tilespmem:s14+$0xAC00] =	vst.msk vm2, v10  }
0x181: {  	[tilespmem:s14+$0xDD80] =	vst.msk vm2, v12  }
0x182: {  	v12 =	vld [tilespmem:s12+$0x20]  }
0x183: {  	v13 =	vld [tilespmem:s7+$0x21]  }
0x184: {  	v14 =	vld [tilespmem:s7+$0x20]  }
0x185: {  	v10 =	vld [tilespmem:s13+$0x20];
	_ =	sdelay $0x1  }
0x186: {  	(xrf2) =	vadd.scan.msk.f32 $0xffff, v12;
	_ =	sdelay $0x1  }
0x187: {  	vm2 =	vne.s32 v14, v13;
	s16 =	spop (v2sf)  }
0x188: {  	s14 =	sadd.s32 s14, s16;
	v12 =	vmul.f32 v10, v12;
	vm3 =	vmor vm2, vm0  }
0x189: {  	[tilespmem:s14+$0x7A80] =	vst.msk vm3, v14;
	v14 =	vmpcnt.ones.xlane vm3  }
0x18a: {  	(xrf2) =	vadd.scan.msk.f32 $0xffff, v12  }
0x18b: {  	(v2sf) =	vpush v14, $0x0;
	_ =	sdelay $0x3  }
0x18c: {  	v12, _, _ =	vpop (xrf2)  }
0x18d: {  	[tilespmem:s14+$0xAC00] =	vst.msk vm3, v12;
	_ =	sdelay $0x2  }
0x18e: {  	vm2 =	vmand vm2, vm1  }
0x18f: {  	v14 =	vmpcnt.ones.xlane vm2;
	v15, _, _ =	vpop (xrf2)  }
0x190: {  	[tilespmem:s14+$0xDD80] =	vst.msk vm3, v15  }
0x191: {  	(v2sf) =	vpush v14, $0x0;
	_ =	sdelay $0x3  }
0x192: {  	s16 =	spop (v2sf)  }
0x193: {  	v12 =	vsub.f32 $0.0e+00, v12;
	s14 =	sadd.s32 s14, s16  }
0x194: {  	[tilespmem:s14+$0x7A80] =	vst.msk vm2, v13;
	v13 =	vsub.f32 $0.0e+00, v15  }
0x195: {  	[tilespmem:s14+$0xAC00] =	vst.msk vm2, v12  }
0x196: {  	[tilespmem:s14+$0xDD80] =	vst.msk vm2, v13  }
0x197: {  	v4 =	vmax.f32 v4, v5;
	v12 =	vld [tilespmem:s7+$0x30]  }
0x198: {  	v3 =	vmin.f32 v3, v5;
	v4 =	vmax.f32 v4, v6;
	v5 =	vld [tilespmem:s7+$0x31]  }
.Ltmp9:
0x199: {  	v6 =	vmin.f32 v3, v6;
	v4 =	vmax.f32 v4, v7;
	v3 =	vld [tilespmem:s12+$0x30];
	(pc) =	sbr.rel @p2 .LBB2_10-.Ltmp9, $4  }
0x19a: {  	v6 =	vmin.f32 v6, v7;
	v7 =	vmax.f32 v4, v8;
	v4 =	vld [tilespmem:s13+$0x30]  }
0x19b: {  	v6 =	vmin.f32 v6, v8;
	v7 =	vmax.f32 v7, v9  }
0x19c: {  	v6 =	vmin.f32 v6, v9;
	v8 =	vmax.f32 v7, v11  }
0x19d: {  	v7 =	vmin.f32 v6, v11;
	v6 =	vmax.f32 v8, v10;
	s12 =	sadd.s32 $0x80, s12;
	s13 =	sadd.s32 $0x80, s13;
	vm2 =	vne.s32 v12, v5;
	s16 =	spop (v2sf)  }
0x19e: {  	vm3 =	vmor vm2, vm0  }
0x19f: {  	vm2 =	vmand vm2, vm1;
	v8 =	vmpcnt.ones.xlane vm3  }
0x1a0: {  	v9 =	vmpcnt.ones.xlane vm2  }
0x1a1: {  	(v2sf) =	vpush v8, $0x0  }
0x1a2: {  	(v2sf) =	vpush v9, $0x0;
	_ =	sdelay $0x2  }
0x1a3: {  	v61 =	vmul.f32 v4, v3  }
0x1a4: {  	(xrf2) =	vadd.scan.msk.f32 $0xffff, v3  }
0x1a5: {  	(xrf2) =	vadd.scan.msk.f32 $0xffff, v61;
	_ =	sdelay $0x7  }
0x1a6: {  	s7 =	sadd.s32 s14, s16  }
0x1a7: {  	[tilespmem:s7+$0x7A80] =	vst.msk vm3, v12;
	v3, _, _ =	vpop (xrf2);
	s12 =	spop (v2sf)  }
0x1a8: {  	[tilespmem:s7+$0xAC00] =	vst.msk vm3, v3;
	v8, _, _ =	vpop (xrf2);
	s13 =	sadd.s32 s7, s12;
	s16 =	spop (v2sf)  }
0x1a9: {  	v3 =	vsub.f32 $0.0e+00, v3;
	[tilespmem:s7+$0xDD80] =	vst.msk vm3, v8;
	s12 =	sadd.s32 s13, s16  }
0x1aa: {  	v62 =	vsub.f32 $0.0e+00, v8;
	[tilespmem:s13+$0x7A80] =	vst.msk vm2, v5;
	s7 =	sadd.s32 $0x7F, s12  }
0x1ab: {  	v7 =	vmin.f32 v7, v10;
	[tilespmem:s13+$0xAC00] =	vst.msk vm2, v3;
	s25 =	sand.u32 $0xFFFFFF80, s7  }
0x1ac: {  	v3 =	vmin.f32 v7, v4;
	[tilespmem:s13+$0xDD80] =	vst.msk vm2, v62;
	p2 =	sge.s32 s12, s25  }
0x1ad: {  	v63 =	vmax.f32 v6, v4;
	[tilespmem:$0x12780] =	vst v3;
	v3 =	vlaneseq.u32 @!p2  }
0x1ae: {  	s13 =	sadd.s32 $0x10, s12;
	[tilespmem:$0x12800] =	vst v63;
	v3 =	vor.u32 @!p2 $0x186A0, v3  }
0x1af: {  	p3 =	sge.s32 s13, s25;
	[tilespmem:s12+$0x7A80] =	vst @!p2 v3;
	v3 =	vimm.f32 @!p2 $0.0e+00  }
0x1b0: {  	v4 =	vlaneseq.u32 @!p3;
	[tilespmem:s12+$0xAC00] =	vst @!p2 v3  }
0x1b1: {  	s16 =	sadd.s32 $0x20, s12;
	[tilespmem:s12+$0xDD80] =	vst @!p2 v3;
	v3 =	vor.u32 @!p3 $0x186B0, v4  }
0x1b2: {  	p2 =	sge.s32 s16, s25;
	[tilespmem:s13+$0x7A80] =	vst @!p3 v3;
	v3 =	vimm.f32 @!p3 $0.0e+00  }
0x1b3: {  	v4 =	vlaneseq.u32 @!p2;
	[tilespmem:s13+$0xAC00] =	vst @!p3 v3  }
0x1b4: {  	[tilespmem:s13+$0xDD80] =	vst @!p3 v3;
	v3 =	vor.u32 @!p2 $0x186C0, v4;
	s13 =	sadd.s32 $0x30, s12  }
0x1b5: {  	[tilespmem:s16+$0x7A80] =	vst @!p2 v3;
	v3 =	vimm.f32 @!p2 $0.0e+00;
	p3 =	sge.s32 s13, s25  }
0x1b6: {  	[tilespmem:s16+$0xAC00] =	vst @!p2 v3;
	v4 =	vlaneseq.u32 @!p3  }
0x1b7: {  	[tilespmem:s16+$0xDD80] =	vst @!p2 v3;
	s16 =	sadd.s32 $0x40, s12;
	v3 =	vor.u32 @!p3 $0x186D0, v4  }
0x1b8: {  	p2 =	sge.s32 s16, s25;
	[tilespmem:s13+$0x7A80] =	vst @!p3 v3;
	v3 =	vimm.f32 @!p3 $0.0e+00  }
0x1b9: {  	v4 =	vlaneseq.u32 @!p2;
	[tilespmem:s13+$0xAC00] =	vst @!p3 v3  }
0x1ba: {  	[tilespmem:s13+$0xDD80] =	vst @!p3 v3;
	v3 =	vor.u32 @!p2 $0x186E0, v4;
	s13 =	sadd.s32 $0x50, s12  }
0x1bb: {  	[tilespmem:s16+$0x7A80] =	vst @!p2 v3;
	v3 =	vimm.f32 @!p2 $0.0e+00;
	p3 =	sge.s32 s13, s25  }
0x1bc: {  	[tilespmem:s16+$0xAC00] =	vst @!p2 v3;
	v4 =	vlaneseq.u32 @!p3  }
0x1bd: {  	[tilespmem:s16+$0xDD80] =	vst @!p2 v3;
	s16 =	sadd.s32 $0x60, s12;
	v3 =	vor.u32 @!p3 $0x186F0, v4  }
0x1be: {  	p2 =	sge.s32 s16, s25;
	[tilespmem:s13+$0x7A80] =	vst @!p3 v3;
	v3 =	vimm.f32 @!p3 $0.0e+00  }
0x1bf: {  	v4 =	vlaneseq.u32 @!p2;
	[tilespmem:s13+$0xAC00] =	vst @!p3 v3  }
0x1c0: {  	[tilespmem:s13+$0xDD80] =	vst @!p3 v3;
	v3 =	vor.u32 @!p2 $0x18700, v4  }
0x1c1: {  	[tilespmem:s16+$0x7A80] =	vst @!p2 v3;
	v3 =	vimm.f32 @!p2 $0.0e+00  }
0x1c2: {  	s7 =	sshrl.u32 s7, $0x7;
	s12 =	sadd.s32 $0x70, s12;
	[tilespmem:s16+$0xAC00] =	vst @!p2 v3  }
0x1c3: {  	p3 =	sge.s32 s12, s25;
	[tilespmem:s16+$0xDD80] =	vst @!p2 v3;
	p2 =	seq.s32 s7, $0x0  }
.Ltmp10:
0x1c4: {  	v4 =	vlaneseq.u32 @!p3;
	(pc) =	sbr.rel @p2 .LBB2_14-.Ltmp10, $4  }
0x1c5: {  	v3 =	vor.u32 @!p3 $0x18710, v4  }
0x1c6: {  	[tilespmem:s12+$0x7A80] =	vst @!p3 v3;
	v3 =	vimm.f32 @!p3 $0.0e+00  }
0x1c7: {  	[tilespmem:s12+$0xAC00] =	vst @!p3 v3  }
0x1c8: {  	[tilespmem:s12+$0xDD80] =	vst @!p3 v3  }
0x1c9: {  	p2 =	sne.s32 s7, $0x1  }
.Ltmp11:
0x1ca: {  	s12 =	simm.s32 $0xDD80;
	s13 =	simm.s32 $0x7A80;
	(pc) =	sbr.rel @!p2 .LBB2_14-.Ltmp11, $4  }
0x1cb: {  	[spmem:s5] =	stream.indirect.scatter.add.f32 [tilespmem:s12], [sflag:$0x4], $0x1, s13, s29, $0xb8;
	[tilespmem:$0x12880] =	vst v63  }
0x1cc: {  	s12 =	simm.s32 $0xAC00  }
0x1cd: {  	[spmem:s6] =	stream.indirect.scatter.add.f32 [tilespmem:s12], [sflag:$0x4], $0x1, s13, s29, $0xb8;
	[tilespmem:$0x12880] =	vst v63  }
0x1ce: {  	s14 =	simm.s32 $0xDE00;
	s25 =	simm.s32 $0x7B00;
	s13 =	sadd.s32 $0xFFFFFFFF, s7  }
.LBB2_13:
0x1cf: {  	[spmem:s5] =	stream.indirect.scatter.add.f32 [tilespmem:s14], [sflag:$0x4], $0x1, s25, s29, $0xb8;
	[tilespmem:$0x12880] =	vst v63  }
0x1d0: {  	p2 =	sne.s32 s13, $0x1  }
.Ltmp12:
0x1d1: {  	s13 =	sadd.s32 $0xFFFFFFFF, s13;
	(pc) =	sbr.rel @p2 .LBB2_13-.Ltmp12, $4  }
0x1d2: {  	s12 =	sadd.s32 $0x80, s12  }
0x1d3: {  	[spmem:s6] =	stream.indirect.scatter.add.f32 [tilespmem:s12], [sflag:$0x4], $0x1, s25, s29, $0xb8;
	[tilespmem:$0x12880] =	vst v63  }
0x1d4: {  	_ = 	snop  }
0x1d5: {  	s14 =	sadd.s32 $0x80, s14;
	s25 =	sadd.s32 $0x80, s25  }
.LBB2_14:
0x1d6: {  	[smem:$0x0] =	sst s7  }
.LBB2_15:
0x1d7: {  	p2 =	sgt.u32 @!p1 s24, s15  }
0x1d8: {  	p1 =	por p1, p2  }
0x1d9: {  	s7 =	sld @!p1 [smem:$0x2];
	_ =	sdelay $0x2  }
0x1da: {  	p2 =	slt.s32 @!p1 s7, $0x1  }
0x1db: {  	p1 =	por p1, p2  }
.Ltmp13:
0x1dc: {  	_ = 	snop;
	(pc) =	sbr.rel @p1 .LBB2_19-.Ltmp13, $1  }
0x1dd: {  	_ =	sdelay $0x3  }
0x1de: {  	p1 =	sne.s32 s7, $0x1  }
.Ltmp14:
0x1df: {  	_ = 	snop;
	(pc) =	sbr.rel @!p1 .LBB2_18-.Ltmp14, $3  }
0x1e0: {  	_ =	sdelay $0x1  }
0x1e1: {  	_ =	swait.ge [sflag:s30], $0x100  }
0x1e2: {  	s7 =	sadd.s32 $0xFFFFFFFF, s7;
	[sflag:s30] =	ssyncset.done $0x0  }
.LBB2_17:
0x1e3: {  	p1 =	sne.s32 s7, $0x1;
	s7 =	sadd.s32 $0xFFFFFFFF, s7;
	[sflag:s30] =	ssyncadd.s32 $0xFFFFFF00  }
.Ltmp15:
0x1e4: {  	(pc) =	sbr.rel @p1 .LBB2_17-.Ltmp15, $3  }
0x1e5: {  	_ =	sdelay $0x1  }
0x1e6: {  	_ =	swait.ge [sflag:s30], $0x100  }
0x1e7: {  	[sflag:s30] =	ssyncset.done $0x0  }
.LBB2_18:
0x1e8: {  	[sflag:s30] =	ssyncadd.s32 $0xFFFFFF00  }
.LBB2_19:
0x1e9: {  	s7 =	sadd.s32 $0x2, s24  }
0x1ea: {  	p1 =	sge.u32 s7, s10  }
0x1eb: {  	s7 =	sshll.u32 @!p1 s7, $0xD  }
0x1ec: {  	s7 =	sor.u32 @!p1 s11, s7  }
0x1ed: {  	s13 =	simm.s32 @!p1 $0x0;
	s14 =	simm.s32 @!p1 $0x4200;
	s12 =	sadd.s32 @!p1 s3, s7  }
0x1ee: {  	[tilespmem:s14], [sflag:$0x3] =	stream.linear.gather @!p1 [hbm4b:s12+s13], $0x800, $0x38;
	[tilespmem:$0x12880] =	vst v63  }
.Ltmp16:
0x1ef: {  	_ = 	snop;
	(pc) =	sbr.rel @p0 .LBB2_26-.Ltmp16, $4  }
0x1f0: {  	s12 =	sadd.s32 @!p1 s0, s7;
	s14 =	simm.s32 @!p1 $0x5A80  }
0x1f1: {  	[tilespmem:s14], [sflag:$0x3] =	stream.linear.gather @!p1 [hbm4b:s12+s13], $0x800, $0x38;
	[tilespmem:$0x12880] =	vst v63  }
0x1f2: {  	s7 =	sadd.s32 @!p1 s1, s7;
	s12 =	simm.s32 @!p1 $0x7280  }
0x1f3: {  	[tilespmem:s12], [sflag:$0x3] =	stream.linear.gather @!p1 [hbm4b:s7+s13], $0x800, $0x38;
	[tilespmem:$0x12880] =	vst v63  }
0x1f4: {  	_ =	swait.ge [sflag:s31], $0x800  }
0x1f5: {  	[sflag:s31] =	ssyncset.done $0x0  }
0x1f6: {  	[sflag:s31] =	ssyncadd.s32 $0xFFFFF800  }
0x1f7: {  	_ =	swait.ge [sflag:s31], $0x800  }
0x1f8: {  	[sflag:s31] =	ssyncset.done $0x0  }
0x1f9: {  	[sflag:s31] =	ssyncadd.s32 $0xFFFFF800  }
0x1fa: {  	_ =	swait.ge [sflag:s31], $0x800  }
0x1fb: {  	[sflag:s31] =	ssyncset.done $0x0  }
0x1fc: {  	s7 =	simm.s32 $0x39C0;
	[sflag:s31] =	ssyncadd.s32 $0xFFFFF800  }
0x1fd: {  	v6 =	vld [tilespmem:s7+$0xFFFFFFC0]  }
0x1fe: {  	v7 =	vld [tilespmem:s7+$0xFFFFFFC1];
	_ =	sdelay $0x4  }
0x1ff: {  	s13 =	simm.s32 $0x52C0;
	vm2 =	vne.s32 v6, v7  }
0x200: {  	s12 =	simm.s32 $0x6AC0;
	v4 =	vld [tilespmem:s13+$0xFFFFFFC0];
	vm3 =	vmor vm2, vm0  }
0x201: {  	v3 =	vld [tilespmem:s12+$0xFFFFFFC0];
	v5 =	vmpcnt.ones.xlane vm3;
	_ =	sdelay $0x1  }
0x202: {  	(v2sf) =	vpush v5, $0x0;
	_ =	sdelay $0x2  }
0x203: {  	v5 =	vmul.f32 v3, v4  }
0x204: {  	(xrf2) =	vadd.scan.msk.f32 $0xffff, v4  }
0x205: {  	(xrf2) =	vadd.scan.msk.f32 $0xffff, v5;
	_ =	sdelay $0x7  }
0x206: {  	s14 =	simm.s32 $0x0;
	v4 =	vld [tilespmem:$0x12780]  }
0x207: {  	v5 =	vld [tilespmem:$0x12800];
	[tilespmem:s14+$0x8B00] =	vst.msk vm3, v6;
	v8, _, _ =	vpop (xrf2)  }
0x208: {  	[tilespmem:s14+$0xBC80] =	vst.msk vm3, v8;
	v6, _, _ =	vpop (xrf2);
	s16 =	spop (v2sf)  }
0x209: {  	vm2 =	vmand vm2, vm1;
	v8 =	vsub.f32 $0.0e+00, v8;
	[tilespmem:s14+$0xEE00] =	vst.msk vm3, v6;
	s16 =	sadd.s32 $0x0, s16  }
0x20a: {  	v6 =	vsub.f32 $0.0e+00, v6;
	[tilespmem:s16+$0x8B00] =	vst.msk vm2, v7  }
0x20b: {  	[tilespmem:s16+$0xBC80] =	vst.msk vm2, v8  }
0x20c: {  	[tilespmem:s16+$0xEE00] =	vst.msk vm2, v6  }
0x20d: {  	v7 =	vld [tilespmem:s7+$0xFFFFFFD1]  }
0x20e: {  	v8 =	vld [tilespmem:s7+$0xFFFFFFD0];
	_ =	sdelay $0x3  }
0x20f: {  	v6 =	vmpcnt.ones.xlane vm2  }
0x210: {  	vm2 =	vne.s32 v8, v7  }
0x211: {  	v9 =	vld [tilespmem:s13+$0xFFFFFFD0];
	(v2sf) =	vpush v6, $0x0;
	vm3 =	vmor vm2, vm0  }
0x212: {  	v6 =	vld [tilespmem:s12+$0xFFFFFFD0];
	v10 =	vmpcnt.ones.xlane vm3;
	_ =	sdelay $0x1  }
0x213: {  	(v2sf) =	vpush v10, $0x0;
	_ =	sdelay $0x2  }
0x214: {  	v10 =	vmul.f32 v6, v9  }
0x215: {  	(xrf2) =	vadd.scan.msk.f32 $0xffff, v9  }
0x216: {  	(xrf2) =	vadd.scan.msk.f32 $0xffff, v10;
	_ =	sdelay $0x6  }
0x217: {  	s25 =	spop (v2sf)  }
0x218: {  	s14 =	sadd.s32 s16, s25  }
0x219: {  	[tilespmem:s14+$0x8B00] =	vst.msk vm3, v8;
	v8, _, _ =	vpop (xrf2)  }
0x21a: {  	[tilespmem:s14+$0xBC80] =	vst.msk vm3, v8;
	v9, _, _ =	vpop (xrf2);
	s25 =	spop (v2sf)  }
0x21b: {  	vm2 =	vmand vm2, vm1;
	v8 =	vsub.f32 $0.0e+00, v8;
	[tilespmem:s14+$0xEE00] =	vst.msk vm3, v9;
	s14 =	sadd.s32 s14, s25  }
0x21c: {  	[tilespmem:s14+$0x8B00] =	vst.msk vm2, v7;
	v7 =	vsub.f32 $0.0e+00, v9  }
0x21d: {  	[tilespmem:s14+$0xBC80] =	vst.msk vm2, v8  }
0x21e: {  	[tilespmem:s14+$0xEE00] =	vst.msk vm2, v7  }
0x21f: {  	v8 =	vld [tilespmem:s7+$0xFFFFFFE0]  }
0x220: {  	v9 =	vld [tilespmem:s7+$0xFFFFFFE1];
	_ =	sdelay $0x3  }
0x221: {  	v10 =	vmpcnt.ones.xlane vm2  }
0x222: {  	vm2 =	vne.s32 v8, v9  }
0x223: {  	(v2sf) =	vpush v10, $0x0;
	v7 =	vld [tilespmem:s12+$0xFFFFFFE0];
	vm3 =	vmor vm2, vm0  }
0x224: {  	v10 =	vld [tilespmem:s13+$0xFFFFFFE0];
	v11 =	vmpcnt.ones.xlane vm3;
	_ =	sdelay $0x1  }
0x225: {  	(v2sf) =	vpush v11, $0x0;
	_ =	sdelay $0x2  }
0x226: {  	v11 =	vmul.f32 v7, v10  }
0x227: {  	(xrf2) =	vadd.scan.msk.f32 $0xffff, v10  }
0x228: {  	(xrf2) =	vadd.scan.msk.f32 $0xffff, v11;
	_ =	sdelay $0x6  }
0x229: {  	s25 =	spop (v2sf)  }
0x22a: {  	s14 =	sadd.s32 s14, s25  }
0x22b: {  	[tilespmem:s14+$0x8B00] =	vst.msk vm3, v8;
	v8, _, _ =	vpop (xrf2)  }
0x22c: {  	[tilespmem:s14+$0xBC80] =	vst.msk vm3, v8;
	v10, _, _ =	vpop (xrf2);
	s25 =	spop (v2sf)  }
0x22d: {  	vm2 =	vmand vm2, vm1;
	v8 =	vsub.f32 $0.0e+00, v8;
	[tilespmem:s14+$0xEE00] =	vst.msk vm3, v10;
	s16 =	sadd.s32 s14, s25  }
0x22e: {  	[tilespmem:s16+$0x8B00] =	vst.msk vm2, v9;
	v9 =	vsub.f32 $0.0e+00, v10  }
0x22f: {  	[tilespmem:s16+$0xBC80] =	vst.msk vm2, v8  }
0x230: {  	[tilespmem:s16+$0xEE00] =	vst.msk vm2, v9  }
0x231: {  	v8 =	vld [tilespmem:s7+$0xFFFFFFF0]  }
0x232: {  	v9 =	vld [tilespmem:s7+$0xFFFFFFF1];
	_ =	sdelay $0x3  }
0x233: {  	v10 =	vmpcnt.ones.xlane vm2  }
0x234: {  	vm2 =	vne.s32 v8, v9  }
0x235: {  	(v2sf) =	vpush v10, $0x0;
	v10 =	vld [tilespmem:s13+$0xFFFFFFF0];
	vm3 =	vmor vm2, vm0  }
0x236: {  	v11 =	vld [tilespmem:s12+$0xFFFFFFF0];
	v12 =	vmpcnt.ones.xlane vm3;
	_ =	sdelay $0x1  }
0x237: {  	(v2sf) =	vpush v12, $0x0;
	_ =	sdelay $0x2  }
0x238: {  	v12 =	vmul.f32 v11, v10  }
0x239: {  	(xrf2) =	vadd.scan.msk.f32 $0xffff, v10  }
0x23a: {  	(xrf2) =	vadd.scan.msk.f32 $0xffff, v12;
	_ =	sdelay $0x6  }
0x23b: {  	s25 =	spop (v2sf)  }
0x23c: {  	s14 =	sadd.s32 s16, s25  }
0x23d: {  	[tilespmem:s14+$0x8B00] =	vst.msk vm3, v8;
	v8, _, _ =	vpop (xrf2)  }
0x23e: {  	[tilespmem:s14+$0xBC80] =	vst.msk vm3, v8;
	v10, _, _ =	vpop (xrf2);
	s25 =	spop (v2sf)  }
0x23f: {  	vm2 =	vmand vm2, vm1;
	v8 =	vsub.f32 $0.0e+00, v8;
	[tilespmem:s14+$0xEE00] =	vst.msk vm3, v10;
	s14 =	sadd.s32 s14, s25  }
0x240: {  	[tilespmem:s14+$0x8B00] =	vst.msk vm2, v9;
	v9 =	vsub.f32 $0.0e+00, v10  }
0x241: {  	[tilespmem:s14+$0xBC80] =	vst.msk vm2, v8  }
0x242: {  	[tilespmem:s14+$0xEE00] =	vst.msk vm2, v9  }
0x243: {  	v8 =	vld [tilespmem:s7+$0x0]  }
0x244: {  	v9 =	vld [tilespmem:s7+$0x1];
	_ =	sdelay $0x3  }
0x245: {  	v10 =	vmpcnt.ones.xlane vm2  }
0x246: {  	vm2 =	vne.s32 v8, v9  }
0x247: {  	(v2sf) =	vpush v10, $0x0;
	v10 =	vld [tilespmem:s13+$0x0];
	vm3 =	vmor vm2, vm0  }
0x248: {  	v13 =	vld [tilespmem:s12+$0x0];
	v12 =	vmpcnt.ones.xlane vm3;
	_ =	sdelay $0x1  }
0x249: {  	(v2sf) =	vpush v12, $0x0;
	_ =	sdelay $0x2  }
0x24a: {  	v12 =	vmul.f32 v13, v10  }
0x24b: {  	(xrf2) =	vadd.scan.msk.f32 $0xffff, v10  }
0x24c: {  	(xrf2) =	vadd.scan.msk.f32 $0xffff, v12;
	_ =	sdelay $0x6  }
0x24d: {  	s25 =	spop (v2sf)  }
0x24e: {  	s14 =	sadd.s32 s14, s25  }
0x24f: {  	[tilespmem:s14+$0x8B00] =	vst.msk vm3, v8;
	v8, _, _ =	vpop (xrf2)  }
0x250: {  	[tilespmem:s14+$0xBC80] =	vst.msk vm3, v8;
	v10, _, _ =	vpop (xrf2);
	s25 =	spop (v2sf)  }
0x251: {  	vm2 =	vmand vm2, vm1;
	v8 =	vsub.f32 $0.0e+00, v8;
	[tilespmem:s14+$0xEE00] =	vst.msk vm3, v10;
	s14 =	sadd.s32 s14, s25  }
0x252: {  	[tilespmem:s14+$0x8B00] =	vst.msk vm2, v9;
	v9 =	vsub.f32 $0.0e+00, v10  }
0x253: {  	[tilespmem:s14+$0xBC80] =	vst.msk vm2, v8  }
0x254: {  	[tilespmem:s14+$0xEE00] =	vst.msk vm2, v9  }
0x255: {  	v8 =	vld [tilespmem:s7+$0x11]  }
0x256: {  	v9 =	vld [tilespmem:s7+$0x10];
	_ =	sdelay $0x3  }
0x257: {  	v10 =	vmpcnt.ones.xlane vm2  }
0x258: {  	vm2 =	vne.s32 v9, v8  }
0x259: {  	(v2sf) =	vpush v10, $0x0;
	v10 =	vld [tilespmem:s13+$0x10];
	vm3 =	vmor vm2, vm0  }
0x25a: {  	v14 =	vld [tilespmem:s12+$0x10];
	v12 =	vmpcnt.ones.xlane vm3;
	_ =	sdelay $0x1  }
0x25b: {  	(v2sf) =	vpush v12, $0x0;
	_ =	sdelay $0x2  }
0x25c: {  	v12 =	vmul.f32 v14, v10  }
0x25d: {  	(xrf2) =	vadd.scan.msk.f32 $0xffff, v10  }
0x25e: {  	(xrf2) =	vadd.scan.msk.f32 $0xffff, v12;
	_ =	sdelay $0x6  }
0x25f: {  	s25 =	spop (v2sf)  }
0x260: {  	s14 =	sadd.s32 s14, s25  }
0x261: {  	[tilespmem:s14+$0x8B00] =	vst.msk vm3, v9;
	v9, _, _ =	vpop (xrf2)  }
0x262: {  	[tilespmem:s14+$0xBC80] =	vst.msk vm3, v9;
	v10, _, _ =	vpop (xrf2);
	s25 =	spop (v2sf)  }
0x263: {  	vm2 =	vmand vm2, vm1;
	v9 =	vsub.f32 $0.0e+00, v9;
	[tilespmem:s14+$0xEE00] =	vst.msk vm3, v10;
	s14 =	sadd.s32 s14, s25  }
0x264: {  	[tilespmem:s14+$0x8B00] =	vst.msk vm2, v8;
	v8 =	vsub.f32 $0.0e+00, v10  }
0x265: {  	[tilespmem:s14+$0xBC80] =	vst.msk vm2, v9  }
0x266: {  	[tilespmem:s14+$0xEE00] =	vst.msk vm2, v8  }
0x267: {  	v8 =	vld [tilespmem:s7+$0x21]  }
0x268: {  	v9 =	vld [tilespmem:s7+$0x20];
	_ =	sdelay $0x3  }
0x269: {  	v10 =	vmpcnt.ones.xlane vm2  }
0x26a: {  	vm2 =	vne.s32 v9, v8  }
0x26b: {  	(v2sf) =	vpush v10, $0x0;
	v12 =	vld [tilespmem:s13+$0x20];
	vm3 =	vmor vm2, vm0  }
0x26c: {  	v10 =	vld [tilespmem:s12+$0x20];
	v15 =	vmpcnt.ones.xlane vm3;
	_ =	sdelay $0x1  }
0x26d: {  	(v2sf) =	vpush v15, $0x0;
	_ =	sdelay $0x2  }
0x26e: {  	v15 =	vmul.f32 v10, v12  }
0x26f: {  	(xrf2) =	vadd.scan.msk.f32 $0xffff, v12  }
0x270: {  	(xrf2) =	vadd.scan.msk.f32 $0xffff, v15;
	_ =	sdelay $0x2  }
0x271: {  	vm2 =	vmand vm2, vm1  }
0x272: {  	v12 =	vmpcnt.ones.xlane vm2;
	_ =	sdelay $0x1  }
0x273: {  	(v2sf) =	vpush v12, $0x0  }
0x274: {  	s25 =	spop (v2sf)  }
0x275: {  	s14 =	sadd.s32 s14, s25  }
0x276: {  	[tilespmem:s14+$0x8B00] =	vst.msk vm3, v9;
	v9, _, _ =	vpop (xrf2)  }
0x277: {  	[tilespmem:s14+$0xBC80] =	vst.msk vm3, v9;
	v12, _, _ =	vpop (xrf2);
	s25 =	spop (v2sf)  }
0x278: {  	v9 =	vsub.f32 $0.0e+00, v9;
	[tilespmem:s14+$0xEE00] =	vst.msk vm3, v12;
	s14 =	sadd.s32 s14, s25  }
0x279: {  	[tilespmem:s14+$0x8B00] =	vst.msk vm2, v8;
	v8 =	vsub.f32 $0.0e+00, v12  }
0x27a: {  	[tilespmem:s14+$0xBC80] =	vst.msk vm2, v9  }
0x27b: {  	v5 =	vmax.f32 v5, v3;
	[tilespmem:s14+$0xEE00] =	vst.msk vm2, v8  }
0x27c: {  	v3 =	vmin.f32 v4, v3;
	v4 =	vmax.f32 v5, v6;
	v12 =	vld [tilespmem:s7+$0x30]  }
0x27d: {  	v3 =	vmin.f32 v3, v6;
	v4 =	vmax.f32 v4, v7;
	v5 =	vld [tilespmem:s7+$0x31]  }
0x27e: {  	v3 =	vmin.f32 v3, v7;
	v4 =	vmax.f32 v4, v11  }
0x27f: {  	v6 =	vmin.f32 v3, v11;
	v4 =	vmax.f32 v4, v13;
	v3 =	vld [tilespmem:s13+$0x30]  }
0x280: {  	v8 =	vmax.f32 v4, v14;
	v4 =	vld [tilespmem:s12+$0x30]  }
0x281: {  	v6 =	vmin.f32 v6, v13;
	s25 =	simm.s32 $0x0  }
0x282: {  	v7 =	vmin.f32 v6, v14;
	s16 =	spop (v2sf);
	v6 =	vmax.f32 v8, v10;
	s12 =	simm.s32 $0x5340;
	s13 =	simm.s32 $0x6B40;
	vm2 =	vne.s32 v12, v5  }
.LBB2_21:
0x283: {  	s25 =	sadd.s32 $0x8, s25;
	v7 =	vmin.f32 v7, v10;
	s14 =	sadd.s32 s14, s16;
	vm3 =	vmor vm2, vm0;
	vm2 =	vmand vm2, vm1;
	s7 =	sadd.s32 $0x80, s7  }
0x284: {  	p0 =	slt.u32 s25, $0x78;
	[tilespmem:s14+$0x8B00] =	vst.msk vm3, v12;
	v8 =	vmpcnt.ones.xlane vm3;
	v9 =	vmpcnt.ones.xlane vm2;
	(xrf2) =	vadd.scan.msk.f32 $0xffff, v3  }
0x285: {  	v10 =	vmul.f32 v4, v3;
	v3 =	vmin.f32 v7, v4;
	v4 =	vmax.f32 v6, v4  }
0x286: {  	(v2sf) =	vpush v8, $0x0  }
0x287: {  	(xrf2) =	vadd.scan.msk.f32 $0xffff, v10;
	(v2sf) =	vpush v9, $0x0;
	_ =	sdelay $0x6  }
0x288: {  	v6, _, _ =	vpop (xrf2)  }
0x289: {  	[tilespmem:s14+$0xBC80] =	vst.msk vm3, v6;
	_ =	sdelay $0x1  }
0x28a: {  	v7, _, _ =	vpop (xrf2)  }
0x28b: {  	[tilespmem:s14+$0xEE00] =	vst.msk vm3, v7;
	_ =	sdelay $0x2  }
0x28c: {  	s16 =	spop (v2sf)  }
0x28d: {  	v6 =	vsub.f32 $0.0e+00, v6;
	s14 =	sadd.s32 s14, s16;
	s16 =	spop (v2sf)  }
0x28e: {  	[tilespmem:s14+$0x8B00] =	vst.msk vm2, v5;
	v5 =	vsub.f32 $0.0e+00, v7;
	s16 =	sadd.s32 s14, s16  }
0x28f: {  	[tilespmem:s14+$0xBC80] =	vst.msk vm2, v6  }
0x290: {  	[tilespmem:s14+$0xEE00] =	vst.msk vm2, v5  }
0x291: {  	v6 =	vld [tilespmem:s7+$0xFFFFFFC0]  }
0x292: {  	v7 =	vld [tilespmem:s7+$0xFFFFFFC1];
	_ =	sdelay $0x4  }
0x293: {  	v8 =	vld [tilespmem:s12+$0xFFFFFFC0];
	vm2 =	vne.s32 v6, v7  }
0x294: {  	v5 =	vld [tilespmem:s13+$0xFFFFFFC0];
	vm3 =	vmor vm2, vm0  }
0x295: {  	v9 =	vmpcnt.ones.xlane vm3;
	_ =	sdelay $0x1  }
0x296: {  	(v2sf) =	vpush v9, $0x0  }
0x297: {  	(xrf2) =	vadd.scan.msk.f32 $0xffff, v8  }
0x298: {  	v8 =	vmul.f32 v5, v8;
	_ =	sdelay $0x1  }
0x299: {  	(xrf2) =	vadd.scan.msk.f32 $0xffff, v8;
	_ =	sdelay $0x6  }
0x29a: {  	v8, _, _ =	vpop (xrf2);
	_ =	sdelay $0x2  }
0x29b: {  	[tilespmem:s16+$0x8B00] =	vst.msk vm3, v6;
	v6, _, _ =	vpop (xrf2)  }
0x29c: {  	[tilespmem:s16+$0xBC80] =	vst.msk vm3, v8;
	s14 =	spop (v2sf)  }
0x29d: {  	vm2 =	vmand vm2, vm1;
	v8 =	vsub.f32 $0.0e+00, v8;
	[tilespmem:s16+$0xEE00] =	vst.msk vm3, v6;
	s14 =	sadd.s32 s16, s14  }
0x29e: {  	v6 =	vsub.f32 $0.0e+00, v6;
	[tilespmem:s14+$0x8B00] =	vst.msk vm2, v7  }
0x29f: {  	v7 =	vmpcnt.ones.xlane vm2;
	[tilespmem:s14+$0xBC80] =	vst.msk vm2, v8  }
0x2a0: {  	[tilespmem:s14+$0xEE00] =	vst.msk vm2, v6  }
0x2a1: {  	v8 =	vld [tilespmem:s7+$0xFFFFFFD1];
	(v2sf) =	vpush v7, $0x0  }
0x2a2: {  	v7 =	vld [tilespmem:s7+$0xFFFFFFD0]  }
0x2a3: {  	v9 =	vld [tilespmem:s12+$0xFFFFFFD0];
	_ =	sdelay $0x3  }
0x2a4: {  	vm2 =	vne.s32 v7, v8  }
0x2a5: {  	vm3 =	vmor vm2, vm0;
	(xrf2) =	vadd.scan.msk.f32 $0xffff, v9  }
0x2a6: {  	v6 =	vld [tilespmem:s13+$0xFFFFFFD0];
	v10 =	vmpcnt.ones.xlane vm3;
	_ =	sdelay $0x1  }
0x2a7: {  	(v2sf) =	vpush v10, $0x0;
	_ =	sdelay $0x2  }
0x2a8: {  	v9 =	vmul.f32 v6, v9;
	_ =	sdelay $0x1  }
0x2a9: {  	s16 =	spop (v2sf);
	(xrf2) =	vadd.scan.msk.f32 $0xffff, v9  }
0x2aa: {  	s14 =	sadd.s32 s14, s16  }
0x2ab: {  	[tilespmem:s14+$0x8B00] =	vst.msk vm3, v7;
	v7, _, _ =	vpop (xrf2)  }
0x2ac: {  	[tilespmem:s14+$0xBC80] =	vst.msk vm3, v7;
	_ =	sdelay $0x6  }
0x2ad: {  	v9, _, _ =	vpop (xrf2);
	s16 =	spop (v2sf)  }
0x2ae: {  	vm2 =	vmand vm2, vm1;
	v7 =	vsub.f32 $0.0e+00, v7;
	[tilespmem:s14+$0xEE00] =	vst.msk vm3, v9;
	s14 =	sadd.s32 s14, s16  }
0x2af: {  	[tilespmem:s14+$0x8B00] =	vst.msk vm2, v8;
	v8 =	vsub.f32 $0.0e+00, v9  }
0x2b0: {  	[tilespmem:s14+$0xBC80] =	vst.msk vm2, v7  }
0x2b1: {  	[tilespmem:s14+$0xEE00] =	vst.msk vm2, v8  }
0x2b2: {  	v7 =	vld [tilespmem:s13+$0xFFFFFFE0]  }
0x2b3: {  	v8 =	vld [tilespmem:s7+$0xFFFFFFE0]  }
0x2b4: {  	v9 =	vld [tilespmem:s7+$0xFFFFFFE1];
	_ =	sdelay $0x2  }
0x2b5: {  	v10 =	vmpcnt.ones.xlane vm2;
	_ =	sdelay $0x1  }
0x2b6: {  	vm2 =	vne.s32 v8, v9;
	(v2sf) =	vpush v10, $0x0  }
0x2b7: {  	vm3 =	vmor vm2, vm0  }
0x2b8: {  	v10 =	vld [tilespmem:s12+$0xFFFFFFE0];
	v11 =	vmpcnt.ones.xlane vm3;
	_ =	sdelay $0x1  }
0x2b9: {  	(v2sf) =	vpush v11, $0x0;
	_ =	sdelay $0x2  }
0x2ba: {  	v11 =	vmul.f32 v7, v10;
	(xrf2) =	vadd.scan.msk.f32 $0xffff, v10;
	_ =	sdelay $0x2  }
0x2bb: {  	(xrf2) =	vadd.scan.msk.f32 $0xffff, v11;
	_ =	sdelay $0x4  }
0x2bc: {  	s16 =	spop (v2sf)  }
0x2bd: {  	s14 =	sadd.s32 s14, s16  }
0x2be: {  	[tilespmem:s14+$0x8B00] =	vst.msk vm3, v8;
	v8, _, _ =	vpop (xrf2)  }
0x2bf: {  	[tilespmem:s14+$0xBC80] =	vst.msk vm3, v8  }
0x2c0: {  	s16 =	spop (v2sf)  }
0x2c1: {  	s16 =	sadd.s32 s14, s16;
	v10, _, _ =	vpop (xrf2)  }
0x2c2: {  	vm2 =	vmand vm2, vm1;
	v8 =	vsub.f32 $0.0e+00, v8;
	[tilespmem:s14+$0xEE00] =	vst.msk vm3, v10  }
0x2c3: {  	[tilespmem:s16+$0x8B00] =	vst.msk vm2, v9;
	v9 =	vsub.f32 $0.0e+00, v10;
	v10 =	vmpcnt.ones.xlane vm2  }
0x2c4: {  	[tilespmem:s16+$0xBC80] =	vst.msk vm2, v8  }
0x2c5: {  	[tilespmem:s16+$0xEE00] =	vst.msk vm2, v9;
	(v2sf) =	vpush v10, $0x0  }
0x2c6: {  	v9 =	vld [tilespmem:s7+$0xFFFFFFF0]  }
0x2c7: {  	v10 =	vld [tilespmem:s7+$0xFFFFFFF1]  }
0x2c8: {  	v11 =	vld [tilespmem:s12+$0xFFFFFFF0]  }
0x2c9: {  	v8 =	vld [tilespmem:s13+$0xFFFFFFF0];
	_ =	sdelay $0x2  }
0x2ca: {  	vm2 =	vne.s32 v9, v10  }
0x2cb: {  	vm3 =	vmor vm2, vm0;
	(xrf2) =	vadd.scan.msk.f32 $0xffff, v11  }
0x2cc: {  	v11 =	vmul.f32 v8, v11;
	v12 =	vmpcnt.ones.xlane vm3;
	_ =	sdelay $0x1  }
0x2cd: {  	(xrf2) =	vadd.scan.msk.f32 $0xffff, v11;
	(v2sf) =	vpush v12, $0x0;
	_ =	sdelay $0x3  }
0x2ce: {  	s14 =	spop (v2sf);
	_ =	sdelay $0x1  }
0x2cf: {  	s14 =	sadd.s32 s16, s14  }
0x2d0: {  	[tilespmem:s14+$0x8B00] =	vst.msk vm3, v9;
	v9, _, _ =	vpop (xrf2)  }
0x2d1: {  	vm2 =	vmand vm2, vm1;
	[tilespmem:s14+$0xBC80] =	vst.msk vm3, v9  }
0x2d2: {  	v11 =	vmpcnt.ones.xlane vm2  }
0x2d3: {  	v12, _, _ =	vpop (xrf2)  }
0x2d4: {  	[tilespmem:s14+$0xEE00] =	vst.msk vm3, v12;
	(v2sf) =	vpush v11, $0x0;
	_ =	sdelay $0x3  }
0x2d5: {  	s16 =	spop (v2sf)  }
0x2d6: {  	v9 =	vsub.f32 $0.0e+00, v9;
	s14 =	sadd.s32 s14, s16  }
0x2d7: {  	[tilespmem:s14+$0x8B00] =	vst.msk vm2, v10;
	v10 =	vsub.f32 $0.0e+00, v12  }
0x2d8: {  	[tilespmem:s14+$0xBC80] =	vst.msk vm2, v9  }
0x2d9: {  	[tilespmem:s14+$0xEE00] =	vst.msk vm2, v10  }
0x2da: {  	v10 =	vld [tilespmem:s7+$0x0]  }
0x2db: {  	v11 =	vld [tilespmem:s7+$0x1]  }
0x2dc: {  	v12 =	vld [tilespmem:s12+$0x0];
	_ =	sdelay $0x3  }
0x2dd: {  	v9 =	vld [tilespmem:s13+$0x0];
	vm2 =	vne.s32 v10, v11;
	s16 =	spop (v2sf)  }
0x2de: {  	s14 =	sadd.s32 s14, s16;
	vm3 =	vmor vm2, vm0;
	(xrf2) =	vadd.scan.msk.f32 $0xffff, v12  }
0x2df: {  	[tilespmem:s14+$0x8B00] =	vst.msk vm3, v10;
	v10 =	vmpcnt.ones.xlane vm3;
	_ =	sdelay $0x1  }
0x2e0: {  	(v2sf) =	vpush v10, $0x0  }
0x2e1: {  	v10 =	vmul.f32 v9, v12;
	_ =	sdelay $0x1  }
0x2e2: {  	(xrf2) =	vadd.scan.msk.f32 $0xffff, v10;
	_ =	sdelay $0x3  }
0x2e3: {  	v10, _, _ =	vpop (xrf2)  }
0x2e4: {  	[tilespmem:s14+$0xBC80] =	vst.msk vm3, v10  }
0x2e5: {  	vm2 =	vmand vm2, vm1  }
0x2e6: {  	v13 =	vmpcnt.ones.xlane vm2;
	_ =	sdelay $0x1  }
0x2e7: {  	(v2sf) =	vpush v13, $0x0  }
0x2e8: {  	v12, _, _ =	vpop (xrf2)  }
0x2e9: {  	[tilespmem:s14+$0xEE00] =	vst.msk vm3, v12  }
0x2ea: {  	s16 =	spop (v2sf)  }
0x2eb: {  	v10 =	vsub.f32 $0.0e+00, v10;
	s14 =	sadd.s32 s14, s16  }
0x2ec: {  	[tilespmem:s14+$0x8B00] =	vst.msk vm2, v11;
	v11 =	vsub.f32 $0.0e+00, v12  }
0x2ed: {  	[tilespmem:s14+$0xBC80] =	vst.msk vm2, v10  }
0x2ee: {  	[tilespmem:s14+$0xEE00] =	vst.msk vm2, v11  }
0x2ef: {  	v10 =	vld [tilespmem:s12+$0x10]  }
0x2f0: {  	v12 =	vld [tilespmem:s7+$0x11]  }
0x2f1: {  	v13 =	vld [tilespmem:s7+$0x10]  }
0x2f2: {  	v11 =	vld [tilespmem:s13+$0x10];
	_ =	sdelay $0x1  }
0x2f3: {  	(xrf2) =	vadd.scan.msk.f32 $0xffff, v10;
	_ =	sdelay $0x1  }
0x2f4: {  	vm2 =	vne.s32 v13, v12;
	s16 =	spop (v2sf)  }
0x2f5: {  	s14 =	sadd.s32 s14, s16;
	v10 =	vmul.f32 v11, v10;
	vm3 =	vmor vm2, vm0  }
0x2f6: {  	[tilespmem:s14+$0x8B00] =	vst.msk vm3, v13;
	v13 =	vmpcnt.ones.xlane vm3  }
0x2f7: {  	(xrf2) =	vadd.scan.msk.f32 $0xffff, v10  }
0x2f8: {  	(v2sf) =	vpush v13, $0x0;
	_ =	sdelay $0x3  }
0x2f9: {  	v10, _, _ =	vpop (xrf2)  }
0x2fa: {  	[tilespmem:s14+$0xBC80] =	vst.msk vm3, v10;
	_ =	sdelay $0x3  }
0x2fb: {  	vm2 =	vmand vm2, vm1;
	v13, _, _ =	vpop (xrf2)  }
0x2fc: {  	v14 =	vmpcnt.ones.xlane vm2;
	[tilespmem:s14+$0xEE00] =	vst.msk vm3, v13;
	_ =	sdelay $0x1  }
0x2fd: {  	(v2sf) =	vpush v14, $0x0;
	_ =	sdelay $0x2  }
0x2fe: {  	s16 =	spop (v2sf)  }
0x2ff: {  	v10 =	vsub.f32 $0.0e+00, v10;
	s14 =	sadd.s32 s14, s16  }
0x300: {  	[tilespmem:s14+$0x8B00] =	vst.msk vm2, v12;
	v12 =	vsub.f32 $0.0e+00, v13  }
0x301: {  	[tilespmem:s14+$0xBC80] =	vst.msk vm2, v10  }
0x302: {  	[tilespmem:s14+$0xEE00] =	vst.msk vm2, v12  }
0x303: {  	v12 =	vld [tilespmem:s12+$0x20]  }
0x304: {  	v13 =	vld [tilespmem:s7+$0x21]  }
0x305: {  	v14 =	vld [tilespmem:s7+$0x20]  }
0x306: {  	v10 =	vld [tilespmem:s13+$0x20];
	_ =	sdelay $0x1  }
0x307: {  	(xrf2) =	vadd.scan.msk.f32 $0xffff, v12;
	_ =	sdelay $0x1  }
0x308: {  	vm2 =	vne.s32 v14, v13;
	s16 =	spop (v2sf)  }
0x309: {  	s14 =	sadd.s32 s14, s16;
	v12 =	vmul.f32 v10, v12;
	vm3 =	vmor vm2, vm0  }
0x30a: {  	[tilespmem:s14+$0x8B00] =	vst.msk vm3, v14;
	v14 =	vmpcnt.ones.xlane vm3  }
0x30b: {  	(xrf2) =	vadd.scan.msk.f32 $0xffff, v12  }
0x30c: {  	(v2sf) =	vpush v14, $0x0;
	_ =	sdelay $0x3  }
0x30d: {  	v12, _, _ =	vpop (xrf2)  }
0x30e: {  	[tilespmem:s14+$0xBC80] =	vst.msk vm3, v12;
	_ =	sdelay $0x2  }
0x30f: {  	vm2 =	vmand vm2, vm1  }
0x310: {  	v14 =	vmpcnt.ones.xlane vm2;
	v15, _, _ =	vpop (xrf2)  }
0x311: {  	[tilespmem:s14+$0xEE00] =	vst.msk vm3, v15  }
0x312: {  	(v2sf) =	vpush v14, $0x0;
	_ =	sdelay $0x3  }
0x313: {  	s16 =	spop (v2sf)  }
0x314: {  	v12 =	vsub.f32 $0.0e+00, v12;
	s14 =	sadd.s32 s14, s16  }
0x315: {  	[tilespmem:s14+$0x8B00] =	vst.msk vm2, v13;
	v13 =	vsub.f32 $0.0e+00, v15  }
0x316: {  	[tilespmem:s14+$0xBC80] =	vst.msk vm2, v12  }
0x317: {  	[tilespmem:s14+$0xEE00] =	vst.msk vm2, v13  }
0x318: {  	v4 =	vmax.f32 v4, v5;
	v12 =	vld [tilespmem:s7+$0x30]  }
0x319: {  	v3 =	vmin.f32 v3, v5;
	v4 =	vmax.f32 v4, v6;
	v5 =	vld [tilespmem:s7+$0x31]  }
.Ltmp17:
0x31a: {  	v6 =	vmin.f32 v3, v6;
	v4 =	vmax.f32 v4, v7;
	v3 =	vld [tilespmem:s12+$0x30];
	(pc) =	sbr.rel @p0 .LBB2_21-.Ltmp17, $4  }
0x31b: {  	v6 =	vmin.f32 v6, v7;
	v7 =	vmax.f32 v4, v8;
	v4 =	vld [tilespmem:s13+$0x30]  }
0x31c: {  	v6 =	vmin.f32 v6, v8;
	v7 =	vmax.f32 v7, v9  }
0x31d: {  	v6 =	vmin.f32 v6, v9;
	v8 =	vmax.f32 v7, v11  }
0x31e: {  	v7 =	vmin.f32 v6, v11;
	v6 =	vmax.f32 v8, v10;
	s12 =	sadd.s32 $0x80, s12;
	s13 =	sadd.s32 $0x80, s13;
	vm2 =	vne.s32 v12, v5;
	s16 =	spop (v2sf)  }
0x31f: {  	vm3 =	vmor vm2, vm0  }
0x320: {  	vm2 =	vmand vm2, vm1;
	v8 =	vmpcnt.ones.xlane vm3  }
0x321: {  	v9 =	vmpcnt.ones.xlane vm2  }
0x322: {  	(v2sf) =	vpush v8, $0x0  }
0x323: {  	(v2sf) =	vpush v9, $0x0;
	_ =	sdelay $0x2  }
0x324: {  	v61 =	vmul.f32 v4, v3  }
0x325: {  	(xrf2) =	vadd.scan.msk.f32 $0xffff, v3  }
0x326: {  	(xrf2) =	vadd.scan.msk.f32 $0xffff, v61;
	_ =	sdelay $0x7  }
0x327: {  	s7 =	sadd.s32 s14, s16  }
0x328: {  	[tilespmem:s7+$0x8B00] =	vst.msk vm3, v12;
	v3, _, _ =	vpop (xrf2);
	s12 =	spop (v2sf)  }
0x329: {  	[tilespmem:s7+$0xBC80] =	vst.msk vm3, v3;
	v8, _, _ =	vpop (xrf2);
	s13 =	sadd.s32 s7, s12;
	s16 =	spop (v2sf)  }
0x32a: {  	v3 =	vsub.f32 $0.0e+00, v3;
	[tilespmem:s7+$0xEE00] =	vst.msk vm3, v8;
	s12 =	sadd.s32 s13, s16  }
0x32b: {  	v62 =	vsub.f32 $0.0e+00, v8;
	[tilespmem:s13+$0x8B00] =	vst.msk vm2, v5;
	s7 =	sadd.s32 $0x7F, s12  }
0x32c: {  	v7 =	vmin.f32 v7, v10;
	[tilespmem:s13+$0xBC80] =	vst.msk vm2, v3;
	s25 =	sand.u32 $0xFFFFFF80, s7  }
0x32d: {  	v3 =	vmin.f32 v7, v4;
	[tilespmem:s13+$0xEE00] =	vst.msk vm2, v62;
	p0 =	sge.s32 s12, s25  }
0x32e: {  	v63 =	vmax.f32 v6, v4;
	[tilespmem:$0x12780] =	vst v3;
	v3 =	vlaneseq.u32 @!p0  }
0x32f: {  	s13 =	sadd.s32 $0x10, s12;
	[tilespmem:$0x12800] =	vst v63;
	v3 =	vor.u32 @!p0 $0x186A0, v3  }
0x330: {  	p2 =	sge.s32 s13, s25;
	[tilespmem:s12+$0x8B00] =	vst @!p0 v3;
	v3 =	vimm.f32 @!p0 $0.0e+00  }
0x331: {  	v4 =	vlaneseq.u32 @!p2;
	[tilespmem:s12+$0xBC80] =	vst @!p0 v3  }
0x332: {  	s16 =	sadd.s32 $0x20, s12;
	[tilespmem:s12+$0xEE00] =	vst @!p0 v3;
	v3 =	vor.u32 @!p2 $0x186B0, v4  }
0x333: {  	p0 =	sge.s32 s16, s25;
	[tilespmem:s13+$0x8B00] =	vst @!p2 v3;
	v3 =	vimm.f32 @!p2 $0.0e+00  }
0x334: {  	v4 =	vlaneseq.u32 @!p0;
	[tilespmem:s13+$0xBC80] =	vst @!p2 v3  }
0x335: {  	[tilespmem:s13+$0xEE00] =	vst @!p2 v3;
	v3 =	vor.u32 @!p0 $0x186C0, v4;
	s13 =	sadd.s32 $0x30, s12  }
0x336: {  	[tilespmem:s16+$0x8B00] =	vst @!p0 v3;
	v3 =	vimm.f32 @!p0 $0.0e+00;
	p2 =	sge.s32 s13, s25  }
0x337: {  	[tilespmem:s16+$0xBC80] =	vst @!p0 v3;
	v4 =	vlaneseq.u32 @!p2  }
0x338: {  	[tilespmem:s16+$0xEE00] =	vst @!p0 v3;
	s16 =	sadd.s32 $0x40, s12;
	v3 =	vor.u32 @!p2 $0x186D0, v4  }
0x339: {  	p0 =	sge.s32 s16, s25;
	[tilespmem:s13+$0x8B00] =	vst @!p2 v3;
	v3 =	vimm.f32 @!p2 $0.0e+00  }
0x33a: {  	v4 =	vlaneseq.u32 @!p0;
	[tilespmem:s13+$0xBC80] =	vst @!p2 v3  }
0x33b: {  	[tilespmem:s13+$0xEE00] =	vst @!p2 v3;
	v3 =	vor.u32 @!p0 $0x186E0, v4;
	s13 =	sadd.s32 $0x50, s12  }
0x33c: {  	[tilespmem:s16+$0x8B00] =	vst @!p0 v3;
	v3 =	vimm.f32 @!p0 $0.0e+00;
	p2 =	sge.s32 s13, s25  }
0x33d: {  	[tilespmem:s16+$0xBC80] =	vst @!p0 v3;
	v4 =	vlaneseq.u32 @!p2  }
0x33e: {  	[tilespmem:s16+$0xEE00] =	vst @!p0 v3;
	s16 =	sadd.s32 $0x60, s12;
	v3 =	vor.u32 @!p2 $0x186F0, v4  }
0x33f: {  	p0 =	sge.s32 s16, s25;
	[tilespmem:s13+$0x8B00] =	vst @!p2 v3;
	v3 =	vimm.f32 @!p2 $0.0e+00  }
0x340: {  	v4 =	vlaneseq.u32 @!p0;
	[tilespmem:s13+$0xBC80] =	vst @!p2 v3  }
0x341: {  	[tilespmem:s13+$0xEE00] =	vst @!p2 v3;
	v3 =	vor.u32 @!p0 $0x18700, v4  }
0x342: {  	[tilespmem:s16+$0x8B00] =	vst @!p0 v3;
	v3 =	vimm.f32 @!p0 $0.0e+00  }
0x343: {  	s7 =	sshrl.u32 s7, $0x7;
	s12 =	sadd.s32 $0x70, s12;
	[tilespmem:s16+$0xBC80] =	vst @!p0 v3  }
0x344: {  	p2 =	sge.s32 s12, s25;
	[tilespmem:s16+$0xEE00] =	vst @!p0 v3;
	p0 =	seq.s32 s7, $0x0  }
.Ltmp18:
0x345: {  	v4 =	vlaneseq.u32 @!p2;
	(pc) =	sbr.rel @p0 .LBB2_25-.Ltmp18, $4  }
0x346: {  	v3 =	vor.u32 @!p2 $0x18710, v4  }
0x347: {  	[tilespmem:s12+$0x8B00] =	vst @!p2 v3;
	v3 =	vimm.f32 @!p2 $0.0e+00  }
0x348: {  	[tilespmem:s12+$0xBC80] =	vst @!p2 v3  }
0x349: {  	[tilespmem:s12+$0xEE00] =	vst @!p2 v3  }
0x34a: {  	p0 =	sne.s32 s7, $0x1  }
.Ltmp19:
0x34b: {  	s12 =	simm.s32 $0xEE00;
	s13 =	simm.s32 $0x8B00;
	(pc) =	sbr.rel @!p0 .LBB2_25-.Ltmp19, $4  }
0x34c: {  	[spmem:s5] =	stream.indirect.scatter.add.f32 [tilespmem:s12], [sflag:$0x5], $0x1, s13, s29, $0xb8;
	[tilespmem:$0x12880] =	vst v63  }
0x34d: {  	s12 =	simm.s32 $0xBC80  }
0x34e: {  	[spmem:s6] =	stream.indirect.scatter.add.f32 [tilespmem:s12], [sflag:$0x5], $0x1, s13, s29, $0xb8;
	[tilespmem:$0x12880] =	vst v63  }
0x34f: {  	s14 =	simm.s32 $0xEE80;
	s25 =	simm.s32 $0x8B80;
	s13 =	sadd.s32 $0xFFFFFFFF, s7  }
.LBB2_24:
0x350: {  	[spmem:s5] =	stream.indirect.scatter.add.f32 [tilespmem:s14], [sflag:$0x5], $0x1, s25, s29, $0xb8;
	[tilespmem:$0x12880] =	vst v63  }
0x351: {  	p0 =	sne.s32 s13, $0x1  }
.Ltmp20:
0x352: {  	s13 =	sadd.s32 $0xFFFFFFFF, s13;
	(pc) =	sbr.rel @p0 .LBB2_24-.Ltmp20, $4  }
0x353: {  	s12 =	sadd.s32 $0x80, s12  }
0x354: {  	[spmem:s6] =	stream.indirect.scatter.add.f32 [tilespmem:s12], [sflag:$0x5], $0x1, s25, s29, $0xb8;
	[tilespmem:$0x12880] =	vst v63  }
0x355: {  	_ = 	snop  }
0x356: {  	s14 =	sadd.s32 $0x80, s14;
	s25 =	sadd.s32 $0x80, s25  }
.LBB2_25:
0x357: {  	[smem:$0x1] =	sst s7  }
.LBB2_26:
0x358: {  	p0 =	sge.u32 s24, s15  }
0x359: {  	s7 =	sld @!p0 [smem:$0x0];
	_ =	sdelay $0x2  }
0x35a: {  	p2 =	slt.s32 @!p0 s7, $0x1  }
0x35b: {  	p0 =	por p0, p2  }
.Ltmp21:
0x35c: {  	_ = 	snop;
	(pc) =	sbr.rel @p0 .LBB2_30-.Ltmp21, $1  }
0x35d: {  	_ =	sdelay $0x3  }
0x35e: {  	p0 =	sne.s32 s7, $0x1  }
.Ltmp22:
0x35f: {  	_ = 	snop;
	(pc) =	sbr.rel @!p0 .LBB2_29-.Ltmp22, $3  }
0x360: {  	_ =	sdelay $0x1  }
0x361: {  	_ =	swait.ge [sflag:s2], $0x100  }
0x362: {  	s7 =	sadd.s32 $0xFFFFFFFF, s7;
	[sflag:s2] =	ssyncset.done $0x0  }
.LBB2_28:
0x363: {  	p0 =	sne.s32 s7, $0x1;
	s7 =	sadd.s32 $0xFFFFFFFF, s7;
	[sflag:s2] =	ssyncadd.s32 $0xFFFFFF00  }
.Ltmp23:
0x364: {  	(pc) =	sbr.rel @p0 .LBB2_28-.Ltmp23, $3  }
0x365: {  	_ =	sdelay $0x1  }
0x366: {  	_ =	swait.ge [sflag:s2], $0x100  }
0x367: {  	[sflag:s2] =	ssyncset.done $0x0  }
.LBB2_29:
0x368: {  	[sflag:s2] =	ssyncadd.s32 $0xFFFFFF00  }
.LBB2_30:
0x369: {  	s7 =	sadd.s32 $0x3, s24  }
0x36a: {  	p0 =	sge.u32 s7, s10  }
0x36b: {  	s7 =	sshll.u32 @!p0 s7, $0xD  }
0x36c: {  	s7 =	sor.u32 @!p0 s11, s7  }
0x36d: {  	s13 =	simm.s32 @!p0 $0x0;
	s14 =	simm.s32 @!p0 $0x3100;
	s12 =	sadd.s32 @!p0 s3, s7  }
0x36e: {  	[tilespmem:s14], [sflag:$0x1] =	stream.linear.gather @!p0 [hbm4b:s12+s13], $0x800, $0x38;
	[tilespmem:$0x12880] =	vst v63  }
.Ltmp24:
0x36f: {  	_ = 	snop;
	(pc) =	sbr.rel @p1 .LBB2_37-.Ltmp24, $4  }
0x370: {  	s12 =	sadd.s32 @!p0 s0, s7;
	s14 =	simm.s32 @!p0 $0x4A80  }
0x371: {  	[tilespmem:s14], [sflag:$0x1] =	stream.linear.gather @!p0 [hbm4b:s12+s13], $0x800, $0x38;
	[tilespmem:$0x12880] =	vst v63  }
0x372: {  	s7 =	sadd.s32 @!p0 s1, s7;
	s12 =	simm.s32 @!p0 $0x6280  }
0x373: {  	[tilespmem:s12], [sflag:$0x1] =	stream.linear.gather @!p0 [hbm4b:s7+s13], $0x800, $0x38;
	[tilespmem:$0x12880] =	vst v63  }
0x374: {  	_ =	swait.ge [sflag:s23], $0x800  }
0x375: {  	[sflag:s23] =	ssyncset.done $0x0  }
0x376: {  	[sflag:s23] =	ssyncadd.s32 $0xFFFFF800  }
0x377: {  	_ =	swait.ge [sflag:s23], $0x800  }
0x378: {  	[sflag:s23] =	ssyncset.done $0x0  }
0x379: {  	[sflag:s23] =	ssyncadd.s32 $0xFFFFF800  }
0x37a: {  	_ =	swait.ge [sflag:s23], $0x800  }
0x37b: {  	[sflag:s23] =	ssyncset.done $0x0  }
0x37c: {  	s7 =	simm.s32 $0x4240;
	[sflag:s23] =	ssyncadd.s32 $0xFFFFF800  }
0x37d: {  	v6 =	vld [tilespmem:s7+$0xFFFFFFC0]  }
0x37e: {  	v7 =	vld [tilespmem:s7+$0xFFFFFFC1];
	_ =	sdelay $0x4  }
0x37f: {  	s13 =	simm.s32 $0x5AC0;
	vm2 =	vne.s32 v6, v7  }
0x380: {  	s12 =	simm.s32 $0x72C0;
	v4 =	vld [tilespmem:s13+$0xFFFFFFC0];
	vm3 =	vmor vm2, vm0  }
0x381: {  	v3 =	vld [tilespmem:s12+$0xFFFFFFC0];
	v5 =	vmpcnt.ones.xlane vm3;
	_ =	sdelay $0x1  }
0x382: {  	(v2sf) =	vpush v5, $0x0;
	_ =	sdelay $0x2  }
0x383: {  	v5 =	vmul.f32 v3, v4  }
0x384: {  	(xrf2) =	vadd.scan.msk.f32 $0xffff, v4  }
0x385: {  	(xrf2) =	vadd.scan.msk.f32 $0xffff, v5;
	_ =	sdelay $0x7  }
0x386: {  	s14 =	simm.s32 $0x0;
	v4 =	vld [tilespmem:$0x12780]  }
0x387: {  	v5 =	vld [tilespmem:$0x12800];
	[tilespmem:s14+$0x9B80] =	vst.msk vm3, v6;
	v8, _, _ =	vpop (xrf2)  }
0x388: {  	[tilespmem:s14+$0xCD00] =	vst.msk vm3, v8;
	v6, _, _ =	vpop (xrf2);
	s16 =	spop (v2sf)  }
0x389: {  	vm2 =	vmand vm2, vm1;
	v8 =	vsub.f32 $0.0e+00, v8;
	[tilespmem:s14+$0xFE80] =	vst.msk vm3, v6;
	s16 =	sadd.s32 $0x0, s16  }
0x38a: {  	v6 =	vsub.f32 $0.0e+00, v6;
	[tilespmem:s16+$0x9B80] =	vst.msk vm2, v7  }
0x38b: {  	[tilespmem:s16+$0xCD00] =	vst.msk vm2, v8  }
0x38c: {  	[tilespmem:s16+$0xFE80] =	vst.msk vm2, v6  }
0x38d: {  	v7 =	vld [tilespmem:s7+$0xFFFFFFD1]  }
0x38e: {  	v8 =	vld [tilespmem:s7+$0xFFFFFFD0];
	_ =	sdelay $0x3  }
0x38f: {  	v6 =	vmpcnt.ones.xlane vm2  }
0x390: {  	vm2 =	vne.s32 v8, v7  }
0x391: {  	v9 =	vld [tilespmem:s13+$0xFFFFFFD0];
	(v2sf) =	vpush v6, $0x0;
	vm3 =	vmor vm2, vm0  }
0x392: {  	v6 =	vld [tilespmem:s12+$0xFFFFFFD0];
	v10 =	vmpcnt.ones.xlane vm3;
	_ =	sdelay $0x1  }
0x393: {  	(v2sf) =	vpush v10, $0x0;
	_ =	sdelay $0x2  }
0x394: {  	v10 =	vmul.f32 v6, v9  }
0x395: {  	(xrf2) =	vadd.scan.msk.f32 $0xffff, v9  }
0x396: {  	(xrf2) =	vadd.scan.msk.f32 $0xffff, v10;
	_ =	sdelay $0x6  }
0x397: {  	s24 =	spop (v2sf)  }
0x398: {  	s14 =	sadd.s32 s16, s24  }
0x399: {  	[tilespmem:s14+$0x9B80] =	vst.msk vm3, v8;
	v8, _, _ =	vpop (xrf2)  }
0x39a: {  	[tilespmem:s14+$0xCD00] =	vst.msk vm3, v8;
	v9, _, _ =	vpop (xrf2);
	s25 =	spop (v2sf)  }
0x39b: {  	vm2 =	vmand vm2, vm1;
	v8 =	vsub.f32 $0.0e+00, v8;
	[tilespmem:s14+$0xFE80] =	vst.msk vm3, v9;
	s14 =	sadd.s32 s14, s25  }
0x39c: {  	[tilespmem:s14+$0x9B80] =	vst.msk vm2, v7;
	v7 =	vsub.f32 $0.0e+00, v9  }
0x39d: {  	[tilespmem:s14+$0xCD00] =	vst.msk vm2, v8  }
0x39e: {  	[tilespmem:s14+$0xFE80] =	vst.msk vm2, v7  }
0x39f: {  	v8 =	vld [tilespmem:s7+$0xFFFFFFE0]  }
0x3a0: {  	v9 =	vld [tilespmem:s7+$0xFFFFFFE1];
	_ =	sdelay $0x3  }
0x3a1: {  	v10 =	vmpcnt.ones.xlane vm2  }
0x3a2: {  	vm2 =	vne.s32 v8, v9  }
0x3a3: {  	(v2sf) =	vpush v10, $0x0;
	v7 =	vld [tilespmem:s12+$0xFFFFFFE0];
	vm3 =	vmor vm2, vm0  }
0x3a4: {  	v10 =	vld [tilespmem:s13+$0xFFFFFFE0];
	v11 =	vmpcnt.ones.xlane vm3;
	_ =	sdelay $0x1  }
0x3a5: {  	(v2sf) =	vpush v11, $0x0;
	_ =	sdelay $0x2  }
0x3a6: {  	v11 =	vmul.f32 v7, v10  }
0x3a7: {  	(xrf2) =	vadd.scan.msk.f32 $0xffff, v10  }
0x3a8: {  	(xrf2) =	vadd.scan.msk.f32 $0xffff, v11;
	_ =	sdelay $0x6  }
0x3a9: {  	s24 =	spop (v2sf)  }
0x3aa: {  	s14 =	sadd.s32 s14, s24  }
0x3ab: {  	[tilespmem:s14+$0x9B80] =	vst.msk vm3, v8;
	v8, _, _ =	vpop (xrf2)  }
0x3ac: {  	[tilespmem:s14+$0xCD00] =	vst.msk vm3, v8;
	v10, _, _ =	vpop (xrf2);
	s25 =	spop (v2sf)  }
0x3ad: {  	vm2 =	vmand vm2, vm1;
	v8 =	vsub.f32 $0.0e+00, v8;
	[tilespmem:s14+$0xFE80] =	vst.msk vm3, v10;
	s16 =	sadd.s32 s14, s25  }
0x3ae: {  	[tilespmem:s16+$0x9B80] =	vst.msk vm2, v9;
	v9 =	vsub.f32 $0.0e+00, v10  }
0x3af: {  	[tilespmem:s16+$0xCD00] =	vst.msk vm2, v8  }
0x3b0: {  	[tilespmem:s16+$0xFE80] =	vst.msk vm2, v9  }
0x3b1: {  	v8 =	vld [tilespmem:s7+$0xFFFFFFF0]  }
0x3b2: {  	v9 =	vld [tilespmem:s7+$0xFFFFFFF1];
	_ =	sdelay $0x3  }
0x3b3: {  	v10 =	vmpcnt.ones.xlane vm2  }
0x3b4: {  	vm2 =	vne.s32 v8, v9  }
0x3b5: {  	(v2sf) =	vpush v10, $0x0;
	v10 =	vld [tilespmem:s13+$0xFFFFFFF0];
	vm3 =	vmor vm2, vm0  }
0x3b6: {  	v11 =	vld [tilespmem:s12+$0xFFFFFFF0];
	v12 =	vmpcnt.ones.xlane vm3;
	_ =	sdelay $0x1  }
0x3b7: {  	(v2sf) =	vpush v12, $0x0;
	_ =	sdelay $0x2  }
0x3b8: {  	v12 =	vmul.f32 v11, v10  }
0x3b9: {  	(xrf2) =	vadd.scan.msk.f32 $0xffff, v10  }
0x3ba: {  	(xrf2) =	vadd.scan.msk.f32 $0xffff, v12;
	_ =	sdelay $0x6  }
0x3bb: {  	s24 =	spop (v2sf)  }
0x3bc: {  	s14 =	sadd.s32 s16, s24  }
0x3bd: {  	[tilespmem:s14+$0x9B80] =	vst.msk vm3, v8;
	v8, _, _ =	vpop (xrf2)  }
0x3be: {  	[tilespmem:s14+$0xCD00] =	vst.msk vm3, v8;
	v10, _, _ =	vpop (xrf2);
	s25 =	spop (v2sf)  }
0x3bf: {  	vm2 =	vmand vm2, vm1;
	v8 =	vsub.f32 $0.0e+00, v8;
	[tilespmem:s14+$0xFE80] =	vst.msk vm3, v10;
	s14 =	sadd.s32 s14, s25  }
0x3c0: {  	[tilespmem:s14+$0x9B80] =	vst.msk vm2, v9;
	v9 =	vsub.f32 $0.0e+00, v10  }
0x3c1: {  	[tilespmem:s14+$0xCD00] =	vst.msk vm2, v8  }
0x3c2: {  	[tilespmem:s14+$0xFE80] =	vst.msk vm2, v9  }
0x3c3: {  	v8 =	vld [tilespmem:s7+$0x0]  }
0x3c4: {  	v9 =	vld [tilespmem:s7+$0x1];
	_ =	sdelay $0x3  }
0x3c5: {  	v10 =	vmpcnt.ones.xlane vm2  }
0x3c6: {  	vm2 =	vne.s32 v8, v9  }
0x3c7: {  	(v2sf) =	vpush v10, $0x0;
	v10 =	vld [tilespmem:s13+$0x0];
	vm3 =	vmor vm2, vm0  }
0x3c8: {  	v13 =	vld [tilespmem:s12+$0x0];
	v12 =	vmpcnt.ones.xlane vm3;
	_ =	sdelay $0x1  }
0x3c9: {  	(v2sf) =	vpush v12, $0x0;
	_ =	sdelay $0x2  }
0x3ca: {  	v12 =	vmul.f32 v13, v10  }
0x3cb: {  	(xrf2) =	vadd.scan.msk.f32 $0xffff, v10  }
0x3cc: {  	(xrf2) =	vadd.scan.msk.f32 $0xffff, v12;
	_ =	sdelay $0x6  }
0x3cd: {  	s24 =	spop (v2sf)  }
0x3ce: {  	s14 =	sadd.s32 s14, s24  }
0x3cf: {  	[tilespmem:s14+$0x9B80] =	vst.msk vm3, v8;
	v8, _, _ =	vpop (xrf2)  }
0x3d0: {  	[tilespmem:s14+$0xCD00] =	vst.msk vm3, v8;
	v10, _, _ =	vpop (xrf2);
	s25 =	spop (v2sf)  }
0x3d1: {  	vm2 =	vmand vm2, vm1;
	v8 =	vsub.f32 $0.0e+00, v8;
	[tilespmem:s14+$0xFE80] =	vst.msk vm3, v10;
	s14 =	sadd.s32 s14, s25  }
0x3d2: {  	[tilespmem:s14+$0x9B80] =	vst.msk vm2, v9;
	v9 =	vsub.f32 $0.0e+00, v10  }
0x3d3: {  	[tilespmem:s14+$0xCD00] =	vst.msk vm2, v8  }
0x3d4: {  	[tilespmem:s14+$0xFE80] =	vst.msk vm2, v9  }
0x3d5: {  	v8 =	vld [tilespmem:s7+$0x11]  }
0x3d6: {  	v9 =	vld [tilespmem:s7+$0x10];
	_ =	sdelay $0x3  }
0x3d7: {  	v10 =	vmpcnt.ones.xlane vm2  }
0x3d8: {  	vm2 =	vne.s32 v9, v8  }
0x3d9: {  	(v2sf) =	vpush v10, $0x0;
	v10 =	vld [tilespmem:s13+$0x10];
	vm3 =	vmor vm2, vm0  }
0x3da: {  	v14 =	vld [tilespmem:s12+$0x10];
	v12 =	vmpcnt.ones.xlane vm3;
	_ =	sdelay $0x1  }
0x3db: {  	(v2sf) =	vpush v12, $0x0;
	_ =	sdelay $0x2  }
0x3dc: {  	v12 =	vmul.f32 v14, v10  }
0x3dd: {  	(xrf2) =	vadd.scan.msk.f32 $0xffff, v10  }
0x3de: {  	(xrf2) =	vadd.scan.msk.f32 $0xffff, v12;
	_ =	sdelay $0x6  }
0x3df: {  	s24 =	spop (v2sf)  }
0x3e0: {  	s14 =	sadd.s32 s14, s24  }
0x3e1: {  	[tilespmem:s14+$0x9B80] =	vst.msk vm3, v9;
	v9, _, _ =	vpop (xrf2)  }
0x3e2: {  	[tilespmem:s14+$0xCD00] =	vst.msk vm3, v9;
	v10, _, _ =	vpop (xrf2);
	s25 =	spop (v2sf)  }
0x3e3: {  	vm2 =	vmand vm2, vm1;
	v9 =	vsub.f32 $0.0e+00, v9;
	[tilespmem:s14+$0xFE80] =	vst.msk vm3, v10;
	s14 =	sadd.s32 s14, s25  }
0x3e4: {  	[tilespmem:s14+$0x9B80] =	vst.msk vm2, v8;
	v8 =	vsub.f32 $0.0e+00, v10  }
0x3e5: {  	[tilespmem:s14+$0xCD00] =	vst.msk vm2, v9  }
0x3e6: {  	[tilespmem:s14+$0xFE80] =	vst.msk vm2, v8  }
0x3e7: {  	v8 =	vld [tilespmem:s7+$0x21]  }
0x3e8: {  	v9 =	vld [tilespmem:s7+$0x20];
	_ =	sdelay $0x3  }
0x3e9: {  	v10 =	vmpcnt.ones.xlane vm2  }
0x3ea: {  	vm2 =	vne.s32 v9, v8  }
0x3eb: {  	(v2sf) =	vpush v10, $0x0;
	v12 =	vld [tilespmem:s13+$0x20];
	vm3 =	vmor vm2, vm0  }
0x3ec: {  	v10 =	vld [tilespmem:s12+$0x20];
	v15 =	vmpcnt.ones.xlane vm3;
	_ =	sdelay $0x1  }
0x3ed: {  	(v2sf) =	vpush v15, $0x0;
	_ =	sdelay $0x2  }
0x3ee: {  	v15 =	vmul.f32 v10, v12  }
0x3ef: {  	(xrf2) =	vadd.scan.msk.f32 $0xffff, v12  }
0x3f0: {  	(xrf2) =	vadd.scan.msk.f32 $0xffff, v15;
	_ =	sdelay $0x2  }
0x3f1: {  	vm2 =	vmand vm2, vm1  }
0x3f2: {  	v12 =	vmpcnt.ones.xlane vm2;
	_ =	sdelay $0x1  }
0x3f3: {  	(v2sf) =	vpush v12, $0x0  }
0x3f4: {  	s24 =	spop (v2sf)  }
0x3f5: {  	s14 =	sadd.s32 s14, s24  }
0x3f6: {  	[tilespmem:s14+$0x9B80] =	vst.msk vm3, v9;
	v9, _, _ =	vpop (xrf2)  }
0x3f7: {  	[tilespmem:s14+$0xCD00] =	vst.msk vm3, v9;
	v12, _, _ =	vpop (xrf2);
	s25 =	spop (v2sf)  }
0x3f8: {  	v9 =	vsub.f32 $0.0e+00, v9;
	[tilespmem:s14+$0xFE80] =	vst.msk vm3, v12;
	s14 =	sadd.s32 s14, s25  }
0x3f9: {  	[tilespmem:s14+$0x9B80] =	vst.msk vm2, v8;
	v8 =	vsub.f32 $0.0e+00, v12  }
0x3fa: {  	[tilespmem:s14+$0xCD00] =	vst.msk vm2, v9  }
0x3fb: {  	v5 =	vmax.f32 v5, v3;
	[tilespmem:s14+$0xFE80] =	vst.msk vm2, v8  }
0x3fc: {  	v3 =	vmin.f32 v4, v3;
	v4 =	vmax.f32 v5, v6;
	v12 =	vld [tilespmem:s7+$0x30]  }
0x3fd: {  	v3 =	vmin.f32 v3, v6;
	v4 =	vmax.f32 v4, v7;
	v5 =	vld [tilespmem:s7+$0x31]  }
0x3fe: {  	v3 =	vmin.f32 v3, v7;
	v4 =	vmax.f32 v4, v11  }
0x3ff: {  	v6 =	vmin.f32 v3, v11;
	v4 =	vmax.f32 v4, v13;
	v3 =	vld [tilespmem:s13+$0x30]  }
0x400: {  	v8 =	vmax.f32 v4, v14;
	v4 =	vld [tilespmem:s12+$0x30]  }
0x401: {  	v6 =	vmin.f32 v6, v13;
	s24 =	simm.s32 $0x0  }
0x402: {  	v7 =	vmin.f32 v6, v14;
	s16 =	spop (v2sf);
	v6 =	vmax.f32 v8, v10;
	s12 =	simm.s32 $0x5B40;
	s13 =	simm.s32 $0x7340;
	vm2 =	vne.s32 v12, v5  }
.LBB2_32:
0x403: {  	s24 =	sadd.s32 $0x8, s24;
	v7 =	vmin.f32 v7, v10;
	s14 =	sadd.s32 s14, s16;
	vm3 =	vmor vm2, vm0;
	vm2 =	vmand vm2, vm1;
	s7 =	sadd.s32 $0x80, s7  }
0x404: {  	p0 =	slt.u32 s24, $0x78;
	[tilespmem:s14+$0x9B80] =	vst.msk vm3, v12;
	v8 =	vmpcnt.ones.xlane vm3;
	v9 =	vmpcnt.ones.xlane vm2;
	(xrf2) =	vadd.scan.msk.f32 $0xffff, v3  }
0x405: {  	v10 =	vmul.f32 v4, v3;
	v3 =	vmin.f32 v7, v4;
	v4 =	vmax.f32 v6, v4  }
0x406: {  	(v2sf) =	vpush v8, $0x0  }
0x407: {  	(xrf2) =	vadd.scan.msk.f32 $0xffff, v10;
	(v2sf) =	vpush v9, $0x0;
	_ =	sdelay $0x6  }
0x408: {  	v6, _, _ =	vpop (xrf2)  }
0x409: {  	[tilespmem:s14+$0xCD00] =	vst.msk vm3, v6;
	_ =	sdelay $0x1  }
0x40a: {  	v7, _, _ =	vpop (xrf2)  }
0x40b: {  	[tilespmem:s14+$0xFE80] =	vst.msk vm3, v7;
	_ =	sdelay $0x2  }
0x40c: {  	s16 =	spop (v2sf)  }
0x40d: {  	v6 =	vsub.f32 $0.0e+00, v6;
	s14 =	sadd.s32 s14, s16;
	s16 =	spop (v2sf)  }
0x40e: {  	[tilespmem:s14+$0x9B80] =	vst.msk vm2, v5;
	v5 =	vsub.f32 $0.0e+00, v7;
	s16 =	sadd.s32 s14, s16  }
0x40f: {  	[tilespmem:s14+$0xCD00] =	vst.msk vm2, v6  }
0x410: {  	[tilespmem:s14+$0xFE80] =	vst.msk vm2, v5  }
0x411: {  	v6 =	vld [tilespmem:s7+$0xFFFFFFC0]  }
0x412: {  	v7 =	vld [tilespmem:s7+$0xFFFFFFC1];
	_ =	sdelay $0x4  }
0x413: {  	v8 =	vld [tilespmem:s12+$0xFFFFFFC0];
	vm2 =	vne.s32 v6, v7  }
0x414: {  	v5 =	vld [tilespmem:s13+$0xFFFFFFC0];
	vm3 =	vmor vm2, vm0  }
0x415: {  	v9 =	vmpcnt.ones.xlane vm3;
	_ =	sdelay $0x1  }
0x416: {  	(v2sf) =	vpush v9, $0x0  }
0x417: {  	(xrf2) =	vadd.scan.msk.f32 $0xffff, v8  }
0x418: {  	v8 =	vmul.f32 v5, v8;
	_ =	sdelay $0x1  }
0x419: {  	(xrf2) =	vadd.scan.msk.f32 $0xffff, v8;
	_ =	sdelay $0x6  }
0x41a: {  	v8, _, _ =	vpop (xrf2);
	_ =	sdelay $0x2  }
0x41b: {  	[tilespmem:s16+$0x9B80] =	vst.msk vm3, v6;
	v6, _, _ =	vpop (xrf2)  }
0x41c: {  	[tilespmem:s16+$0xCD00] =	vst.msk vm3, v8;
	s14 =	spop (v2sf)  }
0x41d: {  	vm2 =	vmand vm2, vm1;
	v8 =	vsub.f32 $0.0e+00, v8;
	[tilespmem:s16+$0xFE80] =	vst.msk vm3, v6;
	s14 =	sadd.s32 s16, s14  }
0x41e: {  	v6 =	vsub.f32 $0.0e+00, v6;
	[tilespmem:s14+$0x9B80] =	vst.msk vm2, v7  }
0x41f: {  	v7 =	vmpcnt.ones.xlane vm2;
	[tilespmem:s14+$0xCD00] =	vst.msk vm2, v8  }
0x420: {  	[tilespmem:s14+$0xFE80] =	vst.msk vm2, v6  }
0x421: {  	v8 =	vld [tilespmem:s7+$0xFFFFFFD1];
	(v2sf) =	vpush v7, $0x0  }
0x422: {  	v7 =	vld [tilespmem:s7+$0xFFFFFFD0]  }
0x423: {  	v9 =	vld [tilespmem:s12+$0xFFFFFFD0];
	_ =	sdelay $0x3  }
0x424: {  	vm2 =	vne.s32 v7, v8  }
0x425: {  	vm3 =	vmor vm2, vm0;
	(xrf2) =	vadd.scan.msk.f32 $0xffff, v9  }
0x426: {  	v6 =	vld [tilespmem:s13+$0xFFFFFFD0];
	v10 =	vmpcnt.ones.xlane vm3;
	_ =	sdelay $0x1  }
0x427: {  	(v2sf) =	vpush v10, $0x0;
	_ =	sdelay $0x2  }
0x428: {  	v9 =	vmul.f32 v6, v9;
	_ =	sdelay $0x1  }
0x429: {  	s16 =	spop (v2sf);
	(xrf2) =	vadd.scan.msk.f32 $0xffff, v9  }
0x42a: {  	s14 =	sadd.s32 s14, s16  }
0x42b: {  	[tilespmem:s14+$0x9B80] =	vst.msk vm3, v7;
	v7, _, _ =	vpop (xrf2)  }
0x42c: {  	[tilespmem:s14+$0xCD00] =	vst.msk vm3, v7;
	_ =	sdelay $0x6  }
0x42d: {  	v9, _, _ =	vpop (xrf2);
	s16 =	spop (v2sf)  }
0x42e: {  	vm2 =	vmand vm2, vm1;
	v7 =	vsub.f32 $0.0e+00, v7;
	[tilespmem:s14+$0xFE80] =	vst.msk vm3, v9;
	s14 =	sadd.s32 s14, s16  }
0x42f: {  	[tilespmem:s14+$0x9B80] =	vst.msk vm2, v8;
	v8 =	vsub.f32 $0.0e+00, v9  }
0x430: {  	[tilespmem:s14+$0xCD00] =	vst.msk vm2, v7  }
0x431: {  	[tilespmem:s14+$0xFE80] =	vst.msk vm2, v8  }
0x432: {  	v7 =	vld [tilespmem:s13+$0xFFFFFFE0]  }
0x433: {  	v8 =	vld [tilespmem:s7+$0xFFFFFFE0]  }
0x434: {  	v9 =	vld [tilespmem:s7+$0xFFFFFFE1];
	_ =	sdelay $0x2  }
0x435: {  	v10 =	vmpcnt.ones.xlane vm2;
	_ =	sdelay $0x1  }
0x436: {  	vm2 =	vne.s32 v8, v9;
	(v2sf) =	vpush v10, $0x0  }
0x437: {  	vm3 =	vmor vm2, vm0  }
0x438: {  	v10 =	vld [tilespmem:s12+$0xFFFFFFE0];
	v11 =	vmpcnt.ones.xlane vm3;
	_ =	sdelay $0x1  }
0x439: {  	(v2sf) =	vpush v11, $0x0;
	_ =	sdelay $0x2  }
0x43a: {  	v11 =	vmul.f32 v7, v10;
	(xrf2) =	vadd.scan.msk.f32 $0xffff, v10;
	_ =	sdelay $0x2  }
0x43b: {  	(xrf2) =	vadd.scan.msk.f32 $0xffff, v11;
	_ =	sdelay $0x4  }
0x43c: {  	s16 =	spop (v2sf)  }
0x43d: {  	s14 =	sadd.s32 s14, s16  }
0x43e: {  	[tilespmem:s14+$0x9B80] =	vst.msk vm3, v8;
	v8, _, _ =	vpop (xrf2)  }
0x43f: {  	[tilespmem:s14+$0xCD00] =	vst.msk vm3, v8  }
0x440: {  	s16 =	spop (v2sf)  }
0x441: {  	s16 =	sadd.s32 s14, s16;
	v10, _, _ =	vpop (xrf2)  }
0x442: {  	vm2 =	vmand vm2, vm1;
	v8 =	vsub.f32 $0.0e+00, v8;
	[tilespmem:s14+$0xFE80] =	vst.msk vm3, v10  }
0x443: {  	[tilespmem:s16+$0x9B80] =	vst.msk vm2, v9;
	v9 =	vsub.f32 $0.0e+00, v10;
	v10 =	vmpcnt.ones.xlane vm2  }
0x444: {  	[tilespmem:s16+$0xCD00] =	vst.msk vm2, v8  }
0x445: {  	[tilespmem:s16+$0xFE80] =	vst.msk vm2, v9;
	(v2sf) =	vpush v10, $0x0  }
0x446: {  	v9 =	vld [tilespmem:s7+$0xFFFFFFF0]  }
0x447: {  	v10 =	vld [tilespmem:s7+$0xFFFFFFF1]  }
0x448: {  	v11 =	vld [tilespmem:s12+$0xFFFFFFF0]  }
0x449: {  	v8 =	vld [tilespmem:s13+$0xFFFFFFF0];
	_ =	sdelay $0x2  }
0x44a: {  	vm2 =	vne.s32 v9, v10  }
0x44b: {  	vm3 =	vmor vm2, vm0;
	(xrf2) =	vadd.scan.msk.f32 $0xffff, v11  }
0x44c: {  	v11 =	vmul.f32 v8, v11;
	v12 =	vmpcnt.ones.xlane vm3;
	_ =	sdelay $0x1  }
0x44d: {  	(xrf2) =	vadd.scan.msk.f32 $0xffff, v11;
	(v2sf) =	vpush v12, $0x0;
	_ =	sdelay $0x3  }
0x44e: {  	s14 =	spop (v2sf);
	_ =	sdelay $0x1  }
0x44f: {  	s14 =	sadd.s32 s16, s14  }
0x450: {  	[tilespmem:s14+$0x9B80] =	vst.msk vm3, v9;
	v9, _, _ =	vpop (xrf2)  }
0x451: {  	vm2 =	vmand vm2, vm1;
	[tilespmem:s14+$0xCD00] =	vst.msk vm3, v9  }
0x452: {  	v11 =	vmpcnt.ones.xlane vm2  }
0x453: {  	v12, _, _ =	vpop (xrf2)  }
0x454: {  	[tilespmem:s14+$0xFE80] =	vst.msk vm3, v12;
	(v2sf) =	vpush v11, $0x0;
	_ =	sdelay $0x3  }
0x455: {  	s16 =	spop (v2sf)  }
0x456: {  	v9 =	vsub.f32 $0.0e+00, v9;
	s14 =	sadd.s32 s14, s16  }
0x457: {  	[tilespmem:s14+$0x9B80] =	vst.msk vm2, v10;
	v10 =	vsub.f32 $0.0e+00, v12  }
0x458: {  	[tilespmem:s14+$0xCD00] =	vst.msk vm2, v9  }
0x459: {  	[tilespmem:s14+$0xFE80] =	vst.msk vm2, v10  }
0x45a: {  	v10 =	vld [tilespmem:s7+$0x0]  }
0x45b: {  	v11 =	vld [tilespmem:s7+$0x1]  }
0x45c: {  	v12 =	vld [tilespmem:s12+$0x0];
	_ =	sdelay $0x3  }
0x45d: {  	v9 =	vld [tilespmem:s13+$0x0];
	vm2 =	vne.s32 v10, v11;
	s16 =	spop (v2sf)  }
0x45e: {  	s14 =	sadd.s32 s14, s16;
	vm3 =	vmor vm2, vm0;
	(xrf2) =	vadd.scan.msk.f32 $0xffff, v12  }
0x45f: {  	[tilespmem:s14+$0x9B80] =	vst.msk vm3, v10;
	v10 =	vmpcnt.ones.xlane vm3;
	_ =	sdelay $0x1  }
0x460: {  	(v2sf) =	vpush v10, $0x0  }
0x461: {  	v10 =	vmul.f32 v9, v12;
	_ =	sdelay $0x1  }
0x462: {  	(xrf2) =	vadd.scan.msk.f32 $0xffff, v10;
	_ =	sdelay $0x3  }
0x463: {  	v10, _, _ =	vpop (xrf2)  }
0x464: {  	[tilespmem:s14+$0xCD00] =	vst.msk vm3, v10  }
0x465: {  	vm2 =	vmand vm2, vm1  }
0x466: {  	v13 =	vmpcnt.ones.xlane vm2;
	_ =	sdelay $0x1  }
0x467: {  	(v2sf) =	vpush v13, $0x0  }
0x468: {  	v12, _, _ =	vpop (xrf2)  }
0x469: {  	[tilespmem:s14+$0xFE80] =	vst.msk vm3, v12  }
0x46a: {  	s16 =	spop (v2sf)  }
0x46b: {  	v10 =	vsub.f32 $0.0e+00, v10;
	s14 =	sadd.s32 s14, s16  }
0x46c: {  	[tilespmem:s14+$0x9B80] =	vst.msk vm2, v11;
	v11 =	vsub.f32 $0.0e+00, v12  }
0x46d: {  	[tilespmem:s14+$0xCD00] =	vst.msk vm2, v10  }
0x46e: {  	[tilespmem:s14+$0xFE80] =	vst.msk vm2, v11  }
0x46f: {  	v10 =	vld [tilespmem:s12+$0x10]  }
0x470: {  	v12 =	vld [tilespmem:s7+$0x11]  }
0x471: {  	v13 =	vld [tilespmem:s7+$0x10]  }
0x472: {  	v11 =	vld [tilespmem:s13+$0x10];
	_ =	sdelay $0x1  }
0x473: {  	(xrf2) =	vadd.scan.msk.f32 $0xffff, v10;
	_ =	sdelay $0x1  }
0x474: {  	vm2 =	vne.s32 v13, v12;
	s16 =	spop (v2sf)  }
0x475: {  	s14 =	sadd.s32 s14, s16;
	v10 =	vmul.f32 v11, v10;
	vm3 =	vmor vm2, vm0  }
0x476: {  	[tilespmem:s14+$0x9B80] =	vst.msk vm3, v13;
	v13 =	vmpcnt.ones.xlane vm3  }
0x477: {  	(xrf2) =	vadd.scan.msk.f32 $0xffff, v10  }
0x478: {  	(v2sf) =	vpush v13, $0x0;
	_ =	sdelay $0x3  }
0x479: {  	v10, _, _ =	vpop (xrf2)  }
0x47a: {  	[tilespmem:s14+$0xCD00] =	vst.msk vm3, v10;
	_ =	sdelay $0x3  }
0x47b: {  	vm2 =	vmand vm2, vm1;
	v13, _, _ =	vpop (xrf2)  }
0x47c: {  	v14 =	vmpcnt.ones.xlane vm2;
	[tilespmem:s14+$0xFE80] =	vst.msk vm3, v13;
	_ =	sdelay $0x1  }
0x47d: {  	(v2sf) =	vpush v14, $0x0;
	_ =	sdelay $0x2  }
0x47e: {  	s16 =	spop (v2sf)  }
0x47f: {  	v10 =	vsub.f32 $0.0e+00, v10;
	s14 =	sadd.s32 s14, s16  }
0x480: {  	[tilespmem:s14+$0x9B80] =	vst.msk vm2, v12;
	v12 =	vsub.f32 $0.0e+00, v13  }
0x481: {  	[tilespmem:s14+$0xCD00] =	vst.msk vm2, v10  }
0x482: {  	[tilespmem:s14+$0xFE80] =	vst.msk vm2, v12  }
0x483: {  	v12 =	vld [tilespmem:s12+$0x20]  }
0x484: {  	v13 =	vld [tilespmem:s7+$0x21]  }
0x485: {  	v14 =	vld [tilespmem:s7+$0x20]  }
0x486: {  	v10 =	vld [tilespmem:s13+$0x20];
	_ =	sdelay $0x1  }
0x487: {  	(xrf2) =	vadd.scan.msk.f32 $0xffff, v12;
	_ =	sdelay $0x1  }
0x488: {  	vm2 =	vne.s32 v14, v13;
	s16 =	spop (v2sf)  }
0x489: {  	s14 =	sadd.s32 s14, s16;
	v12 =	vmul.f32 v10, v12;
	vm3 =	vmor vm2, vm0  }
0x48a: {  	[tilespmem:s14+$0x9B80] =	vst.msk vm3, v14;
	v14 =	vmpcnt.ones.xlane vm3  }
0x48b: {  	(xrf2) =	vadd.scan.msk.f32 $0xffff, v12  }
0x48c: {  	(v2sf) =	vpush v14, $0x0;
	_ =	sdelay $0x3  }
0x48d: {  	v12, _, _ =	vpop (xrf2)  }
0x48e: {  	[tilespmem:s14+$0xCD00] =	vst.msk vm3, v12;
	_ =	sdelay $0x2  }
0x48f: {  	vm2 =	vmand vm2, vm1  }
0x490: {  	v14 =	vmpcnt.ones.xlane vm2;
	v15, _, _ =	vpop (xrf2)  }
0x491: {  	[tilespmem:s14+$0xFE80] =	vst.msk vm3, v15  }
0x492: {  	(v2sf) =	vpush v14, $0x0;
	_ =	sdelay $0x3  }
0x493: {  	s16 =	spop (v2sf)  }
0x494: {  	v12 =	vsub.f32 $0.0e+00, v12;
	s14 =	sadd.s32 s14, s16  }
0x495: {  	[tilespmem:s14+$0x9B80] =	vst.msk vm2, v13;
	v13 =	vsub.f32 $0.0e+00, v15  }
0x496: {  	[tilespmem:s14+$0xCD00] =	vst.msk vm2, v12  }
0x497: {  	[tilespmem:s14+$0xFE80] =	vst.msk vm2, v13  }
0x498: {  	v4 =	vmax.f32 v4, v5;
	v12 =	vld [tilespmem:s7+$0x30]  }
0x499: {  	v3 =	vmin.f32 v3, v5;
	v4 =	vmax.f32 v4, v6;
	v5 =	vld [tilespmem:s7+$0x31]  }
.Ltmp25:
0x49a: {  	v6 =	vmin.f32 v3, v6;
	v4 =	vmax.f32 v4, v7;
	v3 =	vld [tilespmem:s12+$0x30];
	(pc) =	sbr.rel @p0 .LBB2_32-.Ltmp25, $4  }
0x49b: {  	v6 =	vmin.f32 v6, v7;
	v7 =	vmax.f32 v4, v8;
	v4 =	vld [tilespmem:s13+$0x30]  }
0x49c: {  	v6 =	vmin.f32 v6, v8;
	v7 =	vmax.f32 v7, v9  }
0x49d: {  	v6 =	vmin.f32 v6, v9;
	v8 =	vmax.f32 v7, v11  }
0x49e: {  	v7 =	vmin.f32 v6, v11;
	v6 =	vmax.f32 v8, v10;
	s12 =	sadd.s32 $0x80, s12;
	s13 =	sadd.s32 $0x80, s13;
	vm2 =	vne.s32 v12, v5;
	s16 =	spop (v2sf)  }
0x49f: {  	vm3 =	vmor vm2, vm0  }
0x4a0: {  	vm2 =	vmand vm2, vm1;
	v8 =	vmpcnt.ones.xlane vm3  }
0x4a1: {  	v9 =	vmpcnt.ones.xlane vm2  }
0x4a2: {  	(v2sf) =	vpush v8, $0x0  }
0x4a3: {  	(v2sf) =	vpush v9, $0x0;
	_ =	sdelay $0x2  }
0x4a4: {  	v61 =	vmul.f32 v4, v3  }
0x4a5: {  	(xrf2) =	vadd.scan.msk.f32 $0xffff, v3  }
0x4a6: {  	(xrf2) =	vadd.scan.msk.f32 $0xffff, v61;
	_ =	sdelay $0x7  }
0x4a7: {  	s7 =	sadd.s32 s14, s16  }
0x4a8: {  	[tilespmem:s7+$0x9B80] =	vst.msk vm3, v12;
	v3, _, _ =	vpop (xrf2);
	s12 =	spop (v2sf)  }
0x4a9: {  	[tilespmem:s7+$0xCD00] =	vst.msk vm3, v3;
	v8, _, _ =	vpop (xrf2);
	s13 =	sadd.s32 s7, s12;
	s16 =	spop (v2sf)  }
0x4aa: {  	v3 =	vsub.f32 $0.0e+00, v3;
	[tilespmem:s7+$0xFE80] =	vst.msk vm3, v8;
	s12 =	sadd.s32 s13, s16  }
0x4ab: {  	v62 =	vsub.f32 $0.0e+00, v8;
	[tilespmem:s13+$0x9B80] =	vst.msk vm2, v5;
	s24 =	sadd.s32 $0x7F, s12  }
0x4ac: {  	v7 =	vmin.f32 v7, v10;
	[tilespmem:s13+$0xCD00] =	vst.msk vm2, v3;
	s25 =	sand.u32 $0xFFFFFF80, s24  }
0x4ad: {  	v3 =	vmin.f32 v7, v4;
	[tilespmem:s13+$0xFE80] =	vst.msk vm2, v62;
	p0 =	sge.s32 s12, s25  }
0x4ae: {  	v63 =	vmax.f32 v6, v4;
	[tilespmem:$0x12780] =	vst v3;
	v3 =	vlaneseq.u32 @!p0  }
0x4af: {  	s13 =	sadd.s32 $0x10, s12;
	[tilespmem:$0x12800] =	vst v63;
	v3 =	vor.u32 @!p0 $0x186A0, v3  }
0x4b0: {  	p1 =	sge.s32 s13, s25;
	[tilespmem:s12+$0x9B80] =	vst @!p0 v3;
	v3 =	vimm.f32 @!p0 $0.0e+00  }
0x4b1: {  	v4 =	vlaneseq.u32 @!p1;
	[tilespmem:s12+$0xCD00] =	vst @!p0 v3  }
0x4b2: {  	s16 =	sadd.s32 $0x20, s12;
	[tilespmem:s12+$0xFE80] =	vst @!p0 v3;
	v3 =	vor.u32 @!p1 $0x186B0, v4  }
0x4b3: {  	p0 =	sge.s32 s16, s25;
	[tilespmem:s13+$0x9B80] =	vst @!p1 v3;
	v3 =	vimm.f32 @!p1 $0.0e+00  }
0x4b4: {  	v4 =	vlaneseq.u32 @!p0;
	[tilespmem:s13+$0xCD00] =	vst @!p1 v3  }
0x4b5: {  	[tilespmem:s13+$0xFE80] =	vst @!p1 v3;
	v3 =	vor.u32 @!p0 $0x186C0, v4;
	s13 =	sadd.s32 $0x30, s12  }
0x4b6: {  	[tilespmem:s16+$0x9B80] =	vst @!p0 v3;
	v3 =	vimm.f32 @!p0 $0.0e+00;
	p1 =	sge.s32 s13, s25  }
0x4b7: {  	[tilespmem:s16+$0xCD00] =	vst @!p0 v3;
	v4 =	vlaneseq.u32 @!p1  }
0x4b8: {  	[tilespmem:s16+$0xFE80] =	vst @!p0 v3;
	s16 =	sadd.s32 $0x40, s12;
	v3 =	vor.u32 @!p1 $0x186D0, v4  }
0x4b9: {  	p0 =	sge.s32 s16, s25;
	[tilespmem:s13+$0x9B80] =	vst @!p1 v3;
	v3 =	vimm.f32 @!p1 $0.0e+00  }
0x4ba: {  	v4 =	vlaneseq.u32 @!p0;
	[tilespmem:s13+$0xCD00] =	vst @!p1 v3  }
0x4bb: {  	[tilespmem:s13+$0xFE80] =	vst @!p1 v3;
	v3 =	vor.u32 @!p0 $0x186E0, v4;
	s13 =	sadd.s32 $0x50, s12  }
0x4bc: {  	[tilespmem:s16+$0x9B80] =	vst @!p0 v3;
	v3 =	vimm.f32 @!p0 $0.0e+00;
	p1 =	sge.s32 s13, s25  }
0x4bd: {  	[tilespmem:s16+$0xCD00] =	vst @!p0 v3;
	v4 =	vlaneseq.u32 @!p1  }
0x4be: {  	[tilespmem:s16+$0xFE80] =	vst @!p0 v3;
	s16 =	sadd.s32 $0x60, s12;
	v3 =	vor.u32 @!p1 $0x186F0, v4  }
0x4bf: {  	p0 =	sge.s32 s16, s25;
	[tilespmem:s13+$0x9B80] =	vst @!p1 v3;
	v3 =	vimm.f32 @!p1 $0.0e+00  }
0x4c0: {  	v4 =	vlaneseq.u32 @!p0;
	[tilespmem:s13+$0xCD00] =	vst @!p1 v3  }
0x4c1: {  	[tilespmem:s13+$0xFE80] =	vst @!p1 v3;
	v3 =	vor.u32 @!p0 $0x18700, v4  }
0x4c2: {  	[tilespmem:s16+$0x9B80] =	vst @!p0 v3;
	v3 =	vimm.f32 @!p0 $0.0e+00  }
0x4c3: {  	s7 =	sshrl.u32 s24, $0x7;
	s12 =	sadd.s32 $0x70, s12;
	[tilespmem:s16+$0xCD00] =	vst @!p0 v3  }
0x4c4: {  	p1 =	sge.s32 s12, s25;
	[tilespmem:s16+$0xFE80] =	vst @!p0 v3;
	p0 =	seq.s32 s7, $0x0  }
.Ltmp26:
0x4c5: {  	v4 =	vlaneseq.u32 @!p1;
	(pc) =	sbr.rel @p0 .LBB2_36-.Ltmp26, $4  }
0x4c6: {  	v3 =	vor.u32 @!p1 $0x18710, v4  }
0x4c7: {  	[tilespmem:s12+$0x9B80] =	vst @!p1 v3;
	v3 =	vimm.f32 @!p1 $0.0e+00  }
0x4c8: {  	[tilespmem:s12+$0xCD00] =	vst @!p1 v3  }
0x4c9: {  	[tilespmem:s12+$0xFE80] =	vst @!p1 v3  }
0x4ca: {  	p0 =	sne.s32 s7, $0x1  }
.Ltmp27:
0x4cb: {  	s12 =	simm.s32 $0xFE80;
	s13 =	simm.s32 $0x9B80;
	(pc) =	sbr.rel @!p0 .LBB2_36-.Ltmp27, $4  }
0x4cc: {  	[spmem:s5] =	stream.indirect.scatter.add.f32 [tilespmem:s12], [sflag:$0x6], $0x1, s13, s29, $0xb8;
	[tilespmem:$0x12880] =	vst v63  }
0x4cd: {  	s12 =	simm.s32 $0xCD00  }
0x4ce: {  	[spmem:s6] =	stream.indirect.scatter.add.f32 [tilespmem:s12], [sflag:$0x6], $0x1, s13, s29, $0xb8;
	[tilespmem:$0x12880] =	vst v63  }
0x4cf: {  	s14 =	simm.s32 $0xFF00;
	s24 =	simm.s32 $0x9C00;
	s13 =	sadd.s32 $0xFFFFFFFF, s7  }
.LBB2_35:
0x4d0: {  	[spmem:s5] =	stream.indirect.scatter.add.f32 [tilespmem:s14], [sflag:$0x6], $0x1, s24, s29, $0xb8;
	[tilespmem:$0x12880] =	vst v63  }
0x4d1: {  	p0 =	sne.s32 s13, $0x1  }
.Ltmp28:
0x4d2: {  	s13 =	sadd.s32 $0xFFFFFFFF, s13;
	(pc) =	sbr.rel @p0 .LBB2_35-.Ltmp28, $4  }
0x4d3: {  	s12 =	sadd.s32 $0x80, s12  }
0x4d4: {  	[spmem:s6] =	stream.indirect.scatter.add.f32 [tilespmem:s12], [sflag:$0x6], $0x1, s24, s29, $0xb8;
	[tilespmem:$0x12880] =	vst v63  }
0x4d5: {  	_ = 	snop  }
0x4d6: {  	s14 =	sadd.s32 $0x80, s14;
	s24 =	sadd.s32 $0x80, s24  }
.Ltmp29:
0x4d7: {  	_ = 	snop;
	(pc) =	sbr.rel .LBB2_36-.Ltmp29, $1  }
0x4d8: {  	_ =	sdelay $0x3  }
.LBB2_38:
.Ltmp30:
0x4d9: {  	(pc) =	sbr.rel .LBB2_39-.Ltmp30, $2  }
0x4da: {  	_ =	sdelay $0x2  }
0x4db: {  	s7 =	simm.s32 $0x0;
	p1 =	por $0x1, $0x1  }
.LBB2_48:
0x4dc: {  	[sflag:s26] =	ssyncadd.s32 $0xFFFFFF00  }
.LBB2_53:
.Ltmp31:
0x4dd: {  	(pc) =	sbr.rel @!p0 .LBB2_54-.Ltmp31, $2  }
0x4de: {  	_ =	sdelay $0x2  }
0x4df: {  	s7 =	simm.s32 $0x1;
	p1 =	por $0x0, $0x0  }
.LBB2_39:
0x4e0: {  	s7 =	sadd.s32 s7, s15  }
0x4e1: {  	s12 =	smulhi.u32 $0xAAAAAAAB, s7;
	_ =	sdelay $0x1  }
0x4e2: {  	s12 =	sshrl.u32 s12, $0x1  }
0x4e3: {  	s12 =	smul.u32 $0x3, s12;
	_ =	sdelay $0x1  }
0x4e4: {  	s7 =	ssub.s32 s7, s12  }
0x4e5: {  	p2 =	seq.s32 s7, $0x2  }
.Ltmp32:
0x4e6: {  	_ = 	snop;
	(pc) =	sbr.rel @p2 .LBB2_49-.Ltmp32, $2  }
0x4e7: {  	_ =	sdelay $0x2  }
0x4e8: {  	p0 =	por p1, p1  }
0x4e9: {  	p1 =	seq.s32 s7, $0x1  }
.Ltmp33:
0x4ea: {  	_ = 	snop;
	(pc) =	sbr.rel @!p1 .LBB2_41-.Ltmp33, $1  }
0x4eb: {  	_ =	sdelay $0x3  }
0x4ec: {  	s7 =	sld [smem:$0x1];
	_ =	sdelay $0x2  }
0x4ed: {  	p1 =	slt.s32 s7, $0x1  }
.Ltmp34:
0x4ee: {  	_ = 	snop;
	(pc) =	sbr.rel @p1 .LBB2_53-.Ltmp34, $1  }
0x4ef: {  	_ =	sdelay $0x3  }
0x4f0: {  	p1 =	seq.s32 s7, $0x1  }
.Ltmp35:
0x4f1: {  	_ = 	snop;
	(pc) =	sbr.rel @p1 .LBB2_48-.Ltmp35, $3  }
0x4f2: {  	_ =	sdelay $0x1  }
0x4f3: {  	_ =	swait.ge [sflag:s26], $0x100  }
0x4f4: {  	s7 =	sadd.s32 $0xFFFFFFFF, s7;
	[sflag:s26] =	ssyncset.done $0x0  }
.LBB2_47:
0x4f5: {  	p1 =	seq.s32 s7, $0x1;
	s7 =	sadd.s32 $0xFFFFFFFF, s7;
	[sflag:s26] =	ssyncadd.s32 $0xFFFFFF00  }
.Ltmp36:
0x4f6: {  	(pc) =	sbr.rel @!p1 .LBB2_47-.Ltmp36, $3  }
0x4f7: {  	_ =	sdelay $0x1  }
0x4f8: {  	_ =	swait.ge [sflag:s26], $0x100  }
0x4f9: {  	[sflag:s26] =	ssyncset.done $0x0  }
.Ltmp37:
0x4fa: {  	_ = 	snop;
	(pc) =	sbr.rel .LBB2_48-.Ltmp37, $1  }
0x4fb: {  	_ =	sdelay $0x3  }
.LBB2_49:
0x4fc: {  	s7 =	sld [smem:$0x2];
	_ =	sdelay $0x2  }
0x4fd: {  	p1 =	slt.s32 s7, $0x1  }
.Ltmp38:
0x4fe: {  	_ = 	snop;
	(pc) =	sbr.rel @p1 .LBB2_53-.Ltmp38, $1  }
0x4ff: {  	_ =	sdelay $0x3  }
0x500: {  	p1 =	seq.s32 s7, $0x1  }
.Ltmp39:
0x501: {  	_ = 	snop;
	(pc) =	sbr.rel @p1 .LBB2_52-.Ltmp39, $3  }
0x502: {  	_ =	sdelay $0x1  }
0x503: {  	_ =	swait.ge [sflag:s30], $0x100  }
0x504: {  	s7 =	sadd.s32 $0xFFFFFFFF, s7;
	[sflag:s30] =	ssyncset.done $0x0  }
.LBB2_51:
0x505: {  	p1 =	seq.s32 s7, $0x1;
	s7 =	sadd.s32 $0xFFFFFFFF, s7;
	[sflag:s30] =	ssyncadd.s32 $0xFFFFFF00  }
.Ltmp40:
0x506: {  	(pc) =	sbr.rel @!p1 .LBB2_51-.Ltmp40, $3  }
0x507: {  	_ =	sdelay $0x1  }
0x508: {  	_ =	swait.ge [sflag:s30], $0x100  }
0x509: {  	[sflag:s30] =	ssyncset.done $0x0  }
.LBB2_52:
.Ltmp41:
0x50a: {  	(pc) =	sbr.rel .LBB2_53-.Ltmp41, $2  }
0x50b: {  	_ =	sdelay $0x2  }
0x50c: {  	[sflag:s30] =	ssyncadd.s32 $0xFFFFFF00  }
.LBB2_41:
0x50d: {  	s7 =	sld [smem:$0x0];
	_ =	sdelay $0x2  }
0x50e: {  	p1 =	slt.s32 s7, $0x1  }
.Ltmp42:
0x50f: {  	_ = 	snop;
	(pc) =	sbr.rel @p1 .LBB2_53-.Ltmp42, $1  }
0x510: {  	_ =	sdelay $0x3  }
0x511: {  	p1 =	seq.s32 s7, $0x1  }
.Ltmp43:
0x512: {  	_ = 	snop;
	(pc) =	sbr.rel @p1 .LBB2_44-.Ltmp43, $3  }
0x513: {  	_ =	sdelay $0x1  }
0x514: {  	_ =	swait.ge [sflag:s2], $0x100  }
0x515: {  	s7 =	sadd.s32 $0xFFFFFFFF, s7;
	[sflag:s2] =	ssyncset.done $0x0  }
.LBB2_43:
0x516: {  	p1 =	seq.s32 s7, $0x1;
	s7 =	sadd.s32 $0xFFFFFFFF, s7;
	[sflag:s2] =	ssyncadd.s32 $0xFFFFFF00  }
.Ltmp44:
0x517: {  	(pc) =	sbr.rel @!p1 .LBB2_43-.Ltmp44, $3  }
0x518: {  	_ =	sdelay $0x1  }
0x519: {  	_ =	swait.ge [sflag:s2], $0x100  }
0x51a: {  	[sflag:s2] =	ssyncset.done $0x0  }
.LBB2_44:
.Ltmp45:
0x51b: {  	(pc) =	sbr.rel .LBB2_53-.Ltmp45, $2  }
0x51c: {  	_ =	sdelay $0x2  }
0x51d: {  	[sflag:s2] =	ssyncadd.s32 $0xFFFFFF00  }
.LBB2_55:
0x51e: {  	_ =	sfence.sel $0x180000  }
0x51f: {  	[bflag:$0x0] =	sbarrier.arrive $0xFFFF  }
0x520: {  	_ =	strace $0x90000047  }
0x521: {  	s0 =	stileid.u32;
	[bflag:$0x2] =	sbarrier.arrive $0xFFFF  }
0x522: {  	p0 =	sne.s32 s0, $0x0;
	s0 =	rddreg [dreg:$0x8]  }
0x523: {  	s0 =	sadd.s32 @!p0 $0x100000, s0  }
0x524: {  	[sflag:s0] =	ssyncadd.tile.s32 @!p0 $0x1;
	_ =	shalt  }
.Lfunc_end2:
_tile_overlayer_lowered:
.L_overlay_start_2:
0x525: {  	(tag) =	ssettag $0x2  }
0x526: {  	s0 =	rddreg [dreg:$0x0];
	s2 =	stileid.u32  }
0x527: {  	s1 =	rddreg [dreg:$0x1];
	p0 =	sne.s32 s2, $0x0  }
0x528: {  	s3 =	rddreg [dreg:$0x2];
	[bflag:$0x3] =	sbarrier.arrive $0xFFFF;
	s2 =	simm.s32 @!p0 $0x1C07  }
0x529: {  	[timem:s3], [sflag:s2] =	dma.local @!p0 [hbm:s0], s1  }
0x52a: {  	s0 =	simm.s32 @!p0 $0x7  }
0x52b: {  	_ =	swait.ge @!p0 [sflag:s0], s1  }
0x52c: {  	s1 =	ssub.s32 @!p0 $0x0, s1;
	[sflag:s0] =	ssyncset.done @!p0 $0x0  }
0x52d: {  	[sflag:s0] =	ssyncadd.s32 @!p0 s1  }
0x52e: {  	[bflag:$0x3] =	sbarrier.arrive $0xFFFF  }
0x52f: {  	_ =	shalt  }

</sc_bundles>
